<compile_context>
chip_gen: v7x
topology: tpu7x:2x2x1
jax: 0.10.2.dev20260603
libtpu: 0.0.44.dev20260713+nightly
codegen_flags: <defaults>
</compile_context>

<pallas_src>
import functools

import jax
import jax.numpy as jnp
from jax import lax
from jax.experimental import pallas as pl
from jax.experimental.pallas import tpu as pltpu
from jax.experimental.pallas import tpu_sc as plsc

_N = 10000
_E = 320000
_D = 128
_NC = 2
_NS = 16
_NW = _NC * _NS
_CHUNK = 80
_NCHUNK = 128
_EPW = _NCHUNK * _CHUNK
_EPAD = _NW * _EPW - _E
_RPT = 1000
_ZROWS = 200
_CNTC = 1000
_NBUF = 2


_CW = 10016


def _make_sc_agg(with_cnt: bool):
    mesh = plsc.VectorSubcoreMesh(core_axis_name="c", subcore_axis_name="s",
                                  num_cores=_NC, num_subcores=_NS)
    out_type = [jax.ShapeDtypeStruct((_NC, _N, _D), jnp.float32)]
    if with_cnt:
        out_type.append(jax.ShapeDtypeStruct((_NW * _CW,), jnp.float32))
    _H0 = _NCHUNK // 2
    scratch = (
        [pltpu.VMEM((_CHUNK,), jnp.int32)] * _NBUF
        + [pltpu.VMEM((_H0, _CHUNK), jnp.int32)]
        + [pltpu.VMEM((_CHUNK, _D), jnp.float32)] * _NBUF
        + ([pltpu.VMEM((_CW,), jnp.float32)] if with_cnt else [])
        + [pltpu.VMEM_SHARED((_N + 8, _D), jnp.float32)]
        + [pltpu.SemaphoreType.DMA] * (3 * _NBUF + 1)
    )

    def body(src_hbm, dst_hbm, x_hbm, *refs):
        if with_cnt:
            agg_out, cnt_out = refs[0], refs[1]
            rest = refs[2:]
        else:
            agg_out = refs[0]
            rest = refs[1:]
        srcc = rest[0:_NBUF]
        dst_v = rest[_NBUF]
        rows = rest[_NBUF + 1:2 * _NBUF + 1]
        rest = rest[2 * _NBUF + 1:]
        if with_cnt:
            cnt_v = rest[0]
            rest = rest[1:]
        agg_sh = rest[0]
        sems = rest[1:]
        isem = sems[0:_NBUF]
        gsem = sems[_NBUF:2 * _NBUF]
        ssem = sems[2 * _NBUF:3 * _NBUF]
        dsem = sems[3 * _NBUF]

        cid = lax.axis_index("c")
        sid = lax.axis_index("s")
        wid = sid * _NC + cid
        base0 = wid * _EPW

        def dst_load(h):
            return pltpu.async_copy(
                dst_hbm.at[wid, pl.ds(h * _H0, _H0)], dst_v, dsem)

        def src_load(c, j):
            off = pl.multiple_of(base0 + c * _CHUNK, 8)
            pltpu.async_copy(src_hbm.at[pl.ds(off, _CHUNK)], srcc[j], isem[j])

        def src_wait(j):
            pltpu.make_async_copy(src_hbm.at[pl.ds(0, _CHUNK)], srcc[j],
                                  isem[j]).wait()

        def gather_start(c, b):
            pltpu.async_copy(x_hbm.at[srcc[b]], rows[b], gsem[b])

        def gather_wait(b):
            pltpu.make_async_copy(x_hbm.at[srcc[b]], rows[b], gsem[b]).wait()

        def scatter_start(lc, b):
            pltpu.async_copy(rows[b], agg_sh.at[dst_v.at[lc]], ssem[b],
                             add=True)

        def scatter_wait(b):
            pltpu.make_async_copy(rows[b], agg_sh.at[dst_v.at[0]],
                                  ssem[b]).wait()

        dst_cp = dst_load(0)
        src_load(0, 0)
        z16 = jnp.zeros((16,), jnp.float32)

        def fill_zrow(i, _):
            r = i // 8
            col = (i % 8) * 16
            rows[0][r, pl.ds(col, 16)] = z16
            return 0

        lax.fori_loop(0, _CHUNK * 8, fill_zrow, 0)

        if with_cnt:
            def fill_zcnt(i, _):
                cnt_v[pl.ds(i * 16, 16)] = z16
                return 0

            lax.fori_loop(0, _CW // 16, fill_zcnt, 0)

        _TAIL = _RPT - (_RPT // _CHUNK) * _CHUNK

        @pl.when(sid < _N // _RPT)
        def _():
            zcp = []
            for k in range(_RPT // _CHUNK):
                zcp.append(pltpu.async_copy(
                    rows[0], agg_sh.at[pl.ds(sid * _RPT + k * _CHUNK, _CHUNK)],
                    ssem[0]))
            zcp.append(pltpu.async_copy(
                rows[0].at[pl.ds(0, _TAIL)],
                agg_sh.at[pl.ds(sid * _RPT + (_RPT // _CHUNK) * _CHUNK,
                                _TAIL)], ssem[0]))
            for cp in zcp:
                cp.wait()
        @pl.when(sid == _N // _RPT)
        def _():
            pltpu.async_copy(rows[0].at[pl.ds(0, 8)],
                             agg_sh.at[pl.ds(_N, 8)], ssem[0]).wait()
        dst_cp.wait()
        plsc.subcore_barrier()

        one16 = jnp.ones((16,), jnp.float32)

        def count_half():
            if not with_cnt:
                return

            def cl(l, _):
                for j in range(_CHUNK // 16):
                    dvec = dst_v[l, pl.ds(j * 16, 16)]
                    plsc.addupdate_scatter(cnt_v, [dvec], one16)
                return 0

            lax.fori_loop(0, _H0, cl, 0)

        def run_half(c0):
            for b in range(_NBUF):
                src_wait(b)
                gather_start(c0 + b, b)
                if b >= 1:
                    gather_wait(b - 1)
                    src_load(c0 + b + 1, (b + 1) % _NBUF)
                    scatter_start(b - 1, b - 1)
                elif _NBUF > 1:
                    src_load(c0 + 1, 1)

            def group(g, _):
                for b in range(_NBUF):
                    l = g * _NBUF + b
                    bp = (b - 1) % _NBUF
                    bn = (b + 1) % _NBUF
                    scatter_wait(b)
                    src_wait(b)
                    gather_start(c0 + l, b)
                    gather_wait(bp)
                    @pl.when(c0 + l + 1 < _NCHUNK)
                    def _():
                        src_load(c0 + l + 1, bn)
                    scatter_start(l - 1, bp)
                return 0

            lax.fori_loop(1, _H0 // _NBUF, group, 0)

            blast = (_H0 - 1) % _NBUF
            gather_wait(blast)
            scatter_start(_H0 - 1, blast)
            for b in range(_NBUF):
                scatter_wait(b)

        run_half(0)
        count_half()
        dst_load(1).wait()
        run_half(_H0)
        count_half()

        plsc.subcore_barrier()

        ocp = []
        if with_cnt:
            ocp.append(pltpu.async_copy(
                cnt_v, cnt_out.at[pl.ds(wid * _CW, _CW)], ssem[0]))

        @pl.when(sid < _N // _RPT)
        def _():
            ocp2 = []
            for k in range(_RPT // _ZROWS):
                rs = sid * _RPT + k * _ZROWS
                ocp2.append(pltpu.async_copy(agg_sh.at[pl.ds(rs, _ZROWS)],
                                             agg_out.at[cid,
                                                        pl.ds(rs, _ZROWS)],
                                             ssem[1]))
            for cp in ocp2:
                cp.wait()
        for cp in ocp:
            cp.wait()

    return pl.kernel(body, out_type=out_type, mesh=mesh, scratch_types=scratch,
                     name="sc_sage_agg_cnt" if with_cnt else "sc_sage_agg")


_make_sc_agg = functools.lru_cache(maxsize=None)(_make_sc_agg)

def _make_sc_cnt():
    mesh = plsc.VectorSubcoreMesh(core_axis_name="c", subcore_axis_name="s",
                                  num_cores=_NC, num_subcores=_NS)
    out_type = [jax.ShapeDtypeStruct((_NC, _N, _D), jnp.float32)]
    scratch = (
        [pltpu.VMEM((_NCHUNK, _CHUNK), jnp.int32),
         pltpu.VMEM((_CHUNK, _D), jnp.float32),
         pltpu.VMEM_SHARED((_N + 8, _D), jnp.float32)]
        + [pltpu.SemaphoreType.DMA] * (_NBUF + 1)
    )

    def body(dst_hbm, cnt_out, dst_v, ones_r, cnt_sh, *sems):
        ssem = sems[0:_NBUF]
        dsem = sems[_NBUF]
        cid = lax.axis_index("c")
        sid = lax.axis_index("s")
        wid = sid * _NC + cid

        dst_cp = pltpu.async_copy(dst_hbm.at[wid], dst_v, dsem)

        z16 = jnp.zeros((16,), jnp.float32)

        def fill_zrow(i, _):
            r = i // 8
            col = (i % 8) * 16
            ones_r[r, pl.ds(col, 16)] = z16
            return 0

        lax.fori_loop(0, _CHUNK * 8, fill_zrow, 0)

        _TAIL = _RPT - (_RPT // _CHUNK) * _CHUNK

        @pl.when(sid < _N // _RPT)
        def _():
            zcp = []
            for k in range(_RPT // _CHUNK):
                zcp.append(pltpu.async_copy(
                    ones_r, cnt_sh.at[pl.ds(sid * _RPT + k * _CHUNK, _CHUNK)],
                    ssem[0]))
            zcp.append(pltpu.async_copy(
                ones_r.at[pl.ds(0, _TAIL)],
                cnt_sh.at[pl.ds(sid * _RPT + (_RPT // _CHUNK) * _CHUNK,
                                _TAIL)], ssem[0]))
            for cp in zcp:
                cp.wait()

        @pl.when(sid == _N // _RPT)
        def _():
            pltpu.async_copy(ones_r.at[pl.ds(0, 8)],
                             cnt_sh.at[pl.ds(_N, 8)], ssem[0]).wait()

        o16 = jnp.ones((16,), jnp.float32)

        def fill_ones(i, _):
            r = i // 8
            col = (i % 8) * 16
            ones_r[r, pl.ds(col, 16)] = o16
            return 0

        lax.fori_loop(0, _CHUNK * 8, fill_ones, 0)
        dst_cp.wait()
        plsc.subcore_barrier()

        def scatter_start(l, b):
            pltpu.async_copy(ones_r, cnt_sh.at[dst_v.at[l]], ssem[b],
                             add=True)

        def scatter_wait(b):
            pltpu.make_async_copy(ones_r, cnt_sh.at[dst_v.at[0]],
                                  ssem[b]).wait()

        for b in range(_NBUF):
            scatter_start(b, b)

        def group(g, _):
            for b in range(_NBUF):
                l = g * _NBUF + b
                scatter_wait(b)
                scatter_start(l, b)
            return 0

        lax.fori_loop(1, _NCHUNK // _NBUF, group, 0)
        for b in range(_NBUF):
            scatter_wait(b)
        plsc.subcore_barrier()

        @pl.when(sid < _N // _RPT)
        def _():
            ocp = []
            for k in range(_RPT // _ZROWS):
                rs = sid * _RPT + k * _ZROWS
                ocp.append(pltpu.async_copy(cnt_sh.at[pl.ds(rs, _ZROWS)],
                                            cnt_out.at[cid, pl.ds(rs, _ZROWS)],
                                            ssem[0]))
            for cp in ocp:
                cp.wait()

    return pl.kernel(body, out_type=out_type, mesh=mesh, scratch_types=scratch,
                     name="sc_sage_cnt")


_sc_cnt = None


def _get_sc_cnt():
    global _sc_cnt
    if _sc_cnt is None:
        _sc_cnt = _make_sc_cnt()
    return _sc_cnt



_BM = 1000


def _make_tc_skip():

    def body(x_ref, wr_ref, b_ref, o_ref):
        o_ref[...] = (jnp.dot(x_ref[...], wr_ref[...],
                              preferred_element_type=jnp.float32)
                      + b_ref[...])

    return pl.pallas_call(
        body,
        grid=(_N // _BM,),
        in_specs=[
            pl.BlockSpec((_BM, _D), lambda i: (i, 0)),
            pl.BlockSpec((_D, _D), lambda i: (0, 0)),
            pl.BlockSpec((1, _D), lambda i: (0, 0)),
        ],
        out_specs=pl.BlockSpec((_BM, _D), lambda i: (i, 0)),
        out_shape=jax.ShapeDtypeStruct((_N, _D), jnp.float32),
        name="tc_sage_skip",
    )


def _make_tc_combine1():

    def body(agg_ref, cnt_ref, xr_ref, wl_ref, wr2_ref, b2_ref, h_ref,
             xr2_ref):
        a = agg_ref[0] + agg_ref[1]
        c = cnt_ref[0, :, 0:1] + cnt_ref[1, :, 0:1]
        mean = a / jnp.maximum(c, 1.0)
        h = jnp.maximum(
            jnp.dot(mean, wl_ref[...], preferred_element_type=jnp.float32)
            + xr_ref[...], 0.0)
        h_ref[...] = h
        xr2_ref[...] = (jnp.dot(h, wr2_ref[...],
                                preferred_element_type=jnp.float32)
                        + b2_ref[...])

    return pl.pallas_call(
        body,
        grid=(_N // _BM,),
        in_specs=[
            pl.BlockSpec((_NC, _BM, _D), lambda i: (0, i, 0)),
            pl.BlockSpec((_NC, _BM, _D), lambda i: (0, i, 0)),
            pl.BlockSpec((_BM, _D), lambda i: (i, 0)),
            pl.BlockSpec((_D, _D), lambda i: (0, 0)),
            pl.BlockSpec((_D, _D), lambda i: (0, 0)),
            pl.BlockSpec((1, _D), lambda i: (0, 0)),
        ],
        out_specs=[pl.BlockSpec((_BM, _D), lambda i: (i, 0)),
                   pl.BlockSpec((_BM, _D), lambda i: (i, 0))],
        out_shape=[jax.ShapeDtypeStruct((_N, _D), jnp.float32),
                   jax.ShapeDtypeStruct((_N, _D), jnp.float32)],
        name="tc_sage_combine1",
    )


def _make_tc_combine2():

    def body(agg_ref, cnt_ref, xr_ref, wl_ref, o_ref):
        a = agg_ref[0] + agg_ref[1]
        c = cnt_ref[0, :, 0:1] + cnt_ref[1, :, 0:1]
        mean = a / jnp.maximum(c, 1.0)
        o_ref[...] = jnp.dot(mean, wl_ref[...],
                             preferred_element_type=jnp.float32) + xr_ref[...]

    return pl.pallas_call(
        body,
        grid=(_N // _BM,),
        in_specs=[
            pl.BlockSpec((_NC, _BM, _D), lambda i: (0, i, 0)),
            pl.BlockSpec((_NC, _BM, _D), lambda i: (0, i, 0)),
            pl.BlockSpec((_BM, _D), lambda i: (i, 0)),
            pl.BlockSpec((_D, _D), lambda i: (0, 0)),
        ],
        out_specs=pl.BlockSpec((_BM, _D), lambda i: (i, 0)),
        out_shape=jax.ShapeDtypeStruct((_N, _D), jnp.float32),
        name="tc_sage_combine2",
    )


_tc_skip = _make_tc_skip()
_tc_combine1 = _make_tc_combine1()
_tc_combine2 = _make_tc_combine2()


@jax.jit
def kernel(x, edge_index, W_l1, W_r1, b1, W_l2, W_r2, b2):
    src = jnp.pad(edge_index[0].astype(jnp.int32), (0, _EPAD + 320))
    dst = jnp.pad(edge_index[1].astype(jnp.int32), (0, _EPAD),
                  constant_values=_N)[: _NW * _EPW]
    dst = dst.reshape(_NW, _NCHUNK, _CHUNK)

    xr1 = _tc_skip(x, W_r1, b1.reshape(1, _D))
    (cntp,) = _get_sc_cnt()(dst)
    (agg1,) = _make_sc_agg(False)(src, dst, x)
    h, xr2 = _tc_combine1(agg1, cntp, xr1, W_l1, W_r2, b2.reshape(1, _D))
    (agg2,) = _make_sc_agg(False)(src, dst, h)
    out = _tc_combine2(agg2, cntp, xr2, W_l2)
    return out

# --- scband reference (transcript-rebuilt; emitter-appended) ---
"""Pipeline reference for scband-graph-sageencoder-85736137163071 (READ-ONLY COPY).

The authoritative reference and input builder live on the scoring server;
editing this copy changes nothing except your own understanding.
"""

import jax, jax.numpy as jnp
import numpy as np

N_NODES = 10000
N_EDGES = 320000
D_IN = 128
D_HID = 128
D_OUT = 128


def setup_inputs(seed: int = 0) -> dict:
    key = jax.random.key(seed)
    k = jax.random.split(key, 8)
    x = jax.random.normal(k[0], (N_NODES, D_IN), dtype=jnp.float32)
    edge_index = jax.random.randint(k[1], (2, N_EDGES), 0, N_NODES, dtype=jnp.int64)
    s1 = 1.0 / np.sqrt(D_IN)
    s2 = 1.0 / np.sqrt(D_HID)
    W_l1 = jax.random.uniform(k[2], (D_IN, D_HID), dtype=jnp.float32, minval=-s1, maxval=s1)
    W_r1 = jax.random.uniform(k[3], (D_IN, D_HID), dtype=jnp.float32, minval=-s1, maxval=s1)
    b1 = jax.random.uniform(k[4], (D_HID,), dtype=jnp.float32, minval=-s1, maxval=s1)
    W_l2 = jax.random.uniform(k[5], (D_HID, D_OUT), dtype=jnp.float32, minval=-s2, maxval=s2)
    W_r2 = jax.random.uniform(k[6], (D_HID, D_OUT), dtype=jnp.float32, minval=-s2, maxval=s2)
    b2 = jax.random.uniform(k[7], (D_OUT,), dtype=jnp.float32, minval=-s2, maxval=s2)
    return {"x": x, "edge_index": edge_index, "W_l1": W_l1, "W_r1": W_r1, "b1": b1,
            "W_l2": W_l2, "W_r2": W_r2, "b2": b2}


def _sage_conv(x, src, dst, W_l, W_r, b):
    # mean aggregation of source-node features at destination nodes
    msgs = jnp.take(x, src, axis=0)
    agg = jax.ops.segment_sum(msgs, dst, num_segments=N_NODES)
    cnt = jax.ops.segment_sum(jnp.ones((src.shape[0],), dtype=x.dtype), dst,
                              num_segments=N_NODES)
    mean = agg / jnp.clip(cnt, 1.0, None)[:, None]
    return mean @ W_l + x @ W_r + b


def reference(x, edge_index, W_l1, W_r1, b1, W_l2, W_r2, b2):
    src = edge_index[0]
    dst = edge_index[1]
    h = _sage_conv(x, src, dst, W_l1, W_r1, b1)
    h = jax.nn.relu(h)
    out = _sage_conv(h, src, dst, W_l2, W_r2, b2)
    return out

if __name__ == "__main__":
    import jax
    _d = setup_inputs()
    print(jax.jit(kernel)(*tuple(_d.values())))

</pallas_src>

<mosaic_0001>
#map = affine_map<(d0, d1) -> (0)>
#map1 = affine_map<(d0, d1) -> (0, 0, 0)>
#map2 = affine_map<(d0, d1) -> (0, 0)>
module attributes {stable_mosaic.version = 14 : i64} {
  func.func @sc_sage_agg(%arg0: i32, %arg1: i32, %arg2: memref<328000xi32, #tpu.memory_space<hbm>>, %arg3: memref<32x128x80xi32, #tpu.memory_space<hbm>>, %arg4: memref<10000x128xf32, #tpu.memory_space<hbm>>, %arg5: memref<2x10000x128xf32, #tpu.memory_space<hbm>>, %arg6: memref<80xi32, #tpu.memory_space<vmem>>, %arg7: memref<80xi32, #tpu.memory_space<vmem>>, %arg8: memref<64x80xi32, #tpu.memory_space<vmem>>, %arg9: memref<80x128xf32, #tpu.memory_space<vmem>>, %arg10: memref<80x128xf32, #tpu.memory_space<vmem>>, %arg11: memref<10008x128xf32, #tpu.memory_space<vmem_shared>>, %arg12: memref<!tpu.dma_semaphore, #tpu.memory_space<semaphore_mem>>, %arg13: memref<!tpu.dma_semaphore, #tpu.memory_space<semaphore_mem>>, %arg14: memref<!tpu.dma_semaphore, #tpu.memory_space<semaphore_mem>>, %arg15: memref<!tpu.dma_semaphore, #tpu.memory_space<semaphore_mem>>, %arg16: memref<!tpu.dma_semaphore, #tpu.memory_space<semaphore_mem>>, %arg17: memref<!tpu.dma_semaphore, #tpu.memory_space<semaphore_mem>>, %arg18: memref<!tpu.dma_semaphore, #tpu.memory_space<semaphore_mem>>) attributes {dimension_semantics = [#tpu.dimension_semantics<core_parallel>, #tpu.dimension_semantics<subcore_parallel>], iteration_bounds = array<i64: 2, 16>, scalar_prefetch = 0 : i64, scratch_operands = 13 : i64, tpu.core_type = #tpu.core_type<sc_vector_subcore>, window_params = [{transform_indices = #map}, {transform_indices = #map1}, {transform_indices = #map2}, {transform_indices = #map1}]} {
    %mul3A = arith.constant 2 : i32
    %mul3A_0 = arith.muli %arg1, %mul3A : i32
    %add3A = arith.addi %mul3A_0, %arg0 : i32
    %mul3A_1 = arith.constant 10240 : i32
    %mul3A_2 = arith.muli %add3A, %mul3A_1 : i32
    %dma_start3A = arith.constant 0 : i32
    %dma_start3A_3 = arith.constant 0 : i32
    %dma_start3A_4 = tpu.memref_slice %arg3[%add3A, %dma_start3A, %dma_start3A_3] : memref<32x128x80xi32, #tpu.memory_space<hbm>> -> memref<1x64x80xi32, #tpu.memory_space<hbm>>
    %dma_start3A_5 = tpu.memref_squeeze %dma_start3A_4 : memref<1x64x80xi32, #tpu.memory_space<hbm>> -> memref<64x80xi32, #tpu.memory_space<hbm>>
    %dma_start3A_6 = arith.constant 0 : i32
    %dma_start3A_7 = arith.constant 0 : i32
    %dma_start3A_8 = tpu.memref_slice %arg3[%add3A, %dma_start3A_6, %dma_start3A_7] : memref<32x128x80xi32, #tpu.memory_space<hbm>> -> memref<1x64x80xi32, #tpu.memory_space<hbm>>
    %dma_start3A_9 = tpu.memref_squeeze %dma_start3A_8 : memref<1x64x80xi32, #tpu.memory_space<hbm>> -> memref<64x80xi32, #tpu.memory_space<hbm>>
    tpu.enqueue_dma source(%dma_start3A_9 : memref<64x80xi32, #tpu.memory_space<hbm>>) target(%arg8 : memref<64x80xi32, #tpu.memory_space<vmem>>) target_semaphore(%arg18 : memref<!tpu.dma_semaphore, #tpu.memory_space<semaphore_mem>>)
    %add3A_10 = arith.constant 0 : i32
    %add3A_11 = arith.addi %mul3A_2, %add3A_10 : i32
    %multiple_of3A = tpu.assume_multiple %add3A_11, 8 : i32
    %dma_start3A_12 = tpu.memref_slice %arg2[%multiple_of3A] : memref<328000xi32, #tpu.memory_space<hbm>> -> memref<80xi32, #tpu.memory_space<hbm>>
    %dma_start3A_13 = tpu.memref_slice %arg2[%multiple_of3A] : memref<328000xi32, #tpu.memory_space<hbm>> -> memref<80xi32, #tpu.memory_space<hbm>>
    tpu.enqueue_dma source(%dma_start3A_13 : memref<80xi32, #tpu.memory_space<hbm>>) target(%arg6 : memref<80xi32, #tpu.memory_space<vmem>>) target_semaphore(%arg12 : memref<!tpu.dma_semaphore, #tpu.memory_space<semaphore_mem>>)
    %broadcast_in_dim3A = arith.constant 0.000000e+00 : f32
    %broadcast_in_dim3A_14 = vector.broadcast %broadcast_in_dim3A : f32 to vector<16xf32>
    %scan3A = arith.constant 0 : i32
    %scan3A_15 = arith.constant 0 : i32
    %scan3A_16 = arith.constant 640 : i32
    %scan3A_17 = arith.addi %scan3A_15, %scan3A_16 : i32
    %scan3A_18 = arith.constant 1 : i32
    %scan3A_19 = scf.for %scan3A_188 = %scan3A_15 to %scan3A_17 step %scan3A_18 iter_args(%scan3A_189 = %scan3A) -> (i32)  : i32 {
      %jit3A = arith.constant 8 : i32
      %div3A = arith.divsi %scan3A_188, %jit3A : i32
      %sign3A = arith.constant 0 : i32
      %sign3A_190 = arith.cmpi sgt, %scan3A_188, %sign3A : i32
      %sign3A_191 = arith.extui %sign3A_190 : i1 to i32
      %sign3A_192 = arith.constant 0 : i32
      %sign3A_193 = arith.cmpi slt, %scan3A_188, %sign3A_192 : i32
      %sign3A_194 = arith.extui %sign3A_193 : i1 to i32
      %sign3A_195 = arith.subi %sign3A_191, %sign3A_194 : i32
      %sign3A_196 = arith.constant 0 : i32
      %sign3A_197 = arith.cmpi sgt, %jit3A, %sign3A_196 : i32
      %sign3A_198 = arith.extui %sign3A_197 : i1 to i32
      %sign3A_199 = arith.constant 0 : i32
      %sign3A_200 = arith.cmpi slt, %jit3A, %sign3A_199 : i32
      %sign3A_201 = arith.extui %sign3A_200 : i1 to i32
      %sign3A_202 = arith.subi %sign3A_198, %sign3A_201 : i32
      %ne3A = arith.cmpi ne, %sign3A_195, %sign3A_202 : i32
      %rem3A = arith.remsi %scan3A_188, %jit3A : i32
      %ne3A_203 = arith.constant 0 : i32
      %ne3A_204 = arith.cmpi ne, %rem3A, %ne3A_203 : i32
      %and3A = arith.andi %ne3A, %ne3A_204 : i1
      %sub3A = arith.constant 1 : i32
      %sub3A_205 = arith.subi %div3A, %sub3A : i32
      %select_n3A = arith.select %and3A, %sub3A_205, %div3A : i32
      %jit3A_206 = arith.constant 8 : i32
      %eq3A_207 = arith.constant 0 : i32
      %eq3A_208 = arith.cmpi eq, %jit3A_206, %eq3A_207 : i32
      %jit3A_209 = arith.constant 1 : i32
      %select_n3A_210 = arith.select %eq3A_208, %jit3A_209, %jit3A_206 : i32
      %rem3A_211 = arith.remsi %scan3A_188, %select_n3A_210 : i32
      %ne3A_212 = arith.constant 0 : i32
      %ne3A_213 = arith.cmpi ne, %rem3A_211, %ne3A_212 : i32
      %lt3A_214 = arith.constant 0 : i32
      %lt3A_215 = arith.cmpi slt, %rem3A_211, %lt3A_214 : i32
      %lt3A_216 = arith.constant 0 : i32
      %lt3A_217 = arith.cmpi slt, %select_n3A_210, %lt3A_216 : i32
      %ne3A_218 = arith.xori %lt3A_215, %lt3A_217 : i1
      %and3A_219 = arith.andi %ne3A_218, %ne3A_213 : i1
      %add3A_220 = arith.addi %rem3A_211, %select_n3A_210 : i32
      %select_n3A_221 = arith.select %and3A_219, %add3A_220, %rem3A_211 : i32
      %mul3A_222 = arith.constant 16 : i32
      %mul3A_223 = arith.muli %select_n3A_221, %mul3A_222 : i32
      %swap3A = arith.index_cast %select_n3A : i32 to index
      %swap3A_224 = arith.index_cast %mul3A_223 : i32 to index
      %swap3A_225 = tpu.vector_load %arg9[%swap3A, %swap3A_224] {strides = array<i32>} : memref<80x128xf32, #tpu.memory_space<vmem>>, vector<1x16xf32>,
      %swap3A_226 = vector.shape_cast %swap3A_225 : vector<1x16xf32> to vector<16xf32>
      %swap3A_227 = vector.shape_cast %broadcast_in_dim3A_14 : vector<16xf32> to vector<1x16xf32>
      tpu.vector_store %arg9[%swap3A, %swap3A_224], %swap3A_227 {strides = array<i32>} : memref<80x128xf32, #tpu.memory_space<vmem>>, vector<1x16xf32>,
      %scan3A_228 = arith.constant 0 : i32
      scf.yield %scan3A_228 : i32
    }
    %scan3A_20 = arith.constant 640 : i32
    %lt3A = arith.constant 10 : i32
    %lt3A_21 = arith.cmpi slt, %arg1, %lt3A : i32
    %convert_element_type3A = arith.extui %lt3A_21 : i1 to i32
    %cond3A = arith.constant 0 : i32
    %cond3A_22 = arith.cmpi ne, %convert_element_type3A, %cond3A : i32
    scf.if %cond3A_22 {
      %mul3A_188 = arith.constant 1000 : i32
      %mul3A_189 = arith.muli %arg1, %mul3A_188 : i32
      %add3A_190 = arith.constant 0 : i32
      %add3A_191 = arith.addi %mul3A_189, %add3A_190 : i32
      %dma_start3A_192 = arith.constant 0 : i32
      %dma_start3A_193 = tpu.memref_slice %arg11[%add3A_191, %dma_start3A_192] : memref<10008x128xf32, #tpu.memory_space<vmem_shared>> -> memref<80x128xf32, #tpu.memory_space<vmem_shared>>
      %dma_start3A_194 = arith.constant 0 : i32
      %dma_start3A_195 = tpu.memref_slice %arg11[%add3A_191, %dma_start3A_194] : memref<10008x128xf32, #tpu.memory_space<vmem_shared>> -> memref<80x128xf32, #tpu.memory_space<vmem_shared>>
      tpu.enqueue_dma source(%arg9 : memref<80x128xf32, #tpu.memory_space<vmem>>) target(%dma_start3A_195 : memref<80x128xf32, #tpu.memory_space<vmem_shared>>) target_semaphore(%arg16 : memref<!tpu.dma_semaphore, #tpu.memory_space<semaphore_mem>>)
      %mul3A_196 = arith.constant 1000 : i32
      %mul3A_197 = arith.muli %arg1, %mul3A_196 : i32
      %add3A_198 = arith.constant 80 : i32
      %add3A_199 = arith.addi %mul3A_197, %add3A_198 : i32
      %dma_start3A_200 = arith.constant 0 : i32
      %dma_start3A_201 = tpu.memref_slice %arg11[%add3A_199, %dma_start3A_200] : memref<10008x128xf32, #tpu.memory_space<vmem_shared>> -> memref<80x128xf32, #tpu.memory_space<vmem_shared>>
      %dma_start3A_202 = arith.constant 0 : i32
      %dma_start3A_203 = tpu.memref_slice %arg11[%add3A_199, %dma_start3A_202] : memref<10008x128xf32, #tpu.memory_space<vmem_shared>> -> memref<80x128xf32, #tpu.memory_space<vmem_shared>>
      tpu.enqueue_dma source(%arg9 : memref<80x128xf32, #tpu.memory_space<vmem>>) target(%dma_start3A_203 : memref<80x128xf32, #tpu.memory_space<vmem_shared>>) target_semaphore(%arg16 : memref<!tpu.dma_semaphore, #tpu.memory_space<semaphore_mem>>)
      %mul3A_204 = arith.constant 1000 : i32
      %mul3A_205 = arith.muli %arg1, %mul3A_204 : i32
      %add3A_206 = arith.constant 160 : i32
      %add3A_207 = arith.addi %mul3A_205, %add3A_206 : i32
      %dma_start3A_208 = arith.constant 0 : i32
      %dma_start3A_209 = tpu.memref_slice %arg11[%add3A_207, %dma_start3A_208] : memref<10008x128xf32, #tpu.memory_space<vmem_shared>> -> memref<80x128xf32, #tpu.memory_space<vmem_shared>>
      %dma_start3A_210 = arith.constant 0 : i32
      %dma_start3A_211 = tpu.memref_slice %arg11[%add3A_207, %dma_start3A_210] : memref<10008x128xf32, #tpu.memory_space<vmem_shared>> -> memref<80x128xf32, #tpu.memory_space<vmem_shared>>
      tpu.enqueue_dma source(%arg9 : memref<80x128xf32, #tpu.memory_space<vmem>>) target(%dma_start3A_211 : memref<80x128xf32, #tpu.memory_space<vmem_shared>>) target_semaphore(%arg16 : memref<!tpu.dma_semaphore, #tpu.memory_space<semaphore_mem>>)
      %mul3A_212 = arith.constant 1000 : i32
      %mul3A_213 = arith.muli %arg1, %mul3A_212 : i32
      %add3A_214 = arith.constant 240 : i32
      %add3A_215 = arith.addi %mul3A_213, %add3A_214 : i32
      %dma_start3A_216 = arith.constant 0 : i32
      %dma_start3A_217 = tpu.memref_slice %arg11[%add3A_215, %dma_start3A_216] : memref<10008x128xf32, #tpu.memory_space<vmem_shared>> -> memref<80x128xf32, #tpu.memory_space<vmem_shared>>
      %dma_start3A_218 = arith.constant 0 : i32
      %dma_start3A_219 = tpu.memref_slice %arg11[%add3A_215, %dma_start3A_218] : memref<10008x128xf32, #tpu.memory_space<vmem_shared>> -> memref<80x128xf32, #tpu.memory_space<vmem_shared>>
      tpu.enqueue_dma source(%arg9 : memref<80x128xf32, #tpu.memory_space<vmem>>) target(%dma_start3A_219 : memref<80x128xf32, #tpu.memory_space<vmem_shared>>) target_semaphore(%arg16 : memref<!tpu.dma_semaphore, #tpu.memory_space<semaphore_mem>>)
      %mul3A_220 = arith.constant 1000 : i32
      %mul3A_221 = arith.muli %arg1, %mul3A_220 : i32
      %add3A_222 = arith.constant 320 : i32
      %add3A_223 = arith.addi %mul3A_221, %add3A_222 : i32
      %dma_start3A_224 = arith.constant 0 : i32
      %dma_start3A_225 = tpu.memref_slice %arg11[%add3A_223, %dma_start3A_224] : memref<10008x128xf32, #tpu.memory_space<vmem_shared>> -> memref<80x128xf32, #tpu.memory_space<vmem_shared>>
      %dma_start3A_226 = arith.constant 0 : i32
      %dma_start3A_227 = tpu.memref_slice %arg11[%add3A_223, %dma_start3A_226] : memref<10008x128xf32, #tpu.memory_space<vmem_shared>> -> memref<80x128xf32, #tpu.memory_space<vmem_shared>>
      tpu.enqueue_dma source(%arg9 : memref<80x128xf32, #tpu.memory_space<vmem>>) target(%dma_start3A_227 : memref<80x128xf32, #tpu.memory_space<vmem_shared>>) target_semaphore(%arg16 : memref<!tpu.dma_semaphore, #tpu.memory_space<semaphore_mem>>)
      %mul3A_228 = arith.constant 1000 : i32
      %mul3A_229 = arith.muli %arg1, %mul3A_228 : i32
      %add3A_230 = arith.constant 400 : i32
      %add3A_231 = arith.addi %mul3A_229, %add3A_230 : i32
      %dma_start3A_232 = arith.constant 0 : i32
      %dma_start3A_233 = tpu.memref_slice %arg11[%add3A_231, %dma_start3A_232] : memref<10008x128xf32, #tpu.memory_space<vmem_shared>> -> memref<80x128xf32, #tpu.memory_space<vmem_shared>>
      %dma_start3A_234 = arith.constant 0 : i32
      %dma_start3A_235 = tpu.memref_slice %arg11[%add3A_231, %dma_start3A_234] : memref<10008x128xf32, #tpu.memory_space<vmem_shared>> -> memref<80x128xf32, #tpu.memory_space<vmem_shared>>
      tpu.enqueue_dma source(%arg9 : memref<80x128xf32, #tpu.memory_space<vmem>>) target(%dma_start3A_235 : memref<80x128xf32, #tpu.memory_space<vmem_shared>>) target_semaphore(%arg16 : memref<!tpu.dma_semaphore, #tpu.memory_space<semaphore_mem>>)
      %mul3A_236 = arith.constant 1000 : i32
      %mul3A_237 = arith.muli %arg1, %mul3A_236 : i32
      %add3A_238 = arith.constant 480 : i32
      %add3A_239 = arith.addi %mul3A_237, %add3A_238 : i32
      %dma_start3A_240 = arith.constant 0 : i32
      %dma_start3A_241 = tpu.memref_slice %arg11[%add3A_239, %dma_start3A_240] : memref<10008x128xf32, #tpu.memory_space<vmem_shared>> -> memref<80x128xf32, #tpu.memory_space<vmem_shared>>
      %dma_start3A_242 = arith.constant 0 : i32
      %dma_start3A_243 = tpu.memref_slice %arg11[%add3A_239, %dma_start3A_242] : memref<10008x128xf32, #tpu.memory_space<vmem_shared>> -> memref<80x128xf32, #tpu.memory_space<vmem_shared>>
      tpu.enqueue_dma source(%arg9 : memref<80x128xf32, #tpu.memory_space<vmem>>) target(%dma_start3A_243 : memref<80x128xf32, #tpu.memory_space<vmem_shared>>) target_semaphore(%arg16 : memref<!tpu.dma_semaphore, #tpu.memory_space<semaphore_mem>>)
      %mul3A_244 = arith.constant 1000 : i32
      %mul3A_245 = arith.muli %arg1, %mul3A_244 : i32
      %add3A_246 = arith.constant 560 : i32
      %add3A_247 = arith.addi %mul3A_245, %add3A_246 : i32
      %dma_start3A_248 = arith.constant 0 : i32
      %dma_start3A_249 = tpu.memref_slice %arg11[%add3A_247, %dma_start3A_248] : memref<10008x128xf32, #tpu.memory_space<vmem_shared>> -> memref<80x128xf32, #tpu.memory_space<vmem_shared>>
      %dma_start3A_250 = arith.constant 0 : i32
      %dma_start3A_251 = tpu.memref_slice %arg11[%add3A_247, %dma_start3A_250] : memref<10008x128xf32, #tpu.memory_space<vmem_shared>> -> memref<80x128xf32, #tpu.memory_space<vmem_shared>>
      tpu.enqueue_dma source(%arg9 : memref<80x128xf32, #tpu.memory_space<vmem>>) target(%dma_start3A_251 : memref<80x128xf32, #tpu.memory_space<vmem_shared>>) target_semaphore(%arg16 : memref<!tpu.dma_semaphore, #tpu.memory_space<semaphore_mem>>)
      %mul3A_252 = arith.constant 1000 : i32
      %mul3A_253 = arith.muli %arg1, %mul3A_252 : i32
      %add3A_254 = arith.constant 640 : i32
      %add3A_255 = arith.addi %mul3A_253, %add3A_254 : i32
      %dma_start3A_256 = arith.constant 0 : i32
      %dma_start3A_257 = tpu.memref_slice %arg11[%add3A_255, %dma_start3A_256] : memref<10008x128xf32, #tpu.memory_space<vmem_shared>> -> memref<80x128xf32, #tpu.memory_space<vmem_shared>>
      %dma_start3A_258 = arith.constant 0 : i32
      %dma_start3A_259 = tpu.memref_slice %arg11[%add3A_255, %dma_start3A_258] : memref<10008x128xf32, #tpu.memory_space<vmem_shared>> -> memref<80x128xf32, #tpu.memory_space<vmem_shared>>
      tpu.enqueue_dma source(%arg9 : memref<80x128xf32, #tpu.memory_space<vmem>>) target(%dma_start3A_259 : memref<80x128xf32, #tpu.memory_space<vmem_shared>>) target_semaphore(%arg16 : memref<!tpu.dma_semaphore, #tpu.memory_space<semaphore_mem>>)
      %mul3A_260 = arith.constant 1000 : i32
      %mul3A_261 = arith.muli %arg1, %mul3A_260 : i32
      %add3A_262 = arith.constant 720 : i32
      %add3A_263 = arith.addi %mul3A_261, %add3A_262 : i32
      %dma_start3A_264 = arith.constant 0 : i32
      %dma_start3A_265 = tpu.memref_slice %arg11[%add3A_263, %dma_start3A_264] : memref<10008x128xf32, #tpu.memory_space<vmem_shared>> -> memref<80x128xf32, #tpu.memory_space<vmem_shared>>
      %dma_start3A_266 = arith.constant 0 : i32
      %dma_start3A_267 = tpu.memref_slice %arg11[%add3A_263, %dma_start3A_266] : memref<10008x128xf32, #tpu.memory_space<vmem_shared>> -> memref<80x128xf32, #tpu.memory_space<vmem_shared>>
      tpu.enqueue_dma source(%arg9 : memref<80x128xf32, #tpu.memory_space<vmem>>) target(%dma_start3A_267 : memref<80x128xf32, #tpu.memory_space<vmem_shared>>) target_semaphore(%arg16 : memref<!tpu.dma_semaphore, #tpu.memory_space<semaphore_mem>>)
      %mul3A_268 = arith.constant 1000 : i32
      %mul3A_269 = arith.muli %arg1, %mul3A_268 : i32
      %add3A_270 = arith.constant 800 : i32
      %add3A_271 = arith.addi %mul3A_269, %add3A_270 : i32
      %dma_start3A_272 = arith.constant 0 : i32
      %dma_start3A_273 = tpu.memref_slice %arg11[%add3A_271, %dma_start3A_272] : memref<10008x128xf32, #tpu.memory_space<vmem_shared>> -> memref<80x128xf32, #tpu.memory_space<vmem_shared>>
      %dma_start3A_274 = arith.constant 0 : i32
      %dma_start3A_275 = tpu.memref_slice %arg11[%add3A_271, %dma_start3A_274] : memref<10008x128xf32, #tpu.memory_space<vmem_shared>> -> memref<80x128xf32, #tpu.memory_space<vmem_shared>>
      tpu.enqueue_dma source(%arg9 : memref<80x128xf32, #tpu.memory_space<vmem>>) target(%dma_start3A_275 : memref<80x128xf32, #tpu.memory_space<vmem_shared>>) target_semaphore(%arg16 : memref<!tpu.dma_semaphore, #tpu.memory_space<semaphore_mem>>)
      %mul3A_276 = arith.constant 1000 : i32
      %mul3A_277 = arith.muli %arg1, %mul3A_276 : i32
      %add3A_278 = arith.constant 880 : i32
      %add3A_279 = arith.addi %mul3A_277, %add3A_278 : i32
      %dma_start3A_280 = arith.constant 0 : i32
      %dma_start3A_281 = tpu.memref_slice %arg11[%add3A_279, %dma_start3A_280] : memref<10008x128xf32, #tpu.memory_space<vmem_shared>> -> memref<80x128xf32, #tpu.memory_space<vmem_shared>>
      %dma_start3A_282 = arith.constant 0 : i32
      %dma_start3A_283 = tpu.memref_slice %arg11[%add3A_279, %dma_start3A_282] : memref<10008x128xf32, #tpu.memory_space<vmem_shared>> -> memref<80x128xf32, #tpu.memory_space<vmem_shared>>
      tpu.enqueue_dma source(%arg9 : memref<80x128xf32, #tpu.memory_space<vmem>>) target(%dma_start3A_283 : memref<80x128xf32, #tpu.memory_space<vmem_shared>>) target_semaphore(%arg16 : memref<!tpu.dma_semaphore, #tpu.memory_space<semaphore_mem>>)
      %mul3A_284 = arith.constant 1000 : i32
      %mul3A_285 = arith.muli %arg1, %mul3A_284 : i32
      %add3A_286 = arith.constant 960 : i32
      %add3A_287 = arith.addi %mul3A_285, %add3A_286 : i32
      %dma_start3A_288 = arith.constant 0 : i32
      %dma_start3A_289 = arith.constant 0 : i32
      %dma_start3A_290 = tpu.memref_slice %arg9[%dma_start3A_288, %dma_start3A_289] : memref<80x128xf32, #tpu.memory_space<vmem>> -> memref<40x128xf32, #tpu.memory_space<vmem>>
      %dma_start3A_291 = arith.constant 0 : i32
      %dma_start3A_292 = tpu.memref_slice %arg11[%add3A_287, %dma_start3A_291] : memref<10008x128xf32, #tpu.memory_space<vmem_shared>> -> memref<40x128xf32, #tpu.memory_space<vmem_shared>>
      %dma_start3A_293 = arith.constant 0 : i32
      %dma_start3A_294 = tpu.memref_slice %arg11[%add3A_287, %dma_start3A_293] : memref<10008x128xf32, #tpu.memory_space<vmem_shared>> -> memref<40x128xf32, #tpu.memory_space<vmem_shared>>
      %dma_start3A_295 = arith.constant 0 : i32
      %dma_start3A_296 = arith.constant 0 : i32
      %dma_start3A_297 = tpu.memref_slice %arg9[%dma_start3A_295, %dma_start3A_296] : memref<80x128xf32, #tpu.memory_space<vmem>> -> memref<40x128xf32, #tpu.memory_space<vmem>>
      tpu.enqueue_dma source(%dma_start3A_297 : memref<40x128xf32, #tpu.memory_space<vmem>>) target(%dma_start3A_294 : memref<40x128xf32, #tpu.memory_space<vmem_shared>>) target_semaphore(%arg16 : memref<!tpu.dma_semaphore, #tpu.memory_space<semaphore_mem>>)
      %dma_wait3A_298 = arith.constant 0 : i32
      %dma_wait3A_299 = tpu.memref_slice %arg11[%add3A_191, %dma_wait3A_298] : memref<10008x128xf32, #tpu.memory_space<vmem_shared>> -> memref<80x128xf32, #tpu.memory_space<vmem_shared>>
      %dma_wait3A_300 = arith.constant 0 : i32
      %dma_wait3A_301 = tpu.memref_slice %arg11[%add3A_191, %dma_wait3A_300] : memref<10008x128xf32, #tpu.memory_space<vmem_shared>> -> memref<80x128xf32, #tpu.memory_space<vmem_shared>>
      tpu.wait_dma2 semaphore(%arg16 : memref<!tpu.dma_semaphore, #tpu.memory_space<semaphore_mem>>) src(%arg9 : memref<80x128xf32, #tpu.memory_space<vmem>>) dst(%dma_wait3A_301 : memref<80x128xf32, #tpu.memory_space<vmem_shared>>)
      %dma_wait3A_302 = arith.constant 0 : i32
      %dma_wait3A_303 = tpu.memref_slice %arg11[%add3A_199, %dma_wait3A_302] : memref<10008x128xf32, #tpu.memory_space<vmem_shared>> -> memref<80x128xf32, #tpu.memory_space<vmem_shared>>
      %dma_wait3A_304 = arith.constant 0 : i32
      %dma_wait3A_305 = tpu.memref_slice %arg11[%add3A_199, %dma_wait3A_304] : memref<10008x128xf32, #tpu.memory_space<vmem_shared>> -> memref<80x128xf32, #tpu.memory_space<vmem_shared>>
      tpu.wait_dma2 semaphore(%arg16 : memref<!tpu.dma_semaphore, #tpu.memory_space<semaphore_mem>>) src(%arg9 : memref<80x128xf32, #tpu.memory_space<vmem>>) dst(%dma_wait3A_305 : memref<80x128xf32, #tpu.memory_space<vmem_shared>>)
      %dma_wait3A_306 = arith.constant 0 : i32
      %dma_wait3A_307 = tpu.memref_slice %arg11[%add3A_207, %dma_wait3A_306] : memref<10008x128xf32, #tpu.memory_space<vmem_shared>> -> memref<80x128xf32, #tpu.memory_space<vmem_shared>>
      %dma_wait3A_308 = arith.constant 0 : i32
      %dma_wait3A_309 = tpu.memref_slice %arg11[%add3A_207, %dma_wait3A_308] : memref<10008x128xf32, #tpu.memory_space<vmem_shared>> -> memref<80x128xf32, #tpu.memory_space<vmem_shared>>
      tpu.wait_dma2 semaphore(%arg16 : memref<!tpu.dma_semaphore, #tpu.memory_space<semaphore_mem>>) src(%arg9 : memref<80x128xf32, #tpu.memory_space<vmem>>) dst(%dma_wait3A_309 : memref<80x128xf32, #tpu.memory_space<vmem_shared>>)
      %dma_wait3A_310 = arith.constant 0 : i32
      %dma_wait3A_311 = tpu.memref_slice %arg11[%add3A_215, %dma_wait3A_310] : memref<10008x128xf32, #tpu.memory_space<vmem_shared>> -> memref<80x128xf32, #tpu.memory_space<vmem_shared>>
      %dma_wait3A_312 = arith.constant 0 : i32
      %dma_wait3A_313 = tpu.memref_slice %arg11[%add3A_215, %dma_wait3A_312] : memref<10008x128xf32, #tpu.memory_space<vmem_shared>> -> memref<80x128xf32, #tpu.memory_space<vmem_shared>>
      tpu.wait_dma2 semaphore(%arg16 : memref<!tpu.dma_semaphore, #tpu.memory_space<semaphore_mem>>) src(%arg9 : memref<80x128xf32, #tpu.memory_space<vmem>>) dst(%dma_wait3A_313 : memref<80x128xf32, #tpu.memory_space<vmem_shared>>)
      %dma_wait3A_314 = arith.constant 0 : i32
      %dma_wait3A_315 = tpu.memref_slice %arg11[%add3A_223, %dma_wait3A_314] : memref<10008x128xf32, #tpu.memory_space<vmem_shared>> -> memref<80x128xf32, #tpu.memory_space<vmem_shared>>
      %dma_wait3A_316 = arith.constant 0 : i32
      %dma_wait3A_317 = tpu.memref_slice %arg11[%add3A_223, %dma_wait3A_316] : memref<10008x128xf32, #tpu.memory_space<vmem_shared>> -> memref<80x128xf32, #tpu.memory_space<vmem_shared>>
      tpu.wait_dma2 semaphore(%arg16 : memref<!tpu.dma_semaphore, #tpu.memory_space<semaphore_mem>>) src(%arg9 : memref<80x128xf32, #tpu.memory_space<vmem>>) dst(%dma_wait3A_317 : memref<80x128xf32, #tpu.memory_space<vmem_shared>>)
      %dma_wait3A_318 = arith.constant 0 : i32
      %dma_wait3A_319 = tpu.memref_slice %arg11[%add3A_231, %dma_wait3A_318] : memref<10008x128xf32, #tpu.memory_space<vmem_shared>> -> memref<80x128xf32, #tpu.memory_space<vmem_shared>>
      %dma_wait3A_320 = arith.constant 0 : i32
      %dma_wait3A_321 = tpu.memref_slice %arg11[%add3A_231, %dma_wait3A_320] : memref<10008x128xf32, #tpu.memory_space<vmem_shared>> -> memref<80x128xf32, #tpu.memory_space<vmem_shared>>
      tpu.wait_dma2 semaphore(%arg16 : memref<!tpu.dma_semaphore, #tpu.memory_space<semaphore_mem>>) src(%arg9 : memref<80x128xf32, #tpu.memory_space<vmem>>) dst(%dma_wait3A_321 : memref<80x128xf32, #tpu.memory_space<vmem_shared>>)
      %dma_wait3A_322 = arith.constant 0 : i32
      %dma_wait3A_323 = tpu.memref_slice %arg11[%add3A_239, %dma_wait3A_322] : memref<10008x128xf32, #tpu.memory_space<vmem_shared>> -> memref<80x128xf32, #tpu.memory_space<vmem_shared>>
      %dma_wait3A_324 = arith.constant 0 : i32
      %dma_wait3A_325 = tpu.memref_slice %arg11[%add3A_239, %dma_wait3A_324] : memref<10008x128xf32, #tpu.memory_space<vmem_shared>> -> memref<80x128xf32, #tpu.memory_space<vmem_shared>>
      tpu.wait_dma2 semaphore(%arg16 : memref<!tpu.dma_semaphore, #tpu.memory_space<semaphore_mem>>) src(%arg9 : memref<80x128xf32, #tpu.memory_space<vmem>>) dst(%dma_wait3A_325 : memref<80x128xf32, #tpu.memory_space<vmem_shared>>)
      %dma_wait3A_326 = arith.constant 0 : i32
      %dma_wait3A_327 = tpu.memref_slice %arg11[%add3A_247, %dma_wait3A_326] : memref<10008x128xf32, #tpu.memory_space<vmem_shared>> -> memref<80x128xf32, #tpu.memory_space<vmem_shared>>
      %dma_wait3A_328 = arith.constant 0 : i32
      %dma_wait3A_329 = tpu.memref_slice %arg11[%add3A_247, %dma_wait3A_328] : memref<10008x128xf32, #tpu.memory_space<vmem_shared>> -> memref<80x128xf32, #tpu.memory_space<vmem_shared>>
      tpu.wait_dma2 semaphore(%arg16 : memref<!tpu.dma_semaphore, #tpu.memory_space<semaphore_mem>>) src(%arg9 : memref<80x128xf32, #tpu.memory_space<vmem>>) dst(%dma_wait3A_329 : memref<80x128xf32, #tpu.memory_space<vmem_shared>>)
      %dma_wait3A_330 = arith.constant 0 : i32
      %dma_wait3A_331 = tpu.memref_slice %arg11[%add3A_255, %dma_wait3A_330] : memref<10008x128xf32, #tpu.memory_space<vmem_shared>> -> memref<80x128xf32, #tpu.memory_space<vmem_shared>>
      %dma_wait3A_332 = arith.constant 0 : i32
      %dma_wait3A_333 = tpu.memref_slice %arg11[%add3A_255, %dma_wait3A_332] : memref<10008x128xf32, #tpu.memory_space<vmem_shared>> -> memref<80x128xf32, #tpu.memory_space<vmem_shared>>
      tpu.wait_dma2 semaphore(%arg16 : memref<!tpu.dma_semaphore, #tpu.memory_space<semaphore_mem>>) src(%arg9 : memref<80x128xf32, #tpu.memory_space<vmem>>) dst(%dma_wait3A_333 : memref<80x128xf32, #tpu.memory_space<vmem_shared>>)
      %dma_wait3A_334 = arith.constant 0 : i32
      %dma_wait3A_335 = tpu.memref_slice %arg11[%add3A_263, %dma_wait3A_334] : memref<10008x128xf32, #tpu.memory_space<vmem_shared>> -> memref<80x128xf32, #tpu.memory_space<vmem_shared>>
      %dma_wait3A_336 = arith.constant 0 : i32
      %dma_wait3A_337 = tpu.memref_slice %arg11[%add3A_263, %dma_wait3A_336] : memref<10008x128xf32, #tpu.memory_space<vmem_shared>> -> memref<80x128xf32, #tpu.memory_space<vmem_shared>>
      tpu.wait_dma2 semaphore(%arg16 : memref<!tpu.dma_semaphore, #tpu.memory_space<semaphore_mem>>) src(%arg9 : memref<80x128xf32, #tpu.memory_space<vmem>>) dst(%dma_wait3A_337 : memref<80x128xf32, #tpu.memory_space<vmem_shared>>)
      %dma_wait3A_338 = arith.constant 0 : i32
      %dma_wait3A_339 = tpu.memref_slice %arg11[%add3A_271, %dma_wait3A_338] : memref<10008x128xf32, #tpu.memory_space<vmem_shared>> -> memref<80x128xf32, #tpu.memory_space<vmem_shared>>
      %dma_wait3A_340 = arith.constant 0 : i32
      %dma_wait3A_341 = tpu.memref_slice %arg11[%add3A_271, %dma_wait3A_340] : memref<10008x128xf32, #tpu.memory_space<vmem_shared>> -> memref<80x128xf32, #tpu.memory_space<vmem_shared>>
      tpu.wait_dma2 semaphore(%arg16 : memref<!tpu.dma_semaphore, #tpu.memory_space<semaphore_mem>>) src(%arg9 : memref<80x128xf32, #tpu.memory_space<vmem>>) dst(%dma_wait3A_341 : memref<80x128xf32, #tpu.memory_space<vmem_shared>>)
      %dma_wait3A_342 = arith.constant 0 : i32
      %dma_wait3A_343 = tpu.memref_slice %arg11[%add3A_279, %dma_wait3A_342] : memref<10008x128xf32, #tpu.memory_space<vmem_shared>> -> memref<80x128xf32, #tpu.memory_space<vmem_shared>>
      %dma_wait3A_344 = arith.constant 0 : i32
      %dma_wait3A_345 = tpu.memref_slice %arg11[%add3A_279, %dma_wait3A_344] : memref<10008x128xf32, #tpu.memory_space<vmem_shared>> -> memref<80x128xf32, #tpu.memory_space<vmem_shared>>
      tpu.wait_dma2 semaphore(%arg16 : memref<!tpu.dma_semaphore, #tpu.memory_space<semaphore_mem>>) src(%arg9 : memref<80x128xf32, #tpu.memory_space<vmem>>) dst(%dma_wait3A_345 : memref<80x128xf32, #tpu.memory_space<vmem_shared>>)
      %dma_wait3A_346 = arith.constant 0 : i32
      %dma_wait3A_347 = arith.constant 0 : i32
      %dma_wait3A_348 = tpu.memref_slice %arg9[%dma_wait3A_346, %dma_wait3A_347] : memref<80x128xf32, #tpu.memory_space<vmem>> -> memref<40x128xf32, #tpu.memory_space<vmem>>
      %dma_wait3A_349 = arith.constant 0 : i32
      %dma_wait3A_350 = tpu.memref_slice %arg11[%add3A_287, %dma_wait3A_349] : memref<10008x128xf32, #tpu.memory_space<vmem_shared>> -> memref<40x128xf32, #tpu.memory_space<vmem_shared>>
      %dma_wait3A_351 = arith.constant 0 : i32
      %dma_wait3A_352 = tpu.memref_slice %arg11[%add3A_287, %dma_wait3A_351] : memref<10008x128xf32, #tpu.memory_space<vmem_shared>> -> memref<40x128xf32, #tpu.memory_space<vmem_shared>>
      %dma_wait3A_353 = arith.constant 0 : i32
      %dma_wait3A_354 = arith.constant 0 : i32
      %dma_wait3A_355 = tpu.memref_slice %arg9[%dma_wait3A_353, %dma_wait3A_354] : memref<80x128xf32, #tpu.memory_space<vmem>> -> memref<40x128xf32, #tpu.memory_space<vmem>>
      tpu.wait_dma2 semaphore(%arg16 : memref<!tpu.dma_semaphore, #tpu.memory_space<semaphore_mem>>) src(%dma_wait3A_355 : memref<40x128xf32, #tpu.memory_space<vmem>>) dst(%dma_wait3A_352 : memref<40x128xf32, #tpu.memory_space<vmem_shared>>)
    } else {
    }
    %eq3A = arith.constant 10 : i32
    %eq3A_23 = arith.cmpi eq, %arg1, %eq3A : i32
    %convert_element_type3A_24 = arith.extui %eq3A_23 : i1 to i32
    %cond3A_25 = arith.constant 0 : i32
    %cond3A_26 = arith.cmpi ne, %convert_element_type3A_24, %cond3A_25 : i32
    scf.if %cond3A_26 {
      %dma_start3A_188 = arith.constant 0 : i32
      %dma_start3A_189 = arith.constant 0 : i32
      %dma_start3A_190 = tpu.memref_slice %arg9[%dma_start3A_188, %dma_start3A_189] : memref<80x128xf32, #tpu.memory_space<vmem>> -> memref<8x128xf32, #tpu.memory_space<vmem>>
      %dma_start3A_191 = arith.constant 10000 : i32
      %dma_start3A_192 = arith.constant 0 : i32
      %dma_start3A_193 = tpu.memref_slice %arg11[%dma_start3A_191, %dma_start3A_192] : memref<10008x128xf32, #tpu.memory_space<vmem_shared>> -> memref<8x128xf32, #tpu.memory_space<vmem_shared>>
      %dma_start3A_194 = arith.constant 10000 : i32
      %dma_start3A_195 = arith.constant 0 : i32
      %dma_start3A_196 = tpu.memref_slice %arg11[%dma_start3A_194, %dma_start3A_195] : memref<10008x128xf32, #tpu.memory_space<vmem_shared>> -> memref<8x128xf32, #tpu.memory_space<vmem_shared>>
      %dma_start3A_197 = arith.constant 0 : i32
      %dma_start3A_198 = arith.constant 0 : i32
      %dma_start3A_199 = tpu.memref_slice %arg9[%dma_start3A_197, %dma_start3A_198] : memref<80x128xf32, #tpu.memory_space<vmem>> -> memref<8x128xf32, #tpu.memory_space<vmem>>
      tpu.enqueue_dma source(%dma_start3A_199 : memref<8x128xf32, #tpu.memory_space<vmem>>) target(%dma_start3A_196 : memref<8x128xf32, #tpu.memory_space<vmem_shared>>) target_semaphore(%arg16 : memref<!tpu.dma_semaphore, #tpu.memory_space<semaphore_mem>>)
      %dma_wait3A_200 = arith.constant 0 : i32
      %dma_wait3A_201 = arith.constant 0 : i32
      %dma_wait3A_202 = tpu.memref_slice %arg9[%dma_wait3A_200, %dma_wait3A_201] : memref<80x128xf32, #tpu.memory_space<vmem>> -> memref<8x128xf32, #tpu.memory_space<vmem>>
      %dma_wait3A_203 = arith.constant 10000 : i32
      %dma_wait3A_204 = arith.constant 0 : i32
      %dma_wait3A_205 = tpu.memref_slice %arg11[%dma_wait3A_203, %dma_wait3A_204] : memref<10008x128xf32, #tpu.memory_space<vmem_shared>> -> memref<8x128xf32, #tpu.memory_space<vmem_shared>>
      %dma_wait3A_206 = arith.constant 10000 : i32
      %dma_wait3A_207 = arith.constant 0 : i32
      %dma_wait3A_208 = tpu.memref_slice %arg11[%dma_wait3A_206, %dma_wait3A_207] : memref<10008x128xf32, #tpu.memory_space<vmem_shared>> -> memref<8x128xf32, #tpu.memory_space<vmem_shared>>
      %dma_wait3A_209 = arith.constant 0 : i32
      %dma_wait3A_210 = arith.constant 0 : i32
      %dma_wait3A_211 = tpu.memref_slice %arg9[%dma_wait3A_209, %dma_wait3A_210] : memref<80x128xf32, #tpu.memory_space<vmem>> -> memref<8x128xf32, #tpu.memory_space<vmem>>
      tpu.wait_dma2 semaphore(%arg16 : memref<!tpu.dma_semaphore, #tpu.memory_space<semaphore_mem>>) src(%dma_wait3A_211 : memref<8x128xf32, #tpu.memory_space<vmem>>) dst(%dma_wait3A_208 : memref<8x128xf32, #tpu.memory_space<vmem_shared>>)
    } else {
    }
    %dma_wait3A = arith.constant 0 : i32
    %dma_wait3A_27 = arith.constant 0 : i32
    %dma_wait3A_28 = tpu.memref_slice %arg3[%add3A, %dma_wait3A, %dma_wait3A_27] : memref<32x128x80xi32, #tpu.memory_space<hbm>> -> memref<1x64x80xi32, #tpu.memory_space<hbm>>
    %dma_wait3A_29 = tpu.memref_squeeze %dma_wait3A_28 : memref<1x64x80xi32, #tpu.memory_space<hbm>> -> memref<64x80xi32, #tpu.memory_space<hbm>>
    %dma_wait3A_30 = arith.constant 0 : i32
    %dma_wait3A_31 = arith.constant 0 : i32
    %dma_wait3A_32 = tpu.memref_slice %arg3[%add3A, %dma_wait3A_30, %dma_wait3A_31] : memref<32x128x80xi32, #tpu.memory_space<hbm>> -> memref<1x64x80xi32, #tpu.memory_space<hbm>>
    %dma_wait3A_33 = tpu.memref_squeeze %dma_wait3A_32 : memref<1x64x80xi32, #tpu.memory_space<hbm>> -> memref<64x80xi32, #tpu.memory_space<hbm>>
    tpu.wait_dma2 semaphore(%arg18 : memref<!tpu.dma_semaphore, #tpu.memory_space<semaphore_mem>>) src(%dma_wait3A_33 : memref<64x80xi32, #tpu.memory_space<hbm>>) dst(%arg8 : memref<64x80xi32, #tpu.memory_space<vmem>>)
    %barrier3A = arith.constant 0 : index
    tpu.barrier barrier_id(%barrier3A)
    %broadcast_in_dim3A_34 = arith.constant 1.000000e+00 : f32
    %broadcast_in_dim3A_35 = vector.broadcast %broadcast_in_dim3A_34 : f32 to vector<16xf32>
    %dma_wait3A_36 = arith.constant 0 : i32
    %dma_wait3A_37 = tpu.memref_slice %arg2[%dma_wait3A_36] : memref<328000xi32, #tpu.memory_space<hbm>> -> memref<80xi32, #tpu.memory_space<hbm>>
    %dma_wait3A_38 = arith.constant 0 : i32
    %dma_wait3A_39 = tpu.memref_slice %arg2[%dma_wait3A_38] : memref<328000xi32, #tpu.memory_space<hbm>> -> memref<80xi32, #tpu.memory_space<hbm>>
    tpu.wait_dma2 semaphore(%arg12 : memref<!tpu.dma_semaphore, #tpu.memory_space<semaphore_mem>>) src(%dma_wait3A_39 : memref<80xi32, #tpu.memory_space<hbm>>) dst(%arg6 : memref<80xi32, #tpu.memory_space<vmem>>)
    %dma_start3A_40 = arith.constant 0 : i32
    %dma_start3A_41 = arith.constant 0 : i32
    %dma_start3A_42 = tpu.memref_slice %arg4[%dma_start3A_40, %dma_start3A_41] : memref<10000x128xf32, #tpu.memory_space<hbm>> -> memref<10000x128xf32, #tpu.memory_space<hbm>>
    tpu.enqueue_indirect_dma source(%dma_start3A_42 : memref<10000x128xf32, #tpu.memory_space<hbm>>) target(%arg9 : memref<80x128xf32, #tpu.memory_space<vmem>>) offsets(%arg6 : memref<80xi32, #tpu.memory_space<vmem>>) semaphore(%arg14 : memref<!tpu.dma_semaphore, #tpu.memory_space<semaphore_mem>>)
    %add3A_43 = arith.constant 80 : i32
    %add3A_44 = arith.addi %mul3A_2, %add3A_43 : i32
    %multiple_of3A_45 = tpu.assume_multiple %add3A_44, 8 : i32
    %dma_start3A_46 = tpu.memref_slice %arg2[%multiple_of3A_45] : memref<328000xi32, #tpu.memory_space<hbm>> -> memref<80xi32, #tpu.memory_space<hbm>>
    %dma_start3A_47 = tpu.memref_slice %arg2[%multiple_of3A_45] : memref<328000xi32, #tpu.memory_space<hbm>> -> memref<80xi32, #tpu.memory_space<hbm>>
    tpu.enqueue_dma source(%dma_start3A_47 : memref<80xi32, #tpu.memory_space<hbm>>) target(%arg7 : memref<80xi32, #tpu.memory_space<vmem>>) target_semaphore(%arg13 : memref<!tpu.dma_semaphore, #tpu.memory_space<semaphore_mem>>)
    %dma_wait3A_48 = arith.constant 0 : i32
    %dma_wait3A_49 = tpu.memref_slice %arg2[%dma_wait3A_48] : memref<328000xi32, #tpu.memory_space<hbm>> -> memref<80xi32, #tpu.memory_space<hbm>>
    %dma_wait3A_50 = arith.constant 0 : i32
    %dma_wait3A_51 = tpu.memref_slice %arg2[%dma_wait3A_50] : memref<328000xi32, #tpu.memory_space<hbm>> -> memref<80xi32, #tpu.memory_space<hbm>>
    tpu.wait_dma2 semaphore(%arg13 : memref<!tpu.dma_semaphore, #tpu.memory_space<semaphore_mem>>) src(%dma_wait3A_51 : memref<80xi32, #tpu.memory_space<hbm>>) dst(%arg7 : memref<80xi32, #tpu.memory_space<vmem>>)
    %dma_start3A_52 = arith.constant 0 : i32
    %dma_start3A_53 = arith.constant 0 : i32
    %dma_start3A_54 = tpu.memref_slice %arg4[%dma_start3A_52, %dma_start3A_53] : memref<10000x128xf32, #tpu.memory_space<hbm>> -> memref<10000x128xf32, #tpu.memory_space<hbm>>
    tpu.enqueue_indirect_dma source(%dma_start3A_54 : memref<10000x128xf32, #tpu.memory_space<hbm>>) target(%arg10 : memref<80x128xf32, #tpu.memory_space<vmem>>) offsets(%arg7 : memref<80xi32, #tpu.memory_space<vmem>>) semaphore(%arg15 : memref<!tpu.dma_semaphore, #tpu.memory_space<semaphore_mem>>)
    %dma_wait3A_55 = arith.constant 0 : i32
    %dma_wait3A_56 = arith.constant 0 : i32
    %dma_wait3A_57 = tpu.memref_slice %arg4[%dma_wait3A_55, %dma_wait3A_56] : memref<10000x128xf32, #tpu.memory_space<hbm>> -> memref<10000x128xf32, #tpu.memory_space<hbm>>
    tpu.wait_indirect_dma semaphore(%arg14 : memref<!tpu.dma_semaphore, #tpu.memory_space<semaphore_mem>>) src(%dma_wait3A_57 : memref<10000x128xf32, #tpu.memory_space<hbm>>) dst(%arg9 : memref<80x128xf32, #tpu.memory_space<vmem>>)
    %add3A_58 = arith.constant 160 : i32
    %add3A_59 = arith.addi %mul3A_2, %add3A_58 : i32
    %multiple_of3A_60 = tpu.assume_multiple %add3A_59, 8 : i32
    %dma_start3A_61 = tpu.memref_slice %arg2[%multiple_of3A_60] : memref<328000xi32, #tpu.memory_space<hbm>> -> memref<80xi32, #tpu.memory_space<hbm>>
    %dma_start3A_62 = tpu.memref_slice %arg2[%multiple_of3A_60] : memref<328000xi32, #tpu.memory_space<hbm>> -> memref<80xi32, #tpu.memory_space<hbm>>
    tpu.enqueue_dma source(%dma_start3A_62 : memref<80xi32, #tpu.memory_space<hbm>>) target(%arg6 : memref<80xi32, #tpu.memory_space<vmem>>) target_semaphore(%arg12 : memref<!tpu.dma_semaphore, #tpu.memory_space<semaphore_mem>>)
    %dma_start3A_63 = arith.constant 0 : i32
    %dma_start3A_64 = arith.constant 0 : i32
    %dma_start3A_65 = tpu.memref_slice %arg8[%dma_start3A_63, %dma_start3A_64] : memref<64x80xi32, #tpu.memory_space<vmem>> -> memref<1x80xi32, #tpu.memory_space<vmem>>
    %dma_start3A_66 = tpu.memref_squeeze %dma_start3A_65 : memref<1x80xi32, #tpu.memory_space<vmem>> -> memref<80xi32, #tpu.memory_space<vmem>>
    %dma_start3A_67 = arith.constant 0 : i32
    %dma_start3A_68 = arith.constant 0 : i32
    %dma_start3A_69 = tpu.memref_slice %arg11[%dma_start3A_67, %dma_start3A_68] : memref<10008x128xf32, #tpu.memory_space<vmem_shared>> -> memref<10008x128xf32, #tpu.memory_space<vmem_shared>>
    tpu.enqueue_indirect_dma source(%arg9 : memref<80x128xf32, #tpu.memory_space<vmem>>) target(%dma_start3A_69 : memref<10008x128xf32, #tpu.memory_space<vmem_shared>>) offsets(%dma_start3A_66 : memref<80xi32, #tpu.memory_space<vmem>>) semaphore(%arg16 : memref<!tpu.dma_semaphore, #tpu.memory_space<semaphore_mem>>) {add = true}
    %scan3A_70 = arith.constant 0 : i32
    %scan3A_71 = arith.constant 1 : i32
    %scan3A_72 = arith.constant 31 : i32
    %scan3A_73 = arith.addi %scan3A_71, %scan3A_72 : i32
    %scan3A_74 = arith.constant 1 : i32
    %scan3A_75 = scf.for %scan3A_188 = %scan3A_71 to %scan3A_73 step %scan3A_74 iter_args(%scan3A_189 = %scan3A_70) -> (i32)  : i32 {
      %mul3A_190 = arith.constant 2 : i32
      %mul3A_191 = arith.muli %scan3A_188, %mul3A_190 : i32
      %add3A_192 = arith.constant 0 : i32
      %add3A_193 = arith.addi %mul3A_191, %add3A_192 : i32
      %dma_wait3A_194 = arith.constant 0 : i32
      %dma_wait3A_195 = arith.constant 0 : i32
      %dma_wait3A_196 = tpu.memref_slice %arg8[%dma_wait3A_194, %dma_wait3A_195] : memref<64x80xi32, #tpu.memory_space<vmem>> -> memref<1x80xi32, #tpu.memory_space<vmem>>
      %dma_wait3A_197 = tpu.memref_squeeze %dma_wait3A_196 : memref<1x80xi32, #tpu.memory_space<vmem>> -> memref<80xi32, #tpu.memory_space<vmem>>
      %dma_wait3A_198 = arith.constant 0 : i32
      %dma_wait3A_199 = arith.constant 0 : i32
      %dma_wait3A_200 = tpu.memref_slice %arg11[%dma_wait3A_198, %dma_wait3A_199] : memref<10008x128xf32, #tpu.memory_space<vmem_shared>> -> memref<10008x128xf32, #tpu.memory_space<vmem_shared>>
      tpu.wait_indirect_dma semaphore(%arg16 : memref<!tpu.dma_semaphore, #tpu.memory_space<semaphore_mem>>) src(%arg9 : memref<80x128xf32, #tpu.memory_space<vmem>>) dst(%dma_wait3A_200 : memref<10008x128xf32, #tpu.memory_space<vmem_shared>>)
      %dma_wait3A_201 = arith.constant 0 : i32
      %dma_wait3A_202 = tpu.memref_slice %arg2[%dma_wait3A_201] : memref<328000xi32, #tpu.memory_space<hbm>> -> memref<80xi32, #tpu.memory_space<hbm>>
      %dma_wait3A_203 = arith.constant 0 : i32
      %dma_wait3A_204 = tpu.memref_slice %arg2[%dma_wait3A_203] : memref<328000xi32, #tpu.memory_space<hbm>> -> memref<80xi32, #tpu.memory_space<hbm>>
      tpu.wait_dma2 semaphore(%arg12 : memref<!tpu.dma_semaphore, #tpu.memory_space<semaphore_mem>>) src(%dma_wait3A_204 : memref<80xi32, #tpu.memory_space<hbm>>) dst(%arg6 : memref<80xi32, #tpu.memory_space<vmem>>)
      %add3A_205 = arith.constant 0 : i32
      %add3A_206 = arith.addi %add3A_205, %add3A_193 : i32
      %dma_start3A_207 = arith.constant 0 : i32
      %dma_start3A_208 = arith.constant 0 : i32
      %dma_start3A_209 = tpu.memref_slice %arg4[%dma_start3A_207, %dma_start3A_208] : memref<10000x128xf32, #tpu.memory_space<hbm>> -> memref<10000x128xf32, #tpu.memory_space<hbm>>
      tpu.enqueue_indirect_dma source(%dma_start3A_209 : memref<10000x128xf32, #tpu.memory_space<hbm>>) target(%arg9 : memref<80x128xf32, #tpu.memory_space<vmem>>) offsets(%arg6 : memref<80xi32, #tpu.memory_space<vmem>>) semaphore(%arg14 : memref<!tpu.dma_semaphore, #tpu.memory_space<semaphore_mem>>)
      %dma_wait3A_210 = arith.constant 0 : i32
      %dma_wait3A_211 = arith.constant 0 : i32
      %dma_wait3A_212 = tpu.memref_slice %arg4[%dma_wait3A_210, %dma_wait3A_211] : memref<10000x128xf32, #tpu.memory_space<hbm>> -> memref<10000x128xf32, #tpu.memory_space<hbm>>
      tpu.wait_indirect_dma semaphore(%arg15 : memref<!tpu.dma_semaphore, #tpu.memory_space<semaphore_mem>>) src(%dma_wait3A_212 : memref<10000x128xf32, #tpu.memory_space<hbm>>) dst(%arg10 : memref<80x128xf32, #tpu.memory_space<vmem>>)
      %add3A_213 = arith.constant 0 : i32
      %add3A_214 = arith.addi %add3A_213, %add3A_193 : i32
      %add3A_215 = arith.constant 1 : i32
      %add3A_216 = arith.addi %add3A_214, %add3A_215 : i32
      %lt3A_217 = arith.constant 128 : i32
      %lt3A_218 = arith.cmpi slt, %add3A_216, %lt3A_217 : i32
      %convert_element_type3A_219 = arith.extui %lt3A_218 : i1 to i32
      %cond3A_220 = arith.constant 0 : i32
      %cond3A_221 = arith.cmpi ne, %convert_element_type3A_219, %cond3A_220 : i32
      scf.if %cond3A_221 {
        %add3A_270 = arith.constant 0 : i32
        %add3A_271 = arith.addi %add3A_270, %add3A_193 : i32
        %add3A_272 = arith.constant 1 : i32
        %add3A_273 = arith.addi %add3A_271, %add3A_272 : i32
        %mul3A_274 = arith.constant 80 : i32
        %mul3A_275 = arith.muli %add3A_273, %mul3A_274 : i32
        %add3A_276 = arith.addi %mul3A_2, %mul3A_275 : i32
        %multiple_of3A_277 = tpu.assume_multiple %add3A_276, 8 : i32
        %dma_start3A_278 = tpu.memref_slice %arg2[%multiple_of3A_277] : memref<328000xi32, #tpu.memory_space<hbm>> -> memref<80xi32, #tpu.memory_space<hbm>>
        %dma_start3A_279 = tpu.memref_slice %arg2[%multiple_of3A_277] : memref<328000xi32, #tpu.memory_space<hbm>> -> memref<80xi32, #tpu.memory_space<hbm>>
        tpu.enqueue_dma source(%dma_start3A_279 : memref<80xi32, #tpu.memory_space<hbm>>) target(%arg7 : memref<80xi32, #tpu.memory_space<vmem>>) target_semaphore(%arg13 : memref<!tpu.dma_semaphore, #tpu.memory_space<semaphore_mem>>)
      } else {
      }
      %sub3A = arith.constant 1 : i32
      %sub3A_222 = arith.subi %add3A_193, %sub3A : i32
      %dma_start3A_223 = arith.constant 0 : i32
      %dma_start3A_224 = tpu.memref_slice %arg8[%sub3A_222, %dma_start3A_223] : memref<64x80xi32, #tpu.memory_space<vmem>> -> memref<1x80xi32, #tpu.memory_space<vmem>>
      %dma_start3A_225 = tpu.memref_squeeze %dma_start3A_224 : memref<1x80xi32, #tpu.memory_space<vmem>> -> memref<80xi32, #tpu.memory_space<vmem>>
      %dma_start3A_226 = arith.constant 0 : i32
      %dma_start3A_227 = arith.constant 0 : i32
      %dma_start3A_228 = tpu.memref_slice %arg11[%dma_start3A_226, %dma_start3A_227] : memref<10008x128xf32, #tpu.memory_space<vmem_shared>> -> memref<10008x128xf32, #tpu.memory_space<vmem_shared>>
      tpu.enqueue_indirect_dma source(%arg10 : memref<80x128xf32, #tpu.memory_space<vmem>>) target(%dma_start3A_228 : memref<10008x128xf32, #tpu.memory_space<vmem_shared>>) offsets(%dma_start3A_225 : memref<80xi32, #tpu.memory_space<vmem>>) semaphore(%arg17 : memref<!tpu.dma_semaphore, #tpu.memory_space<semaphore_mem>>) {add = true}
      %mul3A_229 = arith.constant 2 : i32
      %mul3A_230 = arith.muli %scan3A_188, %mul3A_229 : i32
      %add3A_231 = arith.constant 1 : i32
      %add3A_232 = arith.addi %mul3A_230, %add3A_231 : i32
      %dma_wait3A_233 = arith.constant 0 : i32
      %dma_wait3A_234 = arith.constant 0 : i32
      %dma_wait3A_235 = tpu.memref_slice %arg8[%dma_wait3A_233, %dma_wait3A_234] : memref<64x80xi32, #tpu.memory_space<vmem>> -> memref<1x80xi32, #tpu.memory_space<vmem>>
      %dma_wait3A_236 = tpu.memref_squeeze %dma_wait3A_235 : memref<1x80xi32, #tpu.memory_space<vmem>> -> memref<80xi32, #tpu.memory_space<vmem>>
      %dma_wait3A_237 = arith.constant 0 : i32
      %dma_wait3A_238 = arith.constant 0 : i32
      %dma_wait3A_239 = tpu.memref_slice %arg11[%dma_wait3A_237, %dma_wait3A_238] : memref<10008x128xf32, #tpu.memory_space<vmem_shared>> -> memref<10008x128xf32, #tpu.memory_space<vmem_shared>>
      tpu.wait_indirect_dma semaphore(%arg17 : memref<!tpu.dma_semaphore, #tpu.memory_space<semaphore_mem>>) src(%arg10 : memref<80x128xf32, #tpu.memory_space<vmem>>) dst(%dma_wait3A_239 : memref<10008x128xf32, #tpu.memory_space<vmem_shared>>)
      %dma_wait3A_240 = arith.constant 0 : i32
      %dma_wait3A_241 = tpu.memref_slice %arg2[%dma_wait3A_240] : memref<328000xi32, #tpu.memory_space<hbm>> -> memref<80xi32, #tpu.memory_space<hbm>>
      %dma_wait3A_242 = arith.constant 0 : i32
      %dma_wait3A_243 = tpu.memref_slice %arg2[%dma_wait3A_242] : memref<328000xi32, #tpu.memory_space<hbm>> -> memref<80xi32, #tpu.memory_space<hbm>>
      tpu.wait_dma2 semaphore(%arg13 : memref<!tpu.dma_semaphore, #tpu.memory_space<semaphore_mem>>) src(%dma_wait3A_243 : memref<80xi32, #tpu.memory_space<hbm>>) dst(%arg7 : memref<80xi32, #tpu.memory_space<vmem>>)
      %add3A_244 = arith.constant 0 : i32
      %add3A_245 = arith.addi %add3A_244, %add3A_232 : i32
      %dma_start3A_246 = arith.constant 0 : i32
      %dma_start3A_247 = arith.constant 0 : i32
      %dma_start3A_248 = tpu.memref_slice %arg4[%dma_start3A_246, %dma_start3A_247] : memref<10000x128xf32, #tpu.memory_space<hbm>> -> memref<10000x128xf32, #tpu.memory_space<hbm>>
      tpu.enqueue_indirect_dma source(%dma_start3A_248 : memref<10000x128xf32, #tpu.memory_space<hbm>>) target(%arg10 : memref<80x128xf32, #tpu.memory_space<vmem>>) offsets(%arg7 : memref<80xi32, #tpu.memory_space<vmem>>) semaphore(%arg15 : memref<!tpu.dma_semaphore, #tpu.memory_space<semaphore_mem>>)
      %dma_wait3A_249 = arith.constant 0 : i32
      %dma_wait3A_250 = arith.constant 0 : i32
      %dma_wait3A_251 = tpu.memref_slice %arg4[%dma_wait3A_249, %dma_wait3A_250] : memref<10000x128xf32, #tpu.memory_space<hbm>> -> memref<10000x128xf32, #tpu.memory_space<hbm>>
      tpu.wait_indirect_dma semaphore(%arg14 : memref<!tpu.dma_semaphore, #tpu.memory_space<semaphore_mem>>) src(%dma_wait3A_251 : memref<10000x128xf32, #tpu.memory_space<hbm>>) dst(%arg9 : memref<80x128xf32, #tpu.memory_space<vmem>>)
      %add3A_252 = arith.constant 0 : i32
      %add3A_253 = arith.addi %add3A_252, %add3A_232 : i32
      %add3A_254 = arith.constant 1 : i32
      %add3A_255 = arith.addi %add3A_253, %add3A_254 : i32
      %lt3A_256 = arith.constant 128 : i32
      %lt3A_257 = arith.cmpi slt, %add3A_255, %lt3A_256 : i32
      %convert_element_type3A_258 = arith.extui %lt3A_257 : i1 to i32
      %cond3A_259 = arith.constant 0 : i32
      %cond3A_260 = arith.cmpi ne, %convert_element_type3A_258, %cond3A_259 : i32
      scf.if %cond3A_260 {
        %add3A_270 = arith.constant 0 : i32
        %add3A_271 = arith.addi %add3A_270, %add3A_232 : i32
        %add3A_272 = arith.constant 1 : i32
        %add3A_273 = arith.addi %add3A_271, %add3A_272 : i32
        %mul3A_274 = arith.constant 80 : i32
        %mul3A_275 = arith.muli %add3A_273, %mul3A_274 : i32
        %add3A_276 = arith.addi %mul3A_2, %mul3A_275 : i32
        %multiple_of3A_277 = tpu.assume_multiple %add3A_276, 8 : i32
        %dma_start3A_278 = tpu.memref_slice %arg2[%multiple_of3A_277] : memref<328000xi32, #tpu.memory_space<hbm>> -> memref<80xi32, #tpu.memory_space<hbm>>
        %dma_start3A_279 = tpu.memref_slice %arg2[%multiple_of3A_277] : memref<328000xi32, #tpu.memory_space<hbm>> -> memref<80xi32, #tpu.memory_space<hbm>>
        tpu.enqueue_dma source(%dma_start3A_279 : memref<80xi32, #tpu.memory_space<hbm>>) target(%arg6 : memref<80xi32, #tpu.memory_space<vmem>>) target_semaphore(%arg12 : memref<!tpu.dma_semaphore, #tpu.memory_space<semaphore_mem>>)
      } else {
      }
      %sub3A_261 = arith.constant 1 : i32
      %sub3A_262 = arith.subi %add3A_232, %sub3A_261 : i32
      %dma_start3A_263 = arith.constant 0 : i32
      %dma_start3A_264 = tpu.memref_slice %arg8[%sub3A_262, %dma_start3A_263] : memref<64x80xi32, #tpu.memory_space<vmem>> -> memref<1x80xi32, #tpu.memory_space<vmem>>
      %dma_start3A_265 = tpu.memref_squeeze %dma_start3A_264 : memref<1x80xi32, #tpu.memory_space<vmem>> -> memref<80xi32, #tpu.memory_space<vmem>>
      %dma_start3A_266 = arith.constant 0 : i32
      %dma_start3A_267 = arith.constant 0 : i32
      %dma_start3A_268 = tpu.memref_slice %arg11[%dma_start3A_266, %dma_start3A_267] : memref<10008x128xf32, #tpu.memory_space<vmem_shared>> -> memref<10008x128xf32, #tpu.memory_space<vmem_shared>>
      tpu.enqueue_indirect_dma source(%arg9 : memref<80x128xf32, #tpu.memory_space<vmem>>) target(%dma_start3A_268 : memref<10008x128xf32, #tpu.memory_space<vmem_shared>>) offsets(%dma_start3A_265 : memref<80xi32, #tpu.memory_space<vmem>>) semaphore(%arg16 : memref<!tpu.dma_semaphore, #tpu.memory_space<semaphore_mem>>) {add = true}
      %scan3A_269 = arith.constant 0 : i32
      scf.yield %scan3A_269 : i32
    }
    %scan3A_76 = arith.constant 31 : i32
    %dma_wait3A_77 = arith.constant 0 : i32
    %dma_wait3A_78 = arith.constant 0 : i32
    %dma_wait3A_79 = tpu.memref_slice %arg4[%dma_wait3A_77, %dma_wait3A_78] : memref<10000x128xf32, #tpu.memory_space<hbm>> -> memref<10000x128xf32, #tpu.memory_space<hbm>>
    tpu.wait_indirect_dma semaphore(%arg15 : memref<!tpu.dma_semaphore, #tpu.memory_space<semaphore_mem>>) src(%dma_wait3A_79 : memref<10000x128xf32, #tpu.memory_space<hbm>>) dst(%arg10 : memref<80x128xf32, #tpu.memory_space<vmem>>)
    %dma_start3A_80 = arith.constant 63 : i32
    %dma_start3A_81 = arith.constant 0 : i32
    %dma_start3A_82 = tpu.memref_slice %arg8[%dma_start3A_80, %dma_start3A_81] : memref<64x80xi32, #tpu.memory_space<vmem>> -> memref<1x80xi32, #tpu.memory_space<vmem>>
    %dma_start3A_83 = tpu.memref_squeeze %dma_start3A_82 : memref<1x80xi32, #tpu.memory_space<vmem>> -> memref<80xi32, #tpu.memory_space<vmem>>
    %dma_start3A_84 = arith.constant 0 : i32
    %dma_start3A_85 = arith.constant 0 : i32
    %dma_start3A_86 = tpu.memref_slice %arg11[%dma_start3A_84, %dma_start3A_85] : memref<10008x128xf32, #tpu.memory_space<vmem_shared>> -> memref<10008x128xf32, #tpu.memory_space<vmem_shared>>
    tpu.enqueue_indirect_dma source(%arg10 : memref<80x128xf32, #tpu.memory_space<vmem>>) target(%dma_start3A_86 : memref<10008x128xf32, #tpu.memory_space<vmem_shared>>) offsets(%dma_start3A_83 : memref<80xi32, #tpu.memory_space<vmem>>) semaphore(%arg17 : memref<!tpu.dma_semaphore, #tpu.memory_space<semaphore_mem>>) {add = true}
    %dma_wait3A_87 = arith.constant 0 : i32
    %dma_wait3A_88 = arith.constant 0 : i32
    %dma_wait3A_89 = tpu.memref_slice %arg8[%dma_wait3A_87, %dma_wait3A_88] : memref<64x80xi32, #tpu.memory_space<vmem>> -> memref<1x80xi32, #tpu.memory_space<vmem>>
    %dma_wait3A_90 = tpu.memref_squeeze %dma_wait3A_89 : memref<1x80xi32, #tpu.memory_space<vmem>> -> memref<80xi32, #tpu.memory_space<vmem>>
    %dma_wait3A_91 = arith.constant 0 : i32
    %dma_wait3A_92 = arith.constant 0 : i32
    %dma_wait3A_93 = tpu.memref_slice %arg11[%dma_wait3A_91, %dma_wait3A_92] : memref<10008x128xf32, #tpu.memory_space<vmem_shared>> -> memref<10008x128xf32, #tpu.memory_space<vmem_shared>>
    tpu.wait_indirect_dma semaphore(%arg16 : memref<!tpu.dma_semaphore, #tpu.memory_space<semaphore_mem>>) src(%arg9 : memref<80x128xf32, #tpu.memory_space<vmem>>) dst(%dma_wait3A_93 : memref<10008x128xf32, #tpu.memory_space<vmem_shared>>)
    %dma_wait3A_94 = arith.constant 0 : i32
    %dma_wait3A_95 = arith.constant 0 : i32
    %dma_wait3A_96 = tpu.memref_slice %arg8[%dma_wait3A_94, %dma_wait3A_95] : memref<64x80xi32, #tpu.memory_space<vmem>> -> memref<1x80xi32, #tpu.memory_space<vmem>>
    %dma_wait3A_97 = tpu.memref_squeeze %dma_wait3A_96 : memref<1x80xi32, #tpu.memory_space<vmem>> -> memref<80xi32, #tpu.memory_space<vmem>>
    %dma_wait3A_98 = arith.constant 0 : i32
    %dma_wait3A_99 = arith.constant 0 : i32
    %dma_wait3A_100 = tpu.memref_slice %arg11[%dma_wait3A_98, %dma_wait3A_99] : memref<10008x128xf32, #tpu.memory_space<vmem_shared>> -> memref<10008x128xf32, #tpu.memory_space<vmem_shared>>
    tpu.wait_indirect_dma semaphore(%arg17 : memref<!tpu.dma_semaphore, #tpu.memory_space<semaphore_mem>>) src(%arg10 : memref<80x128xf32, #tpu.memory_space<vmem>>) dst(%dma_wait3A_100 : memref<10008x128xf32, #tpu.memory_space<vmem_shared>>)
    %dma_start3A_101 = arith.constant 64 : i32
    %dma_start3A_102 = arith.constant 0 : i32
    %dma_start3A_103 = tpu.memref_slice %arg3[%add3A, %dma_start3A_101, %dma_start3A_102] : memref<32x128x80xi32, #tpu.memory_space<hbm>> -> memref<1x64x80xi32, #tpu.memory_space<hbm>>
    %dma_start3A_104 = tpu.memref_squeeze %dma_start3A_103 : memref<1x64x80xi32, #tpu.memory_space<hbm>> -> memref<64x80xi32, #tpu.memory_space<hbm>>
    %dma_start3A_105 = arith.constant 64 : i32
    %dma_start3A_106 = arith.constant 0 : i32
    %dma_start3A_107 = tpu.memref_slice %arg3[%add3A, %dma_start3A_105, %dma_start3A_106] : memref<32x128x80xi32, #tpu.memory_space<hbm>> -> memref<1x64x80xi32, #tpu.memory_space<hbm>>
    %dma_start3A_108 = tpu.memref_squeeze %dma_start3A_107 : memref<1x64x80xi32, #tpu.memory_space<hbm>> -> memref<64x80xi32, #tpu.memory_space<hbm>>
    tpu.enqueue_dma source(%dma_start3A_108 : memref<64x80xi32, #tpu.memory_space<hbm>>) target(%arg8 : memref<64x80xi32, #tpu.memory_space<vmem>>) target_semaphore(%arg18 : memref<!tpu.dma_semaphore, #tpu.memory_space<semaphore_mem>>)
    %dma_wait3A_109 = arith.constant 64 : i32
    %dma_wait3A_110 = arith.constant 0 : i32
    %dma_wait3A_111 = tpu.memref_slice %arg3[%add3A, %dma_wait3A_109, %dma_wait3A_110] : memref<32x128x80xi32, #tpu.memory_space<hbm>> -> memref<1x64x80xi32, #tpu.memory_space<hbm>>
    %dma_wait3A_112 = tpu.memref_squeeze %dma_wait3A_111 : memref<1x64x80xi32, #tpu.memory_space<hbm>> -> memref<64x80xi32, #tpu.memory_space<hbm>>
    %dma_wait3A_113 = arith.constant 64 : i32
    %dma_wait3A_114 = arith.constant 0 : i32
    %dma_wait3A_115 = tpu.memref_slice %arg3[%add3A, %dma_wait3A_113, %dma_wait3A_114] : memref<32x128x80xi32, #tpu.memory_space<hbm>> -> memref<1x64x80xi32, #tpu.memory_space<hbm>>
    %dma_wait3A_116 = tpu.memref_squeeze %dma_wait3A_115 : memref<1x64x80xi32, #tpu.memory_space<hbm>> -> memref<64x80xi32, #tpu.memory_space<hbm>>
    tpu.wait_dma2 semaphore(%arg18 : memref<!tpu.dma_semaphore, #tpu.memory_space<semaphore_mem>>) src(%dma_wait3A_116 : memref<64x80xi32, #tpu.memory_space<hbm>>) dst(%arg8 : memref<64x80xi32, #tpu.memory_space<vmem>>)
    %dma_wait3A_117 = arith.constant 0 : i32
    %dma_wait3A_118 = tpu.memref_slice %arg2[%dma_wait3A_117] : memref<328000xi32, #tpu.memory_space<hbm>> -> memref<80xi32, #tpu.memory_space<hbm>>
    %dma_wait3A_119 = arith.constant 0 : i32
    %dma_wait3A_120 = tpu.memref_slice %arg2[%dma_wait3A_119] : memref<328000xi32, #tpu.memory_space<hbm>> -> memref<80xi32, #tpu.memory_space<hbm>>
    tpu.wait_dma2 semaphore(%arg12 : memref<!tpu.dma_semaphore, #tpu.memory_space<semaphore_mem>>) src(%dma_wait3A_120 : memref<80xi32, #tpu.memory_space<hbm>>) dst(%arg6 : memref<80xi32, #tpu.memory_space<vmem>>)
    %dma_start3A_121 = arith.constant 0 : i32
    %dma_start3A_122 = arith.constant 0 : i32
    %dma_start3A_123 = tpu.memref_slice %arg4[%dma_start3A_121, %dma_start3A_122] : memref<10000x128xf32, #tpu.memory_space<hbm>> -> memref<10000x128xf32, #tpu.memory_space<hbm>>
    tpu.enqueue_indirect_dma source(%dma_start3A_123 : memref<10000x128xf32, #tpu.memory_space<hbm>>) target(%arg9 : memref<80x128xf32, #tpu.memory_space<vmem>>) offsets(%arg6 : memref<80xi32, #tpu.memory_space<vmem>>) semaphore(%arg14 : memref<!tpu.dma_semaphore, #tpu.memory_space<semaphore_mem>>)
    %add3A_124 = arith.constant 5200 : i32
    %add3A_125 = arith.addi %mul3A_2, %add3A_124 : i32
    %multiple_of3A_126 = tpu.assume_multiple %add3A_125, 8 : i32
    %dma_start3A_127 = tpu.memref_slice %arg2[%multiple_of3A_126] : memref<328000xi32, #tpu.memory_space<hbm>> -> memref<80xi32, #tpu.memory_space<hbm>>
    %dma_start3A_128 = tpu.memref_slice %arg2[%multiple_of3A_126] : memref<328000xi32, #tpu.memory_space<hbm>> -> memref<80xi32, #tpu.memory_space<hbm>>
    tpu.enqueue_dma source(%dma_start3A_128 : memref<80xi32, #tpu.memory_space<hbm>>) target(%arg7 : memref<80xi32, #tpu.memory_space<vmem>>) target_semaphore(%arg13 : memref<!tpu.dma_semaphore, #tpu.memory_space<semaphore_mem>>)
    %dma_wait3A_129 = arith.constant 0 : i32
    %dma_wait3A_130 = tpu.memref_slice %arg2[%dma_wait3A_129] : memref<328000xi32, #tpu.memory_space<hbm>> -> memref<80xi32, #tpu.memory_space<hbm>>
    %dma_wait3A_131 = arith.constant 0 : i32
    %dma_wait3A_132 = tpu.memref_slice %arg2[%dma_wait3A_131] : memref<328000xi32, #tpu.memory_space<hbm>> -> memref<80xi32, #tpu.memory_space<hbm>>
    tpu.wait_dma2 semaphore(%arg13 : memref<!tpu.dma_semaphore, #tpu.memory_space<semaphore_mem>>) src(%dma_wait3A_132 : memref<80xi32, #tpu.memory_space<hbm>>) dst(%arg7 : memref<80xi32, #tpu.memory_space<vmem>>)
    %dma_start3A_133 = arith.constant 0 : i32
    %dma_start3A_134 = arith.constant 0 : i32
    %dma_start3A_135 = tpu.memref_slice %arg4[%dma_start3A_133, %dma_start3A_134] : memref<10000x128xf32, #tpu.memory_space<hbm>> -> memref<10000x128xf32, #tpu.memory_space<hbm>>
    tpu.enqueue_indirect_dma source(%dma_start3A_135 : memref<10000x128xf32, #tpu.memory_space<hbm>>) target(%arg10 : memref<80x128xf32, #tpu.memory_space<vmem>>) offsets(%arg7 : memref<80xi32, #tpu.memory_space<vmem>>) semaphore(%arg15 : memref<!tpu.dma_semaphore, #tpu.memory_space<semaphore_mem>>)
    %dma_wait3A_136 = arith.constant 0 : i32
    %dma_wait3A_137 = arith.constant 0 : i32
    %dma_wait3A_138 = tpu.memref_slice %arg4[%dma_wait3A_136, %dma_wait3A_137] : memref<10000x128xf32, #tpu.memory_space<hbm>> -> memref<10000x128xf32, #tpu.memory_space<hbm>>
    tpu.wait_indirect_dma semaphore(%arg14 : memref<!tpu.dma_semaphore, #tpu.memory_space<semaphore_mem>>) src(%dma_wait3A_138 : memref<10000x128xf32, #tpu.memory_space<hbm>>) dst(%arg9 : memref<80x128xf32, #tpu.memory_space<vmem>>)
    %add3A_139 = arith.constant 5280 : i32
    %add3A_140 = arith.addi %mul3A_2, %add3A_139 : i32
    %multiple_of3A_141 = tpu.assume_multiple %add3A_140, 8 : i32
    %dma_start3A_142 = tpu.memref_slice %arg2[%multiple_of3A_141] : memref<328000xi32, #tpu.memory_space<hbm>> -> memref<80xi32, #tpu.memory_space<hbm>>
    %dma_start3A_143 = tpu.memref_slice %arg2[%multiple_of3A_141] : memref<328000xi32, #tpu.memory_space<hbm>> -> memref<80xi32, #tpu.memory_space<hbm>>
    tpu.enqueue_dma source(%dma_start3A_143 : memref<80xi32, #tpu.memory_space<hbm>>) target(%arg6 : memref<80xi32, #tpu.memory_space<vmem>>) target_semaphore(%arg12 : memref<!tpu.dma_semaphore, #tpu.memory_space<semaphore_mem>>)
    %dma_start3A_144 = arith.constant 0 : i32
    %dma_start3A_145 = arith.constant 0 : i32
    %dma_start3A_146 = tpu.memref_slice %arg8[%dma_start3A_144, %dma_start3A_145] : memref<64x80xi32, #tpu.memory_space<vmem>> -> memref<1x80xi32, #tpu.memory_space<vmem>>
    %dma_start3A_147 = tpu.memref_squeeze %dma_start3A_146 : memref<1x80xi32, #tpu.memory_space<vmem>> -> memref<80xi32, #tpu.memory_space<vmem>>
    %dma_start3A_148 = arith.constant 0 : i32
    %dma_start3A_149 = arith.constant 0 : i32
    %dma_start3A_150 = tpu.memref_slice %arg11[%dma_start3A_148, %dma_start3A_149] : memref<10008x128xf32, #tpu.memory_space<vmem_shared>> -> memref<10008x128xf32, #tpu.memory_space<vmem_shared>>
    tpu.enqueue_indirect_dma source(%arg9 : memref<80x128xf32, #tpu.memory_space<vmem>>) target(%dma_start3A_150 : memref<10008x128xf32, #tpu.memory_space<vmem_shared>>) offsets(%dma_start3A_147 : memref<80xi32, #tpu.memory_space<vmem>>) semaphore(%arg16 : memref<!tpu.dma_semaphore, #tpu.memory_space<semaphore_mem>>) {add = true}
    %scan3A_151 = arith.constant 0 : i32
    %scan3A_152 = arith.constant 1 : i32
    %scan3A_153 = arith.constant 31 : i32
    %scan3A_154 = arith.addi %scan3A_152, %scan3A_153 : i32
    %scan3A_155 = arith.constant 1 : i32
    %scan3A_156 = scf.for %scan3A_188 = %scan3A_152 to %scan3A_154 step %scan3A_155 iter_args(%scan3A_189 = %scan3A_151) -> (i32)  : i32 {
      %mul3A_190 = arith.constant 2 : i32
      %mul3A_191 = arith.muli %scan3A_188, %mul3A_190 : i32
      %add3A_192 = arith.constant 0 : i32
      %add3A_193 = arith.addi %mul3A_191, %add3A_192 : i32
      %dma_wait3A_194 = arith.constant 0 : i32
      %dma_wait3A_195 = arith.constant 0 : i32
      %dma_wait3A_196 = tpu.memref_slice %arg8[%dma_wait3A_194, %dma_wait3A_195] : memref<64x80xi32, #tpu.memory_space<vmem>> -> memref<1x80xi32, #tpu.memory_space<vmem>>
      %dma_wait3A_197 = tpu.memref_squeeze %dma_wait3A_196 : memref<1x80xi32, #tpu.memory_space<vmem>> -> memref<80xi32, #tpu.memory_space<vmem>>
      %dma_wait3A_198 = arith.constant 0 : i32
      %dma_wait3A_199 = arith.constant 0 : i32
      %dma_wait3A_200 = tpu.memref_slice %arg11[%dma_wait3A_198, %dma_wait3A_199] : memref<10008x128xf32, #tpu.memory_space<vmem_shared>> -> memref<10008x128xf32, #tpu.memory_space<vmem_shared>>
      tpu.wait_indirect_dma semaphore(%arg16 : memref<!tpu.dma_semaphore, #tpu.memory_space<semaphore_mem>>) src(%arg9 : memref<80x128xf32, #tpu.memory_space<vmem>>) dst(%dma_wait3A_200 : memref<10008x128xf32, #tpu.memory_space<vmem_shared>>)
      %dma_wait3A_201 = arith.constant 0 : i32
      %dma_wait3A_202 = tpu.memref_slice %arg2[%dma_wait3A_201] : memref<328000xi32, #tpu.memory_space<hbm>> -> memref<80xi32, #tpu.memory_space<hbm>>
      %dma_wait3A_203 = arith.constant 0 : i32
      %dma_wait3A_204 = tpu.memref_slice %arg2[%dma_wait3A_203] : memref<328000xi32, #tpu.memory_space<hbm>> -> memref<80xi32, #tpu.memory_space<hbm>>
      tpu.wait_dma2 semaphore(%arg12 : memref<!tpu.dma_semaphore, #tpu.memory_space<semaphore_mem>>) src(%dma_wait3A_204 : memref<80xi32, #tpu.memory_space<hbm>>) dst(%arg6 : memref<80xi32, #tpu.memory_space<vmem>>)
      %add3A_205 = arith.constant 64 : i32
      %add3A_206 = arith.addi %add3A_205, %add3A_193 : i32
      %dma_start3A_207 = arith.constant 0 : i32
      %dma_start3A_208 = arith.constant 0 : i32
      %dma_start3A_209 = tpu.memref_slice %arg4[%dma_start3A_207, %dma_start3A_208] : memref<10000x128xf32, #tpu.memory_space<hbm>> -> memref<10000x128xf32, #tpu.memory_space<hbm>>
      tpu.enqueue_indirect_dma source(%dma_start3A_209 : memref<10000x128xf32, #tpu.memory_space<hbm>>) target(%arg9 : memref<80x128xf32, #tpu.memory_space<vmem>>) offsets(%arg6 : memref<80xi32, #tpu.memory_space<vmem>>) semaphore(%arg14 : memref<!tpu.dma_semaphore, #tpu.memory_space<semaphore_mem>>)
      %dma_wait3A_210 = arith.constant 0 : i32
      %dma_wait3A_211 = arith.constant 0 : i32
      %dma_wait3A_212 = tpu.memref_slice %arg4[%dma_wait3A_210, %dma_wait3A_211] : memref<10000x128xf32, #tpu.memory_space<hbm>> -> memref<10000x128xf32, #tpu.memory_space<hbm>>
      tpu.wait_indirect_dma semaphore(%arg15 : memref<!tpu.dma_semaphore, #tpu.memory_space<semaphore_mem>>) src(%dma_wait3A_212 : memref<10000x128xf32, #tpu.memory_space<hbm>>) dst(%arg10 : memref<80x128xf32, #tpu.memory_space<vmem>>)
      %add3A_213 = arith.constant 64 : i32
      %add3A_214 = arith.addi %add3A_213, %add3A_193 : i32
      %add3A_215 = arith.constant 1 : i32
      %add3A_216 = arith.addi %add3A_214, %add3A_215 : i32
      %lt3A_217 = arith.constant 128 : i32
      %lt3A_218 = arith.cmpi slt, %add3A_216, %lt3A_217 : i32
      %convert_element_type3A_219 = arith.extui %lt3A_218 : i1 to i32
      %cond3A_220 = arith.constant 0 : i32
      %cond3A_221 = arith.cmpi ne, %convert_element_type3A_219, %cond3A_220 : i32
      scf.if %cond3A_221 {
        %add3A_270 = arith.constant 64 : i32
        %add3A_271 = arith.addi %add3A_270, %add3A_193 : i32
        %add3A_272 = arith.constant 1 : i32
        %add3A_273 = arith.addi %add3A_271, %add3A_272 : i32
        %mul3A_274 = arith.constant 80 : i32
        %mul3A_275 = arith.muli %add3A_273, %mul3A_274 : i32
        %add3A_276 = arith.addi %mul3A_2, %mul3A_275 : i32
        %multiple_of3A_277 = tpu.assume_multiple %add3A_276, 8 : i32
        %dma_start3A_278 = tpu.memref_slice %arg2[%multiple_of3A_277] : memref<328000xi32, #tpu.memory_space<hbm>> -> memref<80xi32, #tpu.memory_space<hbm>>
        %dma_start3A_279 = tpu.memref_slice %arg2[%multiple_of3A_277] : memref<328000xi32, #tpu.memory_space<hbm>> -> memref<80xi32, #tpu.memory_space<hbm>>
        tpu.enqueue_dma source(%dma_start3A_279 : memref<80xi32, #tpu.memory_space<hbm>>) target(%arg7 : memref<80xi32, #tpu.memory_space<vmem>>) target_semaphore(%arg13 : memref<!tpu.dma_semaphore, #tpu.memory_space<semaphore_mem>>)
      } else {
      }
      %sub3A = arith.constant 1 : i32
      %sub3A_222 = arith.subi %add3A_193, %sub3A : i32
      %dma_start3A_223 = arith.constant 0 : i32
      %dma_start3A_224 = tpu.memref_slice %arg8[%sub3A_222, %dma_start3A_223] : memref<64x80xi32, #tpu.memory_space<vmem>> -> memref<1x80xi32, #tpu.memory_space<vmem>>
      %dma_start3A_225 = tpu.memref_squeeze %dma_start3A_224 : memref<1x80xi32, #tpu.memory_space<vmem>> -> memref<80xi32, #tpu.memory_space<vmem>>
      %dma_start3A_226 = arith.constant 0 : i32
      %dma_start3A_227 = arith.constant 0 : i32
      %dma_start3A_228 = tpu.memref_slice %arg11[%dma_start3A_226, %dma_start3A_227] : memref<10008x128xf32, #tpu.memory_space<vmem_shared>> -> memref<10008x128xf32, #tpu.memory_space<vmem_shared>>
      tpu.enqueue_indirect_dma source(%arg10 : memref<80x128xf32, #tpu.memory_space<vmem>>) target(%dma_start3A_228 : memref<10008x128xf32, #tpu.memory_space<vmem_shared>>) offsets(%dma_start3A_225 : memref<80xi32, #tpu.memory_space<vmem>>) semaphore(%arg17 : memref<!tpu.dma_semaphore, #tpu.memory_space<semaphore_mem>>) {add = true}
      %mul3A_229 = arith.constant 2 : i32
      %mul3A_230 = arith.muli %scan3A_188, %mul3A_229 : i32
      %add3A_231 = arith.constant 1 : i32
      %add3A_232 = arith.addi %mul3A_230, %add3A_231 : i32
      %dma_wait3A_233 = arith.constant 0 : i32
      %dma_wait3A_234 = arith.constant 0 : i32
      %dma_wait3A_235 = tpu.memref_slice %arg8[%dma_wait3A_233, %dma_wait3A_234] : memref<64x80xi32, #tpu.memory_space<vmem>> -> memref<1x80xi32, #tpu.memory_space<vmem>>
      %dma_wait3A_236 = tpu.memref_squeeze %dma_wait3A_235 : memref<1x80xi32, #tpu.memory_space<vmem>> -> memref<80xi32, #tpu.memory_space<vmem>>
      %dma_wait3A_237 = arith.constant 0 : i32
      %dma_wait3A_238 = arith.constant 0 : i32
      %dma_wait3A_239 = tpu.memref_slice %arg11[%dma_wait3A_237, %dma_wait3A_238] : memref<10008x128xf32, #tpu.memory_space<vmem_shared>> -> memref<10008x128xf32, #tpu.memory_space<vmem_shared>>
      tpu.wait_indirect_dma semaphore(%arg17 : memref<!tpu.dma_semaphore, #tpu.memory_space<semaphore_mem>>) src(%arg10 : memref<80x128xf32, #tpu.memory_space<vmem>>) dst(%dma_wait3A_239 : memref<10008x128xf32, #tpu.memory_space<vmem_shared>>)
      %dma_wait3A_240 = arith.constant 0 : i32
      %dma_wait3A_241 = tpu.memref_slice %arg2[%dma_wait3A_240] : memref<328000xi32, #tpu.memory_space<hbm>> -> memref<80xi32, #tpu.memory_space<hbm>>
      %dma_wait3A_242 = arith.constant 0 : i32
      %dma_wait3A_243 = tpu.memref_slice %arg2[%dma_wait3A_242] : memref<328000xi32, #tpu.memory_space<hbm>> -> memref<80xi32, #tpu.memory_space<hbm>>
      tpu.wait_dma2 semaphore(%arg13 : memref<!tpu.dma_semaphore, #tpu.memory_space<semaphore_mem>>) src(%dma_wait3A_243 : memref<80xi32, #tpu.memory_space<hbm>>) dst(%arg7 : memref<80xi32, #tpu.memory_space<vmem>>)
      %add3A_244 = arith.constant 64 : i32
      %add3A_245 = arith.addi %add3A_244, %add3A_232 : i32
      %dma_start3A_246 = arith.constant 0 : i32
      %dma_start3A_247 = arith.constant 0 : i32
      %dma_start3A_248 = tpu.memref_slice %arg4[%dma_start3A_246, %dma_start3A_247] : memref<10000x128xf32, #tpu.memory_space<hbm>> -> memref<10000x128xf32, #tpu.memory_space<hbm>>
      tpu.enqueue_indirect_dma source(%dma_start3A_248 : memref<10000x128xf32, #tpu.memory_space<hbm>>) target(%arg10 : memref<80x128xf32, #tpu.memory_space<vmem>>) offsets(%arg7 : memref<80xi32, #tpu.memory_space<vmem>>) semaphore(%arg15 : memref<!tpu.dma_semaphore, #tpu.memory_space<semaphore_mem>>)
      %dma_wait3A_249 = arith.constant 0 : i32
      %dma_wait3A_250 = arith.constant 0 : i32
      %dma_wait3A_251 = tpu.memref_slice %arg4[%dma_wait3A_249, %dma_wait3A_250] : memref<10000x128xf32, #tpu.memory_space<hbm>> -> memref<10000x128xf32, #tpu.memory_space<hbm>>
      tpu.wait_indirect_dma semaphore(%arg14 : memref<!tpu.dma_semaphore, #tpu.memory_space<semaphore_mem>>) src(%dma_wait3A_251 : memref<10000x128xf32, #tpu.memory_space<hbm>>) dst(%arg9 : memref<80x128xf32, #tpu.memory_space<vmem>>)
      %add3A_252 = arith.constant 64 : i32
      %add3A_253 = arith.addi %add3A_252, %add3A_232 : i32
      %add3A_254 = arith.constant 1 : i32
      %add3A_255 = arith.addi %add3A_253, %add3A_254 : i32
      %lt3A_256 = arith.constant 128 : i32
      %lt3A_257 = arith.cmpi slt, %add3A_255, %lt3A_256 : i32
      %convert_element_type3A_258 = arith.extui %lt3A_257 : i1 to i32
      %cond3A_259 = arith.constant 0 : i32
      %cond3A_260 = arith.cmpi ne, %convert_element_type3A_258, %cond3A_259 : i32
      scf.if %cond3A_260 {
        %add3A_270 = arith.constant 64 : i32
        %add3A_271 = arith.addi %add3A_270, %add3A_232 : i32
        %add3A_272 = arith.constant 1 : i32
        %add3A_273 = arith.addi %add3A_271, %add3A_272 : i32
        %mul3A_274 = arith.constant 80 : i32
        %mul3A_275 = arith.muli %add3A_273, %mul3A_274 : i32
        %add3A_276 = arith.addi %mul3A_2, %mul3A_275 : i32
        %multiple_of3A_277 = tpu.assume_multiple %add3A_276, 8 : i32
        %dma_start3A_278 = tpu.memref_slice %arg2[%multiple_of3A_277] : memref<328000xi32, #tpu.memory_space<hbm>> -> memref<80xi32, #tpu.memory_space<hbm>>
        %dma_start3A_279 = tpu.memref_slice %arg2[%multiple_of3A_277] : memref<328000xi32, #tpu.memory_space<hbm>> -> memref<80xi32, #tpu.memory_space<hbm>>
        tpu.enqueue_dma source(%dma_start3A_279 : memref<80xi32, #tpu.memory_space<hbm>>) target(%arg6 : memref<80xi32, #tpu.memory_space<vmem>>) target_semaphore(%arg12 : memref<!tpu.dma_semaphore, #tpu.memory_space<semaphore_mem>>)
      } else {
      }
      %sub3A_261 = arith.constant 1 : i32
      %sub3A_262 = arith.subi %add3A_232, %sub3A_261 : i32
      %dma_start3A_263 = arith.constant 0 : i32
      %dma_start3A_264 = tpu.memref_slice %arg8[%sub3A_262, %dma_start3A_263] : memref<64x80xi32, #tpu.memory_space<vmem>> -> memref<1x80xi32, #tpu.memory_space<vmem>>
      %dma_start3A_265 = tpu.memref_squeeze %dma_start3A_264 : memref<1x80xi32, #tpu.memory_space<vmem>> -> memref<80xi32, #tpu.memory_space<vmem>>
      %dma_start3A_266 = arith.constant 0 : i32
      %dma_start3A_267 = arith.constant 0 : i32
      %dma_start3A_268 = tpu.memref_slice %arg11[%dma_start3A_266, %dma_start3A_267] : memref<10008x128xf32, #tpu.memory_space<vmem_shared>> -> memref<10008x128xf32, #tpu.memory_space<vmem_shared>>
      tpu.enqueue_indirect_dma source(%arg9 : memref<80x128xf32, #tpu.memory_space<vmem>>) target(%dma_start3A_268 : memref<10008x128xf32, #tpu.memory_space<vmem_shared>>) offsets(%dma_start3A_265 : memref<80xi32, #tpu.memory_space<vmem>>) semaphore(%arg16 : memref<!tpu.dma_semaphore, #tpu.memory_space<semaphore_mem>>) {add = true}
      %scan3A_269 = arith.constant 0 : i32
      scf.yield %scan3A_269 : i32
    }
    %scan3A_157 = arith.constant 31 : i32
    %dma_wait3A_158 = arith.constant 0 : i32
    %dma_wait3A_159 = arith.constant 0 : i32
    %dma_wait3A_160 = tpu.memref_slice %arg4[%dma_wait3A_158, %dma_wait3A_159] : memref<10000x128xf32, #tpu.memory_space<hbm>> -> memref<10000x128xf32, #tpu.memory_space<hbm>>
    tpu.wait_indirect_dma semaphore(%arg15 : memref<!tpu.dma_semaphore, #tpu.memory_space<semaphore_mem>>) src(%dma_wait3A_160 : memref<10000x128xf32, #tpu.memory_space<hbm>>) dst(%arg10 : memref<80x128xf32, #tpu.memory_space<vmem>>)
    %dma_start3A_161 = arith.constant 63 : i32
    %dma_start3A_162 = arith.constant 0 : i32
    %dma_start3A_163 = tpu.memref_slice %arg8[%dma_start3A_161, %dma_start3A_162] : memref<64x80xi32, #tpu.memory_space<vmem>> -> memref<1x80xi32, #tpu.memory_space<vmem>>
    %dma_start3A_164 = tpu.memref_squeeze %dma_start3A_163 : memref<1x80xi32, #tpu.memory_space<vmem>> -> memref<80xi32, #tpu.memory_space<vmem>>
    %dma_start3A_165 = arith.constant 0 : i32
    %dma_start3A_166 = arith.constant 0 : i32
    %dma_start3A_167 = tpu.memref_slice %arg11[%dma_start3A_165, %dma_start3A_166] : memref<10008x128xf32, #tpu.memory_space<vmem_shared>> -> memref<10008x128xf32, #tpu.memory_space<vmem_shared>>
    tpu.enqueue_indirect_dma source(%arg10 : memref<80x128xf32, #tpu.memory_space<vmem>>) target(%dma_start3A_167 : memref<10008x128xf32, #tpu.memory_space<vmem_shared>>) offsets(%dma_start3A_164 : memref<80xi32, #tpu.memory_space<vmem>>) semaphore(%arg17 : memref<!tpu.dma_semaphore, #tpu.memory_space<semaphore_mem>>) {add = true}
    %dma_wait3A_168 = arith.constant 0 : i32
    %dma_wait3A_169 = arith.constant 0 : i32
    %dma_wait3A_170 = tpu.memref_slice %arg8[%dma_wait3A_168, %dma_wait3A_169] : memref<64x80xi32, #tpu.memory_space<vmem>> -> memref<1x80xi32, #tpu.memory_space<vmem>>
    %dma_wait3A_171 = tpu.memref_squeeze %dma_wait3A_170 : memref<1x80xi32, #tpu.memory_space<vmem>> -> memref<80xi32, #tpu.memory_space<vmem>>
    %dma_wait3A_172 = arith.constant 0 : i32
    %dma_wait3A_173 = arith.constant 0 : i32
    %dma_wait3A_174 = tpu.memref_slice %arg11[%dma_wait3A_172, %dma_wait3A_173] : memref<10008x128xf32, #tpu.memory_space<vmem_shared>> -> memref<10008x128xf32, #tpu.memory_space<vmem_shared>>
    tpu.wait_indirect_dma semaphore(%arg16 : memref<!tpu.dma_semaphore, #tpu.memory_space<semaphore_mem>>) src(%arg9 : memref<80x128xf32, #tpu.memory_space<vmem>>) dst(%dma_wait3A_174 : memref<10008x128xf32, #tpu.memory_space<vmem_shared>>)
    %dma_wait3A_175 = arith.constant 0 : i32
    %dma_wait3A_176 = arith.constant 0 : i32
    %dma_wait3A_177 = tpu.memref_slice %arg8[%dma_wait3A_175, %dma_wait3A_176] : memref<64x80xi32, #tpu.memory_space<vmem>> -> memref<1x80xi32, #tpu.memory_space<vmem>>
    %dma_wait3A_178 = tpu.memref_squeeze %dma_wait3A_177 : memref<1x80xi32, #tpu.memory_space<vmem>> -> memref<80xi32, #tpu.memory_space<vmem>>
    %dma_wait3A_179 = arith.constant 0 : i32
    %dma_wait3A_180 = arith.constant 0 : i32
    %dma_wait3A_181 = tpu.memref_slice %arg11[%dma_wait3A_179, %dma_wait3A_180] : memref<10008x128xf32, #tpu.memory_space<vmem_shared>> -> memref<10008x128xf32, #tpu.memory_space<vmem_shared>>
    tpu.wait_indirect_dma semaphore(%arg17 : memref<!tpu.dma_semaphore, #tpu.memory_space<semaphore_mem>>) src(%arg10 : memref<80x128xf32, #tpu.memory_space<vmem>>) dst(%dma_wait3A_181 : memref<10008x128xf32, #tpu.memory_space<vmem_shared>>)
    %barrier3A_182 = arith.constant 0 : index
    tpu.barrier barrier_id(%barrier3A_182)
    %lt3A_183 = arith.constant 10 : i32
    %lt3A_184 = arith.cmpi slt, %arg1, %lt3A_183 : i32
    %convert_element_type3A_185 = arith.extui %lt3A_184 : i1 to i32
    %cond3A_186 = arith.constant 0 : i32
    %cond3A_187 = arith.cmpi ne, %convert_element_type3A_185, %cond3A_186 : i32
    scf.if %cond3A_187 {
      %mul3A_188 = arith.constant 1000 : i32
      %mul3A_189 = arith.muli %arg1, %mul3A_188 : i32
      %add3A_190 = arith.constant 0 : i32
      %add3A_191 = arith.addi %mul3A_189, %add3A_190 : i32
      %dma_start3A_192 = arith.constant 0 : i32
      %dma_start3A_193 = tpu.memref_slice %arg5[%arg0, %add3A_191, %dma_start3A_192] : memref<2x10000x128xf32, #tpu.memory_space<hbm>> -> memref<1x200x128xf32, #tpu.memory_space<hbm>>
      %dma_start3A_194 = tpu.memref_squeeze %dma_start3A_193 : memref<1x200x128xf32, #tpu.memory_space<hbm>> -> memref<200x128xf32, #tpu.memory_space<hbm>>
      %dma_start3A_195 = arith.constant 0 : i32
      %dma_start3A_196 = tpu.memref_slice %arg11[%add3A_191, %dma_start3A_195] : memref<10008x128xf32, #tpu.memory_space<vmem_shared>> -> memref<200x128xf32, #tpu.memory_space<vmem_shared>>
      tpu.enqueue_dma source(%dma_start3A_196 : memref<200x128xf32, #tpu.memory_space<vmem_shared>>) target(%dma_start3A_194 : memref<200x128xf32, #tpu.memory_space<hbm>>) target_semaphore(%arg17 : memref<!tpu.dma_semaphore, #tpu.memory_space<semaphore_mem>>)
      %mul3A_197 = arith.constant 1000 : i32
      %mul3A_198 = arith.muli %arg1, %mul3A_197 : i32
      %add3A_199 = arith.constant 200 : i32
      %add3A_200 = arith.addi %mul3A_198, %add3A_199 : i32
      %dma_start3A_201 = arith.constant 0 : i32
      %dma_start3A_202 = tpu.memref_slice %arg5[%arg0, %add3A_200, %dma_start3A_201] : memref<2x10000x128xf32, #tpu.memory_space<hbm>> -> memref<1x200x128xf32, #tpu.memory_space<hbm>>
      %dma_start3A_203 = tpu.memref_squeeze %dma_start3A_202 : memref<1x200x128xf32, #tpu.memory_space<hbm>> -> memref<200x128xf32, #tpu.memory_space<hbm>>
      %dma_start3A_204 = arith.constant 0 : i32
      %dma_start3A_205 = tpu.memref_slice %arg11[%add3A_200, %dma_start3A_204] : memref<10008x128xf32, #tpu.memory_space<vmem_shared>> -> memref<200x128xf32, #tpu.memory_space<vmem_shared>>
      tpu.enqueue_dma source(%dma_start3A_205 : memref<200x128xf32, #tpu.memory_space<vmem_shared>>) target(%dma_start3A_203 : memref<200x128xf32, #tpu.memory_space<hbm>>) target_semaphore(%arg17 : memref<!tpu.dma_semaphore, #tpu.memory_space<semaphore_mem>>)
      %mul3A_206 = arith.constant 1000 : i32
      %mul3A_207 = arith.muli %arg1, %mul3A_206 : i32
      %add3A_208 = arith.constant 400 : i32
      %add3A_209 = arith.addi %mul3A_207, %add3A_208 : i32
      %dma_start3A_210 = arith.constant 0 : i32
      %dma_start3A_211 = tpu.memref_slice %arg5[%arg0, %add3A_209, %dma_start3A_210] : memref<2x10000x128xf32, #tpu.memory_space<hbm>> -> memref<1x200x128xf32, #tpu.memory_space<hbm>>
      %dma_start3A_212 = tpu.memref_squeeze %dma_start3A_211 : memref<1x200x128xf32, #tpu.memory_space<hbm>> -> memref<200x128xf32, #tpu.memory_space<hbm>>
      %dma_start3A_213 = arith.constant 0 : i32
      %dma_start3A_214 = tpu.memref_slice %arg11[%add3A_209, %dma_start3A_213] : memref<10008x128xf32, #tpu.memory_space<vmem_shared>> -> memref<200x128xf32, #tpu.memory_space<vmem_shared>>
      tpu.enqueue_dma source(%dma_start3A_214 : memref<200x128xf32, #tpu.memory_space<vmem_shared>>) target(%dma_start3A_212 : memref<200x128xf32, #tpu.memory_space<hbm>>) target_semaphore(%arg17 : memref<!tpu.dma_semaphore, #tpu.memory_space<semaphore_mem>>)
      %mul3A_215 = arith.constant 1000 : i32
      %mul3A_216 = arith.muli %arg1, %mul3A_215 : i32
      %add3A_217 = arith.constant 600 : i32
      %add3A_218 = arith.addi %mul3A_216, %add3A_217 : i32
      %dma_start3A_219 = arith.constant 0 : i32
      %dma_start3A_220 = tpu.memref_slice %arg5[%arg0, %add3A_218, %dma_start3A_219] : memref<2x10000x128xf32, #tpu.memory_space<hbm>> -> memref<1x200x128xf32, #tpu.memory_space<hbm>>
      %dma_start3A_221 = tpu.memref_squeeze %dma_start3A_220 : memref<1x200x128xf32, #tpu.memory_space<hbm>> -> memref<200x128xf32, #tpu.memory_space<hbm>>
      %dma_start3A_222 = arith.constant 0 : i32
      %dma_start3A_223 = tpu.memref_slice %arg11[%add3A_218, %dma_start3A_222] : memref<10008x128xf32, #tpu.memory_space<vmem_shared>> -> memref<200x128xf32, #tpu.memory_space<vmem_shared>>
      tpu.enqueue_dma source(%dma_start3A_223 : memref<200x128xf32, #tpu.memory_space<vmem_shared>>) target(%dma_start3A_221 : memref<200x128xf32, #tpu.memory_space<hbm>>) target_semaphore(%arg17 : memref<!tpu.dma_semaphore, #tpu.memory_space<semaphore_mem>>)
      %mul3A_224 = arith.constant 1000 : i32
      %mul3A_225 = arith.muli %arg1, %mul3A_224 : i32
      %add3A_226 = arith.constant 800 : i32
      %add3A_227 = arith.addi %mul3A_225, %add3A_226 : i32
      %dma_start3A_228 = arith.constant 0 : i32
      %dma_start3A_229 = tpu.memref_slice %arg5[%arg0, %add3A_227, %dma_start3A_228] : memref<2x10000x128xf32, #tpu.memory_space<hbm>> -> memref<1x200x128xf32, #tpu.memory_space<hbm>>
      %dma_start3A_230 = tpu.memref_squeeze %dma_start3A_229 : memref<1x200x128xf32, #tpu.memory_space<hbm>> -> memref<200x128xf32, #tpu.memory_space<hbm>>
      %dma_start3A_231 = arith.constant 0 : i32
      %dma_start3A_232 = tpu.memref_slice %arg11[%add3A_227, %dma_start3A_231] : memref<10008x128xf32, #tpu.memory_space<vmem_shared>> -> memref<200x128xf32, #tpu.memory_space<vmem_shared>>
      tpu.enqueue_dma source(%dma_start3A_232 : memref<200x128xf32, #tpu.memory_space<vmem_shared>>) target(%dma_start3A_230 : memref<200x128xf32, #tpu.memory_space<hbm>>) target_semaphore(%arg17 : memref<!tpu.dma_semaphore, #tpu.memory_space<semaphore_mem>>)
      %dma_wait3A_233 = arith.constant 0 : i32
      %dma_wait3A_234 = tpu.memref_slice %arg5[%arg0, %add3A_191, %dma_wait3A_233] : memref<2x10000x128xf32, #tpu.memory_space<hbm>> -> memref<1x200x128xf32, #tpu.memory_space<hbm>>
      %dma_wait3A_235 = tpu.memref_squeeze %dma_wait3A_234 : memref<1x200x128xf32, #tpu.memory_space<hbm>> -> memref<200x128xf32, #tpu.memory_space<hbm>>
      %dma_wait3A_236 = arith.constant 0 : i32
      %dma_wait3A_237 = tpu.memref_slice %arg11[%add3A_191, %dma_wait3A_236] : memref<10008x128xf32, #tpu.memory_space<vmem_shared>> -> memref<200x128xf32, #tpu.memory_space<vmem_shared>>
      tpu.wait_dma2 semaphore(%arg17 : memref<!tpu.dma_semaphore, #tpu.memory_space<semaphore_mem>>) src(%dma_wait3A_237 : memref<200x128xf32, #tpu.memory_space<vmem_shared>>) dst(%dma_wait3A_235 : memref<200x128xf32, #tpu.memory_space<hbm>>)
      %dma_wait3A_238 = arith.constant 0 : i32
      %dma_wait3A_239 = tpu.memref_slice %arg5[%arg0, %add3A_200, %dma_wait3A_238] : memref<2x10000x128xf32, #tpu.memory_space<hbm>> -> memref<1x200x128xf32, #tpu.memory_space<hbm>>
      %dma_wait3A_240 = tpu.memref_squeeze %dma_wait3A_239 : memref<1x200x128xf32, #tpu.memory_space<hbm>> -> memref<200x128xf32, #tpu.memory_space<hbm>>
      %dma_wait3A_241 = arith.constant 0 : i32
      %dma_wait3A_242 = tpu.memref_slice %arg11[%add3A_200, %dma_wait3A_241] : memref<10008x128xf32, #tpu.memory_space<vmem_shared>> -> memref<200x128xf32, #tpu.memory_space<vmem_shared>>
      tpu.wait_dma2 semaphore(%arg17 : memref<!tpu.dma_semaphore, #tpu.memory_space<semaphore_mem>>) src(%dma_wait3A_242 : memref<200x128xf32, #tpu.memory_space<vmem_shared>>) dst(%dma_wait3A_240 : memref<200x128xf32, #tpu.memory_space<hbm>>)
      %dma_wait3A_243 = arith.constant 0 : i32
      %dma_wait3A_244 = tpu.memref_slice %arg5[%arg0, %add3A_209, %dma_wait3A_243] : memref<2x10000x128xf32, #tpu.memory_space<hbm>> -> memref<1x200x128xf32, #tpu.memory_space<hbm>>
      %dma_wait3A_245 = tpu.memref_squeeze %dma_wait3A_244 : memref<1x200x128xf32, #tpu.memory_space<hbm>> -> memref<200x128xf32, #tpu.memory_space<hbm>>
      %dma_wait3A_246 = arith.constant 0 : i32
      %dma_wait3A_247 = tpu.memref_slice %arg11[%add3A_209, %dma_wait3A_246] : memref<10008x128xf32, #tpu.memory_space<vmem_shared>> -> memref<200x128xf32, #tpu.memory_space<vmem_shared>>
      tpu.wait_dma2 semaphore(%arg17 : memref<!tpu.dma_semaphore, #tpu.memory_space<semaphore_mem>>) src(%dma_wait3A_247 : memref<200x128xf32, #tpu.memory_space<vmem_shared>>) dst(%dma_wait3A_245 : memref<200x128xf32, #tpu.memory_space<hbm>>)
      %dma_wait3A_248 = arith.constant 0 : i32
      %dma_wait3A_249 = tpu.memref_slice %arg5[%arg0, %add3A_218, %dma_wait3A_248] : memref<2x10000x128xf32, #tpu.memory_space<hbm>> -> memref<1x200x128xf32, #tpu.memory_space<hbm>>
      %dma_wait3A_250 = tpu.memref_squeeze %dma_wait3A_249 : memref<1x200x128xf32, #tpu.memory_space<hbm>> -> memref<200x128xf32, #tpu.memory_space<hbm>>
      %dma_wait3A_251 = arith.constant 0 : i32
      %dma_wait3A_252 = tpu.memref_slice %arg11[%add3A_218, %dma_wait3A_251] : memref<10008x128xf32, #tpu.memory_space<vmem_shared>> -> memref<200x128xf32, #tpu.memory_space<vmem_shared>>
      tpu.wait_dma2 semaphore(%arg17 : memref<!tpu.dma_semaphore, #tpu.memory_space<semaphore_mem>>) src(%dma_wait3A_252 : memref<200x128xf32, #tpu.memory_space<vmem_shared>>) dst(%dma_wait3A_250 : memref<200x128xf32, #tpu.memory_space<hbm>>)
      %dma_wait3A_253 = arith.constant 0 : i32
      %dma_wait3A_254 = tpu.memref_slice %arg5[%arg0, %add3A_227, %dma_wait3A_253] : memref<2x10000x128xf32, #tpu.memory_space<hbm>> -> memref<1x200x128xf32, #tpu.memory_space<hbm>>
      %dma_wait3A_255 = tpu.memref_squeeze %dma_wait3A_254 : memref<1x200x128xf32, #tpu.memory_space<hbm>> -> memref<200x128xf32, #tpu.memory_space<hbm>>
      %dma_wait3A_256 = arith.constant 0 : i32
      %dma_wait3A_257 = tpu.memref_slice %arg11[%add3A_227, %dma_wait3A_256] : memref<10008x128xf32, #tpu.memory_space<vmem_shared>> -> memref<200x128xf32, #tpu.memory_space<vmem_shared>>
      tpu.wait_dma2 semaphore(%arg17 : memref<!tpu.dma_semaphore, #tpu.memory_space<semaphore_mem>>) src(%dma_wait3A_257 : memref<200x128xf32, #tpu.memory_space<vmem_shared>>) dst(%dma_wait3A_255 : memref<200x128xf32, #tpu.memory_space<hbm>>)
    } else {
    }
    return
  }
}

#map = affine_map<(d0, d1) -> (0)>
#map1 = affine_map<(d0, d1) -> (0, 0, 0)>
#map2 = affine_map<(d0, d1) -> (0, 0)>
module attributes {stable_mosaic.version = 14 : i64} {
  func.func @sc_sage_agg(%arg0: i32, %arg1: i32, %arg2: memref<328000xi32, #tpu.memory_space<hbm>>, %arg3: memref<32x128x80xi32, #tpu.memory_space<hbm>>, %arg4: memref<10000x128xf32, #tpu.memory_space<hbm>>, %arg5: memref<2x10000x128xf32, #tpu.memory_space<hbm>>, %arg6: memref<80xi32, #tpu.memory_space<vmem>>, %arg7: memref<80xi32, #tpu.memory_space<vmem>>, %arg8: memref<64x80xi32, #tpu.memory_space<vmem>>, %arg9: memref<80x128xf32, #tpu.memory_space<vmem>>, %arg10: memref<80x128xf32, #tpu.memory_space<vmem>>, %arg11: memref<10008x128xf32, #tpu.memory_space<vmem_shared>>, %arg12: memref<!tpu.dma_semaphore, #tpu.memory_space<semaphore_mem>>, %arg13: memref<!tpu.dma_semaphore, #tpu.memory_space<semaphore_mem>>, %arg14: memref<!tpu.dma_semaphore, #tpu.memory_space<semaphore_mem>>, %arg15: memref<!tpu.dma_semaphore, #tpu.memory_space<semaphore_mem>>, %arg16: memref<!tpu.dma_semaphore, #tpu.memory_space<semaphore_mem>>, %arg17: memref<!tpu.dma_semaphore, #tpu.memory_space<semaphore_mem>>, %arg18: memref<!tpu.dma_semaphore, #tpu.memory_space<semaphore_mem>>) attributes {dimension_semantics = [#tpu.dimension_semantics<core_parallel>, #tpu.dimension_semantics<subcore_parallel>], iteration_bounds = array<i64: 2, 16>, scalar_prefetch = 0 : i64, scratch_operands = 13 : i64, tpu.core_type = #tpu.core_type<sc_vector_subcore>, window_params = [{transform_indices = #map}, {transform_indices = #map1}, {transform_indices = #map2}, {transform_indices = #map1}]} {
    %mul3A = arith.constant 2 : i32
    %mul3A_0 = arith.muli %arg1, %mul3A : i32
    %add3A = arith.addi %mul3A_0, %arg0 : i32
    %mul3A_1 = arith.constant 10240 : i32
    %mul3A_2 = arith.muli %add3A, %mul3A_1 : i32
    %dma_start3A = arith.constant 0 : i32
    %dma_start3A_3 = arith.constant 0 : i32
    %dma_start3A_4 = tpu.memref_slice %arg3[%add3A, %dma_start3A, %dma_start3A_3] : memref<32x128x80xi32, #tpu.memory_space<hbm>> -> memref<1x64x80xi32, #tpu.memory_space<hbm>>
    %dma_start3A_5 = tpu.memref_squeeze %dma_start3A_4 : memref<1x64x80xi32, #tpu.memory_space<hbm>> -> memref<64x80xi32, #tpu.memory_space<hbm>>
    %dma_start3A_6 = arith.constant 0 : i32
    %dma_start3A_7 = arith.constant 0 : i32
    %dma_start3A_8 = tpu.memref_slice %arg3[%add3A, %dma_start3A_6, %dma_start3A_7] : memref<32x128x80xi32, #tpu.memory_space<hbm>> -> memref<1x64x80xi32, #tpu.memory_space<hbm>>
    %dma_start3A_9 = tpu.memref_squeeze %dma_start3A_8 : memref<1x64x80xi32, #tpu.memory_space<hbm>> -> memref<64x80xi32, #tpu.memory_space<hbm>>
    tpu.enqueue_dma source(%dma_start3A_9 : memref<64x80xi32, #tpu.memory_space<hbm>>) target(%arg8 : memref<64x80xi32, #tpu.memory_space<vmem>>) target_semaphore(%arg18 : memref<!tpu.dma_semaphore, #tpu.memory_space<semaphore_mem>>)
    %add3A_10 = arith.constant 0 : i32
    %add3A_11 = arith.addi %mul3A_2, %add3A_10 : i32
    %multiple_of3A = tpu.assume_multiple %add3A_11, 8 : i32
    %dma_start3A_12 = tpu.memref_slice %arg2[%multiple_of3A] : memref<328000xi32, #tpu.memory_space<hbm>> -> memref<80xi32, #tpu.memory_space<hbm>>
    %dma_start3A_13 = tpu.memref_slice %arg2[%multiple_of3A] : memref<328000xi32, #tpu.memory_space<hbm>> -> memref<80xi32, #tpu.memory_space<hbm>>
    tpu.enqueue_dma source(%dma_start3A_13 : memref<80xi32, #tpu.memory_space<hbm>>) target(%arg6 : memref<80xi32, #tpu.memory_space<vmem>>) target_semaphore(%arg12 : memref<!tpu.dma_semaphore, #tpu.memory_space<semaphore_mem>>)
    %broadcast_in_dim3A = arith.constant 0.000000e+00 : f32
    %broadcast_in_dim3A_14 = vector.broadcast %broadcast_in_dim3A : f32 to vector<16xf32>
    %scan3A = arith.constant 0 : i32
    %scan3A_15 = arith.constant 0 : i32
    %scan3A_16 = arith.constant 640 : i32
    %scan3A_17 = arith.addi %scan3A_15, %scan3A_16 : i32
    %scan3A_18 = arith.constant 1 : i32
    %scan3A_19 = scf.for %scan3A_188 = %scan3A_15 to %scan3A_17 step %scan3A_18 iter_args(%scan3A_189 = %scan3A) -> (i32)  : i32 {
      %jit3A = arith.constant 8 : i32
      %div3A = arith.divsi %scan3A_188, %jit3A : i32
      %sign3A = arith.constant 0 : i32
      %sign3A_190 = arith.cmpi sgt, %scan3A_188, %sign3A : i32
      %sign3A_191 = arith.extui %sign3A_190 : i1 to i32
      %sign3A_192 = arith.constant 0 : i32
      %sign3A_193 = arith.cmpi slt, %scan3A_188, %sign3A_192 : i32
      %sign3A_194 = arith.extui %sign3A_193 : i1 to i32
      %sign3A_195 = arith.subi %sign3A_191, %sign3A_194 : i32
      %sign3A_196 = arith.constant 0 : i32
      %sign3A_197 = arith.cmpi sgt, %jit3A, %sign3A_196 : i32
      %sign3A_198 = arith.extui %sign3A_197 : i1 to i32
      %sign3A_199 = arith.constant 0 : i32
      %sign3A_200 = arith.cmpi slt, %jit3A, %sign3A_199 : i32
      %sign3A_201 = arith.extui %sign3A_200 : i1 to i32
      %sign3A_202 = arith.subi %sign3A_198, %sign3A_201 : i32
      %ne3A = arith.cmpi ne, %sign3A_195, %sign3A_202 : i32
      %rem3A = arith.remsi %scan3A_188, %jit3A : i32
      %ne3A_203 = arith.constant 0 : i32
      %ne3A_204 = arith.cmpi ne, %rem3A, %ne3A_203 : i32
      %and3A = arith.andi %ne3A, %ne3A_204 : i1
      %sub3A = arith.constant 1 : i32
      %sub3A_205 = arith.subi %div3A, %sub3A : i32
      %select_n3A = arith.select %and3A, %sub3A_205, %div3A : i32
      %jit3A_206 = arith.constant 8 : i32
      %eq3A_207 = arith.constant 0 : i32
      %eq3A_208 = arith.cmpi eq, %jit3A_206, %eq3A_207 : i32
      %jit3A_209 = arith.constant 1 : i32
      %select_n3A_210 = arith.select %eq3A_208, %jit3A_209, %jit3A_206 : i32
      %rem3A_211 = arith.remsi %scan3A_188, %select_n3A_210 : i32
      %ne3A_212 = arith.constant 0 : i32
      %ne3A_213 = arith.cmpi ne, %rem3A_211, %ne3A_212 : i32
      %lt3A_214 = arith.constant 0 : i32
      %lt3A_215 = arith.cmpi slt, %rem3A_211, %lt3A_214 : i32
      %lt3A_216 = arith.constant 0 : i32
      %lt3A_217 = arith.cmpi slt, %select_n3A_210, %lt3A_216 : i32
      %ne3A_218 = arith.xori %lt3A_215, %lt3A_217 : i1
      %and3A_219 = arith.andi %ne3A_218, %ne3A_213 : i1
      %add3A_220 = arith.addi %rem3A_211, %select_n3A_210 : i32
      %select_n3A_221 = arith.select %and3A_219, %add3A_220, %rem3A_211 : i32
      %mul3A_222 = arith.constant 16 : i32
      %mul3A_223 = arith.muli %select_n3A_221, %mul3A_222 : i32
      %swap3A = arith.index_cast %select_n3A : i32 to index
      %swap3A_224 = arith.index_cast %mul3A_223 : i32 to index
      %swap3A_225 = tpu.vector_load %arg9[%swap3A, %swap3A_224] {strides = array<i32>} : memref<80x128xf32, #tpu.memory_space<vmem>>, vector<1x16xf32>,
      %swap3A_226 = vector.shape_cast %swap3A_225 : vector<1x16xf32> to vector<16xf32>
      %swap3A_227 = vector.shape_cast %broadcast_in_dim3A_14 : vector<16xf32> to vector<1x16xf32>
      tpu.vector_store %arg9[%swap3A, %swap3A_224], %swap3A_227 {strides = array<i32>} : memref<80x128xf32, #tpu.memory_space<vmem>>, vector<1x16xf32>,
      %scan3A_228 = arith.constant 0 : i32
      scf.yield %scan3A_228 : i32
    }
    %scan3A_20 = arith.constant 640 : i32
    %lt3A = arith.constant 10 : i32
    %lt3A_21 = arith.cmpi slt, %arg1, %lt3A : i32
    %convert_element_type3A = arith.extui %lt3A_21 : i1 to i32
    %cond3A = arith.constant 0 : i32
    %cond3A_22 = arith.cmpi ne, %convert_element_type3A, %cond3A : i32
    scf.if %cond3A_22 {
      %mul3A_188 = arith.constant 1000 : i32
      %mul3A_189 = arith.muli %arg1, %mul3A_188 : i32
      %add3A_190 = arith.constant 0 : i32
      %add3A_191 = arith.addi %mul3A_189, %add3A_190 : i32
      %dma_start3A_192 = arith.constant 0 : i32
      %dma_start3A_193 = tpu.memref_slice %arg11[%add3A_191, %dma_start3A_192] : memref<10008x128xf32, #tpu.memory_space<vmem_shared>> -> memref<80x128xf32, #tpu.memory_space<vmem_shared>>
      %dma_start3A_194 = arith.constant 0 : i32
      %dma_start3A_195 = tpu.memref_slice %arg11[%add3A_191, %dma_start3A_194] : memref<10008x128xf32, #tpu.memory_space<vmem_shared>> -> memref<80x128xf32, #tpu.memory_space<vmem_shared>>
      tpu.enqueue_dma source(%arg9 : memref<80x128xf32, #tpu.memory_space<vmem>>) target(%dma_start3A_195 : memref<80x128xf32, #tpu.memory_space<vmem_shared>>) target_semaphore(%arg16 : memref<!tpu.dma_semaphore, #tpu.memory_space<semaphore_mem>>)
      %mul3A_196 = arith.constant 1000 : i32
      %mul3A_197 = arith.muli %arg1, %mul3A_196 : i32
      %add3A_198 = arith.constant 80 : i32
      %add3A_199 = arith.addi %mul3A_197, %add3A_198 : i32
      %dma_start3A_200 = arith.constant 0 : i32
      %dma_start3A_201 = tpu.memref_slice %arg11[%add3A_199, %dma_start3A_200] : memref<10008x128xf32, #tpu.memory_space<vmem_shared>> -> memref<80x128xf32, #tpu.memory_space<vmem_shared>>
      %dma_start3A_202 = arith.constant 0 : i32
      %dma_start3A_203 = tpu.memref_slice %arg11[%add3A_199, %dma_start3A_202] : memref<10008x128xf32, #tpu.memory_space<vmem_shared>> -> memref<80x128xf32, #tpu.memory_space<vmem_shared>>
      tpu.enqueue_dma source(%arg9 : memref<80x128xf32, #tpu.memory_space<vmem>>) target(%dma_start3A_203 : memref<80x128xf32, #tpu.memory_space<vmem_shared>>) target_semaphore(%arg16 : memref<!tpu.dma_semaphore, #tpu.memory_space<semaphore_mem>>)
      %mul3A_204 = arith.constant 1000 : i32
      %mul3A_205 = arith.muli %arg1, %mul3A_204 : i32
      %add3A_206 = arith.constant 160 : i32
      %add3A_207 = arith.addi %mul3A_205, %add3A_206 : i32
      %dma_start3A_208 = arith.constant 0 : i32
      %dma_start3A_209 = tpu.memref_slice %arg11[%add3A_207, %dma_start3A_208] : memref<10008x128xf32, #tpu.memory_space<vmem_shared>> -> memref<80x128xf32, #tpu.memory_space<vmem_shared>>
      %dma_start3A_210 = arith.constant 0 : i32
      %dma_start3A_211 = tpu.memref_slice %arg11[%add3A_207, %dma_start3A_210] : memref<10008x128xf32, #tpu.memory_space<vmem_shared>> -> memref<80x128xf32, #tpu.memory_space<vmem_shared>>
      tpu.enqueue_dma source(%arg9 : memref<80x128xf32, #tpu.memory_space<vmem>>) target(%dma_start3A_211 : memref<80x128xf32, #tpu.memory_space<vmem_shared>>) target_semaphore(%arg16 : memref<!tpu.dma_semaphore, #tpu.memory_space<semaphore_mem>>)
      %mul3A_212 = arith.constant 1000 : i32
      %mul3A_213 = arith.muli %arg1, %mul3A_212 : i32
      %add3A_214 = arith.constant 240 : i32
      %add3A_215 = arith.addi %mul3A_213, %add3A_214 : i32
      %dma_start3A_216 = arith.constant 0 : i32
      %dma_start3A_217 = tpu.memref_slice %arg11[%add3A_215, %dma_start3A_216] : memref<10008x128xf32, #tpu.memory_space<vmem_shared>> -> memref<80x128xf32, #tpu.memory_space<vmem_shared>>
      %dma_start3A_218 = arith.constant 0 : i32
      %dma_start3A_219 = tpu.memref_slice %arg11[%add3A_215, %dma_start3A_218] : memref<10008x128xf32, #tpu.memory_space<vmem_shared>> -> memref<80x128xf32, #tpu.memory_space<vmem_shared>>
      tpu.enqueue_dma source(%arg9 : memref<80x128xf32, #tpu.memory_space<vmem>>) target(%dma_start3A_219 : memref<80x128xf32, #tpu.memory_space<vmem_shared>>) target_semaphore(%arg16 : memref<!tpu.dma_semaphore, #tpu.memory_space<semaphore_mem>>)
      %mul3A_220 = arith.constant 1000 : i32
      %mul3A_221 = arith.muli %arg1, %mul3A_220 : i32
      %add3A_222 = arith.constant 320 : i32
      %add3A_223 = arith.addi %mul3A_221, %add3A_222 : i32
      %dma_start3A_224 = arith.constant 0 : i32
      %dma_start3A_225 = tpu.memref_slice %arg11[%add3A_223, %dma_start3A_224] : memref<10008x128xf32, #tpu.memory_space<vmem_shared>> -> memref<80x128xf32, #tpu.memory_space<vmem_shared>>
      %dma_start3A_226 = arith.constant 0 : i32
      %dma_start3A_227 = tpu.memref_slice %arg11[%add3A_223, %dma_start3A_226] : memref<10008x128xf32, #tpu.memory_space<vmem_shared>> -> memref<80x128xf32, #tpu.memory_space<vmem_shared>>
      tpu.enqueue_dma source(%arg9 : memref<80x128xf32, #tpu.memory_space<vmem>>) target(%dma_start3A_227 : memref<80x128xf32, #tpu.memory_space<vmem_shared>>) target_semaphore(%arg16 : memref<!tpu.dma_semaphore, #tpu.memory_space<semaphore_mem>>)
      %mul3A_228 = arith.constant 1000 : i32
      %mul3A_229 = arith.muli %arg1, %mul3A_228 : i32
      %add3A_230 = arith.constant 400 : i32
      %add3A_231 = arith.addi %mul3A_229, %add3A_230 : i32
      %dma_start3A_232 = arith.constant 0 : i32
      %dma_start3A_233 = tpu.memref_slice %arg11[%add3A_231, %dma_start3A_232] : memref<10008x128xf32, #tpu.memory_space<vmem_shared>> -> memref<80x128xf32, #tpu.memory_space<vmem_shared>>
      %dma_start3A_234 = arith.constant 0 : i32
      %dma_start3A_235 = tpu.memref_slice %arg11[%add3A_231, %dma_start3A_234] : memref<10008x128xf32, #tpu.memory_space<vmem_shared>> -> memref<80x128xf32, #tpu.memory_space<vmem_shared>>
      tpu.enqueue_dma source(%arg9 : memref<80x128xf32, #tpu.memory_space<vmem>>) target(%dma_start3A_235 : memref<80x128xf32, #tpu.memory_space<vmem_shared>>) target_semaphore(%arg16 : memref<!tpu.dma_semaphore, #tpu.memory_space<semaphore_mem>>)
      %mul3A_236 = arith.constant 1000 : i32
      %mul3A_237 = arith.muli %arg1, %mul3A_236 : i32
      %add3A_238 = arith.constant 480 : i32
      %add3A_239 = arith.addi %mul3A_237, %add3A_238 : i32
      %dma_start3A_240 = arith.constant 0 : i32
      %dma_start3A_241 = tpu.memref_slice %arg11[%add3A_239, %dma_start3A_240] : memref<10008x128xf32, #tpu.memory_space<vmem_shared>> -> memref<80x128xf32, #tpu.memory_space<vmem_shared>>
      %dma_start3A_242 = arith.constant 0 : i32
      %dma_start3A_243 = tpu.memref_slice %arg11[%add3A_239, %dma_start3A_242] : memref<10008x128xf32, #tpu.memory_space<vmem_shared>> -> memref<80x128xf32, #tpu.memory_space<vmem_shared>>
      tpu.enqueue_dma source(%arg9 : memref<80x128xf32, #tpu.memory_space<vmem>>) target(%dma_start3A_243 : memref<80x128xf32, #tpu.memory_space<vmem_shared>>) target_semaphore(%arg16 : memref<!tpu.dma_semaphore, #tpu.memory_space<semaphore_mem>>)
      %mul3A_244 = arith.constant 1000 : i32
      %mul3A_245 = arith.muli %arg1, %mul3A_244 : i32
      %add3A_246 = arith.constant 560 : i32
      %add3A_247 = arith.addi %mul3A_245, %add3A_246 : i32
      %dma_start3A_248 = arith.constant 0 : i32
      %dma_start3A_249 = tpu.memref_slice %arg11[%add3A_247, %dma_start3A_248] : memref<10008x128xf32, #tpu.memory_space<vmem_shared>> -> memref<80x128xf32, #tpu.memory_space<vmem_shared>>
      %dma_start3A_250 = arith.constant 0 : i32
      %dma_start3A_251 = tpu.memref_slice %arg11[%add3A_247, %dma_start3A_250] : memref<10008x128xf32, #tpu.memory_space<vmem_shared>> -> memref<80x128xf32, #tpu.memory_space<vmem_shared>>
      tpu.enqueue_dma source(%arg9 : memref<80x128xf32, #tpu.memory_space<vmem>>) target(%dma_start3A_251 : memref<80x128xf32, #tpu.memory_space<vmem_shared>>) target_semaphore(%arg16 : memref<!tpu.dma_semaphore, #tpu.memory_space<semaphore_mem>>)
      %mul3A_252 = arith.constant 1000 : i32
      %mul3A_253 = arith.muli %arg1, %mul3A_252 : i32
      %add3A_254 = arith.constant 640 : i32
      %add3A_255 = arith.addi %mul3A_253, %add3A_254 : i32
      %dma_start3A_256 = arith.constant 0 : i32
      %dma_start3A_257 = tpu.memref_slice %arg11[%add3A_255, %dma_start3A_256] : memref<10008x128xf32, #tpu.memory_space<vmem_shared>> -> memref<80x128xf32, #tpu.memory_space<vmem_shared>>
      %dma_start3A_258 = arith.constant 0 : i32
      %dma_start3A_259 = tpu.memref_slice %arg11[%add3A_255, %dma_start3A_258] : memref<10008x128xf32, #tpu.memory_space<vmem_shared>> -> memref<80x128xf32, #tpu.memory_space<vmem_shared>>
      tpu.enqueue_dma source(%arg9 : memref<80x128xf32, #tpu.memory_space<vmem>>) target(%dma_start3A_259 : memref<80x128xf32, #tpu.memory_space<vmem_shared>>) target_semaphore(%arg16 : memref<!tpu.dma_semaphore, #tpu.memory_space<semaphore_mem>>)
      %mul3A_260 = arith.constant 1000 : i32
      %mul3A_261 = arith.muli %arg1, %mul3A_260 : i32
      %add3A_262 = arith.constant 720 : i32
      %add3A_263 = arith.addi %mul3A_261, %add3A_262 : i32
      %dma_start3A_264 = arith.constant 0 : i32
      %dma_start3A_265 = tpu.memref_slice %arg11[%add3A_263, %dma_start3A_264] : memref<10008x128xf32, #tpu.memory_space<vmem_shared>> -> memref<80x128xf32, #tpu.memory_space<vmem_shared>>
      %dma_start3A_266 = arith.constant 0 : i32
      %dma_start3A_267 = tpu.memref_slice %arg11[%add3A_263, %dma_start3A_266] : memref<10008x128xf32, #tpu.memory_space<vmem_shared>> -> memref<80x128xf32, #tpu.memory_space<vmem_shared>>
      tpu.enqueue_dma source(%arg9 : memref<80x128xf32, #tpu.memory_space<vmem>>) target(%dma_start3A_267 : memref<80x128xf32, #tpu.memory_space<vmem_shared>>) target_semaphore(%arg16 : memref<!tpu.dma_semaphore, #tpu.memory_space<semaphore_mem>>)
      %mul3A_268 = arith.constant 1000 : i32
      %mul3A_269 = arith.muli %arg1, %mul3A_268 : i32
      %add3A_270 = arith.constant 800 : i32
      %add3A_271 = arith.addi %mul3A_269, %add3A_270 : i32
      %dma_start3A_272 = arith.constant 0 : i32
      %dma_start3A_273 = tpu.memref_slice %arg11[%add3A_271, %dma_start3A_272] : memref<10008x128xf32, #tpu.memory_space<vmem_shared>> -> memref<80x128xf32, #tpu.memory_space<vmem_shared>>
      %dma_start3A_274 = arith.constant 0 : i32
      %dma_start3A_275 = tpu.memref_slice %arg11[%add3A_271, %dma_start3A_274] : memref<10008x128xf32, #tpu.memory_space<vmem_shared>> -> memref<80x128xf32, #tpu.memory_space<vmem_shared>>
      tpu.enqueue_dma source(%arg9 : memref<80x128xf32, #tpu.memory_space<vmem>>) target(%dma_start3A_275 : memref<80x128xf32, #tpu.memory_space<vmem_shared>>) target_semaphore(%arg16 : memref<!tpu.dma_semaphore, #tpu.memory_space<semaphore_mem>>)
      %mul3A_276 = arith.constant 1000 : i32
      %mul3A_277 = arith.muli %arg1, %mul3A_276 : i32
      %add3A_278 = arith.constant 880 : i32
      %add3A_279 = arith.addi %mul3A_277, %add3A_278 : i32
      %dma_start3A_280 = arith.constant 0 : i32
      %dma_start3A_281 = tpu.memref_slice %arg11[%add3A_279, %dma_start3A_280] : memref<10008x128xf32, #tpu.memory_space<vmem_shared>> -> memref<80x128xf32, #tpu.memory_space<vmem_shared>>
      %dma_start3A_282 = arith.constant 0 : i32
      %dma_start3A_283 = tpu.memref_slice %arg11[%add3A_279, %dma_start3A_282] : memref<10008x128xf32, #tpu.memory_space<vmem_shared>> -> memref<80x128xf32, #tpu.memory_space<vmem_shared>>
      tpu.enqueue_dma source(%arg9 : memref<80x128xf32, #tpu.memory_space<vmem>>) target(%dma_start3A_283 : memref<80x128xf32, #tpu.memory_space<vmem_shared>>) target_semaphore(%arg16 : memref<!tpu.dma_semaphore, #tpu.memory_space<semaphore_mem>>)
      %mul3A_284 = arith.constant 1000 : i32
      %mul3A_285 = arith.muli %arg1, %mul3A_284 : i32
      %add3A_286 = arith.constant 960 : i32
      %add3A_287 = arith.addi %mul3A_285, %add3A_286 : i32
      %dma_start3A_288 = arith.constant 0 : i32
      %dma_start3A_289 = arith.constant 0 : i32
      %dma_start3A_290 = tpu.memref_slice %arg9[%dma_start3A_288, %dma_start3A_289] : memref<80x128xf32, #tpu.memory_space<vmem>> -> memref<40x128xf32, #tpu.memory_space<vmem>>
      %dma_start3A_291 = arith.constant 0 : i32
      %dma_start3A_292 = tpu.memref_slice %arg11[%add3A_287, %dma_start3A_291] : memref<10008x128xf32, #tpu.memory_space<vmem_shared>> -> memref<40x128xf32, #tpu.memory_space<vmem_shared>>
      %dma_start3A_293 = arith.constant 0 : i32
      %dma_start3A_294 = tpu.memref_slice %arg11[%add3A_287, %dma_start3A_293] : memref<10008x128xf32, #tpu.memory_space<vmem_shared>> -> memref<40x128xf32, #tpu.memory_space<vmem_shared>>
      %dma_start3A_295 = arith.constant 0 : i32
      %dma_start3A_296 = arith.constant 0 : i32
      %dma_start3A_297 = tpu.memref_slice %arg9[%dma_start3A_295, %dma_start3A_296] : memref<80x128xf32, #tpu.memory_space<vmem>> -> memref<40x128xf32, #tpu.memory_space<vmem>>
      tpu.enqueue_dma source(%dma_start3A_297 : memref<40x128xf32, #tpu.memory_space<vmem>>) target(%dma_start3A_294 : memref<40x128xf32, #tpu.memory_space<vmem_shared>>) target_semaphore(%arg16 : memref<!tpu.dma_semaphore, #tpu.memory_space<semaphore_mem>>)
      %dma_wait3A_298 = arith.constant 0 : i32
      %dma_wait3A_299 = tpu.memref_slice %arg11[%add3A_191, %dma_wait3A_298] : memref<10008x128xf32, #tpu.memory_space<vmem_shared>> -> memref<80x128xf32, #tpu.memory_space<vmem_shared>>
      %dma_wait3A_300 = arith.constant 0 : i32
      %dma_wait3A_301 = tpu.memref_slice %arg11[%add3A_191, %dma_wait3A_300] : memref<10008x128xf32, #tpu.memory_space<vmem_shared>> -> memref<80x128xf32, #tpu.memory_space<vmem_shared>>
      tpu.wait_dma2 semaphore(%arg16 : memref<!tpu.dma_semaphore, #tpu.memory_space<semaphore_mem>>) src(%arg9 : memref<80x128xf32, #tpu.memory_space<vmem>>) dst(%dma_wait3A_301 : memref<80x128xf32, #tpu.memory_space<vmem_shared>>)
      %dma_wait3A_302 = arith.constant 0 : i32
      %dma_wait3A_303 = tpu.memref_slice %arg11[%add3A_199, %dma_wait3A_302] : memref<10008x128xf32, #tpu.memory_space<vmem_shared>> -> memref<80x128xf32, #tpu.memory_space<vmem_shared>>
      %dma_wait3A_304 = arith.constant 0 : i32
      %dma_wait3A_305 = tpu.memref_slice %arg11[%add3A_199, %dma_wait3A_304] : memref<10008x128xf32, #tpu.memory_space<vmem_shared>> -> memref<80x128xf32, #tpu.memory_space<vmem_shared>>
      tpu.wait_dma2 semaphore(%arg16 : memref<!tpu.dma_semaphore, #tpu.memory_space<semaphore_mem>>) src(%arg9 : memref<80x128xf32, #tpu.memory_space<vmem>>) dst(%dma_wait3A_305 : memref<80x128xf32, #tpu.memory_space<vmem_shared>>)
      %dma_wait3A_306 = arith.constant 0 : i32
      %dma_wait3A_307 = tpu.memref_slice %arg11[%add3A_207, %dma_wait3A_306] : memref<10008x128xf32, #tpu.memory_space<vmem_shared>> -> memref<80x128xf32, #tpu.memory_space<vmem_shared>>
      %dma_wait3A_308 = arith.constant 0 : i32
      %dma_wait3A_309 = tpu.memref_slice %arg11[%add3A_207, %dma_wait3A_308] : memref<10008x128xf32, #tpu.memory_space<vmem_shared>> -> memref<80x128xf32, #tpu.memory_space<vmem_shared>>
      tpu.wait_dma2 semaphore(%arg16 : memref<!tpu.dma_semaphore, #tpu.memory_space<semaphore_mem>>) src(%arg9 : memref<80x128xf32, #tpu.memory_space<vmem>>) dst(%dma_wait3A_309 : memref<80x128xf32, #tpu.memory_space<vmem_shared>>)
      %dma_wait3A_310 = arith.constant 0 : i32
      %dma_wait3A_311 = tpu.memref_slice %arg11[%add3A_215, %dma_wait3A_310] : memref<10008x128xf32, #tpu.memory_space<vmem_shared>> -> memref<80x128xf32, #tpu.memory_space<vmem_shared>>
      %dma_wait3A_312 = arith.constant 0 : i32
      %dma_wait3A_313 = tpu.memref_slice %arg11[%add3A_215, %dma_wait3A_312] : memref<10008x128xf32, #tpu.memory_space<vmem_shared>> -> memref<80x128xf32, #tpu.memory_space<vmem_shared>>
      tpu.wait_dma2 semaphore(%arg16 : memref<!tpu.dma_semaphore, #tpu.memory_space<semaphore_mem>>) src(%arg9 : memref<80x128xf32, #tpu.memory_space<vmem>>) dst(%dma_wait3A_313 : memref<80x128xf32, #tpu.memory_space<vmem_shared>>)
      %dma_wait3A_314 = arith.constant 0 : i32
      %dma_wait3A_315 = tpu.memref_slice %arg11[%add3A_223, %dma_wait3A_314] : memref<10008x128xf32, #tpu.memory_space<vmem_shared>> -> memref<80x128xf32, #tpu.memory_space<vmem_shared>>
      %dma_wait3A_316 = arith.constant 0 : i32
      %dma_wait3A_317 = tpu.memref_slice %arg11[%add3A_223, %dma_wait3A_316] : memref<10008x128xf32, #tpu.memory_space<vmem_shared>> -> memref<80x128xf32, #tpu.memory_space<vmem_shared>>
      tpu.wait_dma2 semaphore(%arg16 : memref<!tpu.dma_semaphore, #tpu.memory_space<semaphore_mem>>) src(%arg9 : memref<80x128xf32, #tpu.memory_space<vmem>>) dst(%dma_wait3A_317 : memref<80x128xf32, #tpu.memory_space<vmem_shared>>)
      %dma_wait3A_318 = arith.constant 0 : i32
      %dma_wait3A_319 = tpu.memref_slice %arg11[%add3A_231, %dma_wait3A_318] : memref<10008x128xf32, #tpu.memory_space<vmem_shared>> -> memref<80x128xf32, #tpu.memory_space<vmem_shared>>
      %dma_wait3A_320 = arith.constant 0 : i32
      %dma_wait3A_321 = tpu.memref_slice %arg11[%add3A_231, %dma_wait3A_320] : memref<10008x128xf32, #tpu.memory_space<vmem_shared>> -> memref<80x128xf32, #tpu.memory_space<vmem_shared>>
      tpu.wait_dma2 semaphore(%arg16 : memref<!tpu.dma_semaphore, #tpu.memory_space<semaphore_mem>>) src(%arg9 : memref<80x128xf32, #tpu.memory_space<vmem>>) dst(%dma_wait3A_321 : memref<80x128xf32, #tpu.memory_space<vmem_shared>>)
      %dma_wait3A_322 = arith.constant 0 : i32
      %dma_wait3A_323 = tpu.memref_slice %arg11[%add3A_239, %dma_wait3A_322] : memref<10008x128xf32, #tpu.memory_space<vmem_shared>> -> memref<80x128xf32, #tpu.memory_space<vmem_shared>>
      %dma_wait3A_324 = arith.constant 0 : i32
      %dma_wait3A_325 = tpu.memref_slice %arg11[%add3A_239, %dma_wait3A_324] : memref<10008x128xf32, #tpu.memory_space<vmem_shared>> -> memref<80x128xf32, #tpu.memory_space<vmem_shared>>
      tpu.wait_dma2 semaphore(%arg16 : memref<!tpu.dma_semaphore, #tpu.memory_space<semaphore_mem>>) src(%arg9 : memref<80x128xf32, #tpu.memory_space<vmem>>) dst(%dma_wait3A_325 : memref<80x128xf32, #tpu.memory_space<vmem_shared>>)
      %dma_wait3A_326 = arith.constant 0 : i32
      %dma_wait3A_327 = tpu.memref_slice %arg11[%add3A_247, %dma_wait3A_326] : memref<10008x128xf32, #tpu.memory_space<vmem_shared>> -> memref<80x128xf32, #tpu.memory_space<vmem_shared>>
      %dma_wait3A_328 = arith.constant 0 : i32
      %dma_wait3A_329 = tpu.memref_slice %arg11[%add3A_247, %dma_wait3A_328] : memref<10008x128xf32, #tpu.memory_space<vmem_shared>> -> memref<80x128xf32, #tpu.memory_space<vmem_shared>>
      tpu.wait_dma2 semaphore(%arg16 : memref<!tpu.dma_semaphore, #tpu.memory_space<semaphore_mem>>) src(%arg9 : memref<80x128xf32, #tpu.memory_space<vmem>>) dst(%dma_wait3A_329 : memref<80x128xf32, #tpu.memory_space<vmem_shared>>)
      %dma_wait3A_330 = arith.constant 0 : i32
      %dma_wait3A_331 = tpu.memref_slice %arg11[%add3A_255, %dma_wait3A_330] : memref<10008x128xf32, #tpu.memory_space<vmem_shared>> -> memref<80x128xf32, #tpu.memory_space<vmem_shared>>
      %dma_wait3A_332 = arith.constant 0 : i32
      %dma_wait3A_333 = tpu.memref_slice %arg11[%add3A_255, %dma_wait3A_332] : memref<10008x128xf32, #tpu.memory_space<vmem_shared>> -> memref<80x128xf32, #tpu.memory_space<vmem_shared>>
      tpu.wait_dma2 semaphore(%arg16 : memref<!tpu.dma_semaphore, #tpu.memory_space<semaphore_mem>>) src(%arg9 : memref<80x128xf32, #tpu.memory_space<vmem>>) dst(%dma_wait3A_333 : memref<80x128xf32, #tpu.memory_space<vmem_shared>>)
      %dma_wait3A_334 = arith.constant 0 : i32
      %dma_wait3A_335 = tpu.memref_slice %arg11[%add3A_263, %dma_wait3A_334] : memref<10008x128xf32, #tpu.memory_space<vmem_shared>> -> memref<80x128xf32, #tpu.memory_space<vmem_shared>>
      %dma_wait3A_336 = arith.constant 0 : i32
      %dma_wait3A_337 = tpu.memref_slice %arg11[%add3A_263, %dma_wait3A_336] : memref<10008x128xf32, #tpu.memory_space<vmem_shared>> -> memref<80x128xf32, #tpu.memory_space<vmem_shared>>
      tpu.wait_dma2 semaphore(%arg16 : memref<!tpu.dma_semaphore, #tpu.memory_space<semaphore_mem>>) src(%arg9 : memref<80x128xf32, #tpu.memory_space<vmem>>) dst(%dma_wait3A_337 : memref<80x128xf32, #tpu.memory_space<vmem_shared>>)
      %dma_wait3A_338 = arith.constant 0 : i32
      %dma_wait3A_339 = tpu.memref_slice %arg11[%add3A_271, %dma_wait3A_338] : memref<10008x128xf32, #tpu.memory_space<vmem_shared>> -> memref<80x128xf32, #tpu.memory_space<vmem_shared>>
      %dma_wait3A_340 = arith.constant 0 : i32
      %dma_wait3A_341 = tpu.memref_slice %arg11[%add3A_271, %dma_wait3A_340] : memref<10008x128xf32, #tpu.memory_space<vmem_shared>> -> memref<80x128xf32, #tpu.memory_space<vmem_shared>>
      tpu.wait_dma2 semaphore(%arg16 : memref<!tpu.dma_semaphore, #tpu.memory_space<semaphore_mem>>) src(%arg9 : memref<80x128xf32, #tpu.memory_space<vmem>>) dst(%dma_wait3A_341 : memref<80x128xf32, #tpu.memory_space<vmem_shared>>)
      %dma_wait3A_342 = arith.constant 0 : i32
      %dma_wait3A_343 = tpu.memref_slice %arg11[%add3A_279, %dma_wait3A_342] : memref<10008x128xf32, #tpu.memory_space<vmem_shared>> -> memref<80x128xf32, #tpu.memory_space<vmem_shared>>
      %dma_wait3A_344 = arith.constant 0 : i32
      %dma_wait3A_345 = tpu.memref_slice %arg11[%add3A_279, %dma_wait3A_344] : memref<10008x128xf32, #tpu.memory_space<vmem_shared>> -> memref<80x128xf32, #tpu.memory_space<vmem_shared>>
      tpu.wait_dma2 semaphore(%arg16 : memref<!tpu.dma_semaphore, #tpu.memory_space<semaphore_mem>>) src(%arg9 : memref<80x128xf32, #tpu.memory_space<vmem>>) dst(%dma_wait3A_345 : memref<80x128xf32, #tpu.memory_space<vmem_shared>>)
      %dma_wait3A_346 = arith.constant 0 : i32
      %dma_wait3A_347 = arith.constant 0 : i32
      %dma_wait3A_348 = tpu.memref_slice %arg9[%dma_wait3A_346, %dma_wait3A_347] : memref<80x128xf32, #tpu.memory_space<vmem>> -> memref<40x128xf32, #tpu.memory_space<vmem>>
      %dma_wait3A_349 = arith.constant 0 : i32
      %dma_wait3A_350 = tpu.memref_slice %arg11[%add3A_287, %dma_wait3A_349] : memref<10008x128xf32, #tpu.memory_space<vmem_shared>> -> memref<40x128xf32, #tpu.memory_space<vmem_shared>>
      %dma_wait3A_351 = arith.constant 0 : i32
      %dma_wait3A_352 = tpu.memref_slice %arg11[%add3A_287, %dma_wait3A_351] : memref<10008x128xf32, #tpu.memory_space<vmem_shared>> -> memref<40x128xf32, #tpu.memory_space<vmem_shared>>
      %dma_wait3A_353 = arith.constant 0 : i32
      %dma_wait3A_354 = arith.constant 0 : i32
      %dma_wait3A_355 = tpu.memref_slice %arg9[%dma_wait3A_353, %dma_wait3A_354] : memref<80x128xf32, #tpu.memory_space<vmem>> -> memref<40x128xf32, #tpu.memory_space<vmem>>
      tpu.wait_dma2 semaphore(%arg16 : memref<!tpu.dma_semaphore, #tpu.memory_space<semaphore_mem>>) src(%dma_wait3A_355 : memref<40x128xf32, #tpu.memory_space<vmem>>) dst(%dma_wait3A_352 : memref<40x128xf32, #tpu.memory_space<vmem_shared>>)
    } else {
    }
    %eq3A = arith.constant 10 : i32
    %eq3A_23 = arith.cmpi eq, %arg1, %eq3A : i32
    %convert_element_type3A_24 = arith.extui %eq3A_23 : i1 to i32
    %cond3A_25 = arith.constant 0 : i32
    %cond3A_26 = arith.cmpi ne, %convert_element_type3A_24, %cond3A_25 : i32
    scf.if %cond3A_26 {
      %dma_start3A_188 = arith.constant 0 : i32
      %dma_start3A_189 = arith.constant 0 : i32
      %dma_start3A_190 = tpu.memref_slice %arg9[%dma_start3A_188, %dma_start3A_189] : memref<80x128xf32, #tpu.memory_space<vmem>> -> memref<8x128xf32, #tpu.memory_space<vmem>>
      %dma_start3A_191 = arith.constant 10000 : i32
      %dma_start3A_192 = arith.constant 0 : i32
      %dma_start3A_193 = tpu.memref_slice %arg11[%dma_start3A_191, %dma_start3A_192] : memref<10008x128xf32, #tpu.memory_space<vmem_shared>> -> memref<8x128xf32, #tpu.memory_space<vmem_shared>>
      %dma_start3A_194 = arith.constant 10000 : i32
      %dma_start3A_195 = arith.constant 0 : i32
      %dma_start3A_196 = tpu.memref_slice %arg11[%dma_start3A_194, %dma_start3A_195] : memref<10008x128xf32, #tpu.memory_space<vmem_shared>> -> memref<8x128xf32, #tpu.memory_space<vmem_shared>>
      %dma_start3A_197 = arith.constant 0 : i32
      %dma_start3A_198 = arith.constant 0 : i32
      %dma_start3A_199 = tpu.memref_slice %arg9[%dma_start3A_197, %dma_start3A_198] : memref<80x128xf32, #tpu.memory_space<vmem>> -> memref<8x128xf32, #tpu.memory_space<vmem>>
      tpu.enqueue_dma source(%dma_start3A_199 : memref<8x128xf32, #tpu.memory_space<vmem>>) target(%dma_start3A_196 : memref<8x128xf32, #tpu.memory_space<vmem_shared>>) target_semaphore(%arg16 : memref<!tpu.dma_semaphore, #tpu.memory_space<semaphore_mem>>)
      %dma_wait3A_200 = arith.constant 0 : i32
      %dma_wait3A_201 = arith.constant 0 : i32
      %dma_wait3A_202 = tpu.memref_slice %arg9[%dma_wait3A_200, %dma_wait3A_201] : memref<80x128xf32, #tpu.memory_space<vmem>> -> memref<8x128xf32, #tpu.memory_space<vmem>>
      %dma_wait3A_203 = arith.constant 10000 : i32
      %dma_wait3A_204 = arith.constant 0 : i32
      %dma_wait3A_205 = tpu.memref_slice %arg11[%dma_wait3A_203, %dma_wait3A_204] : memref<10008x128xf32, #tpu.memory_space<vmem_shared>> -> memref<8x128xf32, #tpu.memory_space<vmem_shared>>
      %dma_wait3A_206 = arith.constant 10000 : i32
      %dma_wait3A_207 = arith.constant 0 : i32
      %dma_wait3A_208 = tpu.memref_slice %arg11[%dma_wait3A_206, %dma_wait3A_207] : memref<10008x128xf32, #tpu.memory_space<vmem_shared>> -> memref<8x128xf32, #tpu.memory_space<vmem_shared>>
      %dma_wait3A_209 = arith.constant 0 : i32
      %dma_wait3A_210 = arith.constant 0 : i32
      %dma_wait3A_211 = tpu.memref_slice %arg9[%dma_wait3A_209, %dma_wait3A_210] : memref<80x128xf32, #tpu.memory_space<vmem>> -> memref<8x128xf32, #tpu.memory_space<vmem>>
      tpu.wait_dma2 semaphore(%arg16 : memref<!tpu.dma_semaphore, #tpu.memory_space<semaphore_mem>>) src(%dma_wait3A_211 : memref<8x128xf32, #tpu.memory_space<vmem>>) dst(%dma_wait3A_208 : memref<8x128xf32, #tpu.memory_space<vmem_shared>>)
    } else {
    }
    %dma_wait3A = arith.constant 0 : i32
    %dma_wait3A_27 = arith.constant 0 : i32
    %dma_wait3A_28 = tpu.memref_slice %arg3[%add3A, %dma_wait3A, %dma_wait3A_27] : memref<32x128x80xi32, #tpu.memory_space<hbm>> -> memref<1x64x80xi32, #tpu.memory_space<hbm>>
    %dma_wait3A_29 = tpu.memref_squeeze %dma_wait3A_28 : memref<1x64x80xi32, #tpu.memory_space<hbm>> -> memref<64x80xi32, #tpu.memory_space<hbm>>
    %dma_wait3A_30 = arith.constant 0 : i32
    %dma_wait3A_31 = arith.constant 0 : i32
    %dma_wait3A_32 = tpu.memref_slice %arg3[%add3A, %dma_wait3A_30, %dma_wait3A_31] : memref<32x128x80xi32, #tpu.memory_space<hbm>> -> memref<1x64x80xi32, #tpu.memory_space<hbm>>
    %dma_wait3A_33 = tpu.memref_squeeze %dma_wait3A_32 : memref<1x64x80xi32, #tpu.memory_space<hbm>> -> memref<64x80xi32, #tpu.memory_space<hbm>>
    tpu.wait_dma2 semaphore(%arg18 : memref<!tpu.dma_semaphore, #tpu.memory_space<semaphore_mem>>) src(%dma_wait3A_33 : memref<64x80xi32, #tpu.memory_space<hbm>>) dst(%arg8 : memref<64x80xi32, #tpu.memory_space<vmem>>)
    %barrier3A = arith.constant 0 : index
    tpu.barrier barrier_id(%barrier3A)
    %broadcast_in_dim3A_34 = arith.constant 1.000000e+00 : f32
    %broadcast_in_dim3A_35 = vector.broadcast %broadcast_in_dim3A_34 : f32 to vector<16xf32>
    %dma_wait3A_36 = arith.constant 0 : i32
    %dma_wait3A_37 = tpu.memref_slice %arg2[%dma_wait3A_36] : memref<328000xi32, #tpu.memory_space<hbm>> -> memref<80xi32, #tpu.memory_space<hbm>>
    %dma_wait3A_38 = arith.constant 0 : i32
    %dma_wait3A_39 = tpu.memref_slice %arg2[%dma_wait3A_38] : memref<328000xi32, #tpu.memory_space<hbm>> -> memref<80xi32, #tpu.memory_space<hbm>>
    tpu.wait_dma2 semaphore(%arg12 : memref<!tpu.dma_semaphore, #tpu.memory_space<semaphore_mem>>) src(%dma_wait3A_39 : memref<80xi32, #tpu.memory_space<hbm>>) dst(%arg6 : memref<80xi32, #tpu.memory_space<vmem>>)
    %dma_start3A_40 = arith.constant 0 : i32
    %dma_start3A_41 = arith.constant 0 : i32
    %dma_start3A_42 = tpu.memref_slice %arg4[%dma_start3A_40, %dma_start3A_41] : memref<10000x128xf32, #tpu.memory_space<hbm>> -> memref<10000x128xf32, #tpu.memory_space<hbm>>
    tpu.enqueue_indirect_dma source(%dma_start3A_42 : memref<10000x128xf32, #tpu.memory_space<hbm>>) target(%arg9 : memref<80x128xf32, #tpu.memory_space<vmem>>) offsets(%arg6 : memref<80xi32, #tpu.memory_space<vmem>>) semaphore(%arg14 : memref<!tpu.dma_semaphore, #tpu.memory_space<semaphore_mem>>)
    %add3A_43 = arith.constant 80 : i32
    %add3A_44 = arith.addi %mul3A_2, %add3A_43 : i32
    %multiple_of3A_45 = tpu.assume_multiple %add3A_44, 8 : i32
    %dma_start3A_46 = tpu.memref_slice %arg2[%multiple_of3A_45] : memref<328000xi32, #tpu.memory_space<hbm>> -> memref<80xi32, #tpu.memory_space<hbm>>
    %dma_start3A_47 = tpu.memref_slice %arg2[%multiple_of3A_45] : memref<328000xi32, #tpu.memory_space<hbm>> -> memref<80xi32, #tpu.memory_space<hbm>>
    tpu.enqueue_dma source(%dma_start3A_47 : memref<80xi32, #tpu.memory_space<hbm>>) target(%arg7 : memref<80xi32, #tpu.memory_space<vmem>>) target_semaphore(%arg13 : memref<!tpu.dma_semaphore, #tpu.memory_space<semaphore_mem>>)
    %dma_wait3A_48 = arith.constant 0 : i32
    %dma_wait3A_49 = tpu.memref_slice %arg2[%dma_wait3A_48] : memref<328000xi32, #tpu.memory_space<hbm>> -> memref<80xi32, #tpu.memory_space<hbm>>
    %dma_wait3A_50 = arith.constant 0 : i32
    %dma_wait3A_51 = tpu.memref_slice %arg2[%dma_wait3A_50] : memref<328000xi32, #tpu.memory_space<hbm>> -> memref<80xi32, #tpu.memory_space<hbm>>
    tpu.wait_dma2 semaphore(%arg13 : memref<!tpu.dma_semaphore, #tpu.memory_space<semaphore_mem>>) src(%dma_wait3A_51 : memref<80xi32, #tpu.memory_space<hbm>>) dst(%arg7 : memref<80xi32, #tpu.memory_space<vmem>>)
    %dma_start3A_52 = arith.constant 0 : i32
    %dma_start3A_53 = arith.constant 0 : i32
    %dma_start3A_54 = tpu.memref_slice %arg4[%dma_start3A_52, %dma_start3A_53] : memref<10000x128xf32, #tpu.memory_space<hbm>> -> memref<10000x128xf32, #tpu.memory_space<hbm>>
    tpu.enqueue_indirect_dma source(%dma_start3A_54 : memref<10000x128xf32, #tpu.memory_space<hbm>>) target(%arg10 : memref<80x128xf32, #tpu.memory_space<vmem>>) offsets(%arg7 : memref<80xi32, #tpu.memory_space<vmem>>) semaphore(%arg15 : memref<!tpu.dma_semaphore, #tpu.memory_space<semaphore_mem>>)
    %dma_wait3A_55 = arith.constant 0 : i32
    %dma_wait3A_56 = arith.constant 0 : i32
    %dma_wait3A_57 = tpu.memref_slice %arg4[%dma_wait3A_55, %dma_wait3A_56] : memref<10000x128xf32, #tpu.memory_space<hbm>> -> memref<10000x128xf32, #tpu.memory_space<hbm>>
    tpu.wait_indirect_dma semaphore(%arg14 : memref<!tpu.dma_semaphore, #tpu.memory_space<semaphore_mem>>) src(%dma_wait3A_57 : memref<10000x128xf32, #tpu.memory_space<hbm>>) dst(%arg9 : memref<80x128xf32, #tpu.memory_space<vmem>>)
    %add3A_58 = arith.constant 160 : i32
    %add3A_59 = arith.addi %mul3A_2, %add3A_58 : i32
    %multiple_of3A_60 = tpu.assume_multiple %add3A_59, 8 : i32
    %dma_start3A_61 = tpu.memref_slice %arg2[%multiple_of3A_60] : memref<328000xi32, #tpu.memory_space<hbm>> -> memref<80xi32, #tpu.memory_space<hbm>>
    %dma_start3A_62 = tpu.memref_slice %arg2[%multiple_of3A_60] : memref<328000xi32, #tpu.memory_space<hbm>> -> memref<80xi32, #tpu.memory_space<hbm>>
    tpu.enqueue_dma source(%dma_start3A_62 : memref<80xi32, #tpu.memory_space<hbm>>) target(%arg6 : memref<80xi32, #tpu.memory_space<vmem>>) target_semaphore(%arg12 : memref<!tpu.dma_semaphore, #tpu.memory_space<semaphore_mem>>)
    %dma_start3A_63 = arith.constant 0 : i32
    %dma_start3A_64 = arith.constant 0 : i32
    %dma_start3A_65 = tpu.memref_slice %arg8[%dma_start3A_63, %dma_start3A_64] : memref<64x80xi32, #tpu.memory_space<vmem>> -> memref<1x80xi32, #tpu.memory_space<vmem>>
    %dma_start3A_66 = tpu.memref_squeeze %dma_start3A_65 : memref<1x80xi32, #tpu.memory_space<vmem>> -> memref<80xi32, #tpu.memory_space<vmem>>
    %dma_start3A_67 = arith.constant 0 : i32
    %dma_start3A_68 = arith.constant 0 : i32
    %dma_start3A_69 = tpu.memref_slice %arg11[%dma_start3A_67, %dma_start3A_68] : memref<10008x128xf32, #tpu.memory_space<vmem_shared>> -> memref<10008x128xf32, #tpu.memory_space<vmem_shared>>
    tpu.enqueue_indirect_dma source(%arg9 : memref<80x128xf32, #tpu.memory_space<vmem>>) target(%dma_start3A_69 : memref<10008x128xf32, #tpu.memory_space<vmem_shared>>) offsets(%dma_start3A_66 : memref<80xi32, #tpu.memory_space<vmem>>) semaphore(%arg16 : memref<!tpu.dma_semaphore, #tpu.memory_space<semaphore_mem>>) {add = true}
    %scan3A_70 = arith.constant 0 : i32
    %scan3A_71 = arith.constant 1 : i32
    %scan3A_72 = arith.constant 31 : i32
    %scan3A_73 = arith.addi %scan3A_71, %scan3A_72 : i32
    %scan3A_74 = arith.constant 1 : i32
    %scan3A_75 = scf.for %scan3A_188 = %scan3A_71 to %scan3A_73 step %scan3A_74 iter_args(%scan3A_189 = %scan3A_70) -> (i32)  : i32 {
      %mul3A_190 = arith.constant 2 : i32
      %mul3A_191 = arith.muli %scan3A_188, %mul3A_190 : i32
      %add3A_192 = arith.constant 0 : i32
      %add3A_193 = arith.addi %mul3A_191, %add3A_192 : i32
      %dma_wait3A_194 = arith.constant 0 : i32
      %dma_wait3A_195 = arith.constant 0 : i32
      %dma_wait3A_196 = tpu.memref_slice %arg8[%dma_wait3A_194, %dma_wait3A_195] : memref<64x80xi32, #tpu.memory_space<vmem>> -> memref<1x80xi32, #tpu.memory_space<vmem>>
      %dma_wait3A_197 = tpu.memref_squeeze %dma_wait3A_196 : memref<1x80xi32, #tpu.memory_space<vmem>> -> memref<80xi32, #tpu.memory_space<vmem>>
      %dma_wait3A_198 = arith.constant 0 : i32
      %dma_wait3A_199 = arith.constant 0 : i32
      %dma_wait3A_200 = tpu.memref_slice %arg11[%dma_wait3A_198, %dma_wait3A_199] : memref<10008x128xf32, #tpu.memory_space<vmem_shared>> -> memref<10008x128xf32, #tpu.memory_space<vmem_shared>>
      tpu.wait_indirect_dma semaphore(%arg16 : memref<!tpu.dma_semaphore, #tpu.memory_space<semaphore_mem>>) src(%arg9 : memref<80x128xf32, #tpu.memory_space<vmem>>) dst(%dma_wait3A_200 : memref<10008x128xf32, #tpu.memory_space<vmem_shared>>)
      %dma_wait3A_201 = arith.constant 0 : i32
      %dma_wait3A_202 = tpu.memref_slice %arg2[%dma_wait3A_201] : memref<328000xi32, #tpu.memory_space<hbm>> -> memref<80xi32, #tpu.memory_space<hbm>>
      %dma_wait3A_203 = arith.constant 0 : i32
      %dma_wait3A_204 = tpu.memref_slice %arg2[%dma_wait3A_203] : memref<328000xi32, #tpu.memory_space<hbm>> -> memref<80xi32, #tpu.memory_space<hbm>>
      tpu.wait_dma2 semaphore(%arg12 : memref<!tpu.dma_semaphore, #tpu.memory_space<semaphore_mem>>) src(%dma_wait3A_204 : memref<80xi32, #tpu.memory_space<hbm>>) dst(%arg6 : memref<80xi32, #tpu.memory_space<vmem>>)
      %add3A_205 = arith.constant 0 : i32
      %add3A_206 = arith.addi %add3A_205, %add3A_193 : i32
      %dma_start3A_207 = arith.constant 0 : i32
      %dma_start3A_208 = arith.constant 0 : i32
      %dma_start3A_209 = tpu.memref_slice %arg4[%dma_start3A_207, %dma_start3A_208] : memref<10000x128xf32, #tpu.memory_space<hbm>> -> memref<10000x128xf32, #tpu.memory_space<hbm>>
      tpu.enqueue_indirect_dma source(%dma_start3A_209 : memref<10000x128xf32, #tpu.memory_space<hbm>>) target(%arg9 : memref<80x128xf32, #tpu.memory_space<vmem>>) offsets(%arg6 : memref<80xi32, #tpu.memory_space<vmem>>) semaphore(%arg14 : memref<!tpu.dma_semaphore, #tpu.memory_space<semaphore_mem>>)
      %dma_wait3A_210 = arith.constant 0 : i32
      %dma_wait3A_211 = arith.constant 0 : i32
      %dma_wait3A_212 = tpu.memref_slice %arg4[%dma_wait3A_210, %dma_wait3A_211] : memref<10000x128xf32, #tpu.memory_space<hbm>> -> memref<10000x128xf32, #tpu.memory_space<hbm>>
      tpu.wait_indirect_dma semaphore(%arg15 : memref<!tpu.dma_semaphore, #tpu.memory_space<semaphore_mem>>) src(%dma_wait3A_212 : memref<10000x128xf32, #tpu.memory_space<hbm>>) dst(%arg10 : memref<80x128xf32, #tpu.memory_space<vmem>>)
      %add3A_213 = arith.constant 0 : i32
      %add3A_214 = arith.addi %add3A_213, %add3A_193 : i32
      %add3A_215 = arith.constant 1 : i32
      %add3A_216 = arith.addi %add3A_214, %add3A_215 : i32
      %lt3A_217 = arith.constant 128 : i32
      %lt3A_218 = arith.cmpi slt, %add3A_216, %lt3A_217 : i32
      %convert_element_type3A_219 = arith.extui %lt3A_218 : i1 to i32
      %cond3A_220 = arith.constant 0 : i32
      %cond3A_221 = arith.cmpi ne, %convert_element_type3A_219, %cond3A_220 : i32
      scf.if %cond3A_221 {
        %add3A_270 = arith.constant 0 : i32
        %add3A_271 = arith.addi %add3A_270, %add3A_193 : i32
        %add3A_272 = arith.constant 1 : i32
        %add3A_273 = arith.addi %add3A_271, %add3A_272 : i32
        %mul3A_274 = arith.constant 80 : i32
        %mul3A_275 = arith.muli %add3A_273, %mul3A_274 : i32
        %add3A_276 = arith.addi %mul3A_2, %mul3A_275 : i32
        %multiple_of3A_277 = tpu.assume_multiple %add3A_276, 8 : i32
        %dma_start3A_278 = tpu.memref_slice %arg2[%multiple_of3A_277] : memref<328000xi32, #tpu.memory_space<hbm>> -> memref<80xi32, #tpu.memory_space<hbm>>
        %dma_start3A_279 = tpu.memref_slice %arg2[%multiple_of3A_277] : memref<328000xi32, #tpu.memory_space<hbm>> -> memref<80xi32, #tpu.memory_space<hbm>>
        tpu.enqueue_dma source(%dma_start3A_279 : memref<80xi32, #tpu.memory_space<hbm>>) target(%arg7 : memref<80xi32, #tpu.memory_space<vmem>>) target_semaphore(%arg13 : memref<!tpu.dma_semaphore, #tpu.memory_space<semaphore_mem>>)
      } else {
      }
      %sub3A = arith.constant 1 : i32
      %sub3A_222 = arith.subi %add3A_193, %sub3A : i32
      %dma_start3A_223 = arith.constant 0 : i32
      %dma_start3A_224 = tpu.memref_slice %arg8[%sub3A_222, %dma_start3A_223] : memref<64x80xi32, #tpu.memory_space<vmem>> -> memref<1x80xi32, #tpu.memory_space<vmem>>
      %dma_start3A_225 = tpu.memref_squeeze %dma_start3A_224 : memref<1x80xi32, #tpu.memory_space<vmem>> -> memref<80xi32, #tpu.memory_space<vmem>>
      %dma_start3A_226 = arith.constant 0 : i32
      %dma_start3A_227 = arith.constant 0 : i32
      %dma_start3A_228 = tpu.memref_slice %arg11[%dma_start3A_226, %dma_start3A_227] : memref<10008x128xf32, #tpu.memory_space<vmem_shared>> -> memref<10008x128xf32, #tpu.memory_space<vmem_shared>>
      tpu.enqueue_indirect_dma source(%arg10 : memref<80x128xf32, #tpu.memory_space<vmem>>) target(%dma_start3A_228 : memref<10008x128xf32, #tpu.memory_space<vmem_shared>>) offsets(%dma_start3A_225 : memref<80xi32, #tpu.memory_space<vmem>>) semaphore(%arg17 : memref<!tpu.dma_semaphore, #tpu.memory_space<semaphore_mem>>) {add = true}
      %mul3A_229 = arith.constant 2 : i32
      %mul3A_230 = arith.muli %scan3A_188, %mul3A_229 : i32
      %add3A_231 = arith.constant 1 : i32
      %add3A_232 = arith.addi %mul3A_230, %add3A_231 : i32
      %dma_wait3A_233 = arith.constant 0 : i32
      %dma_wait3A_234 = arith.constant 0 : i32
      %dma_wait3A_235 = tpu.memref_slice %arg8[%dma_wait3A_233, %dma_wait3A_234] : memref<64x80xi32, #tpu.memory_space<vmem>> -> memref<1x80xi32, #tpu.memory_space<vmem>>
      %dma_wait3A_236 = tpu.memref_squeeze %dma_wait3A_235 : memref<1x80xi32, #tpu.memory_space<vmem>> -> memref<80xi32, #tpu.memory_space<vmem>>
      %dma_wait3A_237 = arith.constant 0 : i32
      %dma_wait3A_238 = arith.constant 0 : i32
      %dma_wait3A_239 = tpu.memref_slice %arg11[%dma_wait3A_237, %dma_wait3A_238] : memref<10008x128xf32, #tpu.memory_space<vmem_shared>> -> memref<10008x128xf32, #tpu.memory_space<vmem_shared>>
      tpu.wait_indirect_dma semaphore(%arg17 : memref<!tpu.dma_semaphore, #tpu.memory_space<semaphore_mem>>) src(%arg10 : memref<80x128xf32, #tpu.memory_space<vmem>>) dst(%dma_wait3A_239 : memref<10008x128xf32, #tpu.memory_space<vmem_shared>>)
      %dma_wait3A_240 = arith.constant 0 : i32
      %dma_wait3A_241 = tpu.memref_slice %arg2[%dma_wait3A_240] : memref<328000xi32, #tpu.memory_space<hbm>> -> memref<80xi32, #tpu.memory_space<hbm>>
      %dma_wait3A_242 = arith.constant 0 : i32
      %dma_wait3A_243 = tpu.memref_slice %arg2[%dma_wait3A_242] : memref<328000xi32, #tpu.memory_space<hbm>> -> memref<80xi32, #tpu.memory_space<hbm>>
      tpu.wait_dma2 semaphore(%arg13 : memref<!tpu.dma_semaphore, #tpu.memory_space<semaphore_mem>>) src(%dma_wait3A_243 : memref<80xi32, #tpu.memory_space<hbm>>) dst(%arg7 : memref<80xi32, #tpu.memory_space<vmem>>)
      %add3A_244 = arith.constant 0 : i32
      %add3A_245 = arith.addi %add3A_244, %add3A_232 : i32
      %dma_start3A_246 = arith.constant 0 : i32
      %dma_start3A_247 = arith.constant 0 : i32
      %dma_start3A_248 = tpu.memref_slice %arg4[%dma_start3A_246, %dma_start3A_247] : memref<10000x128xf32, #tpu.memory_space<hbm>> -> memref<10000x128xf32, #tpu.memory_space<hbm>>
      tpu.enqueue_indirect_dma source(%dma_start3A_248 : memref<10000x128xf32, #tpu.memory_space<hbm>>) target(%arg10 : memref<80x128xf32, #tpu.memory_space<vmem>>) offsets(%arg7 : memref<80xi32, #tpu.memory_space<vmem>>) semaphore(%arg15 : memref<!tpu.dma_semaphore, #tpu.memory_space<semaphore_mem>>)
      %dma_wait3A_249 = arith.constant 0 : i32
      %dma_wait3A_250 = arith.constant 0 : i32
      %dma_wait3A_251 = tpu.memref_slice %arg4[%dma_wait3A_249, %dma_wait3A_250] : memref<10000x128xf32, #tpu.memory_space<hbm>> -> memref<10000x128xf32, #tpu.memory_space<hbm>>
      tpu.wait_indirect_dma semaphore(%arg14 : memref<!tpu.dma_semaphore, #tpu.memory_space<semaphore_mem>>) src(%dma_wait3A_251 : memref<10000x128xf32, #tpu.memory_space<hbm>>) dst(%arg9 : memref<80x128xf32, #tpu.memory_space<vmem>>)
      %add3A_252 = arith.constant 0 : i32
      %add3A_253 = arith.addi %add3A_252, %add3A_232 : i32
      %add3A_254 = arith.constant 1 : i32
      %add3A_255 = arith.addi %add3A_253, %add3A_254 : i32
      %lt3A_256 = arith.constant 128 : i32
      %lt3A_257 = arith.cmpi slt, %add3A_255, %lt3A_256 : i32
      %convert_element_type3A_258 = arith.extui %lt3A_257 : i1 to i32
      %cond3A_259 = arith.constant 0 : i32
      %cond3A_260 = arith.cmpi ne, %convert_element_type3A_258, %cond3A_259 : i32
      scf.if %cond3A_260 {
        %add3A_270 = arith.constant 0 : i32
        %add3A_271 = arith.addi %add3A_270, %add3A_232 : i32
        %add3A_272 = arith.constant 1 : i32
        %add3A_273 = arith.addi %add3A_271, %add3A_272 : i32
        %mul3A_274 = arith.constant 80 : i32
        %mul3A_275 = arith.muli %add3A_273, %mul3A_274 : i32
        %add3A_276 = arith.addi %mul3A_2, %mul3A_275 : i32
        %multiple_of3A_277 = tpu.assume_multiple %add3A_276, 8 : i32
        %dma_start3A_278 = tpu.memref_slice %arg2[%multiple_of3A_277] : memref<328000xi32, #tpu.memory_space<hbm>> -> memref<80xi32, #tpu.memory_space<hbm>>
        %dma_start3A_279 = tpu.memref_slice %arg2[%multiple_of3A_277] : memref<328000xi32, #tpu.memory_space<hbm>> -> memref<80xi32, #tpu.memory_space<hbm>>
        tpu.enqueue_dma source(%dma_start3A_279 : memref<80xi32, #tpu.memory_space<hbm>>) target(%arg6 : memref<80xi32, #tpu.memory_space<vmem>>) target_semaphore(%arg12 : memref<!tpu.dma_semaphore, #tpu.memory_space<semaphore_mem>>)
      } else {
      }
      %sub3A_261 = arith.constant 1 : i32
      %sub3A_262 = arith.subi %add3A_232, %sub3A_261 : i32
      %dma_start3A_263 = arith.constant 0 : i32
      %dma_start3A_264 = tpu.memref_slice %arg8[%sub3A_262, %dma_start3A_263] : memref<64x80xi32, #tpu.memory_space<vmem>> -> memref<1x80xi32, #tpu.memory_space<vmem>>
      %dma_start3A_265 = tpu.memref_squeeze %dma_start3A_264 : memref<1x80xi32, #tpu.memory_space<vmem>> -> memref<80xi32, #tpu.memory_space<vmem>>
      %dma_start3A_266 = arith.constant 0 : i32
      %dma_start3A_267 = arith.constant 0 : i32
      %dma_start3A_268 = tpu.memref_slice %arg11[%dma_start3A_266, %dma_start3A_267] : memref<10008x128xf32, #tpu.memory_space<vmem_shared>> -> memref<10008x128xf32, #tpu.memory_space<vmem_shared>>
      tpu.enqueue_indirect_dma source(%arg9 : memref<80x128xf32, #tpu.memory_space<vmem>>) target(%dma_start3A_268 : memref<10008x128xf32, #tpu.memory_space<vmem_shared>>) offsets(%dma_start3A_265 : memref<80xi32, #tpu.memory_space<vmem>>) semaphore(%arg16 : memref<!tpu.dma_semaphore, #tpu.memory_space<semaphore_mem>>) {add = true}
      %scan3A_269 = arith.constant 0 : i32
      scf.yield %scan3A_269 : i32
    }
    %scan3A_76 = arith.constant 31 : i32
    %dma_wait3A_77 = arith.constant 0 : i32
    %dma_wait3A_78 = arith.constant 0 : i32
    %dma_wait3A_79 = tpu.memref_slice %arg4[%dma_wait3A_77, %dma_wait3A_78] : memref<10000x128xf32, #tpu.memory_space<hbm>> -> memref<10000x128xf32, #tpu.memory_space<hbm>>
    tpu.wait_indirect_dma semaphore(%arg15 : memref<!tpu.dma_semaphore, #tpu.memory_space<semaphore_mem>>) src(%dma_wait3A_79 : memref<10000x128xf32, #tpu.memory_space<hbm>>) dst(%arg10 : memref<80x128xf32, #tpu.memory_space<vmem>>)
    %dma_start3A_80 = arith.constant 63 : i32
    %dma_start3A_81 = arith.constant 0 : i32
    %dma_start3A_82 = tpu.memref_slice %arg8[%dma_start3A_80, %dma_start3A_81] : memref<64x80xi32, #tpu.memory_space<vmem>> -> memref<1x80xi32, #tpu.memory_space<vmem>>
    %dma_start3A_83 = tpu.memref_squeeze %dma_start3A_82 : memref<1x80xi32, #tpu.memory_space<vmem>> -> memref<80xi32, #tpu.memory_space<vmem>>
    %dma_start3A_84 = arith.constant 0 : i32
    %dma_start3A_85 = arith.constant 0 : i32
    %dma_start3A_86 = tpu.memref_slice %arg11[%dma_start3A_84, %dma_start3A_85] : memref<10008x128xf32, #tpu.memory_space<vmem_shared>> -> memref<10008x128xf32, #tpu.memory_space<vmem_shared>>
    tpu.enqueue_indirect_dma source(%arg10 : memref<80x128xf32, #tpu.memory_space<vmem>>) target(%dma_start3A_86 : memref<10008x128xf32, #tpu.memory_space<vmem_shared>>) offsets(%dma_start3A_83 : memref<80xi32, #tpu.memory_space<vmem>>) semaphore(%arg17 : memref<!tpu.dma_semaphore, #tpu.memory_space<semaphore_mem>>) {add = true}
    %dma_wait3A_87 = arith.constant 0 : i32
    %dma_wait3A_88 = arith.constant 0 : i32
    %dma_wait3A_89 = tpu.memref_slice %arg8[%dma_wait3A_87, %dma_wait3A_88] : memref<64x80xi32, #tpu.memory_space<vmem>> -> memref<1x80xi32, #tpu.memory_space<vmem>>
    %dma_wait3A_90 = tpu.memref_squeeze %dma_wait3A_89 : memref<1x80xi32, #tpu.memory_space<vmem>> -> memref<80xi32, #tpu.memory_space<vmem>>
    %dma_wait3A_91 = arith.constant 0 : i32
    %dma_wait3A_92 = arith.constant 0 : i32
    %dma_wait3A_93 = tpu.memref_slice %arg11[%dma_wait3A_91, %dma_wait3A_92] : memref<10008x128xf32, #tpu.memory_space<vmem_shared>> -> memref<10008x128xf32, #tpu.memory_space<vmem_shared>>
    tpu.wait_indirect_dma semaphore(%arg16 : memref<!tpu.dma_semaphore, #tpu.memory_space<semaphore_mem>>) src(%arg9 : memref<80x128xf32, #tpu.memory_space<vmem>>) dst(%dma_wait3A_93 : memref<10008x128xf32, #tpu.memory_space<vmem_shared>>)
    %dma_wait3A_94 = arith.constant 0 : i32
    %dma_wait3A_95 = arith.constant 0 : i32
    %dma_wait3A_96 = tpu.memref_slice %arg8[%dma_wait3A_94, %dma_wait3A_95] : memref<64x80xi32, #tpu.memory_space<vmem>> -> memref<1x80xi32, #tpu.memory_space<vmem>>
    %dma_wait3A_97 = tpu.memref_squeeze %dma_wait3A_96 : memref<1x80xi32, #tpu.memory_space<vmem>> -> memref<80xi32, #tpu.memory_space<vmem>>
    %dma_wait3A_98 = arith.constant 0 : i32
    %dma_wait3A_99 = arith.constant 0 : i32
    %dma_wait3A_100 = tpu.memref_slice %arg11[%dma_wait3A_98, %dma_wait3A_99] : memref<10008x128xf32, #tpu.memory_space<vmem_shared>> -> memref<10008x128xf32, #tpu.memory_space<vmem_shared>>
    tpu.wait_indirect_dma semaphore(%arg17 : memref<!tpu.dma_semaphore, #tpu.memory_space<semaphore_mem>>) src(%arg10 : memref<80x128xf32, #tpu.memory_space<vmem>>) dst(%dma_wait3A_100 : memref<10008x128xf32, #tpu.memory_space<vmem_shared>>)
    %dma_start3A_101 = arith.constant 64 : i32
    %dma_start3A_102 = arith.constant 0 : i32
    %dma_start3A_103 = tpu.memref_slice %arg3[%add3A, %dma_start3A_101, %dma_start3A_102] : memref<32x128x80xi32, #tpu.memory_space<hbm>> -> memref<1x64x80xi32, #tpu.memory_space<hbm>>
    %dma_start3A_104 = tpu.memref_squeeze %dma_start3A_103 : memref<1x64x80xi32, #tpu.memory_space<hbm>> -> memref<64x80xi32, #tpu.memory_space<hbm>>
    %dma_start3A_105 = arith.constant 64 : i32
    %dma_start3A_106 = arith.constant 0 : i32
    %dma_start3A_107 = tpu.memref_slice %arg3[%add3A, %dma_start3A_105, %dma_start3A_106] : memref<32x128x80xi32, #tpu.memory_space<hbm>> -> memref<1x64x80xi32, #tpu.memory_space<hbm>>
    %dma_start3A_108 = tpu.memref_squeeze %dma_start3A_107 : memref<1x64x80xi32, #tpu.memory_space<hbm>> -> memref<64x80xi32, #tpu.memory_space<hbm>>
    tpu.enqueue_dma source(%dma_start3A_108 : memref<64x80xi32, #tpu.memory_space<hbm>>) target(%arg8 : memref<64x80xi32, #tpu.memory_space<vmem>>) target_semaphore(%arg18 : memref<!tpu.dma_semaphore, #tpu.memory_space<semaphore_mem>>)
    %dma_wait3A_109 = arith.constant 64 : i32
    %dma_wait3A_110 = arith.constant 0 : i32
    %dma_wait3A_111 = tpu.memref_slice %arg3[%add3A, %dma_wait3A_109, %dma_wait3A_110] : memref<32x128x80xi32, #tpu.memory_space<hbm>> -> memref<1x64x80xi32, #tpu.memory_space<hbm>>
    %dma_wait3A_112 = tpu.memref_squeeze %dma_wait3A_111 : memref<1x64x80xi32, #tpu.memory_space<hbm>> -> memref<64x80xi32, #tpu.memory_space<hbm>>
    %dma_wait3A_113 = arith.constant 64 : i32
    %dma_wait3A_114 = arith.constant 0 : i32
    %dma_wait3A_115 = tpu.memref_slice %arg3[%add3A, %dma_wait3A_113, %dma_wait3A_114] : memref<32x128x80xi32, #tpu.memory_space<hbm>> -> memref<1x64x80xi32, #tpu.memory_space<hbm>>
    %dma_wait3A_116 = tpu.memref_squeeze %dma_wait3A_115 : memref<1x64x80xi32, #tpu.memory_space<hbm>> -> memref<64x80xi32, #tpu.memory_space<hbm>>
    tpu.wait_dma2 semaphore(%arg18 : memref<!tpu.dma_semaphore, #tpu.memory_space<semaphore_mem>>) src(%dma_wait3A_116 : memref<64x80xi32, #tpu.memory_space<hbm>>) dst(%arg8 : memref<64x80xi32, #tpu.memory_space<vmem>>)
    %dma_wait3A_117 = arith.constant 0 : i32
    %dma_wait3A_118 = tpu.memref_slice %arg2[%dma_wait3A_117] : memref<328000xi32, #tpu.memory_space<hbm>> -> memref<80xi32, #tpu.memory_space<hbm>>
    %dma_wait3A_119 = arith.constant 0 : i32
    %dma_wait3A_120 = tpu.memref_slice %arg2[%dma_wait3A_119] : memref<328000xi32, #tpu.memory_space<hbm>> -> memref<80xi32, #tpu.memory_space<hbm>>
    tpu.wait_dma2 semaphore(%arg12 : memref<!tpu.dma_semaphore, #tpu.memory_space<semaphore_mem>>) src(%dma_wait3A_120 : memref<80xi32, #tpu.memory_space<hbm>>) dst(%arg6 : memref<80xi32, #tpu.memory_space<vmem>>)
    %dma_start3A_121 = arith.constant 0 : i32
    %dma_start3A_122 = arith.constant 0 : i32
    %dma_start3A_123 = tpu.memref_slice %arg4[%dma_start3A_121, %dma_start3A_122] : memref<10000x128xf32, #tpu.memory_space<hbm>> -> memref<10000x128xf32, #tpu.memory_space<hbm>>
    tpu.enqueue_indirect_dma source(%dma_start3A_123 : memref<10000x128xf32, #tpu.memory_space<hbm>>) target(%arg9 : memref<80x128xf32, #tpu.memory_space<vmem>>) offsets(%arg6 : memref<80xi32, #tpu.memory_space<vmem>>) semaphore(%arg14 : memref<!tpu.dma_semaphore, #tpu.memory_space<semaphore_mem>>)
    %add3A_124 = arith.constant 5200 : i32
    %add3A_125 = arith.addi %mul3A_2, %add3A_124 : i32
    %multiple_of3A_126 = tpu.assume_multiple %add3A_125, 8 : i32
    %dma_start3A_127 = tpu.memref_slice %arg2[%multiple_of3A_126] : memref<328000xi32, #tpu.memory_space<hbm>> -> memref<80xi32, #tpu.memory_space<hbm>>
    %dma_start3A_128 = tpu.memref_slice %arg2[%multiple_of3A_126] : memref<328000xi32, #tpu.memory_space<hbm>> -> memref<80xi32, #tpu.memory_space<hbm>>
    tpu.enqueue_dma source(%dma_start3A_128 : memref<80xi32, #tpu.memory_space<hbm>>) target(%arg7 : memref<80xi32, #tpu.memory_space<vmem>>) target_semaphore(%arg13 : memref<!tpu.dma_semaphore, #tpu.memory_space<semaphore_mem>>)
    %dma_wait3A_129 = arith.constant 0 : i32
    %dma_wait3A_130 = tpu.memref_slice %arg2[%dma_wait3A_129] : memref<328000xi32, #tpu.memory_space<hbm>> -> memref<80xi32, #tpu.memory_space<hbm>>
    %dma_wait3A_131 = arith.constant 0 : i32
    %dma_wait3A_132 = tpu.memref_slice %arg2[%dma_wait3A_131] : memref<328000xi32, #tpu.memory_space<hbm>> -> memref<80xi32, #tpu.memory_space<hbm>>
    tpu.wait_dma2 semaphore(%arg13 : memref<!tpu.dma_semaphore, #tpu.memory_space<semaphore_mem>>) src(%dma_wait3A_132 : memref<80xi32, #tpu.memory_space<hbm>>) dst(%arg7 : memref<80xi32, #tpu.memory_space<vmem>>)
    %dma_start3A_133 = arith.constant 0 : i32
    %dma_start3A_134 = arith.constant 0 : i32
    %dma_start3A_135 = tpu.memref_slice %arg4[%dma_start3A_133, %dma_start3A_134] : memref<10000x128xf32, #tpu.memory_space<hbm>> -> memref<10000x128xf32, #tpu.memory_space<hbm>>
    tpu.enqueue_indirect_dma source(%dma_start3A_135 : memref<10000x128xf32, #tpu.memory_space<hbm>>) target(%arg10 : memref<80x128xf32, #tpu.memory_space<vmem>>) offsets(%arg7 : memref<80xi32, #tpu.memory_space<vmem>>) semaphore(%arg15 : memref<!tpu.dma_semaphore, #tpu.memory_space<semaphore_mem>>)
    %dma_wait3A_136 = arith.constant 0 : i32
    %dma_wait3A_137 = arith.constant 0 : i32
    %dma_wait3A_138 = tpu.memref_slice %arg4[%dma_wait3A_136, %dma_wait3A_137] : memref<10000x128xf32, #tpu.memory_space<hbm>> -> memref<10000x128xf32, #tpu.memory_space<hbm>>
    tpu.wait_indirect_dma semaphore(%arg14 : memref<!tpu.dma_semaphore, #tpu.memory_space<semaphore_mem>>) src(%dma_wait3A_138 : memref<10000x128xf32, #tpu.memory_space<hbm>>) dst(%arg9 : memref<80x128xf32, #tpu.memory_space<vmem>>)
    %add3A_139 = arith.constant 5280 : i32
    %add3A_140 = arith.addi %mul3A_2, %add3A_139 : i32
    %multiple_of3A_141 = tpu.assume_multiple %add3A_140, 8 : i32
    %dma_start3A_142 = tpu.memref_slice %arg2[%multiple_of3A_141] : memref<328000xi32, #tpu.memory_space<hbm>> -> memref<80xi32, #tpu.memory_space<hbm>>
    %dma_start3A_143 = tpu.memref_slice %arg2[%multiple_of3A_141] : memref<328000xi32, #tpu.memory_space<hbm>> -> memref<80xi32, #tpu.memory_space<hbm>>
    tpu.enqueue_dma source(%dma_start3A_143 : memref<80xi32, #tpu.memory_space<hbm>>) target(%arg6 : memref<80xi32, #tpu.memory_space<vmem>>) target_semaphore(%arg12 : memref<!tpu.dma_semaphore, #tpu.memory_space<semaphore_mem>>)
    %dma_start3A_144 = arith.constant 0 : i32
    %dma_start3A_145 = arith.constant 0 : i32
    %dma_start3A_146 = tpu.memref_slice %arg8[%dma_start3A_144, %dma_start3A_145] : memref<64x80xi32, #tpu.memory_space<vmem>> -> memref<1x80xi32, #tpu.memory_space<vmem>>
    %dma_start3A_147 = tpu.memref_squeeze %dma_start3A_146 : memref<1x80xi32, #tpu.memory_space<vmem>> -> memref<80xi32, #tpu.memory_space<vmem>>
    %dma_start3A_148 = arith.constant 0 : i32
    %dma_start3A_149 = arith.constant 0 : i32
    %dma_start3A_150 = tpu.memref_slice %arg11[%dma_start3A_148, %dma_start3A_149] : memref<10008x128xf32, #tpu.memory_space<vmem_shared>> -> memref<10008x128xf32, #tpu.memory_space<vmem_shared>>
    tpu.enqueue_indirect_dma source(%arg9 : memref<80x128xf32, #tpu.memory_space<vmem>>) target(%dma_start3A_150 : memref<10008x128xf32, #tpu.memory_space<vmem_shared>>) offsets(%dma_start3A_147 : memref<80xi32, #tpu.memory_space<vmem>>) semaphore(%arg16 : memref<!tpu.dma_semaphore, #tpu.memory_space<semaphore_mem>>) {add = true}
    %scan3A_151 = arith.constant 0 : i32
    %scan3A_152 = arith.constant 1 : i32
    %scan3A_153 = arith.constant 31 : i32
    %scan3A_154 = arith.addi %scan3A_152, %scan3A_153 : i32
    %scan3A_155 = arith.constant 1 : i32
    %scan3A_156 = scf.for %scan3A_188 = %scan3A_152 to %scan3A_154 step %scan3A_155 iter_args(%scan3A_189 = %scan3A_151) -> (i32)  : i32 {
      %mul3A_190 = arith.constant 2 : i32
      %mul3A_191 = arith.muli %scan3A_188, %mul3A_190 : i32
      %add3A_192 = arith.constant 0 : i32
      %add3A_193 = arith.addi %mul3A_191, %add3A_192 : i32
      %dma_wait3A_194 = arith.constant 0 : i32
      %dma_wait3A_195 = arith.constant 0 : i32
      %dma_wait3A_196 = tpu.memref_slice %arg8[%dma_wait3A_194, %dma_wait3A_195] : memref<64x80xi32, #tpu.memory_space<vmem>> -> memref<1x80xi32, #tpu.memory_space<vmem>>
      %dma_wait3A_197 = tpu.memref_squeeze %dma_wait3A_196 : memref<1x80xi32, #tpu.memory_space<vmem>> -> memref<80xi32, #tpu.memory_space<vmem>>
      %dma_wait3A_198 = arith.constant 0 : i32
      %dma_wait3A_199 = arith.constant 0 : i32
      %dma_wait3A_200 = tpu.memref_slice %arg11[%dma_wait3A_198, %dma_wait3A_199] : memref<10008x128xf32, #tpu.memory_space<vmem_shared>> -> memref<10008x128xf32, #tpu.memory_space<vmem_shared>>
      tpu.wait_indirect_dma semaphore(%arg16 : memref<!tpu.dma_semaphore, #tpu.memory_space<semaphore_mem>>) src(%arg9 : memref<80x128xf32, #tpu.memory_space<vmem>>) dst(%dma_wait3A_200 : memref<10008x128xf32, #tpu.memory_space<vmem_shared>>)
      %dma_wait3A_201 = arith.constant 0 : i32
      %dma_wait3A_202 = tpu.memref_slice %arg2[%dma_wait3A_201] : memref<328000xi32, #tpu.memory_space<hbm>> -> memref<80xi32, #tpu.memory_space<hbm>>
      %dma_wait3A_203 = arith.constant 0 : i32
      %dma_wait3A_204 = tpu.memref_slice %arg2[%dma_wait3A_203] : memref<328000xi32, #tpu.memory_space<hbm>> -> memref<80xi32, #tpu.memory_space<hbm>>
      tpu.wait_dma2 semaphore(%arg12 : memref<!tpu.dma_semaphore, #tpu.memory_space<semaphore_mem>>) src(%dma_wait3A_204 : memref<80xi32, #tpu.memory_space<hbm>>) dst(%arg6 : memref<80xi32, #tpu.memory_space<vmem>>)
      %add3A_205 = arith.constant 64 : i32
      %add3A_206 = arith.addi %add3A_205, %add3A_193 : i32
      %dma_start3A_207 = arith.constant 0 : i32
      %dma_start3A_208 = arith.constant 0 : i32
      %dma_start3A_209 = tpu.memref_slice %arg4[%dma_start3A_207, %dma_start3A_208] : memref<10000x128xf32, #tpu.memory_space<hbm>> -> memref<10000x128xf32, #tpu.memory_space<hbm>>
      tpu.enqueue_indirect_dma source(%dma_start3A_209 : memref<10000x128xf32, #tpu.memory_space<hbm>>) target(%arg9 : memref<80x128xf32, #tpu.memory_space<vmem>>) offsets(%arg6 : memref<80xi32, #tpu.memory_space<vmem>>) semaphore(%arg14 : memref<!tpu.dma_semaphore, #tpu.memory_space<semaphore_mem>>)
      %dma_wait3A_210 = arith.constant 0 : i32
      %dma_wait3A_211 = arith.constant 0 : i32
      %dma_wait3A_212 = tpu.memref_slice %arg4[%dma_wait3A_210, %dma_wait3A_211] : memref<10000x128xf32, #tpu.memory_space<hbm>> -> memref<10000x128xf32, #tpu.memory_space<hbm>>
      tpu.wait_indirect_dma semaphore(%arg15 : memref<!tpu.dma_semaphore, #tpu.memory_space<semaphore_mem>>) src(%dma_wait3A_212 : memref<10000x128xf32, #tpu.memory_space<hbm>>) dst(%arg10 : memref<80x128xf32, #tpu.memory_space<vmem>>)
      %add3A_213 = arith.constant 64 : i32
      %add3A_214 = arith.addi %add3A_213, %add3A_193 : i32
      %add3A_215 = arith.constant 1 : i32
      %add3A_216 = arith.addi %add3A_214, %add3A_215 : i32
      %lt3A_217 = arith.constant 128 : i32
      %lt3A_218 = arith.cmpi slt, %add3A_216, %lt3A_217 : i32
      %convert_element_type3A_219 = arith.extui %lt3A_218 : i1 to i32
      %cond3A_220 = arith.constant 0 : i32
      %cond3A_221 = arith.cmpi ne, %convert_element_type3A_219, %cond3A_220 : i32
      scf.if %cond3A_221 {
        %add3A_270 = arith.constant 64 : i32
        %add3A_271 = arith.addi %add3A_270, %add3A_193 : i32
        %add3A_272 = arith.constant 1 : i32
        %add3A_273 = arith.addi %add3A_271, %add3A_272 : i32
        %mul3A_274 = arith.constant 80 : i32
        %mul3A_275 = arith.muli %add3A_273, %mul3A_274 : i32
        %add3A_276 = arith.addi %mul3A_2, %mul3A_275 : i32
        %multiple_of3A_277 = tpu.assume_multiple %add3A_276, 8 : i32
        %dma_start3A_278 = tpu.memref_slice %arg2[%multiple_of3A_277] : memref<328000xi32, #tpu.memory_space<hbm>> -> memref<80xi32, #tpu.memory_space<hbm>>
        %dma_start3A_279 = tpu.memref_slice %arg2[%multiple_of3A_277] : memref<328000xi32, #tpu.memory_space<hbm>> -> memref<80xi32, #tpu.memory_space<hbm>>
        tpu.enqueue_dma source(%dma_start3A_279 : memref<80xi32, #tpu.memory_space<hbm>>) target(%arg7 : memref<80xi32, #tpu.memory_space<vmem>>) target_semaphore(%arg13 : memref<!tpu.dma_semaphore, #tpu.memory_space<semaphore_mem>>)
      } else {
      }
      %sub3A = arith.constant 1 : i32
      %sub3A_222 = arith.subi %add3A_193, %sub3A : i32
      %dma_start3A_223 = arith.constant 0 : i32
      %dma_start3A_224 = tpu.memref_slice %arg8[%sub3A_222, %dma_start3A_223] : memref<64x80xi32, #tpu.memory_space<vmem>> -> memref<1x80xi32, #tpu.memory_space<vmem>>
      %dma_start3A_225 = tpu.memref_squeeze %dma_start3A_224 : memref<1x80xi32, #tpu.memory_space<vmem>> -> memref<80xi32, #tpu.memory_space<vmem>>
      %dma_start3A_226 = arith.constant 0 : i32
      %dma_start3A_227 = arith.constant 0 : i32
      %dma_start3A_228 = tpu.memref_slice %arg11[%dma_start3A_226, %dma_start3A_227] : memref<10008x128xf32, #tpu.memory_space<vmem_shared>> -> memref<10008x128xf32, #tpu.memory_space<vmem_shared>>
      tpu.enqueue_indirect_dma source(%arg10 : memref<80x128xf32, #tpu.memory_space<vmem>>) target(%dma_start3A_228 : memref<10008x128xf32, #tpu.memory_space<vmem_shared>>) offsets(%dma_start3A_225 : memref<80xi32, #tpu.memory_space<vmem>>) semaphore(%arg17 : memref<!tpu.dma_semaphore, #tpu.memory_space<semaphore_mem>>) {add = true}
      %mul3A_229 = arith.constant 2 : i32
      %mul3A_230 = arith.muli %scan3A_188, %mul3A_229 : i32
      %add3A_231 = arith.constant 1 : i32
      %add3A_232 = arith.addi %mul3A_230, %add3A_231 : i32
      %dma_wait3A_233 = arith.constant 0 : i32
      %dma_wait3A_234 = arith.constant 0 : i32
      %dma_wait3A_235 = tpu.memref_slice %arg8[%dma_wait3A_233, %dma_wait3A_234] : memref<64x80xi32, #tpu.memory_space<vmem>> -> memref<1x80xi32, #tpu.memory_space<vmem>>
      %dma_wait3A_236 = tpu.memref_squeeze %dma_wait3A_235 : memref<1x80xi32, #tpu.memory_space<vmem>> -> memref<80xi32, #tpu.memory_space<vmem>>
      %dma_wait3A_237 = arith.constant 0 : i32
      %dma_wait3A_238 = arith.constant 0 : i32
      %dma_wait3A_239 = tpu.memref_slice %arg11[%dma_wait3A_237, %dma_wait3A_238] : memref<10008x128xf32, #tpu.memory_space<vmem_shared>> -> memref<10008x128xf32, #tpu.memory_space<vmem_shared>>
      tpu.wait_indirect_dma semaphore(%arg17 : memref<!tpu.dma_semaphore, #tpu.memory_space<semaphore_mem>>) src(%arg10 : memref<80x128xf32, #tpu.memory_space<vmem>>) dst(%dma_wait3A_239 : memref<10008x128xf32, #tpu.memory_space<vmem_shared>>)
      %dma_wait3A_240 = arith.constant 0 : i32
      %dma_wait3A_241 = tpu.memref_slice %arg2[%dma_wait3A_240] : memref<328000xi32, #tpu.memory_space<hbm>> -> memref<80xi32, #tpu.memory_space<hbm>>
      %dma_wait3A_242 = arith.constant 0 : i32
      %dma_wait3A_243 = tpu.memref_slice %arg2[%dma_wait3A_242] : memref<328000xi32, #tpu.memory_space<hbm>> -> memref<80xi32, #tpu.memory_space<hbm>>
      tpu.wait_dma2 semaphore(%arg13 : memref<!tpu.dma_semaphore, #tpu.memory_space<semaphore_mem>>) src(%dma_wait3A_243 : memref<80xi32, #tpu.memory_space<hbm>>) dst(%arg7 : memref<80xi32, #tpu.memory_space<vmem>>)
      %add3A_244 = arith.constant 64 : i32
      %add3A_245 = arith.addi %add3A_244, %add3A_232 : i32
      %dma_start3A_246 = arith.constant 0 : i32
      %dma_start3A_247 = arith.constant 0 : i32
      %dma_start3A_248 = tpu.memref_slice %arg4[%dma_start3A_246, %dma_start3A_247] : memref<10000x128xf32, #tpu.memory_space<hbm>> -> memref<10000x128xf32, #tpu.memory_space<hbm>>
      tpu.enqueue_indirect_dma source(%dma_start3A_248 : memref<10000x128xf32, #tpu.memory_space<hbm>>) target(%arg10 : memref<80x128xf32, #tpu.memory_space<vmem>>) offsets(%arg7 : memref<80xi32, #tpu.memory_space<vmem>>) semaphore(%arg15 : memref<!tpu.dma_semaphore, #tpu.memory_space<semaphore_mem>>)
      %dma_wait3A_249 = arith.constant 0 : i32
      %dma_wait3A_250 = arith.constant 0 : i32
      %dma_wait3A_251 = tpu.memref_slice %arg4[%dma_wait3A_249, %dma_wait3A_250] : memref<10000x128xf32, #tpu.memory_space<hbm>> -> memref<10000x128xf32, #tpu.memory_space<hbm>>
      tpu.wait_indirect_dma semaphore(%arg14 : memref<!tpu.dma_semaphore, #tpu.memory_space<semaphore_mem>>) src(%dma_wait3A_251 : memref<10000x128xf32, #tpu.memory_space<hbm>>) dst(%arg9 : memref<80x128xf32, #tpu.memory_space<vmem>>)
      %add3A_252 = arith.constant 64 : i32
      %add3A_253 = arith.addi %add3A_252, %add3A_232 : i32
      %add3A_254 = arith.constant 1 : i32
      %add3A_255 = arith.addi %add3A_253, %add3A_254 : i32
      %lt3A_256 = arith.constant 128 : i32
      %lt3A_257 = arith.cmpi slt, %add3A_255, %lt3A_256 : i32
      %convert_element_type3A_258 = arith.extui %lt3A_257 : i1 to i32
      %cond3A_259 = arith.constant 0 : i32
      %cond3A_260 = arith.cmpi ne, %convert_element_type3A_258, %cond3A_259 : i32
      scf.if %cond3A_260 {
        %add3A_270 = arith.constant 64 : i32
        %add3A_271 = arith.addi %add3A_270, %add3A_232 : i32
        %add3A_272 = arith.constant 1 : i32
        %add3A_273 = arith.addi %add3A_271, %add3A_272 : i32
        %mul3A_274 = arith.constant 80 : i32
        %mul3A_275 = arith.muli %add3A_273, %mul3A_274 : i32
        %add3A_276 = arith.addi %mul3A_2, %mul3A_275 : i32
        %multiple_of3A_277 = tpu.assume_multiple %add3A_276, 8 : i32
        %dma_start3A_278 = tpu.memref_slice %arg2[%multiple_of3A_277] : memref<328000xi32, #tpu.memory_space<hbm>> -> memref<80xi32, #tpu.memory_space<hbm>>
        %dma_start3A_279 = tpu.memref_slice %arg2[%multiple_of3A_277] : memref<328000xi32, #tpu.memory_space<hbm>> -> memref<80xi32, #tpu.memory_space<hbm>>
        tpu.enqueue_dma source(%dma_start3A_279 : memref<80xi32, #tpu.memory_space<hbm>>) target(%arg6 : memref<80xi32, #tpu.memory_space<vmem>>) target_semaphore(%arg12 : memref<!tpu.dma_semaphore, #tpu.memory_space<semaphore_mem>>)
      } else {
      }
      %sub3A_261 = arith.constant 1 : i32
      %sub3A_262 = arith.subi %add3A_232, %sub3A_261 : i32
      %dma_start3A_263 = arith.constant 0 : i32
      %dma_start3A_264 = tpu.memref_slice %arg8[%sub3A_262, %dma_start3A_263] : memref<64x80xi32, #tpu.memory_space<vmem>> -> memref<1x80xi32, #tpu.memory_space<vmem>>
      %dma_start3A_265 = tpu.memref_squeeze %dma_start3A_264 : memref<1x80xi32, #tpu.memory_space<vmem>> -> memref<80xi32, #tpu.memory_space<vmem>>
      %dma_start3A_266 = arith.constant 0 : i32
      %dma_start3A_267 = arith.constant 0 : i32
      %dma_start3A_268 = tpu.memref_slice %arg11[%dma_start3A_266, %dma_start3A_267] : memref<10008x128xf32, #tpu.memory_space<vmem_shared>> -> memref<10008x128xf32, #tpu.memory_space<vmem_shared>>
      tpu.enqueue_indirect_dma source(%arg9 : memref<80x128xf32, #tpu.memory_space<vmem>>) target(%dma_start3A_268 : memref<10008x128xf32, #tpu.memory_space<vmem_shared>>) offsets(%dma_start3A_265 : memref<80xi32, #tpu.memory_space<vmem>>) semaphore(%arg16 : memref<!tpu.dma_semaphore, #tpu.memory_space<semaphore_mem>>) {add = true}
      %scan3A_269 = arith.constant 0 : i32
      scf.yield %scan3A_269 : i32
    }
    %scan3A_157 = arith.constant 31 : i32
    %dma_wait3A_158 = arith.constant 0 : i32
    %dma_wait3A_159 = arith.constant 0 : i32
    %dma_wait3A_160 = tpu.memref_slice %arg4[%dma_wait3A_158, %dma_wait3A_159] : memref<10000x128xf32, #tpu.memory_space<hbm>> -> memref<10000x128xf32, #tpu.memory_space<hbm>>
    tpu.wait_indirect_dma semaphore(%arg15 : memref<!tpu.dma_semaphore, #tpu.memory_space<semaphore_mem>>) src(%dma_wait3A_160 : memref<10000x128xf32, #tpu.memory_space<hbm>>) dst(%arg10 : memref<80x128xf32, #tpu.memory_space<vmem>>)
    %dma_start3A_161 = arith.constant 63 : i32
    %dma_start3A_162 = arith.constant 0 : i32
    %dma_start3A_163 = tpu.memref_slice %arg8[%dma_start3A_161, %dma_start3A_162] : memref<64x80xi32, #tpu.memory_space<vmem>> -> memref<1x80xi32, #tpu.memory_space<vmem>>
    %dma_start3A_164 = tpu.memref_squeeze %dma_start3A_163 : memref<1x80xi32, #tpu.memory_space<vmem>> -> memref<80xi32, #tpu.memory_space<vmem>>
    %dma_start3A_165 = arith.constant 0 : i32
    %dma_start3A_166 = arith.constant 0 : i32
    %dma_start3A_167 = tpu.memref_slice %arg11[%dma_start3A_165, %dma_start3A_166] : memref<10008x128xf32, #tpu.memory_space<vmem_shared>> -> memref<10008x128xf32, #tpu.memory_space<vmem_shared>>
    tpu.enqueue_indirect_dma source(%arg10 : memref<80x128xf32, #tpu.memory_space<vmem>>) target(%dma_start3A_167 : memref<10008x128xf32, #tpu.memory_space<vmem_shared>>) offsets(%dma_start3A_164 : memref<80xi32, #tpu.memory_space<vmem>>) semaphore(%arg17 : memref<!tpu.dma_semaphore, #tpu.memory_space<semaphore_mem>>) {add = true}
    %dma_wait3A_168 = arith.constant 0 : i32
    %dma_wait3A_169 = arith.constant 0 : i32
    %dma_wait3A_170 = tpu.memref_slice %arg8[%dma_wait3A_168, %dma_wait3A_169] : memref<64x80xi32, #tpu.memory_space<vmem>> -> memref<1x80xi32, #tpu.memory_space<vmem>>
    %dma_wait3A_171 = tpu.memref_squeeze %dma_wait3A_170 : memref<1x80xi32, #tpu.memory_space<vmem>> -> memref<80xi32, #tpu.memory_space<vmem>>
    %dma_wait3A_172 = arith.constant 0 : i32
    %dma_wait3A_173 = arith.constant 0 : i32
    %dma_wait3A_174 = tpu.memref_slice %arg11[%dma_wait3A_172, %dma_wait3A_173] : memref<10008x128xf32, #tpu.memory_space<vmem_shared>> -> memref<10008x128xf32, #tpu.memory_space<vmem_shared>>
    tpu.wait_indirect_dma semaphore(%arg16 : memref<!tpu.dma_semaphore, #tpu.memory_space<semaphore_mem>>) src(%arg9 : memref<80x128xf32, #tpu.memory_space<vmem>>) dst(%dma_wait3A_174 : memref<10008x128xf32, #tpu.memory_space<vmem_shared>>)
    %dma_wait3A_175 = arith.constant 0 : i32
    %dma_wait3A_176 = arith.constant 0 : i32
    %dma_wait3A_177 = tpu.memref_slice %arg8[%dma_wait3A_175, %dma_wait3A_176] : memref<64x80xi32, #tpu.memory_space<vmem>> -> memref<1x80xi32, #tpu.memory_space<vmem>>
    %dma_wait3A_178 = tpu.memref_squeeze %dma_wait3A_177 : memref<1x80xi32, #tpu.memory_space<vmem>> -> memref<80xi32, #tpu.memory_space<vmem>>
    %dma_wait3A_179 = arith.constant 0 : i32
    %dma_wait3A_180 = arith.constant 0 : i32
    %dma_wait3A_181 = tpu.memref_slice %arg11[%dma_wait3A_179, %dma_wait3A_180] : memref<10008x128xf32, #tpu.memory_space<vmem_shared>> -> memref<10008x128xf32, #tpu.memory_space<vmem_shared>>
    tpu.wait_indirect_dma semaphore(%arg17 : memref<!tpu.dma_semaphore, #tpu.memory_space<semaphore_mem>>) src(%arg10 : memref<80x128xf32, #tpu.memory_space<vmem>>) dst(%dma_wait3A_181 : memref<10008x128xf32, #tpu.memory_space<vmem_shared>>)
    %barrier3A_182 = arith.constant 0 : index
    tpu.barrier barrier_id(%barrier3A_182)
    %lt3A_183 = arith.constant 10 : i32
    %lt3A_184 = arith.cmpi slt, %arg1, %lt3A_183 : i32
    %convert_element_type3A_185 = arith.extui %lt3A_184 : i1 to i32
    %cond3A_186 = arith.constant 0 : i32
    %cond3A_187 = arith.cmpi ne, %convert_element_type3A_185, %cond3A_186 : i32
    scf.if %cond3A_187 {
      %mul3A_188 = arith.constant 1000 : i32
      %mul3A_189 = arith.muli %arg1, %mul3A_188 : i32
      %add3A_190 = arith.constant 0 : i32
      %add3A_191 = arith.addi %mul3A_189, %add3A_190 : i32
      %dma_start3A_192 = arith.constant 0 : i32
      %dma_start3A_193 = tpu.memref_slice %arg5[%arg0, %add3A_191, %dma_start3A_192] : memref<2x10000x128xf32, #tpu.memory_space<hbm>> -> memref<1x200x128xf32, #tpu.memory_space<hbm>>
      %dma_start3A_194 = tpu.memref_squeeze %dma_start3A_193 : memref<1x200x128xf32, #tpu.memory_space<hbm>> -> memref<200x128xf32, #tpu.memory_space<hbm>>
      %dma_start3A_195 = arith.constant 0 : i32
      %dma_start3A_196 = tpu.memref_slice %arg11[%add3A_191, %dma_start3A_195] : memref<10008x128xf32, #tpu.memory_space<vmem_shared>> -> memref<200x128xf32, #tpu.memory_space<vmem_shared>>
      tpu.enqueue_dma source(%dma_start3A_196 : memref<200x128xf32, #tpu.memory_space<vmem_shared>>) target(%dma_start3A_194 : memref<200x128xf32, #tpu.memory_space<hbm>>) target_semaphore(%arg17 : memref<!tpu.dma_semaphore, #tpu.memory_space<semaphore_mem>>)
      %mul3A_197 = arith.constant 1000 : i32
      %mul3A_198 = arith.muli %arg1, %mul3A_197 : i32
      %add3A_199 = arith.constant 200 : i32
      %add3A_200 = arith.addi %mul3A_198, %add3A_199 : i32
      %dma_start3A_201 = arith.constant 0 : i32
      %dma_start3A_202 = tpu.memref_slice %arg5[%arg0, %add3A_200, %dma_start3A_201] : memref<2x10000x128xf32, #tpu.memory_space<hbm>> -> memref<1x200x128xf32, #tpu.memory_space<hbm>>
      %dma_start3A_203 = tpu.memref_squeeze %dma_start3A_202 : memref<1x200x128xf32, #tpu.memory_space<hbm>> -> memref<200x128xf32, #tpu.memory_space<hbm>>
      %dma_start3A_204 = arith.constant 0 : i32
      %dma_start3A_205 = tpu.memref_slice %arg11[%add3A_200, %dma_start3A_204] : memref<10008x128xf32, #tpu.memory_space<vmem_shared>> -> memref<200x128xf32, #tpu.memory_space<vmem_shared>>
      tpu.enqueue_dma source(%dma_start3A_205 : memref<200x128xf32, #tpu.memory_space<vmem_shared>>) target(%dma_start3A_203 : memref<200x128xf32, #tpu.memory_space<hbm>>) target_semaphore(%arg17 : memref<!tpu.dma_semaphore, #tpu.memory_space<semaphore_mem>>)
      %mul3A_206 = arith.constant 1000 : i32
      %mul3A_207 = arith.muli %arg1, %mul3A_206 : i32
      %add3A_208 = arith.constant 400 : i32
      %add3A_209 = arith.addi %mul3A_207, %add3A_208 : i32
      %dma_start3A_210 = arith.constant 0 : i32
      %dma_start3A_211 = tpu.memref_slice %arg5[%arg0, %add3A_209, %dma_start3A_210] : memref<2x10000x128xf32, #tpu.memory_space<hbm>> -> memref<1x200x128xf32, #tpu.memory_space<hbm>>
      %dma_start3A_212 = tpu.memref_squeeze %dma_start3A_211 : memref<1x200x128xf32, #tpu.memory_space<hbm>> -> memref<200x128xf32, #tpu.memory_space<hbm>>
      %dma_start3A_213 = arith.constant 0 : i32
      %dma_start3A_214 = tpu.memref_slice %arg11[%add3A_209, %dma_start3A_213] : memref<10008x128xf32, #tpu.memory_space<vmem_shared>> -> memref<200x128xf32, #tpu.memory_space<vmem_shared>>
      tpu.enqueue_dma source(%dma_start3A_214 : memref<200x128xf32, #tpu.memory_space<vmem_shared>>) target(%dma_start3A_212 : memref<200x128xf32, #tpu.memory_space<hbm>>) target_semaphore(%arg17 : memref<!tpu.dma_semaphore, #tpu.memory_space<semaphore_mem>>)
      %mul3A_215 = arith.constant 1000 : i32
      %mul3A_216 = arith.muli %arg1, %mul3A_215 : i32
      %add3A_217 = arith.constant 600 : i32
      %add3A_218 = arith.addi %mul3A_216, %add3A_217 : i32
      %dma_start3A_219 = arith.constant 0 : i32
      %dma_start3A_220 = tpu.memref_slice %arg5[%arg0, %add3A_218, %dma_start3A_219] : memref<2x10000x128xf32, #tpu.memory_space<hbm>> -> memref<1x200x128xf32, #tpu.memory_space<hbm>>
      %dma_start3A_221 = tpu.memref_squeeze %dma_start3A_220 : memref<1x200x128xf32, #tpu.memory_space<hbm>> -> memref<200x128xf32, #tpu.memory_space<hbm>>
      %dma_start3A_222 = arith.constant 0 : i32
      %dma_start3A_223 = tpu.memref_slice %arg11[%add3A_218, %dma_start3A_222] : memref<10008x128xf32, #tpu.memory_space<vmem_shared>> -> memref<200x128xf32, #tpu.memory_space<vmem_shared>>
      tpu.enqueue_dma source(%dma_start3A_223 : memref<200x128xf32, #tpu.memory_space<vmem_shared>>) target(%dma_start3A_221 : memref<200x128xf32, #tpu.memory_space<hbm>>) target_semaphore(%arg17 : memref<!tpu.dma_semaphore, #tpu.memory_space<semaphore_mem>>)
      %mul3A_224 = arith.constant 1000 : i32
      %mul3A_225 = arith.muli %arg1, %mul3A_224 : i32
      %add3A_226 = arith.constant 800 : i32
      %add3A_227 = arith.addi %mul3A_225, %add3A_226 : i32
      %dma_start3A_228 = arith.constant 0 : i32
      %dma_start3A_229 = tpu.memref_slice %arg5[%arg0, %add3A_227, %dma_start3A_228] : memref<2x10000x128xf32, #tpu.memory_space<hbm>> -> memref<1x200x128xf32, #tpu.memory_space<hbm>>
      %dma_start3A_230 = tpu.memref_squeeze %dma_start3A_229 : memref<1x200x128xf32, #tpu.memory_space<hbm>> -> memref<200x128xf32, #tpu.memory_space<hbm>>
      %dma_start3A_231 = arith.constant 0 : i32
      %dma_start3A_232 = tpu.memref_slice %arg11[%add3A_227, %dma_start3A_231] : memref<10008x128xf32, #tpu.memory_space<vmem_shared>> -> memref<200x128xf32, #tpu.memory_space<vmem_shared>>
      tpu.enqueue_dma source(%dma_start3A_232 : memref<200x128xf32, #tpu.memory_space<vmem_shared>>) target(%dma_start3A_230 : memref<200x128xf32, #tpu.memory_space<hbm>>) target_semaphore(%arg17 : memref<!tpu.dma_semaphore, #tpu.memory_space<semaphore_mem>>)
      %dma_wait3A_233 = arith.constant 0 : i32
      %dma_wait3A_234 = tpu.memref_slice %arg5[%arg0, %add3A_191, %dma_wait3A_233] : memref<2x10000x128xf32, #tpu.memory_space<hbm>> -> memref<1x200x128xf32, #tpu.memory_space<hbm>>
      %dma_wait3A_235 = tpu.memref_squeeze %dma_wait3A_234 : memref<1x200x128xf32, #tpu.memory_space<hbm>> -> memref<200x128xf32, #tpu.memory_space<hbm>>
      %dma_wait3A_236 = arith.constant 0 : i32
      %dma_wait3A_237 = tpu.memref_slice %arg11[%add3A_191, %dma_wait3A_236] : memref<10008x128xf32, #tpu.memory_space<vmem_shared>> -> memref<200x128xf32, #tpu.memory_space<vmem_shared>>
      tpu.wait_dma2 semaphore(%arg17 : memref<!tpu.dma_semaphore, #tpu.memory_space<semaphore_mem>>) src(%dma_wait3A_237 : memref<200x128xf32, #tpu.memory_space<vmem_shared>>) dst(%dma_wait3A_235 : memref<200x128xf32, #tpu.memory_space<hbm>>)
      %dma_wait3A_238 = arith.constant 0 : i32
      %dma_wait3A_239 = tpu.memref_slice %arg5[%arg0, %add3A_200, %dma_wait3A_238] : memref<2x10000x128xf32, #tpu.memory_space<hbm>> -> memref<1x200x128xf32, #tpu.memory_space<hbm>>
      %dma_wait3A_240 = tpu.memref_squeeze %dma_wait3A_239 : memref<1x200x128xf32, #tpu.memory_space<hbm>> -> memref<200x128xf32, #tpu.memory_space<hbm>>
      %dma_wait3A_241 = arith.constant 0 : i32
      %dma_wait3A_242 = tpu.memref_slice %arg11[%add3A_200, %dma_wait3A_241] : memref<10008x128xf32, #tpu.memory_space<vmem_shared>> -> memref<200x128xf32, #tpu.memory_space<vmem_shared>>
      tpu.wait_dma2 semaphore(%arg17 : memref<!tpu.dma_semaphore, #tpu.memory_space<semaphore_mem>>) src(%dma_wait3A_242 : memref<200x128xf32, #tpu.memory_space<vmem_shared>>) dst(%dma_wait3A_240 : memref<200x128xf32, #tpu.memory_space<hbm>>)
      %dma_wait3A_243 = arith.constant 0 : i32
      %dma_wait3A_244 = tpu.memref_slice %arg5[%arg0, %add3A_209, %dma_wait3A_243] : memref<2x10000x128xf32, #tpu.memory_space<hbm>> -> memref<1x200x128xf32, #tpu.memory_space<hbm>>
      %dma_wait3A_245 = tpu.memref_squeeze %dma_wait3A_244 : memref<1x200x128xf32, #tpu.memory_space<hbm>> -> memref<200x128xf32, #tpu.memory_space<hbm>>
      %dma_wait3A_246 = arith.constant 0 : i32
      %dma_wait3A_247 = tpu.memref_slice %arg11[%add3A_209, %dma_wait3A_246] : memref<10008x128xf32, #tpu.memory_space<vmem_shared>> -> memref<200x128xf32, #tpu.memory_space<vmem_shared>>
      tpu.wait_dma2 semaphore(%arg17 : memref<!tpu.dma_semaphore, #tpu.memory_space<semaphore_mem>>) src(%dma_wait3A_247 : memref<200x128xf32, #tpu.memory_space<vmem_shared>>) dst(%dma_wait3A_245 : memref<200x128xf32, #tpu.memory_space<hbm>>)
      %dma_wait3A_248 = arith.constant 0 : i32
      %dma_wait3A_249 = tpu.memref_slice %arg5[%arg0, %add3A_218, %dma_wait3A_248] : memref<2x10000x128xf32, #tpu.memory_space<hbm>> -> memref<1x200x128xf32, #tpu.memory_space<hbm>>
      %dma_wait3A_250 = tpu.memref_squeeze %dma_wait3A_249 : memref<1x200x128xf32, #tpu.memory_space<hbm>> -> memref<200x128xf32, #tpu.memory_space<hbm>>
      %dma_wait3A_251 = arith.constant 0 : i32
      %dma_wait3A_252 = tpu.memref_slice %arg11[%add3A_218, %dma_wait3A_251] : memref<10008x128xf32, #tpu.memory_space<vmem_shared>> -> memref<200x128xf32, #tpu.memory_space<vmem_shared>>
      tpu.wait_dma2 semaphore(%arg17 : memref<!tpu.dma_semaphore, #tpu.memory_space<semaphore_mem>>) src(%dma_wait3A_252 : memref<200x128xf32, #tpu.memory_space<vmem_shared>>) dst(%dma_wait3A_250 : memref<200x128xf32, #tpu.memory_space<hbm>>)
      %dma_wait3A_253 = arith.constant 0 : i32
      %dma_wait3A_254 = tpu.memref_slice %arg5[%arg0, %add3A_227, %dma_wait3A_253] : memref<2x10000x128xf32, #tpu.memory_space<hbm>> -> memref<1x200x128xf32, #tpu.memory_space<hbm>>
      %dma_wait3A_255 = tpu.memref_squeeze %dma_wait3A_254 : memref<1x200x128xf32, #tpu.memory_space<hbm>> -> memref<200x128xf32, #tpu.memory_space<hbm>>
      %dma_wait3A_256 = arith.constant 0 : i32
      %dma_wait3A_257 = tpu.memref_slice %arg11[%add3A_227, %dma_wait3A_256] : memref<10008x128xf32, #tpu.memory_space<vmem_shared>> -> memref<200x128xf32, #tpu.memory_space<vmem_shared>>
      tpu.wait_dma2 semaphore(%arg17 : memref<!tpu.dma_semaphore, #tpu.memory_space<semaphore_mem>>) src(%dma_wait3A_257 : memref<200x128xf32, #tpu.memory_space<vmem_shared>>) dst(%dma_wait3A_255 : memref<200x128xf32, #tpu.memory_space<hbm>>)
    } else {
    }
    return
  }
}

#map = affine_map<(d0, d1) -> (0, 0, 0)>
module attributes {stable_mosaic.version = 14 : i64} {
  func.func @sc_sage_cnt(%arg0: i32, %arg1: i32, %arg2: memref<32x128x80xi32, #tpu.memory_space<hbm>>, %arg3: memref<2x10000x128xf32, #tpu.memory_space<hbm>>, %arg4: memref<128x80xi32, #tpu.memory_space<vmem>>, %arg5: memref<80x128xf32, #tpu.memory_space<vmem>>, %arg6: memref<10008x128xf32, #tpu.memory_space<vmem_shared>>, %arg7: memref<!tpu.dma_semaphore, #tpu.memory_space<semaphore_mem>>, %arg8: memref<!tpu.dma_semaphore, #tpu.memory_space<semaphore_mem>>, %arg9: memref<!tpu.dma_semaphore, #tpu.memory_space<semaphore_mem>>) attributes {dimension_semantics = [#tpu.dimension_semantics<core_parallel>, #tpu.dimension_semantics<subcore_parallel>], iteration_bounds = array<i64: 2, 16>, scalar_prefetch = 0 : i64, scratch_operands = 6 : i64, tpu.core_type = #tpu.core_type<sc_vector_subcore>, window_params = [{transform_indices = #map}, {transform_indices = #map}]} {
    %mul3A = arith.constant 2 : i32
    %mul3A_0 = arith.muli %arg1, %mul3A : i32
    %add3A = arith.addi %mul3A_0, %arg0 : i32
    %dma_start3A = arith.constant 0 : i32
    %dma_start3A_1 = arith.constant 0 : i32
    %dma_start3A_2 = tpu.memref_slice %arg2[%add3A, %dma_start3A, %dma_start3A_1] : memref<32x128x80xi32, #tpu.memory_space<hbm>> -> memref<1x128x80xi32, #tpu.memory_space<hbm>>
    %dma_start3A_3 = tpu.memref_squeeze %dma_start3A_2 : memref<1x128x80xi32, #tpu.memory_space<hbm>> -> memref<128x80xi32, #tpu.memory_space<hbm>>
    %dma_start3A_4 = arith.constant 0 : i32
    %dma_start3A_5 = arith.constant 0 : i32
    %dma_start3A_6 = tpu.memref_slice %arg2[%add3A, %dma_start3A_4, %dma_start3A_5] : memref<32x128x80xi32, #tpu.memory_space<hbm>> -> memref<1x128x80xi32, #tpu.memory_space<hbm>>
    %dma_start3A_7 = tpu.memref_squeeze %dma_start3A_6 : memref<1x128x80xi32, #tpu.memory_space<hbm>> -> memref<128x80xi32, #tpu.memory_space<hbm>>
    tpu.enqueue_dma source(%dma_start3A_7 : memref<128x80xi32, #tpu.memory_space<hbm>>) target(%arg4 : memref<128x80xi32, #tpu.memory_space<vmem>>) target_semaphore(%arg9 : memref<!tpu.dma_semaphore, #tpu.memory_space<semaphore_mem>>)
    %broadcast_in_dim3A = arith.constant 0.000000e+00 : f32
    %broadcast_in_dim3A_8 = vector.broadcast %broadcast_in_dim3A : f32 to vector<16xf32>
    %scan3A = arith.constant 0 : i32
    %scan3A_9 = arith.constant 0 : i32
    %scan3A_10 = arith.constant 640 : i32
    %scan3A_11 = arith.addi %scan3A_9, %scan3A_10 : i32
    %scan3A_12 = arith.constant 1 : i32
    %scan3A_13 = scf.for %scan3A_78 = %scan3A_9 to %scan3A_11 step %scan3A_12 iter_args(%scan3A_79 = %scan3A) -> (i32)  : i32 {
      %jit3A = arith.constant 8 : i32
      %div3A = arith.divsi %scan3A_78, %jit3A : i32
      %sign3A = arith.constant 0 : i32
      %sign3A_80 = arith.cmpi sgt, %scan3A_78, %sign3A : i32
      %sign3A_81 = arith.extui %sign3A_80 : i1 to i32
      %sign3A_82 = arith.constant 0 : i32
      %sign3A_83 = arith.cmpi slt, %scan3A_78, %sign3A_82 : i32
      %sign3A_84 = arith.extui %sign3A_83 : i1 to i32
      %sign3A_85 = arith.subi %sign3A_81, %sign3A_84 : i32
      %sign3A_86 = arith.constant 0 : i32
      %sign3A_87 = arith.cmpi sgt, %jit3A, %sign3A_86 : i32
      %sign3A_88 = arith.extui %sign3A_87 : i1 to i32
      %sign3A_89 = arith.constant 0 : i32
      %sign3A_90 = arith.cmpi slt, %jit3A, %sign3A_89 : i32
      %sign3A_91 = arith.extui %sign3A_90 : i1 to i32
      %sign3A_92 = arith.subi %sign3A_88, %sign3A_91 : i32
      %ne3A = arith.cmpi ne, %sign3A_85, %sign3A_92 : i32
      %rem3A = arith.remsi %scan3A_78, %jit3A : i32
      %ne3A_93 = arith.constant 0 : i32
      %ne3A_94 = arith.cmpi ne, %rem3A, %ne3A_93 : i32
      %and3A = arith.andi %ne3A, %ne3A_94 : i1
      %sub3A = arith.constant 1 : i32
      %sub3A_95 = arith.subi %div3A, %sub3A : i32
      %select_n3A = arith.select %and3A, %sub3A_95, %div3A : i32
      %jit3A_96 = arith.constant 8 : i32
      %eq3A_97 = arith.constant 0 : i32
      %eq3A_98 = arith.cmpi eq, %jit3A_96, %eq3A_97 : i32
      %jit3A_99 = arith.constant 1 : i32
      %select_n3A_100 = arith.select %eq3A_98, %jit3A_99, %jit3A_96 : i32
      %rem3A_101 = arith.remsi %scan3A_78, %select_n3A_100 : i32
      %ne3A_102 = arith.constant 0 : i32
      %ne3A_103 = arith.cmpi ne, %rem3A_101, %ne3A_102 : i32
      %lt3A_104 = arith.constant 0 : i32
      %lt3A_105 = arith.cmpi slt, %rem3A_101, %lt3A_104 : i32
      %lt3A_106 = arith.constant 0 : i32
      %lt3A_107 = arith.cmpi slt, %select_n3A_100, %lt3A_106 : i32
      %ne3A_108 = arith.xori %lt3A_105, %lt3A_107 : i1
      %and3A_109 = arith.andi %ne3A_108, %ne3A_103 : i1
      %add3A_110 = arith.addi %rem3A_101, %select_n3A_100 : i32
      %select_n3A_111 = arith.select %and3A_109, %add3A_110, %rem3A_101 : i32
      %mul3A_112 = arith.constant 16 : i32
      %mul3A_113 = arith.muli %select_n3A_111, %mul3A_112 : i32
      %swap3A = arith.index_cast %select_n3A : i32 to index
      %swap3A_114 = arith.index_cast %mul3A_113 : i32 to index
      %swap3A_115 = tpu.vector_load %arg5[%swap3A, %swap3A_114] {strides = array<i32>} : memref<80x128xf32, #tpu.memory_space<vmem>>, vector<1x16xf32>,
      %swap3A_116 = vector.shape_cast %swap3A_115 : vector<1x16xf32> to vector<16xf32>
      %swap3A_117 = vector.shape_cast %broadcast_in_dim3A_8 : vector<16xf32> to vector<1x16xf32>
      tpu.vector_store %arg5[%swap3A, %swap3A_114], %swap3A_117 {strides = array<i32>} : memref<80x128xf32, #tpu.memory_space<vmem>>, vector<1x16xf32>,
      %scan3A_118 = arith.constant 0 : i32
      scf.yield %scan3A_118 : i32
    }
    %scan3A_14 = arith.constant 640 : i32
    %lt3A = arith.constant 10 : i32
    %lt3A_15 = arith.cmpi slt, %arg1, %lt3A : i32
    %convert_element_type3A = arith.extui %lt3A_15 : i1 to i32
    %cond3A = arith.constant 0 : i32
    %cond3A_16 = arith.cmpi ne, %convert_element_type3A, %cond3A : i32
    scf.if %cond3A_16 {
      %mul3A_78 = arith.constant 1000 : i32
      %mul3A_79 = arith.muli %arg1, %mul3A_78 : i32
      %add3A_80 = arith.constant 0 : i32
      %add3A_81 = arith.addi %mul3A_79, %add3A_80 : i32
      %dma_start3A_82 = arith.constant 0 : i32
      %dma_start3A_83 = tpu.memref_slice %arg6[%add3A_81, %dma_start3A_82] : memref<10008x128xf32, #tpu.memory_space<vmem_shared>> -> memref<80x128xf32, #tpu.memory_space<vmem_shared>>
      %dma_start3A_84 = arith.constant 0 : i32
      %dma_start3A_85 = tpu.memref_slice %arg6[%add3A_81, %dma_start3A_84] : memref<10008x128xf32, #tpu.memory_space<vmem_shared>> -> memref<80x128xf32, #tpu.memory_space<vmem_shared>>
      tpu.enqueue_dma source(%arg5 : memref<80x128xf32, #tpu.memory_space<vmem>>) target(%dma_start3A_85 : memref<80x128xf32, #tpu.memory_space<vmem_shared>>) target_semaphore(%arg7 : memref<!tpu.dma_semaphore, #tpu.memory_space<semaphore_mem>>)
      %mul3A_86 = arith.constant 1000 : i32
      %mul3A_87 = arith.muli %arg1, %mul3A_86 : i32
      %add3A_88 = arith.constant 80 : i32
      %add3A_89 = arith.addi %mul3A_87, %add3A_88 : i32
      %dma_start3A_90 = arith.constant 0 : i32
      %dma_start3A_91 = tpu.memref_slice %arg6[%add3A_89, %dma_start3A_90] : memref<10008x128xf32, #tpu.memory_space<vmem_shared>> -> memref<80x128xf32, #tpu.memory_space<vmem_shared>>
      %dma_start3A_92 = arith.constant 0 : i32
      %dma_start3A_93 = tpu.memref_slice %arg6[%add3A_89, %dma_start3A_92] : memref<10008x128xf32, #tpu.memory_space<vmem_shared>> -> memref<80x128xf32, #tpu.memory_space<vmem_shared>>
      tpu.enqueue_dma source(%arg5 : memref<80x128xf32, #tpu.memory_space<vmem>>) target(%dma_start3A_93 : memref<80x128xf32, #tpu.memory_space<vmem_shared>>) target_semaphore(%arg7 : memref<!tpu.dma_semaphore, #tpu.memory_space<semaphore_mem>>)
      %mul3A_94 = arith.constant 1000 : i32
      %mul3A_95 = arith.muli %arg1, %mul3A_94 : i32
      %add3A_96 = arith.constant 160 : i32
      %add3A_97 = arith.addi %mul3A_95, %add3A_96 : i32
      %dma_start3A_98 = arith.constant 0 : i32
      %dma_start3A_99 = tpu.memref_slice %arg6[%add3A_97, %dma_start3A_98] : memref<10008x128xf32, #tpu.memory_space<vmem_shared>> -> memref<80x128xf32, #tpu.memory_space<vmem_shared>>
      %dma_start3A_100 = arith.constant 0 : i32
      %dma_start3A_101 = tpu.memref_slice %arg6[%add3A_97, %dma_start3A_100] : memref<10008x128xf32, #tpu.memory_space<vmem_shared>> -> memref<80x128xf32, #tpu.memory_space<vmem_shared>>
      tpu.enqueue_dma source(%arg5 : memref<80x128xf32, #tpu.memory_space<vmem>>) target(%dma_start3A_101 : memref<80x128xf32, #tpu.memory_space<vmem_shared>>) target_semaphore(%arg7 : memref<!tpu.dma_semaphore, #tpu.memory_space<semaphore_mem>>)
      %mul3A_102 = arith.constant 1000 : i32
      %mul3A_103 = arith.muli %arg1, %mul3A_102 : i32
      %add3A_104 = arith.constant 240 : i32
      %add3A_105 = arith.addi %mul3A_103, %add3A_104 : i32
      %dma_start3A_106 = arith.constant 0 : i32
      %dma_start3A_107 = tpu.memref_slice %arg6[%add3A_105, %dma_start3A_106] : memref<10008x128xf32, #tpu.memory_space<vmem_shared>> -> memref<80x128xf32, #tpu.memory_space<vmem_shared>>
      %dma_start3A_108 = arith.constant 0 : i32
      %dma_start3A_109 = tpu.memref_slice %arg6[%add3A_105, %dma_start3A_108] : memref<10008x128xf32, #tpu.memory_space<vmem_shared>> -> memref<80x128xf32, #tpu.memory_space<vmem_shared>>
      tpu.enqueue_dma source(%arg5 : memref<80x128xf32, #tpu.memory_space<vmem>>) target(%dma_start3A_109 : memref<80x128xf32, #tpu.memory_space<vmem_shared>>) target_semaphore(%arg7 : memref<!tpu.dma_semaphore, #tpu.memory_space<semaphore_mem>>)
      %mul3A_110 = arith.constant 1000 : i32
      %mul3A_111 = arith.muli %arg1, %mul3A_110 : i32
      %add3A_112 = arith.constant 320 : i32
      %add3A_113 = arith.addi %mul3A_111, %add3A_112 : i32
      %dma_start3A_114 = arith.constant 0 : i32
      %dma_start3A_115 = tpu.memref_slice %arg6[%add3A_113, %dma_start3A_114] : memref<10008x128xf32, #tpu.memory_space<vmem_shared>> -> memref<80x128xf32, #tpu.memory_space<vmem_shared>>
      %dma_start3A_116 = arith.constant 0 : i32
      %dma_start3A_117 = tpu.memref_slice %arg6[%add3A_113, %dma_start3A_116] : memref<10008x128xf32, #tpu.memory_space<vmem_shared>> -> memref<80x128xf32, #tpu.memory_space<vmem_shared>>
      tpu.enqueue_dma source(%arg5 : memref<80x128xf32, #tpu.memory_space<vmem>>) target(%dma_start3A_117 : memref<80x128xf32, #tpu.memory_space<vmem_shared>>) target_semaphore(%arg7 : memref<!tpu.dma_semaphore, #tpu.memory_space<semaphore_mem>>)
      %mul3A_118 = arith.constant 1000 : i32
      %mul3A_119 = arith.muli %arg1, %mul3A_118 : i32
      %add3A_120 = arith.constant 400 : i32
      %add3A_121 = arith.addi %mul3A_119, %add3A_120 : i32
      %dma_start3A_122 = arith.constant 0 : i32
      %dma_start3A_123 = tpu.memref_slice %arg6[%add3A_121, %dma_start3A_122] : memref<10008x128xf32, #tpu.memory_space<vmem_shared>> -> memref<80x128xf32, #tpu.memory_space<vmem_shared>>
      %dma_start3A_124 = arith.constant 0 : i32
      %dma_start3A_125 = tpu.memref_slice %arg6[%add3A_121, %dma_start3A_124] : memref<10008x128xf32, #tpu.memory_space<vmem_shared>> -> memref<80x128xf32, #tpu.memory_space<vmem_shared>>
      tpu.enqueue_dma source(%arg5 : memref<80x128xf32, #tpu.memory_space<vmem>>) target(%dma_start3A_125 : memref<80x128xf32, #tpu.memory_space<vmem_shared>>) target_semaphore(%arg7 : memref<!tpu.dma_semaphore, #tpu.memory_space<semaphore_mem>>)
      %mul3A_126 = arith.constant 1000 : i32
      %mul3A_127 = arith.muli %arg1, %mul3A_126 : i32
      %add3A_128 = arith.constant 480 : i32
      %add3A_129 = arith.addi %mul3A_127, %add3A_128 : i32
      %dma_start3A_130 = arith.constant 0 : i32
      %dma_start3A_131 = tpu.memref_slice %arg6[%add3A_129, %dma_start3A_130] : memref<10008x128xf32, #tpu.memory_space<vmem_shared>> -> memref<80x128xf32, #tpu.memory_space<vmem_shared>>
      %dma_start3A_132 = arith.constant 0 : i32
      %dma_start3A_133 = tpu.memref_slice %arg6[%add3A_129, %dma_start3A_132] : memref<10008x128xf32, #tpu.memory_space<vmem_shared>> -> memref<80x128xf32, #tpu.memory_space<vmem_shared>>
      tpu.enqueue_dma source(%arg5 : memref<80x128xf32, #tpu.memory_space<vmem>>) target(%dma_start3A_133 : memref<80x128xf32, #tpu.memory_space<vmem_shared>>) target_semaphore(%arg7 : memref<!tpu.dma_semaphore, #tpu.memory_space<semaphore_mem>>)
      %mul3A_134 = arith.constant 1000 : i32
      %mul3A_135 = arith.muli %arg1, %mul3A_134 : i32
      %add3A_136 = arith.constant 560 : i32
      %add3A_137 = arith.addi %mul3A_135, %add3A_136 : i32
      %dma_start3A_138 = arith.constant 0 : i32
      %dma_start3A_139 = tpu.memref_slice %arg6[%add3A_137, %dma_start3A_138] : memref<10008x128xf32, #tpu.memory_space<vmem_shared>> -> memref<80x128xf32, #tpu.memory_space<vmem_shared>>
      %dma_start3A_140 = arith.constant 0 : i32
      %dma_start3A_141 = tpu.memref_slice %arg6[%add3A_137, %dma_start3A_140] : memref<10008x128xf32, #tpu.memory_space<vmem_shared>> -> memref<80x128xf32, #tpu.memory_space<vmem_shared>>
      tpu.enqueue_dma source(%arg5 : memref<80x128xf32, #tpu.memory_space<vmem>>) target(%dma_start3A_141 : memref<80x128xf32, #tpu.memory_space<vmem_shared>>) target_semaphore(%arg7 : memref<!tpu.dma_semaphore, #tpu.memory_space<semaphore_mem>>)
      %mul3A_142 = arith.constant 1000 : i32
      %mul3A_143 = arith.muli %arg1, %mul3A_142 : i32
      %add3A_144 = arith.constant 640 : i32
      %add3A_145 = arith.addi %mul3A_143, %add3A_144 : i32
      %dma_start3A_146 = arith.constant 0 : i32
      %dma_start3A_147 = tpu.memref_slice %arg6[%add3A_145, %dma_start3A_146] : memref<10008x128xf32, #tpu.memory_space<vmem_shared>> -> memref<80x128xf32, #tpu.memory_space<vmem_shared>>
      %dma_start3A_148 = arith.constant 0 : i32
      %dma_start3A_149 = tpu.memref_slice %arg6[%add3A_145, %dma_start3A_148] : memref<10008x128xf32, #tpu.memory_space<vmem_shared>> -> memref<80x128xf32, #tpu.memory_space<vmem_shared>>
      tpu.enqueue_dma source(%arg5 : memref<80x128xf32, #tpu.memory_space<vmem>>) target(%dma_start3A_149 : memref<80x128xf32, #tpu.memory_space<vmem_shared>>) target_semaphore(%arg7 : memref<!tpu.dma_semaphore, #tpu.memory_space<semaphore_mem>>)
      %mul3A_150 = arith.constant 1000 : i32
      %mul3A_151 = arith.muli %arg1, %mul3A_150 : i32
      %add3A_152 = arith.constant 720 : i32
      %add3A_153 = arith.addi %mul3A_151, %add3A_152 : i32
      %dma_start3A_154 = arith.constant 0 : i32
      %dma_start3A_155 = tpu.memref_slice %arg6[%add3A_153, %dma_start3A_154] : memref<10008x128xf32, #tpu.memory_space<vmem_shared>> -> memref<80x128xf32, #tpu.memory_space<vmem_shared>>
      %dma_start3A_156 = arith.constant 0 : i32
      %dma_start3A_157 = tpu.memref_slice %arg6[%add3A_153, %dma_start3A_156] : memref<10008x128xf32, #tpu.memory_space<vmem_shared>> -> memref<80x128xf32, #tpu.memory_space<vmem_shared>>
      tpu.enqueue_dma source(%arg5 : memref<80x128xf32, #tpu.memory_space<vmem>>) target(%dma_start3A_157 : memref<80x128xf32, #tpu.memory_space<vmem_shared>>) target_semaphore(%arg7 : memref<!tpu.dma_semaphore, #tpu.memory_space<semaphore_mem>>)
      %mul3A_158 = arith.constant 1000 : i32
      %mul3A_159 = arith.muli %arg1, %mul3A_158 : i32
      %add3A_160 = arith.constant 800 : i32
      %add3A_161 = arith.addi %mul3A_159, %add3A_160 : i32
      %dma_start3A_162 = arith.constant 0 : i32
      %dma_start3A_163 = tpu.memref_slice %arg6[%add3A_161, %dma_start3A_162] : memref<10008x128xf32, #tpu.memory_space<vmem_shared>> -> memref<80x128xf32, #tpu.memory_space<vmem_shared>>
      %dma_start3A_164 = arith.constant 0 : i32
      %dma_start3A_165 = tpu.memref_slice %arg6[%add3A_161, %dma_start3A_164] : memref<10008x128xf32, #tpu.memory_space<vmem_shared>> -> memref<80x128xf32, #tpu.memory_space<vmem_shared>>
      tpu.enqueue_dma source(%arg5 : memref<80x128xf32, #tpu.memory_space<vmem>>) target(%dma_start3A_165 : memref<80x128xf32, #tpu.memory_space<vmem_shared>>) target_semaphore(%arg7 : memref<!tpu.dma_semaphore, #tpu.memory_space<semaphore_mem>>)
      %mul3A_166 = arith.constant 1000 : i32
      %mul3A_167 = arith.muli %arg1, %mul3A_166 : i32
      %add3A_168 = arith.constant 880 : i32
      %add3A_169 = arith.addi %mul3A_167, %add3A_168 : i32
      %dma_start3A_170 = arith.constant 0 : i32
      %dma_start3A_171 = tpu.memref_slice %arg6[%add3A_169, %dma_start3A_170] : memref<10008x128xf32, #tpu.memory_space<vmem_shared>> -> memref<80x128xf32, #tpu.memory_space<vmem_shared>>
      %dma_start3A_172 = arith.constant 0 : i32
      %dma_start3A_173 = tpu.memref_slice %arg6[%add3A_169, %dma_start3A_172] : memref<10008x128xf32, #tpu.memory_space<vmem_shared>> -> memref<80x128xf32, #tpu.memory_space<vmem_shared>>
      tpu.enqueue_dma source(%arg5 : memref<80x128xf32, #tpu.memory_space<vmem>>) target(%dma_start3A_173 : memref<80x128xf32, #tpu.memory_space<vmem_shared>>) target_semaphore(%arg7 : memref<!tpu.dma_semaphore, #tpu.memory_space<semaphore_mem>>)
      %mul3A_174 = arith.constant 1000 : i32
      %mul3A_175 = arith.muli %arg1, %mul3A_174 : i32
      %add3A_176 = arith.constant 960 : i32
      %add3A_177 = arith.addi %mul3A_175, %add3A_176 : i32
      %dma_start3A_178 = arith.constant 0 : i32
      %dma_start3A_179 = arith.constant 0 : i32
      %dma_start3A_180 = tpu.memref_slice %arg5[%dma_start3A_178, %dma_start3A_179] : memref<80x128xf32, #tpu.memory_space<vmem>> -> memref<40x128xf32, #tpu.memory_space<vmem>>
      %dma_start3A_181 = arith.constant 0 : i32
      %dma_start3A_182 = tpu.memref_slice %arg6[%add3A_177, %dma_start3A_181] : memref<10008x128xf32, #tpu.memory_space<vmem_shared>> -> memref<40x128xf32, #tpu.memory_space<vmem_shared>>
      %dma_start3A_183 = arith.constant 0 : i32
      %dma_start3A_184 = tpu.memref_slice %arg6[%add3A_177, %dma_start3A_183] : memref<10008x128xf32, #tpu.memory_space<vmem_shared>> -> memref<40x128xf32, #tpu.memory_space<vmem_shared>>
      %dma_start3A_185 = arith.constant 0 : i32
      %dma_start3A_186 = arith.constant 0 : i32
      %dma_start3A_187 = tpu.memref_slice %arg5[%dma_start3A_185, %dma_start3A_186] : memref<80x128xf32, #tpu.memory_space<vmem>> -> memref<40x128xf32, #tpu.memory_space<vmem>>
      tpu.enqueue_dma source(%dma_start3A_187 : memref<40x128xf32, #tpu.memory_space<vmem>>) target(%dma_start3A_184 : memref<40x128xf32, #tpu.memory_space<vmem_shared>>) target_semaphore(%arg7 : memref<!tpu.dma_semaphore, #tpu.memory_space<semaphore_mem>>)
      %dma_wait3A_188 = arith.constant 0 : i32
      %dma_wait3A_189 = tpu.memref_slice %arg6[%add3A_81, %dma_wait3A_188] : memref<10008x128xf32, #tpu.memory_space<vmem_shared>> -> memref<80x128xf32, #tpu.memory_space<vmem_shared>>
      %dma_wait3A_190 = arith.constant 0 : i32
      %dma_wait3A_191 = tpu.memref_slice %arg6[%add3A_81, %dma_wait3A_190] : memref<10008x128xf32, #tpu.memory_space<vmem_shared>> -> memref<80x128xf32, #tpu.memory_space<vmem_shared>>
      tpu.wait_dma2 semaphore(%arg7 : memref<!tpu.dma_semaphore, #tpu.memory_space<semaphore_mem>>) src(%arg5 : memref<80x128xf32, #tpu.memory_space<vmem>>) dst(%dma_wait3A_191 : memref<80x128xf32, #tpu.memory_space<vmem_shared>>)
      %dma_wait3A_192 = arith.constant 0 : i32
      %dma_wait3A_193 = tpu.memref_slice %arg6[%add3A_89, %dma_wait3A_192] : memref<10008x128xf32, #tpu.memory_space<vmem_shared>> -> memref<80x128xf32, #tpu.memory_space<vmem_shared>>
      %dma_wait3A_194 = arith.constant 0 : i32
      %dma_wait3A_195 = tpu.memref_slice %arg6[%add3A_89, %dma_wait3A_194] : memref<10008x128xf32, #tpu.memory_space<vmem_shared>> -> memref<80x128xf32, #tpu.memory_space<vmem_shared>>
      tpu.wait_dma2 semaphore(%arg7 : memref<!tpu.dma_semaphore, #tpu.memory_space<semaphore_mem>>) src(%arg5 : memref<80x128xf32, #tpu.memory_space<vmem>>) dst(%dma_wait3A_195 : memref<80x128xf32, #tpu.memory_space<vmem_shared>>)
      %dma_wait3A_196 = arith.constant 0 : i32
      %dma_wait3A_197 = tpu.memref_slice %arg6[%add3A_97, %dma_wait3A_196] : memref<10008x128xf32, #tpu.memory_space<vmem_shared>> -> memref<80x128xf32, #tpu.memory_space<vmem_shared>>
      %dma_wait3A_198 = arith.constant 0 : i32
      %dma_wait3A_199 = tpu.memref_slice %arg6[%add3A_97, %dma_wait3A_198] : memref<10008x128xf32, #tpu.memory_space<vmem_shared>> -> memref<80x128xf32, #tpu.memory_space<vmem_shared>>
      tpu.wait_dma2 semaphore(%arg7 : memref<!tpu.dma_semaphore, #tpu.memory_space<semaphore_mem>>) src(%arg5 : memref<80x128xf32, #tpu.memory_space<vmem>>) dst(%dma_wait3A_199 : memref<80x128xf32, #tpu.memory_space<vmem_shared>>)
      %dma_wait3A_200 = arith.constant 0 : i32
      %dma_wait3A_201 = tpu.memref_slice %arg6[%add3A_105, %dma_wait3A_200] : memref<10008x128xf32, #tpu.memory_space<vmem_shared>> -> memref<80x128xf32, #tpu.memory_space<vmem_shared>>
      %dma_wait3A_202 = arith.constant 0 : i32
      %dma_wait3A_203 = tpu.memref_slice %arg6[%add3A_105, %dma_wait3A_202] : memref<10008x128xf32, #tpu.memory_space<vmem_shared>> -> memref<80x128xf32, #tpu.memory_space<vmem_shared>>
      tpu.wait_dma2 semaphore(%arg7 : memref<!tpu.dma_semaphore, #tpu.memory_space<semaphore_mem>>) src(%arg5 : memref<80x128xf32, #tpu.memory_space<vmem>>) dst(%dma_wait3A_203 : memref<80x128xf32, #tpu.memory_space<vmem_shared>>)
      %dma_wait3A_204 = arith.constant 0 : i32
      %dma_wait3A_205 = tpu.memref_slice %arg6[%add3A_113, %dma_wait3A_204] : memref<10008x128xf32, #tpu.memory_space<vmem_shared>> -> memref<80x128xf32, #tpu.memory_space<vmem_shared>>
      %dma_wait3A_206 = arith.constant 0 : i32
      %dma_wait3A_207 = tpu.memref_slice %arg6[%add3A_113, %dma_wait3A_206] : memref<10008x128xf32, #tpu.memory_space<vmem_shared>> -> memref<80x128xf32, #tpu.memory_space<vmem_shared>>
      tpu.wait_dma2 semaphore(%arg7 : memref<!tpu.dma_semaphore, #tpu.memory_space<semaphore_mem>>) src(%arg5 : memref<80x128xf32, #tpu.memory_space<vmem>>) dst(%dma_wait3A_207 : memref<80x128xf32, #tpu.memory_space<vmem_shared>>)
      %dma_wait3A_208 = arith.constant 0 : i32
      %dma_wait3A_209 = tpu.memref_slice %arg6[%add3A_121, %dma_wait3A_208] : memref<10008x128xf32, #tpu.memory_space<vmem_shared>> -> memref<80x128xf32, #tpu.memory_space<vmem_shared>>
      %dma_wait3A_210 = arith.constant 0 : i32
      %dma_wait3A_211 = tpu.memref_slice %arg6[%add3A_121, %dma_wait3A_210] : memref<10008x128xf32, #tpu.memory_space<vmem_shared>> -> memref<80x128xf32, #tpu.memory_space<vmem_shared>>
      tpu.wait_dma2 semaphore(%arg7 : memref<!tpu.dma_semaphore, #tpu.memory_space<semaphore_mem>>) src(%arg5 : memref<80x128xf32, #tpu.memory_space<vmem>>) dst(%dma_wait3A_211 : memref<80x128xf32, #tpu.memory_space<vmem_shared>>)
      %dma_wait3A_212 = arith.constant 0 : i32
      %dma_wait3A_213 = tpu.memref_slice %arg6[%add3A_129, %dma_wait3A_212] : memref<10008x128xf32, #tpu.memory_space<vmem_shared>> -> memref<80x128xf32, #tpu.memory_space<vmem_shared>>
      %dma_wait3A_214 = arith.constant 0 : i32
      %dma_wait3A_215 = tpu.memref_slice %arg6[%add3A_129, %dma_wait3A_214] : memref<10008x128xf32, #tpu.memory_space<vmem_shared>> -> memref<80x128xf32, #tpu.memory_space<vmem_shared>>
      tpu.wait_dma2 semaphore(%arg7 : memref<!tpu.dma_semaphore, #tpu.memory_space<semaphore_mem>>) src(%arg5 : memref<80x128xf32, #tpu.memory_space<vmem>>) dst(%dma_wait3A_215 : memref<80x128xf32, #tpu.memory_space<vmem_shared>>)
      %dma_wait3A_216 = arith.constant 0 : i32
      %dma_wait3A_217 = tpu.memref_slice %arg6[%add3A_137, %dma_wait3A_216] : memref<10008x128xf32, #tpu.memory_space<vmem_shared>> -> memref<80x128xf32, #tpu.memory_space<vmem_shared>>
      %dma_wait3A_218 = arith.constant 0 : i32
      %dma_wait3A_219 = tpu.memref_slice %arg6[%add3A_137, %dma_wait3A_218] : memref<10008x128xf32, #tpu.memory_space<vmem_shared>> -> memref<80x128xf32, #tpu.memory_space<vmem_shared>>
      tpu.wait_dma2 semaphore(%arg7 : memref<!tpu.dma_semaphore, #tpu.memory_space<semaphore_mem>>) src(%arg5 : memref<80x128xf32, #tpu.memory_space<vmem>>) dst(%dma_wait3A_219 : memref<80x128xf32, #tpu.memory_space<vmem_shared>>)
      %dma_wait3A_220 = arith.constant 0 : i32
      %dma_wait3A_221 = tpu.memref_slice %arg6[%add3A_145, %dma_wait3A_220] : memref<10008x128xf32, #tpu.memory_space<vmem_shared>> -> memref<80x128xf32, #tpu.memory_space<vmem_shared>>
      %dma_wait3A_222 = arith.constant 0 : i32
      %dma_wait3A_223 = tpu.memref_slice %arg6[%add3A_145, %dma_wait3A_222] : memref<10008x128xf32, #tpu.memory_space<vmem_shared>> -> memref<80x128xf32, #tpu.memory_space<vmem_shared>>
      tpu.wait_dma2 semaphore(%arg7 : memref<!tpu.dma_semaphore, #tpu.memory_space<semaphore_mem>>) src(%arg5 : memref<80x128xf32, #tpu.memory_space<vmem>>) dst(%dma_wait3A_223 : memref<80x128xf32, #tpu.memory_space<vmem_shared>>)
      %dma_wait3A_224 = arith.constant 0 : i32
      %dma_wait3A_225 = tpu.memref_slice %arg6[%add3A_153, %dma_wait3A_224] : memref<10008x128xf32, #tpu.memory_space<vmem_shared>> -> memref<80x128xf32, #tpu.memory_space<vmem_shared>>
      %dma_wait3A_226 = arith.constant 0 : i32
      %dma_wait3A_227 = tpu.memref_slice %arg6[%add3A_153, %dma_wait3A_226] : memref<10008x128xf32, #tpu.memory_space<vmem_shared>> -> memref<80x128xf32, #tpu.memory_space<vmem_shared>>
      tpu.wait_dma2 semaphore(%arg7 : memref<!tpu.dma_semaphore, #tpu.memory_space<semaphore_mem>>) src(%arg5 : memref<80x128xf32, #tpu.memory_space<vmem>>) dst(%dma_wait3A_227 : memref<80x128xf32, #tpu.memory_space<vmem_shared>>)
      %dma_wait3A_228 = arith.constant 0 : i32
      %dma_wait3A_229 = tpu.memref_slice %arg6[%add3A_161, %dma_wait3A_228] : memref<10008x128xf32, #tpu.memory_space<vmem_shared>> -> memref<80x128xf32, #tpu.memory_space<vmem_shared>>
      %dma_wait3A_230 = arith.constant 0 : i32
      %dma_wait3A_231 = tpu.memref_slice %arg6[%add3A_161, %dma_wait3A_230] : memref<10008x128xf32, #tpu.memory_space<vmem_shared>> -> memref<80x128xf32, #tpu.memory_space<vmem_shared>>
      tpu.wait_dma2 semaphore(%arg7 : memref<!tpu.dma_semaphore, #tpu.memory_space<semaphore_mem>>) src(%arg5 : memref<80x128xf32, #tpu.memory_space<vmem>>) dst(%dma_wait3A_231 : memref<80x128xf32, #tpu.memory_space<vmem_shared>>)
      %dma_wait3A_232 = arith.constant 0 : i32
      %dma_wait3A_233 = tpu.memref_slice %arg6[%add3A_169, %dma_wait3A_232] : memref<10008x128xf32, #tpu.memory_space<vmem_shared>> -> memref<80x128xf32, #tpu.memory_space<vmem_shared>>
      %dma_wait3A_234 = arith.constant 0 : i32
      %dma_wait3A_235 = tpu.memref_slice %arg6[%add3A_169, %dma_wait3A_234] : memref<10008x128xf32, #tpu.memory_space<vmem_shared>> -> memref<80x128xf32, #tpu.memory_space<vmem_shared>>
      tpu.wait_dma2 semaphore(%arg7 : memref<!tpu.dma_semaphore, #tpu.memory_space<semaphore_mem>>) src(%arg5 : memref<80x128xf32, #tpu.memory_space<vmem>>) dst(%dma_wait3A_235 : memref<80x128xf32, #tpu.memory_space<vmem_shared>>)
      %dma_wait3A_236 = arith.constant 0 : i32
      %dma_wait3A_237 = arith.constant 0 : i32
      %dma_wait3A_238 = tpu.memref_slice %arg5[%dma_wait3A_236, %dma_wait3A_237] : memref<80x128xf32, #tpu.memory_space<vmem>> -> memref<40x128xf32, #tpu.memory_space<vmem>>
      %dma_wait3A_239 = arith.constant 0 : i32
      %dma_wait3A_240 = tpu.memref_slice %arg6[%add3A_177, %dma_wait3A_239] : memref<10008x128xf32, #tpu.memory_space<vmem_shared>> -> memref<40x128xf32, #tpu.memory_space<vmem_shared>>
      %dma_wait3A_241 = arith.constant 0 : i32
      %dma_wait3A_242 = tpu.memref_slice %arg6[%add3A_177, %dma_wait3A_241] : memref<10008x128xf32, #tpu.memory_space<vmem_shared>> -> memref<40x128xf32, #tpu.memory_space<vmem_shared>>
      %dma_wait3A_243 = arith.constant 0 : i32
      %dma_wait3A_244 = arith.constant 0 : i32
      %dma_wait3A_245 = tpu.memref_slice %arg5[%dma_wait3A_243, %dma_wait3A_244] : memref<80x128xf32, #tpu.memory_space<vmem>> -> memref<40x128xf32, #tpu.memory_space<vmem>>
      tpu.wait_dma2 semaphore(%arg7 : memref<!tpu.dma_semaphore, #tpu.memory_space<semaphore_mem>>) src(%dma_wait3A_245 : memref<40x128xf32, #tpu.memory_space<vmem>>) dst(%dma_wait3A_242 : memref<40x128xf32, #tpu.memory_space<vmem_shared>>)
    } else {
    }
    %eq3A = arith.constant 10 : i32
    %eq3A_17 = arith.cmpi eq, %arg1, %eq3A : i32
    %convert_element_type3A_18 = arith.extui %eq3A_17 : i1 to i32
    %cond3A_19 = arith.constant 0 : i32
    %cond3A_20 = arith.cmpi ne, %convert_element_type3A_18, %cond3A_19 : i32
    scf.if %cond3A_20 {
      %dma_start3A_78 = arith.constant 0 : i32
      %dma_start3A_79 = arith.constant 0 : i32
      %dma_start3A_80 = tpu.memref_slice %arg5[%dma_start3A_78, %dma_start3A_79] : memref<80x128xf32, #tpu.memory_space<vmem>> -> memref<8x128xf32, #tpu.memory_space<vmem>>
      %dma_start3A_81 = arith.constant 10000 : i32
      %dma_start3A_82 = arith.constant 0 : i32
      %dma_start3A_83 = tpu.memref_slice %arg6[%dma_start3A_81, %dma_start3A_82] : memref<10008x128xf32, #tpu.memory_space<vmem_shared>> -> memref<8x128xf32, #tpu.memory_space<vmem_shared>>
      %dma_start3A_84 = arith.constant 10000 : i32
      %dma_start3A_85 = arith.constant 0 : i32
      %dma_start3A_86 = tpu.memref_slice %arg6[%dma_start3A_84, %dma_start3A_85] : memref<10008x128xf32, #tpu.memory_space<vmem_shared>> -> memref<8x128xf32, #tpu.memory_space<vmem_shared>>
      %dma_start3A_87 = arith.constant 0 : i32
      %dma_start3A_88 = arith.constant 0 : i32
      %dma_start3A_89 = tpu.memref_slice %arg5[%dma_start3A_87, %dma_start3A_88] : memref<80x128xf32, #tpu.memory_space<vmem>> -> memref<8x128xf32, #tpu.memory_space<vmem>>
      tpu.enqueue_dma source(%dma_start3A_89 : memref<8x128xf32, #tpu.memory_space<vmem>>) target(%dma_start3A_86 : memref<8x128xf32, #tpu.memory_space<vmem_shared>>) target_semaphore(%arg7 : memref<!tpu.dma_semaphore, #tpu.memory_space<semaphore_mem>>)
      %dma_wait3A_90 = arith.constant 0 : i32
      %dma_wait3A_91 = arith.constant 0 : i32
      %dma_wait3A_92 = tpu.memref_slice %arg5[%dma_wait3A_90, %dma_wait3A_91] : memref<80x128xf32, #tpu.memory_space<vmem>> -> memref<8x128xf32, #tpu.memory_space<vmem>>
      %dma_wait3A_93 = arith.constant 10000 : i32
      %dma_wait3A_94 = arith.constant 0 : i32
      %dma_wait3A_95 = tpu.memref_slice %arg6[%dma_wait3A_93, %dma_wait3A_94] : memref<10008x128xf32, #tpu.memory_space<vmem_shared>> -> memref<8x128xf32, #tpu.memory_space<vmem_shared>>
      %dma_wait3A_96 = arith.constant 10000 : i32
      %dma_wait3A_97 = arith.constant 0 : i32
      %dma_wait3A_98 = tpu.memref_slice %arg6[%dma_wait3A_96, %dma_wait3A_97] : memref<10008x128xf32, #tpu.memory_space<vmem_shared>> -> memref<8x128xf32, #tpu.memory_space<vmem_shared>>
      %dma_wait3A_99 = arith.constant 0 : i32
      %dma_wait3A_100 = arith.constant 0 : i32
      %dma_wait3A_101 = tpu.memref_slice %arg5[%dma_wait3A_99, %dma_wait3A_100] : memref<80x128xf32, #tpu.memory_space<vmem>> -> memref<8x128xf32, #tpu.memory_space<vmem>>
      tpu.wait_dma2 semaphore(%arg7 : memref<!tpu.dma_semaphore, #tpu.memory_space<semaphore_mem>>) src(%dma_wait3A_101 : memref<8x128xf32, #tpu.memory_space<vmem>>) dst(%dma_wait3A_98 : memref<8x128xf32, #tpu.memory_space<vmem_shared>>)
    } else {
    }
    %broadcast_in_dim3A_21 = arith.constant 1.000000e+00 : f32
    %broadcast_in_dim3A_22 = vector.broadcast %broadcast_in_dim3A_21 : f32 to vector<16xf32>
    %scan3A_23 = arith.constant 0 : i32
    %scan3A_24 = arith.constant 0 : i32
    %scan3A_25 = arith.constant 640 : i32
    %scan3A_26 = arith.addi %scan3A_24, %scan3A_25 : i32
    %scan3A_27 = arith.constant 1 : i32
    %scan3A_28 = scf.for %scan3A_78 = %scan3A_24 to %scan3A_26 step %scan3A_27 iter_args(%scan3A_79 = %scan3A_23) -> (i32)  : i32 {
      %jit3A = arith.constant 8 : i32
      %div3A = arith.divsi %scan3A_78, %jit3A : i32
      %sign3A = arith.constant 0 : i32
      %sign3A_80 = arith.cmpi sgt, %scan3A_78, %sign3A : i32
      %sign3A_81 = arith.extui %sign3A_80 : i1 to i32
      %sign3A_82 = arith.constant 0 : i32
      %sign3A_83 = arith.cmpi slt, %scan3A_78, %sign3A_82 : i32
      %sign3A_84 = arith.extui %sign3A_83 : i1 to i32
      %sign3A_85 = arith.subi %sign3A_81, %sign3A_84 : i32
      %sign3A_86 = arith.constant 0 : i32
      %sign3A_87 = arith.cmpi sgt, %jit3A, %sign3A_86 : i32
      %sign3A_88 = arith.extui %sign3A_87 : i1 to i32
      %sign3A_89 = arith.constant 0 : i32
      %sign3A_90 = arith.cmpi slt, %jit3A, %sign3A_89 : i32
      %sign3A_91 = arith.extui %sign3A_90 : i1 to i32
      %sign3A_92 = arith.subi %sign3A_88, %sign3A_91 : i32
      %ne3A = arith.cmpi ne, %sign3A_85, %sign3A_92 : i32
      %rem3A = arith.remsi %scan3A_78, %jit3A : i32
      %ne3A_93 = arith.constant 0 : i32
      %ne3A_94 = arith.cmpi ne, %rem3A, %ne3A_93 : i32
      %and3A = arith.andi %ne3A, %ne3A_94 : i1
      %sub3A = arith.constant 1 : i32
      %sub3A_95 = arith.subi %div3A, %sub3A : i32
      %select_n3A = arith.select %and3A, %sub3A_95, %div3A : i32
      %jit3A_96 = arith.constant 8 : i32
      %eq3A_97 = arith.constant 0 : i32
      %eq3A_98 = arith.cmpi eq, %jit3A_96, %eq3A_97 : i32
      %jit3A_99 = arith.constant 1 : i32
      %select_n3A_100 = arith.select %eq3A_98, %jit3A_99, %jit3A_96 : i32
      %rem3A_101 = arith.remsi %scan3A_78, %select_n3A_100 : i32
      %ne3A_102 = arith.constant 0 : i32
      %ne3A_103 = arith.cmpi ne, %rem3A_101, %ne3A_102 : i32
      %lt3A_104 = arith.constant 0 : i32
      %lt3A_105 = arith.cmpi slt, %rem3A_101, %lt3A_104 : i32
      %lt3A_106 = arith.constant 0 : i32
      %lt3A_107 = arith.cmpi slt, %select_n3A_100, %lt3A_106 : i32
      %ne3A_108 = arith.xori %lt3A_105, %lt3A_107 : i1
      %and3A_109 = arith.andi %ne3A_108, %ne3A_103 : i1
      %add3A_110 = arith.addi %rem3A_101, %select_n3A_100 : i32
      %select_n3A_111 = arith.select %and3A_109, %add3A_110, %rem3A_101 : i32
      %mul3A_112 = arith.constant 16 : i32
      %mul3A_113 = arith.muli %select_n3A_111, %mul3A_112 : i32
      %swap3A = arith.index_cast %select_n3A : i32 to index
      %swap3A_114 = arith.index_cast %mul3A_113 : i32 to index
      %swap3A_115 = tpu.vector_load %arg5[%swap3A, %swap3A_114] {strides = array<i32>} : memref<80x128xf32, #tpu.memory_space<vmem>>, vector<1x16xf32>,
      %swap3A_116 = vector.shape_cast %swap3A_115 : vector<1x16xf32> to vector<16xf32>
      %swap3A_117 = vector.shape_cast %broadcast_in_dim3A_22 : vector<16xf32> to vector<1x16xf32>
      tpu.vector_store %arg5[%swap3A, %swap3A_114], %swap3A_117 {strides = array<i32>} : memref<80x128xf32, #tpu.memory_space<vmem>>, vector<1x16xf32>,
      %scan3A_118 = arith.constant 0 : i32
      scf.yield %scan3A_118 : i32
    }
    %scan3A_29 = arith.constant 640 : i32
    %dma_wait3A = arith.constant 0 : i32
    %dma_wait3A_30 = arith.constant 0 : i32
    %dma_wait3A_31 = tpu.memref_slice %arg2[%add3A, %dma_wait3A, %dma_wait3A_30] : memref<32x128x80xi32, #tpu.memory_space<hbm>> -> memref<1x128x80xi32, #tpu.memory_space<hbm>>
    %dma_wait3A_32 = tpu.memref_squeeze %dma_wait3A_31 : memref<1x128x80xi32, #tpu.memory_space<hbm>> -> memref<128x80xi32, #tpu.memory_space<hbm>>
    %dma_wait3A_33 = arith.constant 0 : i32
    %dma_wait3A_34 = arith.constant 0 : i32
    %dma_wait3A_35 = tpu.memref_slice %arg2[%add3A, %dma_wait3A_33, %dma_wait3A_34] : memref<32x128x80xi32, #tpu.memory_space<hbm>> -> memref<1x128x80xi32, #tpu.memory_space<hbm>>
    %dma_wait3A_36 = tpu.memref_squeeze %dma_wait3A_35 : memref<1x128x80xi32, #tpu.memory_space<hbm>> -> memref<128x80xi32, #tpu.memory_space<hbm>>
    tpu.wait_dma2 semaphore(%arg9 : memref<!tpu.dma_semaphore, #tpu.memory_space<semaphore_mem>>) src(%dma_wait3A_36 : memref<128x80xi32, #tpu.memory_space<hbm>>) dst(%arg4 : memref<128x80xi32, #tpu.memory_space<vmem>>)
    %barrier3A = arith.constant 0 : index
    tpu.barrier barrier_id(%barrier3A)
    %dma_start3A_37 = arith.constant 0 : i32
    %dma_start3A_38 = arith.constant 0 : i32
    %dma_start3A_39 = tpu.memref_slice %arg4[%dma_start3A_37, %dma_start3A_38] : memref<128x80xi32, #tpu.memory_space<vmem>> -> memref<1x80xi32, #tpu.memory_space<vmem>>
    %dma_start3A_40 = tpu.memref_squeeze %dma_start3A_39 : memref<1x80xi32, #tpu.memory_space<vmem>> -> memref<80xi32, #tpu.memory_space<vmem>>
    %dma_start3A_41 = arith.constant 0 : i32
    %dma_start3A_42 = arith.constant 0 : i32
    %dma_start3A_43 = tpu.memref_slice %arg6[%dma_start3A_41, %dma_start3A_42] : memref<10008x128xf32, #tpu.memory_space<vmem_shared>> -> memref<10008x128xf32, #tpu.memory_space<vmem_shared>>
    tpu.enqueue_indirect_dma source(%arg5 : memref<80x128xf32, #tpu.memory_space<vmem>>) target(%dma_start3A_43 : memref<10008x128xf32, #tpu.memory_space<vmem_shared>>) offsets(%dma_start3A_40 : memref<80xi32, #tpu.memory_space<vmem>>) semaphore(%arg7 : memref<!tpu.dma_semaphore, #tpu.memory_space<semaphore_mem>>) {add = true}
    %dma_start3A_44 = arith.constant 1 : i32
    %dma_start3A_45 = arith.constant 0 : i32
    %dma_start3A_46 = tpu.memref_slice %arg4[%dma_start3A_44, %dma_start3A_45] : memref<128x80xi32, #tpu.memory_space<vmem>> -> memref<1x80xi32, #tpu.memory_space<vmem>>
    %dma_start3A_47 = tpu.memref_squeeze %dma_start3A_46 : memref<1x80xi32, #tpu.memory_space<vmem>> -> memref<80xi32, #tpu.memory_space<vmem>>
    %dma_start3A_48 = arith.constant 0 : i32
    %dma_start3A_49 = arith.constant 0 : i32
    %dma_start3A_50 = tpu.memref_slice %arg6[%dma_start3A_48, %dma_start3A_49] : memref<10008x128xf32, #tpu.memory_space<vmem_shared>> -> memref<10008x128xf32, #tpu.memory_space<vmem_shared>>
    tpu.enqueue_indirect_dma source(%arg5 : memref<80x128xf32, #tpu.memory_space<vmem>>) target(%dma_start3A_50 : memref<10008x128xf32, #tpu.memory_space<vmem_shared>>) offsets(%dma_start3A_47 : memref<80xi32, #tpu.memory_space<vmem>>) semaphore(%arg8 : memref<!tpu.dma_semaphore, #tpu.memory_space<semaphore_mem>>) {add = true}
    %scan3A_51 = arith.constant 0 : i32
    %scan3A_52 = arith.constant 1 : i32
    %scan3A_53 = arith.constant 63 : i32
    %scan3A_54 = arith.addi %scan3A_52, %scan3A_53 : i32
    %scan3A_55 = arith.constant 1 : i32
    %scan3A_56 = scf.for %scan3A_78 = %scan3A_52 to %scan3A_54 step %scan3A_55 iter_args(%scan3A_79 = %scan3A_51) -> (i32)  : i32 {
      %mul3A_80 = arith.constant 2 : i32
      %mul3A_81 = arith.muli %scan3A_78, %mul3A_80 : i32
      %add3A_82 = arith.constant 0 : i32
      %add3A_83 = arith.addi %mul3A_81, %add3A_82 : i32
      %dma_wait3A_84 = arith.constant 0 : i32
      %dma_wait3A_85 = arith.constant 0 : i32
      %dma_wait3A_86 = tpu.memref_slice %arg4[%dma_wait3A_84, %dma_wait3A_85] : memref<128x80xi32, #tpu.memory_space<vmem>> -> memref<1x80xi32, #tpu.memory_space<vmem>>
      %dma_wait3A_87 = tpu.memref_squeeze %dma_wait3A_86 : memref<1x80xi32, #tpu.memory_space<vmem>> -> memref<80xi32, #tpu.memory_space<vmem>>
      %dma_wait3A_88 = arith.constant 0 : i32
      %dma_wait3A_89 = arith.constant 0 : i32
      %dma_wait3A_90 = tpu.memref_slice %arg6[%dma_wait3A_88, %dma_wait3A_89] : memref<10008x128xf32, #tpu.memory_space<vmem_shared>> -> memref<10008x128xf32, #tpu.memory_space<vmem_shared>>
      tpu.wait_indirect_dma semaphore(%arg7 : memref<!tpu.dma_semaphore, #tpu.memory_space<semaphore_mem>>) src(%arg5 : memref<80x128xf32, #tpu.memory_space<vmem>>) dst(%dma_wait3A_90 : memref<10008x128xf32, #tpu.memory_space<vmem_shared>>)
      %dma_start3A_91 = arith.constant 0 : i32
      %dma_start3A_92 = tpu.memref_slice %arg4[%add3A_83, %dma_start3A_91] : memref<128x80xi32, #tpu.memory_space<vmem>> -> memref<1x80xi32, #tpu.memory_space<vmem>>
      %dma_start3A_93 = tpu.memref_squeeze %dma_start3A_92 : memref<1x80xi32, #tpu.memory_space<vmem>> -> memref<80xi32, #tpu.memory_space<vmem>>
      %dma_start3A_94 = arith.constant 0 : i32
      %dma_start3A_95 = arith.constant 0 : i32
      %dma_start3A_96 = tpu.memref_slice %arg6[%dma_start3A_94, %dma_start3A_95] : memref<10008x128xf32, #tpu.memory_space<vmem_shared>> -> memref<10008x128xf32, #tpu.memory_space<vmem_shared>>
      tpu.enqueue_indirect_dma source(%arg5 : memref<80x128xf32, #tpu.memory_space<vmem>>) target(%dma_start3A_96 : memref<10008x128xf32, #tpu.memory_space<vmem_shared>>) offsets(%dma_start3A_93 : memref<80xi32, #tpu.memory_space<vmem>>) semaphore(%arg7 : memref<!tpu.dma_semaphore, #tpu.memory_space<semaphore_mem>>) {add = true}
      %mul3A_97 = arith.constant 2 : i32
      %mul3A_98 = arith.muli %scan3A_78, %mul3A_97 : i32
      %add3A_99 = arith.constant 1 : i32
      %add3A_100 = arith.addi %mul3A_98, %add3A_99 : i32
      %dma_wait3A_101 = arith.constant 0 : i32
      %dma_wait3A_102 = arith.constant 0 : i32
      %dma_wait3A_103 = tpu.memref_slice %arg4[%dma_wait3A_101, %dma_wait3A_102] : memref<128x80xi32, #tpu.memory_space<vmem>> -> memref<1x80xi32, #tpu.memory_space<vmem>>
      %dma_wait3A_104 = tpu.memref_squeeze %dma_wait3A_103 : memref<1x80xi32, #tpu.memory_space<vmem>> -> memref<80xi32, #tpu.memory_space<vmem>>
      %dma_wait3A_105 = arith.constant 0 : i32
      %dma_wait3A_106 = arith.constant 0 : i32
      %dma_wait3A_107 = tpu.memref_slice %arg6[%dma_wait3A_105, %dma_wait3A_106] : memref<10008x128xf32, #tpu.memory_space<vmem_shared>> -> memref<10008x128xf32, #tpu.memory_space<vmem_shared>>
      tpu.wait_indirect_dma semaphore(%arg8 : memref<!tpu.dma_semaphore, #tpu.memory_space<semaphore_mem>>) src(%arg5 : memref<80x128xf32, #tpu.memory_space<vmem>>) dst(%dma_wait3A_107 : memref<10008x128xf32, #tpu.memory_space<vmem_shared>>)
      %dma_start3A_108 = arith.constant 0 : i32
      %dma_start3A_109 = tpu.memref_slice %arg4[%add3A_100, %dma_start3A_108] : memref<128x80xi32, #tpu.memory_space<vmem>> -> memref<1x80xi32, #tpu.memory_space<vmem>>
      %dma_start3A_110 = tpu.memref_squeeze %dma_start3A_109 : memref<1x80xi32, #tpu.memory_space<vmem>> -> memref<80xi32, #tpu.memory_space<vmem>>
      %dma_start3A_111 = arith.constant 0 : i32
      %dma_start3A_112 = arith.constant 0 : i32
      %dma_start3A_113 = tpu.memref_slice %arg6[%dma_start3A_111, %dma_start3A_112] : memref<10008x128xf32, #tpu.memory_space<vmem_shared>> -> memref<10008x128xf32, #tpu.memory_space<vmem_shared>>
      tpu.enqueue_indirect_dma source(%arg5 : memref<80x128xf32, #tpu.memory_space<vmem>>) target(%dma_start3A_113 : memref<10008x128xf32, #tpu.memory_space<vmem_shared>>) offsets(%dma_start3A_110 : memref<80xi32, #tpu.memory_space<vmem>>) semaphore(%arg8 : memref<!tpu.dma_semaphore, #tpu.memory_space<semaphore_mem>>) {add = true}
      %scan3A_114 = arith.constant 0 : i32
      scf.yield %scan3A_114 : i32
    }
    %scan3A_57 = arith.constant 63 : i32
    %dma_wait3A_58 = arith.constant 0 : i32
    %dma_wait3A_59 = arith.constant 0 : i32
    %dma_wait3A_60 = tpu.memref_slice %arg4[%dma_wait3A_58, %dma_wait3A_59] : memref<128x80xi32, #tpu.memory_space<vmem>> -> memref<1x80xi32, #tpu.memory_space<vmem>>
    %dma_wait3A_61 = tpu.memref_squeeze %dma_wait3A_60 : memref<1x80xi32, #tpu.memory_space<vmem>> -> memref<80xi32, #tpu.memory_space<vmem>>
    %dma_wait3A_62 = arith.constant 0 : i32
    %dma_wait3A_63 = arith.constant 0 : i32
    %dma_wait3A_64 = tpu.memref_slice %arg6[%dma_wait3A_62, %dma_wait3A_63] : memref<10008x128xf32, #tpu.memory_space<vmem_shared>> -> memref<10008x128xf32, #tpu.memory_space<vmem_shared>>
    tpu.wait_indirect_dma semaphore(%arg7 : memref<!tpu.dma_semaphore, #tpu.memory_space<semaphore_mem>>) src(%arg5 : memref<80x128xf32, #tpu.memory_space<vmem>>) dst(%dma_wait3A_64 : memref<10008x128xf32, #tpu.memory_space<vmem_shared>>)
    %dma_wait3A_65 = arith.constant 0 : i32
    %dma_wait3A_66 = arith.constant 0 : i32
    %dma_wait3A_67 = tpu.memref_slice %arg4[%dma_wait3A_65, %dma_wait3A_66] : memref<128x80xi32, #tpu.memory_space<vmem>> -> memref<1x80xi32, #tpu.memory_space<vmem>>
    %dma_wait3A_68 = tpu.memref_squeeze %dma_wait3A_67 : memref<1x80xi32, #tpu.memory_space<vmem>> -> memref<80xi32, #tpu.memory_space<vmem>>
    %dma_wait3A_69 = arith.constant 0 : i32
    %dma_wait3A_70 = arith.constant 0 : i32
    %dma_wait3A_71 = tpu.memref_slice %arg6[%dma_wait3A_69, %dma_wait3A_70] : memref<10008x128xf32, #tpu.memory_space<vmem_shared>> -> memref<10008x128xf32, #tpu.memory_space<vmem_shared>>
    tpu.wait_indirect_dma semaphore(%arg8 : memref<!tpu.dma_semaphore, #tpu.memory_space<semaphore_mem>>) src(%arg5 : memref<80x128xf32, #tpu.memory_space<vmem>>) dst(%dma_wait3A_71 : memref<10008x128xf32, #tpu.memory_space<vmem_shared>>)
    %barrier3A_72 = arith.constant 0 : index
    tpu.barrier barrier_id(%barrier3A_72)
    %lt3A_73 = arith.constant 10 : i32
    %lt3A_74 = arith.cmpi slt, %arg1, %lt3A_73 : i32
    %convert_element_type3A_75 = arith.extui %lt3A_74 : i1 to i32
    %cond3A_76 = arith.constant 0 : i32
    %cond3A_77 = arith.cmpi ne, %convert_element_type3A_75, %cond3A_76 : i32
    scf.if %cond3A_77 {
      %mul3A_78 = arith.constant 1000 : i32
      %mul3A_79 = arith.muli %arg1, %mul3A_78 : i32
      %add3A_80 = arith.constant 0 : i32
      %add3A_81 = arith.addi %mul3A_79, %add3A_80 : i32
      %dma_start3A_82 = arith.constant 0 : i32
      %dma_start3A_83 = tpu.memref_slice %arg3[%arg0, %add3A_81, %dma_start3A_82] : memref<2x10000x128xf32, #tpu.memory_space<hbm>> -> memref<1x200x128xf32, #tpu.memory_space<hbm>>
      %dma_start3A_84 = tpu.memref_squeeze %dma_start3A_83 : memref<1x200x128xf32, #tpu.memory_space<hbm>> -> memref<200x128xf32, #tpu.memory_space<hbm>>
      %dma_start3A_85 = arith.constant 0 : i32
      %dma_start3A_86 = tpu.memref_slice %arg6[%add3A_81, %dma_start3A_85] : memref<10008x128xf32, #tpu.memory_space<vmem_shared>> -> memref<200x128xf32, #tpu.memory_space<vmem_shared>>
      tpu.enqueue_dma source(%dma_start3A_86 : memref<200x128xf32, #tpu.memory_space<vmem_shared>>) target(%dma_start3A_84 : memref<200x128xf32, #tpu.memory_space<hbm>>) target_semaphore(%arg7 : memref<!tpu.dma_semaphore, #tpu.memory_space<semaphore_mem>>)
      %mul3A_87 = arith.constant 1000 : i32
      %mul3A_88 = arith.muli %arg1, %mul3A_87 : i32
      %add3A_89 = arith.constant 200 : i32
      %add3A_90 = arith.addi %mul3A_88, %add3A_89 : i32
      %dma_start3A_91 = arith.constant 0 : i32
      %dma_start3A_92 = tpu.memref_slice %arg3[%arg0, %add3A_90, %dma_start3A_91] : memref<2x10000x128xf32, #tpu.memory_space<hbm>> -> memref<1x200x128xf32, #tpu.memory_space<hbm>>
      %dma_start3A_93 = tpu.memref_squeeze %dma_start3A_92 : memref<1x200x128xf32, #tpu.memory_space<hbm>> -> memref<200x128xf32, #tpu.memory_space<hbm>>
      %dma_start3A_94 = arith.constant 0 : i32
      %dma_start3A_95 = tpu.memref_slice %arg6[%add3A_90, %dma_start3A_94] : memref<10008x128xf32, #tpu.memory_space<vmem_shared>> -> memref<200x128xf32, #tpu.memory_space<vmem_shared>>
      tpu.enqueue_dma source(%dma_start3A_95 : memref<200x128xf32, #tpu.memory_space<vmem_shared>>) target(%dma_start3A_93 : memref<200x128xf32, #tpu.memory_space<hbm>>) target_semaphore(%arg7 : memref<!tpu.dma_semaphore, #tpu.memory_space<semaphore_mem>>)
      %mul3A_96 = arith.constant 1000 : i32
      %mul3A_97 = arith.muli %arg1, %mul3A_96 : i32
      %add3A_98 = arith.constant 400 : i32
      %add3A_99 = arith.addi %mul3A_97, %add3A_98 : i32
      %dma_start3A_100 = arith.constant 0 : i32
      %dma_start3A_101 = tpu.memref_slice %arg3[%arg0, %add3A_99, %dma_start3A_100] : memref<2x10000x128xf32, #tpu.memory_space<hbm>> -> memref<1x200x128xf32, #tpu.memory_space<hbm>>
      %dma_start3A_102 = tpu.memref_squeeze %dma_start3A_101 : memref<1x200x128xf32, #tpu.memory_space<hbm>> -> memref<200x128xf32, #tpu.memory_space<hbm>>
      %dma_start3A_103 = arith.constant 0 : i32
      %dma_start3A_104 = tpu.memref_slice %arg6[%add3A_99, %dma_start3A_103] : memref<10008x128xf32, #tpu.memory_space<vmem_shared>> -> memref<200x128xf32, #tpu.memory_space<vmem_shared>>
      tpu.enqueue_dma source(%dma_start3A_104 : memref<200x128xf32, #tpu.memory_space<vmem_shared>>) target(%dma_start3A_102 : memref<200x128xf32, #tpu.memory_space<hbm>>) target_semaphore(%arg7 : memref<!tpu.dma_semaphore, #tpu.memory_space<semaphore_mem>>)
      %mul3A_105 = arith.constant 1000 : i32
      %mul3A_106 = arith.muli %arg1, %mul3A_105 : i32
      %add3A_107 = arith.constant 600 : i32
      %add3A_108 = arith.addi %mul3A_106, %add3A_107 : i32
      %dma_start3A_109 = arith.constant 0 : i32
      %dma_start3A_110 = tpu.memref_slice %arg3[%arg0, %add3A_108, %dma_start3A_109] : memref<2x10000x128xf32, #tpu.memory_space<hbm>> -> memref<1x200x128xf32, #tpu.memory_space<hbm>>
      %dma_start3A_111 = tpu.memref_squeeze %dma_start3A_110 : memref<1x200x128xf32, #tpu.memory_space<hbm>> -> memref<200x128xf32, #tpu.memory_space<hbm>>
      %dma_start3A_112 = arith.constant 0 : i32
      %dma_start3A_113 = tpu.memref_slice %arg6[%add3A_108, %dma_start3A_112] : memref<10008x128xf32, #tpu.memory_space<vmem_shared>> -> memref<200x128xf32, #tpu.memory_space<vmem_shared>>
      tpu.enqueue_dma source(%dma_start3A_113 : memref<200x128xf32, #tpu.memory_space<vmem_shared>>) target(%dma_start3A_111 : memref<200x128xf32, #tpu.memory_space<hbm>>) target_semaphore(%arg7 : memref<!tpu.dma_semaphore, #tpu.memory_space<semaphore_mem>>)
      %mul3A_114 = arith.constant 1000 : i32
      %mul3A_115 = arith.muli %arg1, %mul3A_114 : i32
      %add3A_116 = arith.constant 800 : i32
      %add3A_117 = arith.addi %mul3A_115, %add3A_116 : i32
      %dma_start3A_118 = arith.constant 0 : i32
      %dma_start3A_119 = tpu.memref_slice %arg3[%arg0, %add3A_117, %dma_start3A_118] : memref<2x10000x128xf32, #tpu.memory_space<hbm>> -> memref<1x200x128xf32, #tpu.memory_space<hbm>>
      %dma_start3A_120 = tpu.memref_squeeze %dma_start3A_119 : memref<1x200x128xf32, #tpu.memory_space<hbm>> -> memref<200x128xf32, #tpu.memory_space<hbm>>
      %dma_start3A_121 = arith.constant 0 : i32
      %dma_start3A_122 = tpu.memref_slice %arg6[%add3A_117, %dma_start3A_121] : memref<10008x128xf32, #tpu.memory_space<vmem_shared>> -> memref<200x128xf32, #tpu.memory_space<vmem_shared>>
      tpu.enqueue_dma source(%dma_start3A_122 : memref<200x128xf32, #tpu.memory_space<vmem_shared>>) target(%dma_start3A_120 : memref<200x128xf32, #tpu.memory_space<hbm>>) target_semaphore(%arg7 : memref<!tpu.dma_semaphore, #tpu.memory_space<semaphore_mem>>)
      %dma_wait3A_123 = arith.constant 0 : i32
      %dma_wait3A_124 = tpu.memref_slice %arg3[%arg0, %add3A_81, %dma_wait3A_123] : memref<2x10000x128xf32, #tpu.memory_space<hbm>> -> memref<1x200x128xf32, #tpu.memory_space<hbm>>
      %dma_wait3A_125 = tpu.memref_squeeze %dma_wait3A_124 : memref<1x200x128xf32, #tpu.memory_space<hbm>> -> memref<200x128xf32, #tpu.memory_space<hbm>>
      %dma_wait3A_126 = arith.constant 0 : i32
      %dma_wait3A_127 = tpu.memref_slice %arg6[%add3A_81, %dma_wait3A_126] : memref<10008x128xf32, #tpu.memory_space<vmem_shared>> -> memref<200x128xf32, #tpu.memory_space<vmem_shared>>
      tpu.wait_dma2 semaphore(%arg7 : memref<!tpu.dma_semaphore, #tpu.memory_space<semaphore_mem>>) src(%dma_wait3A_127 : memref<200x128xf32, #tpu.memory_space<vmem_shared>>) dst(%dma_wait3A_125 : memref<200x128xf32, #tpu.memory_space<hbm>>)
      %dma_wait3A_128 = arith.constant 0 : i32
      %dma_wait3A_129 = tpu.memref_slice %arg3[%arg0, %add3A_90, %dma_wait3A_128] : memref<2x10000x128xf32, #tpu.memory_space<hbm>> -> memref<1x200x128xf32, #tpu.memory_space<hbm>>
      %dma_wait3A_130 = tpu.memref_squeeze %dma_wait3A_129 : memref<1x200x128xf32, #tpu.memory_space<hbm>> -> memref<200x128xf32, #tpu.memory_space<hbm>>
      %dma_wait3A_131 = arith.constant 0 : i32
      %dma_wait3A_132 = tpu.memref_slice %arg6[%add3A_90, %dma_wait3A_131] : memref<10008x128xf32, #tpu.memory_space<vmem_shared>> -> memref<200x128xf32, #tpu.memory_space<vmem_shared>>
      tpu.wait_dma2 semaphore(%arg7 : memref<!tpu.dma_semaphore, #tpu.memory_space<semaphore_mem>>) src(%dma_wait3A_132 : memref<200x128xf32, #tpu.memory_space<vmem_shared>>) dst(%dma_wait3A_130 : memref<200x128xf32, #tpu.memory_space<hbm>>)
      %dma_wait3A_133 = arith.constant 0 : i32
      %dma_wait3A_134 = tpu.memref_slice %arg3[%arg0, %add3A_99, %dma_wait3A_133] : memref<2x10000x128xf32, #tpu.memory_space<hbm>> -> memref<1x200x128xf32, #tpu.memory_space<hbm>>
      %dma_wait3A_135 = tpu.memref_squeeze %dma_wait3A_134 : memref<1x200x128xf32, #tpu.memory_space<hbm>> -> memref<200x128xf32, #tpu.memory_space<hbm>>
      %dma_wait3A_136 = arith.constant 0 : i32
      %dma_wait3A_137 = tpu.memref_slice %arg6[%add3A_99, %dma_wait3A_136] : memref<10008x128xf32, #tpu.memory_space<vmem_shared>> -> memref<200x128xf32, #tpu.memory_space<vmem_shared>>
      tpu.wait_dma2 semaphore(%arg7 : memref<!tpu.dma_semaphore, #tpu.memory_space<semaphore_mem>>) src(%dma_wait3A_137 : memref<200x128xf32, #tpu.memory_space<vmem_shared>>) dst(%dma_wait3A_135 : memref<200x128xf32, #tpu.memory_space<hbm>>)
      %dma_wait3A_138 = arith.constant 0 : i32
      %dma_wait3A_139 = tpu.memref_slice %arg3[%arg0, %add3A_108, %dma_wait3A_138] : memref<2x10000x128xf32, #tpu.memory_space<hbm>> -> memref<1x200x128xf32, #tpu.memory_space<hbm>>
      %dma_wait3A_140 = tpu.memref_squeeze %dma_wait3A_139 : memref<1x200x128xf32, #tpu.memory_space<hbm>> -> memref<200x128xf32, #tpu.memory_space<hbm>>
      %dma_wait3A_141 = arith.constant 0 : i32
      %dma_wait3A_142 = tpu.memref_slice %arg6[%add3A_108, %dma_wait3A_141] : memref<10008x128xf32, #tpu.memory_space<vmem_shared>> -> memref<200x128xf32, #tpu.memory_space<vmem_shared>>
      tpu.wait_dma2 semaphore(%arg7 : memref<!tpu.dma_semaphore, #tpu.memory_space<semaphore_mem>>) src(%dma_wait3A_142 : memref<200x128xf32, #tpu.memory_space<vmem_shared>>) dst(%dma_wait3A_140 : memref<200x128xf32, #tpu.memory_space<hbm>>)
      %dma_wait3A_143 = arith.constant 0 : i32
      %dma_wait3A_144 = tpu.memref_slice %arg3[%arg0, %add3A_117, %dma_wait3A_143] : memref<2x10000x128xf32, #tpu.memory_space<hbm>> -> memref<1x200x128xf32, #tpu.memory_space<hbm>>
      %dma_wait3A_145 = tpu.memref_squeeze %dma_wait3A_144 : memref<1x200x128xf32, #tpu.memory_space<hbm>> -> memref<200x128xf32, #tpu.memory_space<hbm>>
      %dma_wait3A_146 = arith.constant 0 : i32
      %dma_wait3A_147 = tpu.memref_slice %arg6[%add3A_117, %dma_wait3A_146] : memref<10008x128xf32, #tpu.memory_space<vmem_shared>> -> memref<200x128xf32, #tpu.memory_space<vmem_shared>>
      tpu.wait_dma2 semaphore(%arg7 : memref<!tpu.dma_semaphore, #tpu.memory_space<semaphore_mem>>) src(%dma_wait3A_147 : memref<200x128xf32, #tpu.memory_space<vmem_shared>>) dst(%dma_wait3A_145 : memref<200x128xf32, #tpu.memory_space<hbm>>)
    } else {
    }
    return
  }
}

module attributes {stable_mosaic.version = 14 : i64} {
  func.func @tc_sage_skip(%arg0: i32, %arg1: memref<1000x128xf32, #tpu.memory_space<vmem>>, %arg2: memref<128x128xf32, #tpu.memory_space<vmem>>, %arg3: memref<1x128xf32, #tpu.memory_space<vmem>>, %arg4: memref<1000x128xf32, #tpu.memory_space<vmem>>) attributes {dimension_semantics = [#tpu.dimension_semantics<arbitrary>], iteration_bounds = array<i64: 10>, scalar_prefetch = 0 : i64, scratch_operands = 0 : i64, tpu.core_type = #tpu.core_type<tc>, window_params = [{transform_indices = @transform_0, window_bounds = array<i64: 1000, 128>}, {pipeline_mode = #tpu.pipeline_mode<synchronous>, transform_indices = @transform_1, window_bounds = array<i64: 128, 128>}, {pipeline_mode = #tpu.pipeline_mode<synchronous>, transform_indices = @transform_2, window_bounds = array<i64: 1, 128>}, {transform_indices = @transform_3, window_bounds = array<i64: 1000, 128>}]} {
    %get3A = arith.constant 0 : index
    %get3A_0 = arith.constant 0 : index
    %get3A_1 = vector.load %arg1[%get3A, %get3A_0] : memref<1000x128xf32, #tpu.memory_space<vmem>>, vector<1000x128xf32>
    %get3A_2 = arith.constant 0 : index
    %get3A_3 = arith.constant 0 : index
    %get3A_4 = vector.load %arg2[%get3A_2, %get3A_3] : memref<128x128xf32, #tpu.memory_space<vmem>>, vector<128x128xf32>
    %dot_general3A = arith.constant dense<0.000000e+00> : vector<1000x128xf32>
    %dot_general3A_5 = tpu.matmul %get3A_1, %get3A_4, %dot_general3A {dimension_numbers = #tpu.dot_dimension_numbers<[1], [0], [0], [1], [0, 0, 1, 1], [], []>, transpose_lhs_hint = false} : vector<1000x128xf32>, vector<128x128xf32>, vector<1000x128xf32> -> vector<1000x128xf32>
    %get3A_6 = arith.constant 0 : index
    %get3A_7 = arith.constant 0 : index
    %get3A_8 = vector.load %arg3[%get3A_6, %get3A_7] : memref<1x128xf32, #tpu.memory_space<vmem>>, vector<1x128xf32>
    %add3A = vector.broadcast %get3A_8 : vector<1x128xf32> to vector<1000x128xf32>
    %add3A_9 = arith.addf %dot_general3A_5, %add3A : vector<1000x128xf32>
    %swap3A = arith.constant 0 : index
    %swap3A_10 = arith.constant 0 : index
    %swap3A_11 = vector.load %arg4[%swap3A, %swap3A_10] : memref<1000x128xf32, #tpu.memory_space<vmem>>, vector<1000x128xf32>
    tpu.vector_store %arg4[%swap3A, %swap3A_10], %add3A_9 {strides = array<i32>} : memref<1000x128xf32, #tpu.memory_space<vmem>>, vector<1000x128xf32>,
    return
  }
  func.func @transform_0(%arg0: i32) -> (i32, i32) {
    %c0_i32 = arith.constant 0 : i32
    %c0_i32_0 = arith.constant 0 : i32
    return %arg0, %c0_i32 : i32, i32
  }
  func.func @transform_1(%arg0: i32) -> (i32, i32) {
    %c0_i32 = arith.constant 0 : i32
    %c0_i32_0 = arith.constant 0 : i32
    %c0_i32_1 = arith.constant 0 : i32
    return %c0_i32, %c0_i32_0 : i32, i32
  }
  func.func @transform_2(%arg0: i32) -> (i32, i32) {
    %c0_i32 = arith.constant 0 : i32
    %c0_i32_0 = arith.constant 0 : i32
    %c0_i32_1 = arith.constant 0 : i32
    return %c0_i32, %c0_i32_0 : i32, i32
  }
  func.func @transform_3(%arg0: i32) -> (i32, i32) {
    %c0_i32 = arith.constant 0 : i32
    %c0_i32_0 = arith.constant 0 : i32
    return %arg0, %c0_i32 : i32, i32
  }
}

module attributes {stable_mosaic.version = 14 : i64} {
  func.func @tc_sage_combine1(%arg0: i32, %arg1: memref<2x1000x128xf32, #tpu.memory_space<vmem>>, %arg2: memref<2x1000x128xf32, #tpu.memory_space<vmem>>, %arg3: memref<1000x128xf32, #tpu.memory_space<vmem>>, %arg4: memref<128x128xf32, #tpu.memory_space<vmem>>, %arg5: memref<128x128xf32, #tpu.memory_space<vmem>>, %arg6: memref<1x128xf32, #tpu.memory_space<vmem>>, %arg7: memref<1000x128xf32, #tpu.memory_space<vmem>>, %arg8: memref<1000x128xf32, #tpu.memory_space<vmem>>) attributes {dimension_semantics = [#tpu.dimension_semantics<arbitrary>], iteration_bounds = array<i64: 10>, scalar_prefetch = 0 : i64, scratch_operands = 0 : i64, tpu.core_type = #tpu.core_type<tc>, window_params = [{transform_indices = @transform_0, window_bounds = array<i64: 2, 1000, 128>}, {transform_indices = @transform_1, window_bounds = array<i64: 2, 1000, 128>}, {transform_indices = @transform_2, window_bounds = array<i64: 1000, 128>}, {pipeline_mode = #tpu.pipeline_mode<synchronous>, transform_indices = @transform_3, window_bounds = array<i64: 128, 128>}, {pipeline_mode = #tpu.pipeline_mode<synchronous>, transform_indices = @transform_4, window_bounds = array<i64: 128, 128>}, {pipeline_mode = #tpu.pipeline_mode<synchronous>, transform_indices = @transform_5, window_bounds = array<i64: 1, 128>}, {transform_indices = @transform_6, window_bounds = array<i64: 1000, 128>}, {transform_indices = @transform_7, window_bounds = array<i64: 1000, 128>}]} {
    %get3A = arith.constant 0 : index
    %get3A_0 = arith.constant 0 : index
    %get3A_1 = arith.constant 0 : index
    %get3A_2 = vector.load %arg1[%get3A, %get3A_0, %get3A_1] : memref<2x1000x128xf32, #tpu.memory_space<vmem>>, vector<1x1000x128xf32>
    %get3A_3 = vector.shape_cast %get3A_2 : vector<1x1000x128xf32> to vector<1000x128xf32>
    %get3A_4 = arith.constant 1 : index
    %get3A_5 = arith.constant 0 : index
    %get3A_6 = arith.constant 0 : index
    %get3A_7 = vector.load %arg1[%get3A_4, %get3A_5, %get3A_6] : memref<2x1000x128xf32, #tpu.memory_space<vmem>>, vector<1x1000x128xf32>
    %get3A_8 = vector.shape_cast %get3A_7 : vector<1x1000x128xf32> to vector<1000x128xf32>
    %add3A = arith.addf %get3A_3, %get3A_8 : vector<1000x128xf32>
    %get3A_9 = arith.constant 0 : index
    %get3A_10 = arith.constant 0 : index
    %get3A_11 = arith.constant 0 : index
    %get3A_12 = vector.load %arg2[%get3A_9, %get3A_10, %get3A_11] : memref<2x1000x128xf32, #tpu.memory_space<vmem>>, vector<1x1000x1xf32>
    %get3A_13 = vector.shape_cast %get3A_12 : vector<1x1000x1xf32> to vector<1000x1xf32>
    %get3A_14 = arith.constant 1 : index
    %get3A_15 = arith.constant 0 : index
    %get3A_16 = arith.constant 0 : index
    %get3A_17 = vector.load %arg2[%get3A_14, %get3A_15, %get3A_16] : memref<2x1000x128xf32, #tpu.memory_space<vmem>>, vector<1x1000x1xf32>
    %get3A_18 = vector.shape_cast %get3A_17 : vector<1x1000x1xf32> to vector<1000x1xf32>
    %add3A_19 = arith.addf %get3A_13, %get3A_18 : vector<1000x1xf32>
    %max3A = arith.constant 1.000000e+00 : f32
    %max3A_20 = vector.broadcast %max3A : f32 to vector<1000x1xf32>
    %max3A_21 = arith.maximumf %add3A_19, %max3A_20 : vector<1000x1xf32>
    %div3A = vector.broadcast %max3A_21 : vector<1000x1xf32> to vector<1000x128xf32>
    %div3A_22 = arith.divf %add3A, %div3A : vector<1000x128xf32>
    %get3A_23 = arith.constant 0 : index
    %get3A_24 = arith.constant 0 : index
    %get3A_25 = vector.load %arg4[%get3A_23, %get3A_24] : memref<128x128xf32, #tpu.memory_space<vmem>>, vector<128x128xf32>
    %dot_general3A = arith.constant dense<0.000000e+00> : vector<1000x128xf32>
    %dot_general3A_26 = tpu.matmul %div3A_22, %get3A_25, %dot_general3A {dimension_numbers = #tpu.dot_dimension_numbers<[1], [0], [0], [1], [0, 0, 1, 1], [], []>, transpose_lhs_hint = false} : vector<1000x128xf32>, vector<128x128xf32>, vector<1000x128xf32> -> vector<1000x128xf32>
    %get3A_27 = arith.constant 0 : index
    %get3A_28 = arith.constant 0 : index
    %get3A_29 = vector.load %arg3[%get3A_27, %get3A_28] : memref<1000x128xf32, #tpu.memory_space<vmem>>, vector<1000x128xf32>
    %add3A_30 = arith.addf %dot_general3A_26, %get3A_29 : vector<1000x128xf32>
    %max3A_31 = arith.constant 0.000000e+00 : f32
    %max3A_32 = vector.broadcast %max3A_31 : f32 to vector<1000x128xf32>
    %max3A_33 = arith.maximumf %add3A_30, %max3A_32 : vector<1000x128xf32>
    %swap3A = arith.constant 0 : index
    %swap3A_34 = arith.constant 0 : index
    %swap3A_35 = vector.load %arg7[%swap3A, %swap3A_34] : memref<1000x128xf32, #tpu.memory_space<vmem>>, vector<1000x128xf32>
    tpu.vector_store %arg7[%swap3A, %swap3A_34], %max3A_33 {strides = array<i32>} : memref<1000x128xf32, #tpu.memory_space<vmem>>, vector<1000x128xf32>,
    %get3A_36 = arith.constant 0 : index
    %get3A_37 = arith.constant 0 : index
    %get3A_38 = vector.load %arg5[%get3A_36, %get3A_37] : memref<128x128xf32, #tpu.memory_space<vmem>>, vector<128x128xf32>
    %dot_general3A_39 = arith.constant dense<0.000000e+00> : vector<1000x128xf32>
    %dot_general3A_40 = tpu.matmul %max3A_33, %get3A_38, %dot_general3A_39 {dimension_numbers = #tpu.dot_dimension_numbers<[1], [0], [0], [1], [0, 0, 1, 1], [], []>, transpose_lhs_hint = false} : vector<1000x128xf32>, vector<128x128xf32>, vector<1000x128xf32> -> vector<1000x128xf32>
    %get3A_41 = arith.constant 0 : index
    %get3A_42 = arith.constant 0 : index
    %get3A_43 = vector.load %arg6[%get3A_41, %get3A_42] : memref<1x128xf32, #tpu.memory_space<vmem>>, vector<1x128xf32>
    %add3A_44 = vector.broadcast %get3A_43 : vector<1x128xf32> to vector<1000x128xf32>
    %add3A_45 = arith.addf %dot_general3A_40, %add3A_44 : vector<1000x128xf32>
    %swap3A_46 = arith.constant 0 : index
    %swap3A_47 = arith.constant 0 : index
    %swap3A_48 = vector.load %arg8[%swap3A_46, %swap3A_47] : memref<1000x128xf32, #tpu.memory_space<vmem>>, vector<1000x128xf32>
    tpu.vector_store %arg8[%swap3A_46, %swap3A_47], %add3A_45 {strides = array<i32>} : memref<1000x128xf32, #tpu.memory_space<vmem>>, vector<1000x128xf32>,
    return
  }
  func.func @transform_0(%arg0: i32) -> (i32, i32, i32) {
    %c0_i32 = arith.constant 0 : i32
    %c0_i32_0 = arith.constant 0 : i32
    %c0_i32_1 = arith.constant 0 : i32
    return %c0_i32, %arg0, %c0_i32_0 : i32, i32, i32
  }
  func.func @transform_1(%arg0: i32) -> (i32, i32, i32) {
    %c0_i32 = arith.constant 0 : i32
    %c0_i32_0 = arith.constant 0 : i32
    %c0_i32_1 = arith.constant 0 : i32
    return %c0_i32, %arg0, %c0_i32_0 : i32, i32, i32
  }
  func.func @transform_2(%arg0: i32) -> (i32, i32) {
    %c0_i32 = arith.constant 0 : i32
    %c0_i32_0 = arith.constant 0 : i32
    return %arg0, %c0_i32 : i32, i32
  }
  func.func @transform_3(%arg0: i32) -> (i32, i32) {
    %c0_i32 = arith.constant 0 : i32
    %c0_i32_0 = arith.constant 0 : i32
    %c0_i32_1 = arith.constant 0 : i32
    return %c0_i32, %c0_i32_0 : i32, i32
  }
  func.func @transform_4(%arg0: i32) -> (i32, i32) {
    %c0_i32 = arith.constant 0 : i32
    %c0_i32_0 = arith.constant 0 : i32
    %c0_i32_1 = arith.constant 0 : i32
    return %c0_i32, %c0_i32_0 : i32, i32
  }
  func.func @transform_5(%arg0: i32) -> (i32, i32) {
    %c0_i32 = arith.constant 0 : i32
    %c0_i32_0 = arith.constant 0 : i32
    %c0_i32_1 = arith.constant 0 : i32
    return %c0_i32, %c0_i32_0 : i32, i32
  }
  func.func @transform_6(%arg0: i32) -> (i32, i32) {
    %c0_i32 = arith.constant 0 : i32
    %c0_i32_0 = arith.constant 0 : i32
    return %arg0, %c0_i32 : i32, i32
  }
  func.func @transform_7(%arg0: i32) -> (i32, i32) {
    %c0_i32 = arith.constant 0 : i32
    %c0_i32_0 = arith.constant 0 : i32
    return %arg0, %c0_i32 : i32, i32
  }
}

module attributes {stable_mosaic.version = 14 : i64} {
  func.func @tc_sage_combine2(%arg0: i32, %arg1: memref<2x1000x128xf32, #tpu.memory_space<vmem>>, %arg2: memref<2x1000x128xf32, #tpu.memory_space<vmem>>, %arg3: memref<1000x128xf32, #tpu.memory_space<vmem>>, %arg4: memref<128x128xf32, #tpu.memory_space<vmem>>, %arg5: memref<1000x128xf32, #tpu.memory_space<vmem>>) attributes {dimension_semantics = [#tpu.dimension_semantics<arbitrary>], iteration_bounds = array<i64: 10>, scalar_prefetch = 0 : i64, scratch_operands = 0 : i64, tpu.core_type = #tpu.core_type<tc>, window_params = [{transform_indices = @transform_0, window_bounds = array<i64: 2, 1000, 128>}, {transform_indices = @transform_1, window_bounds = array<i64: 2, 1000, 128>}, {transform_indices = @transform_2, window_bounds = array<i64: 1000, 128>}, {pipeline_mode = #tpu.pipeline_mode<synchronous>, transform_indices = @transform_3, window_bounds = array<i64: 128, 128>}, {transform_indices = @transform_4, window_bounds = array<i64: 1000, 128>}]} {
    %get3A = arith.constant 0 : index
    %get3A_0 = arith.constant 0 : index
    %get3A_1 = arith.constant 0 : index
    %get3A_2 = vector.load %arg1[%get3A, %get3A_0, %get3A_1] : memref<2x1000x128xf32, #tpu.memory_space<vmem>>, vector<1x1000x128xf32>
    %get3A_3 = vector.shape_cast %get3A_2 : vector<1x1000x128xf32> to vector<1000x128xf32>
    %get3A_4 = arith.constant 1 : index
    %get3A_5 = arith.constant 0 : index
    %get3A_6 = arith.constant 0 : index
    %get3A_7 = vector.load %arg1[%get3A_4, %get3A_5, %get3A_6] : memref<2x1000x128xf32, #tpu.memory_space<vmem>>, vector<1x1000x128xf32>
    %get3A_8 = vector.shape_cast %get3A_7 : vector<1x1000x128xf32> to vector<1000x128xf32>
    %add3A = arith.addf %get3A_3, %get3A_8 : vector<1000x128xf32>
    %get3A_9 = arith.constant 0 : index
    %get3A_10 = arith.constant 0 : index
    %get3A_11 = arith.constant 0 : index
    %get3A_12 = vector.load %arg2[%get3A_9, %get3A_10, %get3A_11] : memref<2x1000x128xf32, #tpu.memory_space<vmem>>, vector<1x1000x1xf32>
    %get3A_13 = vector.shape_cast %get3A_12 : vector<1x1000x1xf32> to vector<1000x1xf32>
    %get3A_14 = arith.constant 1 : index
    %get3A_15 = arith.constant 0 : index
    %get3A_16 = arith.constant 0 : index
    %get3A_17 = vector.load %arg2[%get3A_14, %get3A_15, %get3A_16] : memref<2x1000x128xf32, #tpu.memory_space<vmem>>, vector<1x1000x1xf32>
    %get3A_18 = vector.shape_cast %get3A_17 : vector<1x1000x1xf32> to vector<1000x1xf32>
    %add3A_19 = arith.addf %get3A_13, %get3A_18 : vector<1000x1xf32>
    %max3A = arith.constant 1.000000e+00 : f32
    %max3A_20 = vector.broadcast %max3A : f32 to vector<1000x1xf32>
    %max3A_21 = arith.maximumf %add3A_19, %max3A_20 : vector<1000x1xf32>
    %div3A = vector.broadcast %max3A_21 : vector<1000x1xf32> to vector<1000x128xf32>
    %div3A_22 = arith.divf %add3A, %div3A : vector<1000x128xf32>
    %get3A_23 = arith.constant 0 : index
    %get3A_24 = arith.constant 0 : index
    %get3A_25 = vector.load %arg4[%get3A_23, %get3A_24] : memref<128x128xf32, #tpu.memory_space<vmem>>, vector<128x128xf32>
    %dot_general3A = arith.constant dense<0.000000e+00> : vector<1000x128xf32>
    %dot_general3A_26 = tpu.matmul %div3A_22, %get3A_25, %dot_general3A {dimension_numbers = #tpu.dot_dimension_numbers<[1], [0], [0], [1], [0, 0, 1, 1], [], []>, transpose_lhs_hint = false} : vector<1000x128xf32>, vector<128x128xf32>, vector<1000x128xf32> -> vector<1000x128xf32>
    %get3A_27 = arith.constant 0 : index
    %get3A_28 = arith.constant 0 : index
    %get3A_29 = vector.load %arg3[%get3A_27, %get3A_28] : memref<1000x128xf32, #tpu.memory_space<vmem>>, vector<1000x128xf32>
    %add3A_30 = arith.addf %dot_general3A_26, %get3A_29 : vector<1000x128xf32>
    %swap3A = arith.constant 0 : index
    %swap3A_31 = arith.constant 0 : index
    %swap3A_32 = vector.load %arg5[%swap3A, %swap3A_31] : memref<1000x128xf32, #tpu.memory_space<vmem>>, vector<1000x128xf32>
    tpu.vector_store %arg5[%swap3A, %swap3A_31], %add3A_30 {strides = array<i32>} : memref<1000x128xf32, #tpu.memory_space<vmem>>, vector<1000x128xf32>,
    return
  }
  func.func @transform_0(%arg0: i32) -> (i32, i32, i32) {
    %c0_i32 = arith.constant 0 : i32
    %c0_i32_0 = arith.constant 0 : i32
    %c0_i32_1 = arith.constant 0 : i32
    return %c0_i32, %arg0, %c0_i32_0 : i32, i32, i32
  }
  func.func @transform_1(%arg0: i32) -> (i32, i32, i32) {
    %c0_i32 = arith.constant 0 : i32
    %c0_i32_0 = arith.constant 0 : i32
    %c0_i32_1 = arith.constant 0 : i32
    return %c0_i32, %arg0, %c0_i32_0 : i32, i32, i32
  }
  func.func @transform_2(%arg0: i32) -> (i32, i32) {
    %c0_i32 = arith.constant 0 : i32
    %c0_i32_0 = arith.constant 0 : i32
    return %arg0, %c0_i32 : i32, i32
  }
  func.func @transform_3(%arg0: i32) -> (i32, i32) {
    %c0_i32 = arith.constant 0 : i32
    %c0_i32_0 = arith.constant 0 : i32
    %c0_i32_1 = arith.constant 0 : i32
    return %c0_i32, %c0_i32_0 : i32, i32
  }
  func.func @transform_4(%arg0: i32) -> (i32, i32) {
    %c0_i32 = arith.constant 0 : i32
    %c0_i32_0 = arith.constant 0 : i32
    return %arg0, %c0_i32 : i32, i32
  }
}

</mosaic_0001>

<sc_bundles>
// kernel: sc_sage_agg.4.cloned.1.call-start
scs
__scs_entry_jumppad:
0x0: {  	(pc) =	sbr.rel $0x88, $3  }
0x1: {  	(tag) =	ssettag $0x0;
	lr =	simm.s32 $0x1  }
0x2: {  	[smem:$0x3F99] =	sst lr;
	_ =	strace $0xD0000000  }
0x3: {  	_ = 	snop  }
0x4: {  	_ = 	snop  }
0x5: {  	_ = 	snop  }
0x6: {  	_ = 	snop  }
0x7: {  	_ = 	snop  }
__scs_overlays_trampoline_lowered:
0x8: {  	[smem:$0x3FA8] =	sst s0  }
0x9: {  	[smem:$0x3FA9] =	sst s1  }
0xa: {  	[smem:$0x3FAA] =	sst s2  }
0xb: {  	[smem:$0x3FAB] =	sst s3  }
0xc: {  	[smem:$0x3FAC] =	sst s4  }
0xd: {  	[smem:$0x3FAD] =	sst s5  }
0xe: {  	[smem:$0x3FAE] =	sst s6  }
0xf: {  	[smem:$0x3FAF] =	sst s7  }
0x10: {  	[smem:$0x3FB0] =	sst s8  }
0x11: {  	[smem:$0x3FB1] =	sst s9;
	s0 =	simm.s32 @!p0 $0x0  }
0x12: {  	s1 =	sld [smem:$0x3F97];
	s0 =	simm.s32 @p0 $0x1  }
0x13: {  	[smem:$0x3FB2] =	sst s0;
	s0 =	simm.s32 @!p1 $0x0  }
0x14: {  	s2 =	sld [smem:$0x3F96];
	s0 =	simm.s32 @p1 $0x1  }
0x15: {  	[smem:$0x3FB3] =	sst s0;
	s0 =	simm.s32 @!p2 $0x0  }
0x16: {  	s3 =	sld [smem:$0x3FDB];
	s0 =	simm.s32 @p2 $0x1  }
0x17: {  	s4 =	simm.s32 $0x1BF5;
	[smem:$0x3FB5] =	sst s0  }
0x18: {  	s0 =	sld [smem:$0x3F98];
	_ =	swait.ge [sflag:s4], $0x0  }
0x19: {  	s7 =	sld [smem:$0x3F99]  }
0x1a: {  	s8 =	sadd.s32 $0xFFFFE003, lr  }
0x1b: {  	s9 =	sadd.s32 $0xFFFFFEF7, lr;
	s5 =	simm.s32 $0xFFFFFFFF;
	p2 =	slt.u32 s8, $0xFFFFF086  }
0x1c: {  	p1 =	slt.u32 s9, $0xF7A;
	s5 =	simm.s32 @!p2 $0x0  }
0x1d: {  	s5 =	simm.s32 @p1 $0x1;
	p0 =	seq.s32 s7, s2  }
0x1e: {  	s7 =	smul.u32 @!p0 $0xF7A, s2;
	p2 =	seq.s32 @!p0 s5, $0x0  }
0x1f: {  	s9 =	smul.u32 $0xF7A, s1;
	s8 =	simm.s32 @!p0 $0x1BF5;
	p2 =	por !p2, p0  }
0x20: {  	[sflag:s8] =	ssyncset.s32 @!p0 $0xFFFFF086;
	s6 =	sadd.s32 @!p0 s3, s7;
	s7 =	simm.s32 @!p0 $0x108  }
0x21: {  	s3 =	sadd.s32 s3, s9;
	s6 =	sadd.s32 @!p0 $0x88, s6;
	s7 =	simm.s32 @p2 $0x1082  }
0x22: {  	[simem:s7], [sflag:s8] =	dma.local @!p0 [hbm:s6], $0xF7A  }
0x23: {  	s9 =	sor.u32 $0xD0000000, s2;
	s6 =	simm.s32 $0x108;
	_ =	swait.ge @!p0 [sflag:s8], $0x0  }
0x24: {  	s3 =	sadd.s32 $0x88, s3;
	s6 =	simm.s32 @!p1 $0x1082;
	[sflag:s4] =	ssyncset.s32 $0xFFFFF086  }
0x25: {  	[simem:s6], [sflag:s4] =	dma.local [hbm:s3], $0xF7A  }
0x26: {  	[smem:$0x3F99] =	sst s1;
	(tag) =	ssettag s2;
	_ =	strace s9  }
0x27: {  	s1 =	sld [smem:$0x3FA9]  }
0x28: {  	s2 =	sld [smem:$0x3FAA]  }
0x29: {  	s4 =	sld [smem:$0x3FAC]  }
0x2a: {  	p0 =	seq.s32 s5, $0x0;
	s5 =	sld [smem:$0x3FAD]  }
0x2b: {  	s6 =	sld [smem:$0x3FAE]  }
0x2c: {  	s7 =	sld [smem:$0x3FAF]  }
0x2d: {  	s3 =	simm.s32 $0x108;
	s8 =	sld [smem:$0x3FB0]  }
0x2e: {  	s3 =	simm.s32 @!p0 $0x1082;
	s9 =	sld [smem:$0x3FB1]  }
0x2f: {  	lr =	sadd.s32 s0, s3;
	s0 =	sld [smem:$0x3FA8]  }
0x30: {  	s3 =	sld [smem:$0x3FAB]  }
0x31: {  	[smem:$0x3FB4] =	sst s10  }
0x32: {  	s10 =	sld [smem:$0x3FB2];
	_ =	sdelay $0x3  }
0x33: {  	p0 =	seq.s32 s10, $0x1;
	s10 =	sld [smem:$0x3FB4];
	_ =	sdelay $0x3  }
0x34: {  	[smem:$0x3FB4] =	sst s10  }
0x35: {  	s10 =	sld [smem:$0x3FB3];
	_ =	sdelay $0x3  }
0x36: {  	p1 =	seq.s32 s10, $0x1;
	s10 =	sld [smem:$0x3FB4];
	_ =	sdelay $0x3  }
0x37: {  	[smem:$0x3FB4] =	sst s10  }
0x38: {  	s10 =	sld [smem:$0x3FB5]  }
0x39: {  	_ = 	snop;
	(pc) =	sbr.ind lr, $3  }
0x3a: {  	_ = 	snop  }
0x3b: {  	_ = 	snop  }
0x3c: {  	p2 =	seq.s32 s10, $0x1;
	s10 =	sld [smem:$0x3FB4]  }
0x3d: {  	_ =	shalt  }
0x3e: {  	_ =	shalt  }
0x3f: {  	_ =	shalt  }
0x40: {  	_ =	shalt  }
0x41: {  	_ =	shalt  }
0x42: {  	_ =	shalt  }
0x43: {  	_ =	shalt  }
0x44: {  	_ =	shalt  }
0x45: {  	_ =	shalt  }
0x46: {  	_ =	shalt  }
0x47: {  	_ =	shalt  }
0x48: {  	_ =	shalt  }
0x49: {  	_ =	shalt  }
0x4a: {  	_ =	shalt  }
0x4b: {  	_ =	shalt  }
0x4c: {  	_ =	shalt  }
0x4d: {  	_ =	shalt  }
0x4e: {  	_ =	shalt  }
0x4f: {  	_ =	shalt  }
0x50: {  	_ =	shalt  }
0x51: {  	_ =	shalt  }
0x52: {  	_ =	shalt  }
0x53: {  	_ =	shalt  }
0x54: {  	_ =	shalt  }
0x55: {  	_ =	shalt  }
0x56: {  	_ =	shalt  }
0x57: {  	_ =	shalt  }
0x58: {  	_ =	shalt  }
0x59: {  	_ =	shalt  }
0x5a: {  	_ =	shalt  }
0x5b: {  	_ =	shalt  }
0x5c: {  	_ =	shalt  }
0x5d: {  	_ =	shalt  }
0x5e: {  	_ =	shalt  }
0x5f: {  	_ =	shalt  }
0x60: {  	_ =	shalt  }
0x61: {  	_ =	shalt  }
0x62: {  	_ =	shalt  }
0x63: {  	_ =	shalt  }
0x64: {  	_ =	shalt  }
0x65: {  	_ =	shalt  }
0x66: {  	_ =	shalt  }
0x67: {  	_ =	shalt  }
0x68: {  	_ =	shalt  }
0x69: {  	_ =	shalt  }
0x6a: {  	_ =	shalt  }
0x6b: {  	_ =	shalt  }
0x6c: {  	_ =	shalt  }
0x6d: {  	_ =	shalt  }
0x6e: {  	_ =	shalt  }
0x6f: {  	_ =	shalt  }
0x70: {  	_ =	shalt  }
0x71: {  	_ =	shalt  }
0x72: {  	_ =	shalt  }
0x73: {  	_ =	shalt  }
0x74: {  	_ =	shalt  }
0x75: {  	_ =	shalt  }
0x76: {  	_ =	shalt  }
0x77: {  	_ =	shalt  }
0x78: {  	_ =	shalt  }
0x79: {  	_ =	shalt  }
0x7a: {  	_ =	shalt  }
0x7b: {  	_ =	shalt  }
0x7c: {  	_ =	shalt  }
0x7d: {  	_ =	shalt  }
0x7e: {  	_ =	shalt  }
0x7f: {  	_ =	shalt  }
0x80: {  	_ =	shalt  }
0x81: {  	_ =	shalt  }
0x82: {  	_ =	shalt  }
0x83: {  	_ =	shalt  }
0x84: {  	_ =	shalt  }
0x85: {  	_ =	shalt  }
0x86: {  	_ =	shalt  }
0x87: {  	_ =	shalt  }
.Lfunc_end0:
.L_simem_size_0:
called_computation.1_lowered:
.L_overlay_start_0:
0x88: {  	s2 =	sld [smem:$0x3FD9]  }
0x89: {  	s3 =	sld [smem:$0x3FFE];
	_ =	sdelay $0x1  }
0x8a: {  	s1 =	srdreg.scid  }
0x8b: {  	s0 =	sand.u32 $0x1, s1  }
0x8c: {  	s17 =	sshll.u32 s0, $0xA;
	s2 =	sadd.s32 s3, s2  }
0x8d: {  	s2 =	sadd.s32 s2, s17  }
0x8e: {  	[smem:$0x3FC0] =	sst s2  }
0x8f: {  	_ = 	snop  }
0x90: {  	s2 =	sld [smem:$0x3FC9];
	(tm) =	ssettm $0x1  }
0x91: {  	s18 =	sld [smem:$0x3FFB];
	_ =	sdelay $0x3  }
0x92: {  	_ =	strace s18  }
0x93: {  	s3 =	sld [smem:$0x3FFC];
	_ =	sdelay $0x3  }
0x94: {  	_ =	strace s3  }
0x95: {  	s3 =	sld [smem:$0x3FFD];
	_ =	sdelay $0x3  }
0x96: {  	_ =	strace s3  }
0x97: {  	_ =	strace $0x8FFFFFFF  }
0x98: {  	s19 =	sld [smem:$0x3FDB];
	_ =	sdelay $0x1  }
0x99: {  	s4 =	simm.s32 $_scs_section_size  }
0x9a: {  	s5 =	simm.s32 $_size__tile_overlayer_lowered;
	s6 =	simm.s32 $_tile_overlayer_lowered  }
0x9b: {  	s22 =	simm.s32 $0x1BFF;
	s21 =	sshll.u32 s6, $0x1;
	s3 =	sadd.s32 s4, s19  }
0x9c: {  	s7 =	simm.s32 $0x0;
	s20 =	sshll.u32 s5, $0x1;
	s5 =	sadd.s32 s21, s3  }
0x9d: {  	[timem:s7], [sflag:s22] =	dma.local [hbm:s5], s20  }
0x9e: {  	_ =	swait.ge [sflag:s22], s20  }
0x9f: {  	s4 =	ssub.s32 $0x0, s20;
	[sflag:s22] =	ssyncset.done $0x0  }
0xa0: {  	[sflag:s22] =	ssyncadd.s32 s4;
	_ =	sdelay $0x1  }
0xa1: {  	s23 =	simm.s32 $0x1B8B  }
0xa2: {  	_ =	swait.ge [sflag:s23], $0x1  }
0xa3: {  	[sflag:s23] =	ssyncset.done $0x0  }
0xa4: {  	s25 =	simm.s32 $0x1B8E;
	s24 =	sld [smem:$0x3FFE];
	[sflag:s23] =	ssyncadd.s32 $0xFFFFFFFF  }
0xa5: {  	s26 =	simm.s32 $execute0_lowered;
	[smem:$0x3FD2] =	sst s25  }
0xa6: {  	s5 =	sshll.u32 s26, $0x1;
	_ =	strace $0x80000046;
	[dreg:$0x1] =	wrdreg $0xFFFFFFFF  }
0xa7: {  	s28 =	simm.s32 $_size_execute0_lowered;
	s3 =	sadd.s32 s3, s5;
	[dreg:$0x0] =	wrdreg $0x0  }
0xa8: {  	s5 =	sshll.u32 s28, $0x1;
	[dreg:$0x2] =	wrdreg s3  }
0xa9: {  	[dreg:$0x3] =	wrdreg s5  }
0xaa: {  	[dreg:$0x4] =	wrdreg $0xC0  }
0xab: {  	_ =	task [dreg:s7], $0x5FFFF  }
0xac: {  	[dreg:$0x1] =	wrdreg $0xFFFFFFFF  }
0xad: {  	[dreg:$0x0] =	wrdreg $0x60  }
0xae: {  	[dreg:$0x2] =	wrdreg s24  }
0xaf: {  	[dreg:$0x3] =	wrdreg s2  }
0xb0: {  	[dreg:$0x4] =	wrdreg $0x71000  }
0xb1: {  	[dreg:$0x5] =	wrdreg $0xA  }
0xb2: {  	_ =	task.clear_ibuf [dreg:s7], $0x6FFFF;
	_ =	strace $0x90000046  }
0xb3: {  	s29 =	simm.s32 $0xA;
	_ =	strace $0x80000048  }
0xb4: {  	_ =	swait.ge [sflag:s29], $0x1  }
0xb5: {  	[sflag:s29] =	ssyncadd.s32 $0xFFFFFFFF  }
0xb6: {  	_ =	strace $0x90000048  }
0xb7: {  	_ =	sfence  }
0xb8: {  	s30 =	sld [smem:$0x0];
	_ =	sdelay $0x2  }
0xb9: {  	s31 =	sshll.u32 s1, $0xD;
	s1 =	sshrl.u32 s1, $0x2  }
0xba: {  	s3 =	sand.u32 $0x4000, s31;
	s1 =	sadd.s32 s1, s30  }
0xbb: {  	s0 =	sor.u32 s3, s0;
	s1 =	sshll.u32 s1, $0x11  }
0xbc: {  	s0 =	sor.u32 s1, s0  }
0xbd: {  	s0 =	sadd.s32 $0x8F2B, s0  }
0xbe: {  	[sflag:s0] =	ssyncadd.remote.s32 $0x1  }
0xbf: {  	_ =	sfence.sel $0xFFFF  }
0xc0: {  	[dreg:$0x0] =	wrdreg $0xFFFFFFFF;
	(pc) =	sbr.abs _section_cstart, $3  }
0xc1: {  	[dreg:$0x1] =	wrdreg $0xFFFFFFFF  }
0xc2: {  	_ =	task.clear_ibuf [dreg:s7], $0x2FFFF;
	_ =	strace $0x9FFFFFFF  }
0xc3: {  	(tm) =	ssettm $0x7FFFFFFF  }
tec
execute0_lowered:
.L_overlay_start_1:
0x0: {  	(tag) =	ssettag $0x1  }
0x1: {  	s0 =	rddreg [dreg:$0x0]  }
0x2: {  	s1 =	rddreg [dreg:$0x1]  }
0x3: {  	s3 =	rddreg [dreg:$0x2];
	s4 =	simm.s32 $0x0  }
0x4: {  	s2 =	srdreg.scid;
	s19 =	stileid.u32;
	s28 =	simm.s32 $0x3  }
0x5: {  	s29 =	simm.s32 $0x5;
	s30 =	simm.s32 $0x4;
	s31 =	simm.s32 $0x6  }
0x6: {  	[smem:$0x7FF] =	sst s4;
	s2 =	sand.u32 $0x1, s2;
	s5 =	sshll.u32 s19, $0x1  }
0x7: {  	s8 =	sadd.s32 $0x11E00, s0;
	s10 =	smul.u32 $0x7D000, s19;
	s16 =	sadd.s32 $0x138800, s3  }
0x8: {  	s26 =	smul.u32 $0x1F400, s19;
	p0 =	sgt.u32 s19, $0x9;
	_ =	strace $0x80000047  }
0x9: {  	s5 =	sor.u32 s2, s5;
	s7 =	ssub.s32 $0x2, s2;
	s12 =	smul.u32 $0x138800, s2  }
0xa: {  	[dreg:$0x5] =	wrdreg s16;
	s2 =	smul.u32 $0x2800, s2;
	p1 =	sne.s32 @p0 s19, $0xA  }
0xb: {  	s6 =	sshll.u32 s5, $0xB;
	s5 =	smul.u32 $0x2800, s5;
	s24 =	sshrl.u32 s7, $0x1  }
0xc: {  	s25 =	sshrl.u32 s10, $0x2;
	s13 =	sadd.s32 $0x6400, s26;
	s14 =	sadd.s32 $0xC800, s26  }
0xd: {  	s22 =	sadd.s32 $0x12C00, s26;
	s10 =	sadd.s32 $0x19000, s26;
	p1 =	por p1, !p0  }
0xe: {  	s9 =	sadd.s32 s6, s0;
	s0 =	sadd.s32 $0x1C000, s0;
	s11 =	ssub.s32 s7, s24  }
0xf: {  	s7 =	sadd.s32 s25, s3;
	s18 =	sadd.s32 s26, s12;
	s16 =	sadd.s32 s12, s14  }
0x10: {  	s23 =	sadd.s32 s12, s22;
	s5 =	sshrl.u32 s5, $0x3;
	s15 =	sadd.s32 $0x1E00, s9  }
0x11: {  	s17 =	sadd.s32 $0x2800, s7;
	s16 =	sshrl.u32 s16, $0x3;
	[dreg:$0x4] =	wrdreg s15  }
0x12: {  	s9 =	sadd.s32 $0x2200, s9;
	s6 =	sadd.s32 s8, s5;
	[dreg:$0x6] =	wrdreg s17  }
0x13: {  	s5 =	sshrl.u32 s18, $0x3;
	s15 =	sadd.s32 s12, s13;
	s17 =	smul.u32 $0x5000, s19  }
0x14: {  	s21 =	sadd.s32 s0, s16;
	s12 =	sadd.s32 s12, s10;
	[dreg:$0xd] =	wrdreg s9  }
0x15: {  	s19 =	sadd.s32 $0x11800, s7;
	s15 =	sshrl.u32 s15, $0x3;
	[dreg:$0x9] =	wrdreg s21  }
0x16: {  	s5 =	sadd.s32 s0, s5;
	s12 =	sshrl.u32 s12, $0x3;
	[dreg:$0x17] =	wrdreg s19  }
0x17: {  	s21 =	sadd.s32 $0x16800, s7;
	s19 =	simm.s32 $0x100;
	[dreg:$0x7] =	wrdreg s5  }
0x18: {  	s20 =	sadd.s32 s0, s15;
	s2 =	sadd.s32 s2, s17;
	s15 =	sshrl.u32 s23, $0x3  }
0x19: {  	s5 =	sadd.s32 s22, s3;
	[dreg:$0x19] =	wrdreg s21;
	s22 =	sadd.s32 $0x19000, s7  }
0x1a: {  	s23 =	sadd.s32 $0x1B800, s7;
	s21 =	simm.s32 $0x1;
	[dreg:$0x8] =	wrdreg s20  }
0x1b: {  	s24 =	sor.u32 $0x140, s2;
	s15 =	sadd.s32 s0, s15;
	s0 =	sadd.s32 s0, s12  }
0x1c: {  	s25 =	sor.u32 $0xF0, s2;
	s26 =	sadd.s32 $0x1540, s2;
	[dreg:$0x1a] =	wrdreg s22  }
0x1d: {  	s2 =	sadd.s32 $0x14F0, s2;
	s20 =	sadd.s32 $0x14000, s7;
	[dreg:$0x1b] =	wrdreg s23  }
0x1e: {  	s22 =	simm.s32 $0x50;
	s23 =	simm.s32 $0x2100;
	[dreg:$0xa] =	wrdreg s15  }
0x1f: {  	s16 =	sshrl.u32 s24, $0x3;
	[dreg:$0xb] =	wrdreg s0;
	s0 =	sshrl.u32 s25, $0x3  }
0x20: {  	s12 =	sshrl.u32 s26, $0x3;
	s2 =	sshrl.u32 s2, $0x3;
	[dreg:$0x18] =	wrdreg s20  }
0x21: {  	s24 =	sadd.s32 $0x1E000, s7;
	s25 =	sadd.s32 $0xA, s6;
	s26 =	sadd.s32 $0x14, s6  }
0x22: {  	s20 =	simm.s32 $0x7;
	s15 =	sadd.s32 s16, s8;
	[dreg:$0x1c] =	wrdreg s24  }
0x23: {  	s16 =	sadd.s32 s0, s8;
	s17 =	sadd.s32 s12, s8;
	[dreg:$0x1d] =	wrdreg s25  }
0x24: {  	s18 =	sadd.s32 s2, s8;
	s8 =	sadd.s32 $0x5000, s7;
	[dreg:$0x1e] =	wrdreg s26  }
0x25: {  	s0 =	sadd.s32 s13, s3;
	s12 =	sadd.s32 $0xA000, s7;
	[dreg:$0xc] =	wrdreg s8  }
0x26: {  	s2 =	sadd.s32 s14, s3;
	s13 =	sadd.s32 $0xC800, s7;
	[dreg:$0x14] =	wrdreg s12  }
0x27: {  	s14 =	sadd.s32 $0xF000, s7;
	s24 =	simm.s32 $0x80;
	[dreg:$0x15] =	wrdreg s13  }
0x28: {  	s8 =	sadd.s32 s10, s3;
	s10 =	smax.u32 s11, $0x1;
	[dreg:$0x16] =	wrdreg s14  }
0x29: {  	s25 =	simm.s32 $0x2;
	s0 =	sshrl.u32 @!p0 s0, $0x3;
	[dreg:$0xe] =	wrdreg s10  }
0x2a: {  	s26 =	simm.s32 $0x4900;
	s11 =	sadd.s32 $0x7800, s7;
	[dreg:$0xf] =	wrdreg s0  }
0x2b: {  	s12 =	sadd.s32 $0x28A, s6;
	s0 =	sshrl.u32 @!p0 s2, $0x3;
	[dreg:$0x13] =	wrdreg s11  }
0x2c: {  	s13 =	sadd.s32 $0x294, s6;
	[dreg:$0x10] =	wrdreg s0;
	s0 =	sshrl.u32 @!p0 s5, $0x3  }
0x2d: {  	s14 =	sadd.s32 $0x4F6, s6;
	[dreg:$0x11] =	wrdreg s0;
	s0 =	sshrl.u32 @!p0 s8, $0x3  }
0x2e: {  	v0 =	vimm.f32 $0.0e+00;
	s2 =	simm.s32 $0x0;
	[dreg:$0x12] =	wrdreg s0;
	s0 =	simm.s32 $0x2080  }
.LBB2_1:
0x2f: {  	s5 =	rddreg [dreg:$0x4];
	s11 =	sand.u32 $0xFE00, s4  }
0x30: {  	[tilespmem:s19], [sflag:$0x7] =	stream.linear.gather [hbm4b:s5+s4], $0x2000, $0x38;
	[tilespmem:$0x1A9C0] =	vst v63  }
0x31: {  	s8 =	sand.u32 $0x70, s4;
	s9 =	sshrl.u32 s11, $0x2  }
0x32: {  	s5 =	simm.s32 $0x40;
	s9 =	sor.u32 s8, s9;
	s8 =	simm.s32 $0x0  }
0x33: {  	[tilespmem:s4], [sflag:$0x1] =	stream.linear.gather [hbm4b:s6+s4], $0x50, $0x38;
	[tilespmem:$0x1A9C0] =	vst v63  }
.LBB2_2:
0x34: {  	p2 =	sne.s32 s5, $0x9FC0  }
0x35: {  	[tilespmem:s9+$0x2100] =	vst v0;
	s8 =	sadd.s32 $0x10, s8;
	s9 =	smov.u32 s5;
	s5 =	sadd.s32 $0x40, s5  }
.Ltmp0:
0x36: {  	(pc) =	sbr.rel @p2 .LBB2_2-.Ltmp0, $4  }
0x37: {  	_ = 	snop  }
0x38: {  	s9 =	sand.u32 $0xFE00, s9  }
0x39: {  	s10 =	sand.u32 $0x70, s8;
	s9 =	sshrl.u32 s9, $0x2  }
0x3a: {  	s9 =	sor.u32 s10, s9  }
0x3b: {  	[tilespmem:s9+$0x2100] =	vst v0;
	s5 =	simm.s32 @!p1 $0x2100;
	s8 =	rddreg [dreg:$0x5]  }
0x3c: {  	[spmem:s8] =	stream.linear.scatter @!p1 [tilespmem:s5], [sflag:$0x5], $0x400, $0x38;
	[tilespmem:$0x1A9C0] =	vst v63  }
0x3d: {  	s5 =	simm.s32 @!p1 $0x5  }
0x3e: {  	_ =	swait.ge @!p1 [sflag:s5], $0x400  }
0x3f: {  	[sflag:s5] =	ssyncset.done @!p1 $0x0  }
0x40: {  	[sflag:s5] =	ssyncadd.s32 @!p1 $0xFFFFFC00;
	s5 =	simm.s32 @!p0 $0x2100  }
0x41: {  	[spmem:s7] =	stream.linear.scatter @!p0 [tilespmem:s5], [sflag:$0x5], $0x2800, $0x38;
	[tilespmem:$0x1A9C0] =	vst v63  }
0x42: {  	s8 =	rddreg [dreg:$0x6]  }
0x43: {  	[spmem:s8] =	stream.linear.scatter @!p0 [tilespmem:s5], [sflag:$0x5], $0x2800, $0x38;
	[tilespmem:$0x1A9C0] =	vst v63  }
0x44: {  	s8 =	rddreg [dreg:$0xc]  }
0x45: {  	[spmem:s8] =	stream.linear.scatter @!p0 [tilespmem:s5], [sflag:$0x5], $0x2800, $0x38;
	[tilespmem:$0x1A9C0] =	vst v63  }
0x46: {  	s8 =	rddreg [dreg:$0x13]  }
0x47: {  	[spmem:s8] =	stream.linear.scatter @!p0 [tilespmem:s5], [sflag:$0x5], $0x2800, $0x38;
	[tilespmem:$0x1A9C0] =	vst v63  }
0x48: {  	s8 =	rddreg [dreg:$0x14]  }
0x49: {  	[spmem:s8] =	stream.linear.scatter @!p0 [tilespmem:s5], [sflag:$0x5], $0x2800, $0x38;
	[tilespmem:$0x1A9C0] =	vst v63  }
0x4a: {  	s8 =	rddreg [dreg:$0x15]  }
0x4b: {  	[spmem:s8] =	stream.linear.scatter @!p0 [tilespmem:s5], [sflag:$0x5], $0x2800, $0x38;
	[tilespmem:$0x1A9C0] =	vst v63  }
0x4c: {  	s8 =	rddreg [dreg:$0x16]  }
0x4d: {  	[spmem:s8] =	stream.linear.scatter @!p0 [tilespmem:s5], [sflag:$0x5], $0x2800, $0x38;
	[tilespmem:$0x1A9C0] =	vst v63  }
0x4e: {  	s8 =	rddreg [dreg:$0x17]  }
0x4f: {  	[spmem:s8] =	stream.linear.scatter @!p0 [tilespmem:s5], [sflag:$0x5], $0x2800, $0x38;
	[tilespmem:$0x1A9C0] =	vst v63  }
0x50: {  	s8 =	rddreg [dreg:$0x18]  }
0x51: {  	[spmem:s8] =	stream.linear.scatter @!p0 [tilespmem:s5], [sflag:$0x5], $0x2800, $0x38;
	[tilespmem:$0x1A9C0] =	vst v63  }
0x52: {  	s8 =	rddreg [dreg:$0x19]  }
0x53: {  	[spmem:s8] =	stream.linear.scatter @!p0 [tilespmem:s5], [sflag:$0x5], $0x2800, $0x38;
	[tilespmem:$0x1A9C0] =	vst v63  }
0x54: {  	s8 =	rddreg [dreg:$0x1a]  }
0x55: {  	[spmem:s8] =	stream.linear.scatter @!p0 [tilespmem:s5], [sflag:$0x5], $0x2800, $0x38;
	[tilespmem:$0x1A9C0] =	vst v63  }
0x56: {  	s8 =	rddreg [dreg:$0x1b]  }
0x57: {  	[spmem:s8] =	stream.linear.scatter @!p0 [tilespmem:s5], [sflag:$0x5], $0x2800, $0x38;
	[tilespmem:$0x1A9C0] =	vst v63  }
0x58: {  	s8 =	rddreg [dreg:$0x1c]  }
0x59: {  	[spmem:s8] =	stream.linear.scatter @!p0 [tilespmem:s5], [sflag:$0x5], $0x1400, $0x38;
	[tilespmem:$0x1A9C0] =	vst v63  }
0x5a: {  	s5 =	simm.s32 @!p0 $0x5  }
0x5b: {  	_ =	swait.ge @!p0 [sflag:s5], $0x2800  }
0x5c: {  	[sflag:s5] =	ssyncset.done @!p0 $0x0  }
0x5d: {  	[sflag:s5] =	ssyncadd.s32 @!p0 $0xFFFFD800  }
0x5e: {  	_ =	swait.ge @!p0 [sflag:s5], $0x2800  }
0x5f: {  	[sflag:s5] =	ssyncset.done @!p0 $0x0  }
0x60: {  	[sflag:s5] =	ssyncadd.s32 @!p0 $0xFFFFD800  }
0x61: {  	_ =	swait.ge @!p0 [sflag:s5], $0x2800  }
0x62: {  	[sflag:s5] =	ssyncset.done @!p0 $0x0  }
0x63: {  	[sflag:s5] =	ssyncadd.s32 @!p0 $0xFFFFD800  }
0x64: {  	_ =	swait.ge @!p0 [sflag:s5], $0x2800  }
0x65: {  	[sflag:s5] =	ssyncset.done @!p0 $0x0  }
0x66: {  	[sflag:s5] =	ssyncadd.s32 @!p0 $0xFFFFD800  }
0x67: {  	_ =	swait.ge @!p0 [sflag:s5], $0x2800  }
0x68: {  	[sflag:s5] =	ssyncset.done @!p0 $0x0  }
0x69: {  	[sflag:s5] =	ssyncadd.s32 @!p0 $0xFFFFD800  }
0x6a: {  	_ =	swait.ge @!p0 [sflag:s5], $0x2800  }
0x6b: {  	[sflag:s5] =	ssyncset.done @!p0 $0x0  }
0x6c: {  	[sflag:s5] =	ssyncadd.s32 @!p0 $0xFFFFD800  }
0x6d: {  	_ =	swait.ge @!p0 [sflag:s5], $0x2800  }
0x6e: {  	[sflag:s5] =	ssyncset.done @!p0 $0x0  }
0x6f: {  	[sflag:s5] =	ssyncadd.s32 @!p0 $0xFFFFD800  }
0x70: {  	_ =	swait.ge @!p0 [sflag:s5], $0x2800  }
0x71: {  	[sflag:s5] =	ssyncset.done @!p0 $0x0  }
0x72: {  	[sflag:s5] =	ssyncadd.s32 @!p0 $0xFFFFD800  }
0x73: {  	_ =	swait.ge @!p0 [sflag:s5], $0x2800  }
0x74: {  	[sflag:s5] =	ssyncset.done @!p0 $0x0  }
0x75: {  	[sflag:s5] =	ssyncadd.s32 @!p0 $0xFFFFD800  }
0x76: {  	_ =	swait.ge @!p0 [sflag:s5], $0x2800  }
0x77: {  	[sflag:s5] =	ssyncset.done @!p0 $0x0  }
0x78: {  	[sflag:s5] =	ssyncadd.s32 @!p0 $0xFFFFD800  }
0x79: {  	_ =	swait.ge @!p0 [sflag:s5], $0x2800  }
0x7a: {  	[sflag:s5] =	ssyncset.done @!p0 $0x0  }
0x7b: {  	[sflag:s5] =	ssyncadd.s32 @!p0 $0xFFFFD800  }
0x7c: {  	_ =	swait.ge @!p0 [sflag:s5], $0x2800  }
0x7d: {  	[sflag:s5] =	ssyncset.done @!p0 $0x0  }
0x7e: {  	[sflag:s5] =	ssyncadd.s32 @!p0 $0xFFFFD800  }
0x7f: {  	_ =	swait.ge @!p0 [sflag:s5], $0x1400  }
0x80: {  	[sflag:s5] =	ssyncset.done @!p0 $0x0  }
0x81: {  	[sflag:s5] =	ssyncadd.s32 @!p0 $0xFFFFEC00  }
0x82: {  	_ =	swait.ge [sflag:s20], $0x2000  }
0x83: {  	[sflag:s20] =	ssyncset.done $0x0  }
0x84: {  	[sflag:s20] =	ssyncadd.s32 $0xFFFFE000  }
0x85: {  	[bflag:$0x0] =	sbarrier.arrive $0xFFFF  }
0x86: {  	_ =	swait.ge [sflag:s21], $0x50  }
0x87: {  	[sflag:s21] =	ssyncset.done $0x0  }
0x88: {  	s9 =	simm.s32 $0x0;
	[sflag:s21] =	ssyncadd.s32 $0xFFFFFFB0  }
0x89: {  	[tilespmem:s23], [sflag:$0x3] =	stream.indirect.gather [hbm4b:s1+s22], $0x80, s9, s22, $0xb8;
	[tilespmem:$0x1A9C0] =	vst v63  }
0x8a: {  	s10 =	rddreg [dreg:$0x1d]  }
0x8b: {  	[tilespmem:s24], [sflag:$0x2] =	stream.linear.gather [hbm4b:s10+s9], $0x50, $0x38;
	[tilespmem:$0x1A9C0] =	vst v63  }
0x8c: {  	_ =	swait.ge [sflag:s25], $0x50  }
0x8d: {  	[sflag:s25] =	ssyncset.done $0x0  }
0x8e: {  	[sflag:s25] =	ssyncadd.s32 $0xFFFFFFB0  }
0x8f: {  	[tilespmem:s26], [sflag:$0x4] =	stream.indirect.gather [hbm4b:s1+s22], $0x80, s24, s22, $0xb8;
	[tilespmem:$0x1A9C0] =	vst v63  }
0x90: {  	_ =	swait.ge [sflag:s28], $0x2800  }
0x91: {  	[sflag:s28] =	ssyncset.done $0x0  }
0x92: {  	s11 =	rddreg [dreg:$0x1e];
	[sflag:s28] =	ssyncadd.s32 $0xFFFFD800  }
0x93: {  	[tilespmem:s9], [sflag:$0x1] =	stream.linear.gather [hbm4b:s11+s9], $0x50, $0x38;
	[tilespmem:$0x1A9C0] =	vst v63  }
0x94: {  	_ = 	snop  }
0x95: {  	[spmem:s3] =	stream.indirect.scatter.add.f32 [tilespmem:s23], [sflag:$0x5], $0x80, s19, s22, $0xb8;
	[tilespmem:$0x1A9C0] =	vst v63  }
0x96: {  	_ =	swait.ge [sflag:s29], $0x2800  }
0x97: {  	[sflag:s29] =	ssyncset.done $0x0  }
0x98: {  	[sflag:s29] =	ssyncadd.s32 $0xFFFFD800  }
0x99: {  	_ =	swait.ge [sflag:s21], $0x50  }
0x9a: {  	[sflag:s21] =	ssyncset.done $0x0  }
0x9b: {  	[sflag:s21] =	ssyncadd.s32 $0xFFFFFFB0  }
0x9c: {  	[tilespmem:s23], [sflag:$0x3] =	stream.indirect.gather [hbm4b:s1+s22], $0x80, s4, s22, $0xb8;
	[tilespmem:$0x1A9C0] =	vst v63  }
0x9d: {  	_ =	swait.ge [sflag:s30], $0x2800  }
0x9e: {  	[sflag:s30] =	ssyncset.done $0x0  }
0x9f: {  	s9 =	sadd.s32 $0x0, s16;
	[sflag:s30] =	ssyncadd.s32 $0xFFFFD800  }
0xa0: {  	[tilespmem:s24], [sflag:$0x2] =	stream.linear.gather [hbm4b:s9+s4], $0x50, $0x38;
	[tilespmem:$0x1A9C0] =	vst v63  }
0xa1: {  	s10 =	simm.s32 $0x180  }
0xa2: {  	[spmem:s3] =	stream.indirect.scatter.add.f32 [tilespmem:s26], [sflag:$0x6], $0x80, s10, s22, $0xb8;
	[tilespmem:$0x1A9C0] =	vst v63  }
0xa3: {  	_ =	swait.ge [sflag:s31], $0x2800  }
0xa4: {  	[sflag:s31] =	ssyncset.done $0x0  }
0xa5: {  	[sflag:s31] =	ssyncadd.s32 $0xFFFFD800  }
0xa6: {  	_ =	swait.ge [sflag:s25], $0x50  }
0xa7: {  	[sflag:s25] =	ssyncset.done $0x0  }
0xa8: {  	[sflag:s25] =	ssyncadd.s32 $0xFFFFFFB0  }
0xa9: {  	[tilespmem:s26], [sflag:$0x4] =	stream.indirect.gather [hbm4b:s1+s22], $0x80, s24, s22, $0xb8;
	[tilespmem:$0x1A9C0] =	vst v63  }
0xaa: {  	_ =	swait.ge [sflag:s28], $0x2800  }
0xab: {  	s8 =	simm.s32 $0x14;
	s5 =	simm.s32 $0x200;
	[sflag:s28] =	ssyncset.done $0x0  }
0xac: {  	s11 =	sadd.s32 $0x0, s15;
	s9 =	simm.s32 $0x300;
	[sflag:s28] =	ssyncadd.s32 $0xFFFFD800  }
0xad: {  	[tilespmem:s4], [sflag:$0x1] =	stream.linear.gather [hbm4b:s11+s4], $0x50, $0x38;
	[tilespmem:$0x1A9C0] =	vst v63  }
.LBB2_4:
0xae: {  	[spmem:s3] =	stream.indirect.scatter.add.f32 [tilespmem:s23], [sflag:$0x5], $0x80, s5, s22, $0xb8;
	[tilespmem:$0x1A9C0] =	vst v63  }
0xaf: {  	s10 =	smov.u32 s8;
	s5 =	smov.u32 s9  }
0xb0: {  	p2 =	sne.s32 s8, $0x258;
	s8 =	sadd.s32 $0x14, s8;
	_ =	swait.ge [sflag:s29], $0x2800  }
0xb1: {  	[sflag:s29] =	ssyncset.done $0x0  }
0xb2: {  	[sflag:s29] =	ssyncadd.s32 $0xFFFFD800  }
0xb3: {  	_ =	swait.ge [sflag:s21], $0x50  }
0xb4: {  	[sflag:s21] =	ssyncset.done $0x0  }
0xb5: {  	[sflag:s21] =	ssyncadd.s32 $0xFFFFFFB0  }
0xb6: {  	[tilespmem:s23], [sflag:$0x3] =	stream.indirect.gather [hbm4b:s1+s22], $0x80, s4, s22, $0xb8;
	[tilespmem:$0x1A9C0] =	vst v63  }
0xb7: {  	_ =	swait.ge [sflag:s30], $0x2800  }
0xb8: {  	[sflag:s30] =	ssyncset.done $0x0  }
0xb9: {  	s11 =	sadd.s32 s10, s16;
	[sflag:s30] =	ssyncadd.s32 $0xFFFFD800  }
0xba: {  	[tilespmem:s24], [sflag:$0x2] =	stream.linear.gather [hbm4b:s11+s4], $0x50, $0x38;
	[tilespmem:$0x1A9C0] =	vst v63  }
0xbb: {  	s11 =	sadd.s32 $0xFFFFFF80, s9  }
0xbc: {  	[spmem:s3] =	stream.indirect.scatter.add.f32 [tilespmem:s26], [sflag:$0x6], $0x80, s11, s22, $0xb8;
	[tilespmem:$0x1A9C0] =	vst v63  }
0xbd: {  	_ =	swait.ge [sflag:s31], $0x2800  }
0xbe: {  	[sflag:s31] =	ssyncset.done $0x0  }
0xbf: {  	[sflag:s31] =	ssyncadd.s32 $0xFFFFD800  }
0xc0: {  	_ =	swait.ge [sflag:s25], $0x50  }
0xc1: {  	[sflag:s25] =	ssyncset.done $0x0  }
0xc2: {  	[sflag:s25] =	ssyncadd.s32 $0xFFFFFFB0  }
0xc3: {  	[tilespmem:s26], [sflag:$0x4] =	stream.indirect.gather [hbm4b:s1+s22], $0x80, s24, s22, $0xb8;
	[tilespmem:$0x1A9C0] =	vst v63  }
.Ltmp1:
0xc4: {  	_ =	swait.ge [sflag:s28], $0x2800;
	(pc) =	sbr.rel @p2 .LBB2_4-.Ltmp1, $4  }
0xc5: {  	[sflag:s28] =	ssyncset.done $0x0  }
0xc6: {  	s10 =	sadd.s32 s10, s15;
	[sflag:s28] =	ssyncadd.s32 $0xFFFFD800  }
0xc7: {  	[tilespmem:s4], [sflag:$0x1] =	stream.linear.gather [hbm4b:s10+s4], $0x50, $0x38;
	[tilespmem:$0x1A9C0] =	vst v63  }
0xc8: {  	s9 =	sadd.s32 $0x100, s9  }
0xc9: {  	[spmem:s3] =	stream.indirect.scatter.add.f32 [tilespmem:s23], [sflag:$0x5], $0x80, s5, s22, $0xb8;
	[tilespmem:$0x1A9C0] =	vst v63  }
0xca: {  	_ =	swait.ge [sflag:s30], $0x2800  }
0xcb: {  	[sflag:s30] =	ssyncset.done $0x0  }
0xcc: {  	[sflag:s30] =	ssyncadd.s32 $0xFFFFD800  }
0xcd: {  	[spmem:s3] =	stream.indirect.scatter.add.f32 [tilespmem:s26], [sflag:$0x6], $0x80, s0, s22, $0xb8;
	[tilespmem:$0x1A9C0] =	vst v63  }
0xce: {  	_ =	swait.ge [sflag:s29], $0x2800  }
0xcf: {  	[sflag:s29] =	ssyncset.done $0x0  }
0xd0: {  	[sflag:s29] =	ssyncadd.s32 $0xFFFFD800  }
0xd1: {  	_ =	swait.ge [sflag:s31], $0x2800  }
0xd2: {  	[sflag:s31] =	ssyncset.done $0x0  }
0xd3: {  	s11 =	simm.s32 $0x0;
	s8 =	rddreg [dreg:$0xd];
	[sflag:s31] =	ssyncadd.s32 $0xFFFFD800  }
0xd4: {  	[tilespmem:s19], [sflag:$0x7] =	stream.linear.gather [hbm4b:s8+s11], $0x2000, $0x38;
	[tilespmem:$0x1A9C0] =	vst v63  }
0xd5: {  	_ =	swait.ge [sflag:s20], $0x2000  }
0xd6: {  	[sflag:s20] =	ssyncset.done $0x0  }
0xd7: {  	[sflag:s20] =	ssyncadd.s32 $0xFFFFE000  }
0xd8: {  	_ =	swait.ge [sflag:s21], $0x50  }
0xd9: {  	[sflag:s21] =	ssyncset.done $0x0  }
0xda: {  	[sflag:s21] =	ssyncadd.s32 $0xFFFFFFB0  }
0xdb: {  	[tilespmem:s23], [sflag:$0x3] =	stream.indirect.gather [hbm4b:s1+s22], $0x80, s11, s22, $0xb8;
	[tilespmem:$0x1A9C0] =	vst v63  }
0xdc: {  	_ = 	snop  }
0xdd: {  	[tilespmem:s24], [sflag:$0x2] =	stream.linear.gather [hbm4b:s12+s11], $0x50, $0x38;
	[tilespmem:$0x1A9C0] =	vst v63  }
0xde: {  	_ =	swait.ge [sflag:s25], $0x50  }
0xdf: {  	[sflag:s25] =	ssyncset.done $0x0  }
0xe0: {  	[sflag:s25] =	ssyncadd.s32 $0xFFFFFFB0  }
0xe1: {  	[tilespmem:s26], [sflag:$0x4] =	stream.indirect.gather [hbm4b:s1+s22], $0x80, s24, s22, $0xb8;
	[tilespmem:$0x1A9C0] =	vst v63  }
0xe2: {  	_ =	swait.ge [sflag:s28], $0x2800  }
0xe3: {  	[sflag:s28] =	ssyncset.done $0x0  }
0xe4: {  	[sflag:s28] =	ssyncadd.s32 $0xFFFFD800  }
0xe5: {  	[tilespmem:s11], [sflag:$0x1] =	stream.linear.gather [hbm4b:s13+s11], $0x50, $0x38;
	[tilespmem:$0x1A9C0] =	vst v63  }
0xe6: {  	_ = 	snop  }
0xe7: {  	[spmem:s3] =	stream.indirect.scatter.add.f32 [tilespmem:s23], [sflag:$0x5], $0x80, s19, s22, $0xb8;
	[tilespmem:$0x1A9C0] =	vst v63  }
0xe8: {  	_ =	swait.ge [sflag:s29], $0x2800  }
0xe9: {  	[sflag:s29] =	ssyncset.done $0x0  }
0xea: {  	[sflag:s29] =	ssyncadd.s32 $0xFFFFD800  }
0xeb: {  	_ =	swait.ge [sflag:s21], $0x50  }
0xec: {  	[sflag:s21] =	ssyncset.done $0x0  }
0xed: {  	[sflag:s21] =	ssyncadd.s32 $0xFFFFFFB0  }
0xee: {  	[tilespmem:s23], [sflag:$0x3] =	stream.indirect.gather [hbm4b:s1+s22], $0x80, s4, s22, $0xb8;
	[tilespmem:$0x1A9C0] =	vst v63  }
0xef: {  	_ =	swait.ge [sflag:s30], $0x2800  }
0xf0: {  	[sflag:s30] =	ssyncset.done $0x0  }
0xf1: {  	s9 =	sadd.s32 $0x0, s18;
	[sflag:s30] =	ssyncadd.s32 $0xFFFFD800  }
0xf2: {  	[tilespmem:s24], [sflag:$0x2] =	stream.linear.gather [hbm4b:s9+s4], $0x50, $0x38;
	[tilespmem:$0x1A9C0] =	vst v63  }
0xf3: {  	s10 =	simm.s32 $0x180  }
0xf4: {  	[spmem:s3] =	stream.indirect.scatter.add.f32 [tilespmem:s26], [sflag:$0x6], $0x80, s10, s22, $0xb8;
	[tilespmem:$0x1A9C0] =	vst v63  }
0xf5: {  	_ =	swait.ge [sflag:s31], $0x2800  }
0xf6: {  	[sflag:s31] =	ssyncset.done $0x0  }
0xf7: {  	[sflag:s31] =	ssyncadd.s32 $0xFFFFD800  }
0xf8: {  	_ =	swait.ge [sflag:s25], $0x50  }
0xf9: {  	[sflag:s25] =	ssyncset.done $0x0  }
0xfa: {  	[sflag:s25] =	ssyncadd.s32 $0xFFFFFFB0  }
0xfb: {  	[tilespmem:s26], [sflag:$0x4] =	stream.indirect.gather [hbm4b:s1+s22], $0x80, s24, s22, $0xb8;
	[tilespmem:$0x1A9C0] =	vst v63  }
0xfc: {  	_ =	swait.ge [sflag:s28], $0x2800  }
0xfd: {  	s5 =	simm.s32 $0x200;
	s8 =	simm.s32 $0x14;
	[sflag:s28] =	ssyncset.done $0x0  }
0xfe: {  	s11 =	sadd.s32 $0x0, s17;
	s9 =	simm.s32 $0x300;
	[sflag:s28] =	ssyncadd.s32 $0xFFFFD800  }
0xff: {  	[tilespmem:s4], [sflag:$0x1] =	stream.linear.gather [hbm4b:s11+s4], $0x50, $0x38;
	[tilespmem:$0x1A9C0] =	vst v63  }
.LBB2_6:
0x100: {  	[spmem:s3] =	stream.indirect.scatter.add.f32 [tilespmem:s23], [sflag:$0x5], $0x80, s5, s22, $0xb8;
	[tilespmem:$0x1A9C0] =	vst v63  }
0x101: {  	s10 =	smov.u32 s8;
	s5 =	smov.u32 s9  }
0x102: {  	p2 =	sne.s32 s8, $0x244;
	s8 =	sadd.s32 $0x14, s8;
	_ =	swait.ge [sflag:s29], $0x2800  }
0x103: {  	[sflag:s29] =	ssyncset.done $0x0  }
0x104: {  	[sflag:s29] =	ssyncadd.s32 $0xFFFFD800  }
0x105: {  	_ =	swait.ge [sflag:s21], $0x50  }
0x106: {  	[sflag:s21] =	ssyncset.done $0x0  }
0x107: {  	[sflag:s21] =	ssyncadd.s32 $0xFFFFFFB0  }
0x108: {  	[tilespmem:s23], [sflag:$0x3] =	stream.indirect.gather [hbm4b:s1+s22], $0x80, s4, s22, $0xb8;
	[tilespmem:$0x1A9C0] =	vst v63  }
0x109: {  	_ =	swait.ge [sflag:s30], $0x2800  }
0x10a: {  	[sflag:s30] =	ssyncset.done $0x0  }
0x10b: {  	s11 =	sadd.s32 s10, s18;
	[sflag:s30] =	ssyncadd.s32 $0xFFFFD800  }
0x10c: {  	[tilespmem:s24], [sflag:$0x2] =	stream.linear.gather [hbm4b:s11+s4], $0x50, $0x38;
	[tilespmem:$0x1A9C0] =	vst v63  }
0x10d: {  	s11 =	sadd.s32 $0xFFFFFF80, s9  }
0x10e: {  	[spmem:s3] =	stream.indirect.scatter.add.f32 [tilespmem:s26], [sflag:$0x6], $0x80, s11, s22, $0xb8;
	[tilespmem:$0x1A9C0] =	vst v63  }
0x10f: {  	_ =	swait.ge [sflag:s31], $0x2800  }
0x110: {  	[sflag:s31] =	ssyncset.done $0x0  }
0x111: {  	[sflag:s31] =	ssyncadd.s32 $0xFFFFD800  }
0x112: {  	_ =	swait.ge [sflag:s25], $0x50  }
0x113: {  	[sflag:s25] =	ssyncset.done $0x0  }
0x114: {  	[sflag:s25] =	ssyncadd.s32 $0xFFFFFFB0  }
0x115: {  	[tilespmem:s26], [sflag:$0x4] =	stream.indirect.gather [hbm4b:s1+s22], $0x80, s24, s22, $0xb8;
	[tilespmem:$0x1A9C0] =	vst v63  }
.Ltmp2:
0x116: {  	_ =	swait.ge [sflag:s28], $0x2800;
	(pc) =	sbr.rel @p2 .LBB2_6-.Ltmp2, $4  }
0x117: {  	[sflag:s28] =	ssyncset.done $0x0  }
0x118: {  	s10 =	sadd.s32 s10, s17;
	[sflag:s28] =	ssyncadd.s32 $0xFFFFD800  }
0x119: {  	[tilespmem:s4], [sflag:$0x1] =	stream.linear.gather [hbm4b:s10+s4], $0x50, $0x38;
	[tilespmem:$0x1A9C0] =	vst v63  }
0x11a: {  	s9 =	sadd.s32 $0x100, s9  }
0x11b: {  	[spmem:s3] =	stream.indirect.scatter.add.f32 [tilespmem:s23], [sflag:$0x5], $0x80, s5, s22, $0xb8;
	[tilespmem:$0x1A9C0] =	vst v63  }
0x11c: {  	_ =	swait.ge [sflag:s29], $0x2800  }
0x11d: {  	[sflag:s29] =	ssyncset.done $0x0  }
0x11e: {  	[sflag:s29] =	ssyncadd.s32 $0xFFFFD800  }
0x11f: {  	_ =	swait.ge [sflag:s21], $0x50  }
0x120: {  	[sflag:s21] =	ssyncset.done $0x0  }
0x121: {  	[sflag:s21] =	ssyncadd.s32 $0xFFFFFFB0  }
0x122: {  	[tilespmem:s23], [sflag:$0x3] =	stream.indirect.gather [hbm4b:s1+s22], $0x80, s4, s22, $0xb8;
	[tilespmem:$0x1A9C0] =	vst v63  }
0x123: {  	_ =	swait.ge [sflag:s30], $0x2800  }
0x124: {  	[sflag:s30] =	ssyncset.done $0x0  }
0x125: {  	[sflag:s30] =	ssyncadd.s32 $0xFFFFD800  }
0x126: {  	[tilespmem:s24], [sflag:$0x2] =	stream.linear.gather [hbm4b:s14+s4], $0x50, $0x38;
	[tilespmem:$0x1A9C0] =	vst v63  }
0x127: {  	s9 =	simm.s32 $0x1F80  }
0x128: {  	[spmem:s3] =	stream.indirect.scatter.add.f32 [tilespmem:s26], [sflag:$0x6], $0x80, s9, s22, $0xb8;
	[tilespmem:$0x1A9C0] =	vst v63  }
0x129: {  	_ =	swait.ge [sflag:s31], $0x2800  }
0x12a: {  	[sflag:s31] =	ssyncset.done $0x0  }
0x12b: {  	[sflag:s31] =	ssyncadd.s32 $0xFFFFD800  }
0x12c: {  	_ =	swait.ge [sflag:s25], $0x50  }
0x12d: {  	[sflag:s25] =	ssyncset.done $0x0  }
0x12e: {  	[sflag:s25] =	ssyncadd.s32 $0xFFFFFFB0  }
0x12f: {  	[tilespmem:s26], [sflag:$0x4] =	stream.indirect.gather [hbm4b:s1+s22], $0x80, s24, s22, $0xb8;
	[tilespmem:$0x1A9C0] =	vst v63  }
0x130: {  	_ =	swait.ge [sflag:s28], $0x2800  }
0x131: {  	[sflag:s28] =	ssyncset.done $0x0  }
0x132: {  	s10 =	simm.s32 $0x2000;
	[sflag:s28] =	ssyncadd.s32 $0xFFFFD800  }
0x133: {  	[spmem:s3] =	stream.indirect.scatter.add.f32 [tilespmem:s23], [sflag:$0x5], $0x80, s10, s22, $0xb8;
	[tilespmem:$0x1A9C0] =	vst v63  }
0x134: {  	_ =	swait.ge [sflag:s30], $0x2800  }
0x135: {  	[sflag:s30] =	ssyncset.done $0x0  }
0x136: {  	[sflag:s30] =	ssyncadd.s32 $0xFFFFD800  }
0x137: {  	[spmem:s3] =	stream.indirect.scatter.add.f32 [tilespmem:s26], [sflag:$0x6], $0x80, s0, s22, $0xb8;
	[tilespmem:$0x1A9C0] =	vst v63  }
0x138: {  	_ =	swait.ge [sflag:s29], $0x2800  }
0x139: {  	[sflag:s29] =	ssyncset.done $0x0  }
0x13a: {  	[sflag:s29] =	ssyncadd.s32 $0xFFFFD800  }
0x13b: {  	_ =	swait.ge [sflag:s31], $0x2800  }
0x13c: {  	[sflag:s31] =	ssyncset.done $0x0  }
0x13d: {  	s5 =	stileid.u32;
	[sflag:s31] =	ssyncadd.s32 $0xFFFFD800  }
0x13e: {  	s5 =	sshll.u32 @!p0 s5, $0x6;
	[bflag:$0x0] =	sbarrier.arrive $0xFFFF  }
0x13f: {  	s8 =	sshrl.u32 @!p0 s7, $0x3;
	s5 =	sor.u32 @!p0 $0x1C06, s5;
	s9 =	rddreg [dreg:$0x7]  }
0x140: {  	[hbm:s9], [sflag:s5] =	dma.local @!p0 [spmem:s8], $0xC80  }
0x141: {  	s8 =	rddreg [dreg:$0x8]  }
0x142: {  	s9 =	rddreg [dreg:$0xf]  }
0x143: {  	[hbm:s8], [sflag:s5] =	dma.local @!p0 [spmem:s9], $0xC80  }
0x144: {  	s8 =	rddreg [dreg:$0x9]  }
0x145: {  	s9 =	rddreg [dreg:$0x10]  }
0x146: {  	[hbm:s8], [sflag:s5] =	dma.local @!p0 [spmem:s9], $0xC80  }
0x147: {  	s8 =	rddreg [dreg:$0xa]  }
0x148: {  	s9 =	rddreg [dreg:$0x11]  }
0x149: {  	[hbm:s8], [sflag:s5] =	dma.local @!p0 [spmem:s9], $0xC80  }
0x14a: {  	s8 =	rddreg [dreg:$0xb]  }
0x14b: {  	s9 =	rddreg [dreg:$0x12]  }
0x14c: {  	[hbm:s8], [sflag:s5] =	dma.local @!p0 [spmem:s9], $0xC80  }
0x14d: {  	s5 =	simm.s32 @!p0 $0x6  }
0x14e: {  	_ =	swait.ge @!p0 [sflag:s5], $0xC80  }
0x14f: {  	[sflag:s5] =	ssyncset.done @!p0 $0x0  }
0x150: {  	[sflag:s5] =	ssyncadd.s32 @!p0 $0xFFFFF380  }
0x151: {  	_ =	swait.ge @!p0 [sflag:s5], $0xC80  }
0x152: {  	[sflag:s5] =	ssyncset.done @!p0 $0x0  }
0x153: {  	[sflag:s5] =	ssyncadd.s32 @!p0 $0xFFFFF380  }
0x154: {  	_ =	swait.ge @!p0 [sflag:s5], $0xC80  }
0x155: {  	[sflag:s5] =	ssyncset.done @!p0 $0x0  }
0x156: {  	[sflag:s5] =	ssyncadd.s32 @!p0 $0xFFFFF380  }
0x157: {  	_ =	swait.ge @!p0 [sflag:s5], $0xC80  }
0x158: {  	[sflag:s5] =	ssyncset.done @!p0 $0x0  }
0x159: {  	[sflag:s5] =	ssyncadd.s32 @!p0 $0xFFFFF380  }
0x15a: {  	_ =	swait.ge @!p0 [sflag:s5], $0xC80  }
0x15b: {  	s2 =	sadd.s32 $0x1, s2;
	s11 =	rddreg [dreg:$0xe]  }
0x15c: {  	p2 =	sne.s32 s2, s11  }
.Ltmp3:
0x15d: {  	_ = 	snop;
	(pc) =	sbr.rel @p2 .LBB2_1-.Ltmp3, $3  }
0x15e: {  	_ =	sdelay $0x1  }
0x15f: {  	[sflag:s5] =	ssyncset.done @!p0 $0x0  }
0x160: {  	[sflag:s5] =	ssyncadd.s32 @!p0 $0xFFFFF380  }
0x161: {  	_ =	sfence.sel $0x180000  }
0x162: {  	[bflag:$0x0] =	sbarrier.arrive $0xFFFF  }
0x163: {  	_ =	strace $0x90000047  }
0x164: {  	s0 =	stileid.u32;
	[bflag:$0x2] =	sbarrier.arrive $0xFFFF  }
0x165: {  	p0 =	sne.s32 s0, $0x0;
	s0 =	rddreg [dreg:$0x3]  }
0x166: {  	s0 =	sadd.s32 @!p0 $0x100000, s0  }
0x167: {  	[sflag:s0] =	ssyncadd.tile.s32 @!p0 $0x1;
	_ =	shalt  }
.Lfunc_end2:
_tile_overlayer_lowered:
.L_overlay_start_2:
0x168: {  	(tag) =	ssettag $0x2  }
0x169: {  	s0 =	rddreg [dreg:$0x0];
	s2 =	stileid.u32  }
0x16a: {  	s1 =	rddreg [dreg:$0x1];
	p0 =	sne.s32 s2, $0x0  }
0x16b: {  	s3 =	rddreg [dreg:$0x2];
	[bflag:$0x3] =	sbarrier.arrive $0xFFFF;
	s2 =	simm.s32 @!p0 $0x1C08  }
0x16c: {  	[timem:s3], [sflag:s2] =	dma.local @!p0 [hbm:s0], s1  }
0x16d: {  	s0 =	simm.s32 @!p0 $0x8  }
0x16e: {  	_ =	swait.ge @!p0 [sflag:s0], s1  }
0x16f: {  	s1 =	ssub.s32 @!p0 $0x0, s1;
	[sflag:s0] =	ssyncset.done @!p0 $0x0  }
0x170: {  	[sflag:s0] =	ssyncadd.s32 @!p0 s1  }
0x171: {  	[bflag:$0x3] =	sbarrier.arrive $0xFFFF  }
0x172: {  	_ =	shalt  }

// kernel: sc_sage_agg.7.cloned.1.call-start
scs
__scs_entry_jumppad:
0x0: {  	(pc) =	sbr.rel $0x88, $3  }
0x1: {  	(tag) =	ssettag $0x0;
	lr =	simm.s32 $0x1  }
0x2: {  	[smem:$0x3F99] =	sst lr;
	_ =	strace $0xD0000000  }
0x3: {  	_ = 	snop  }
0x4: {  	_ = 	snop  }
0x5: {  	_ = 	snop  }
0x6: {  	_ = 	snop  }
0x7: {  	_ = 	snop  }
__scs_overlays_trampoline_lowered:
0x8: {  	[smem:$0x3FA8] =	sst s0  }
0x9: {  	[smem:$0x3FA9] =	sst s1  }
0xa: {  	[smem:$0x3FAA] =	sst s2  }
0xb: {  	[smem:$0x3FAB] =	sst s3  }
0xc: {  	[smem:$0x3FAC] =	sst s4  }
0xd: {  	[smem:$0x3FAD] =	sst s5  }
0xe: {  	[smem:$0x3FAE] =	sst s6  }
0xf: {  	[smem:$0x3FAF] =	sst s7  }
0x10: {  	[smem:$0x3FB0] =	sst s8  }
0x11: {  	[smem:$0x3FB1] =	sst s9;
	s0 =	simm.s32 @!p0 $0x0  }
0x12: {  	s1 =	sld [smem:$0x3F97];
	s0 =	simm.s32 @p0 $0x1  }
0x13: {  	[smem:$0x3FB2] =	sst s0;
	s0 =	simm.s32 @!p1 $0x0  }
0x14: {  	s2 =	sld [smem:$0x3F96];
	s0 =	simm.s32 @p1 $0x1  }
0x15: {  	[smem:$0x3FB3] =	sst s0;
	s0 =	simm.s32 @!p2 $0x0  }
0x16: {  	s3 =	sld [smem:$0x3FDB];
	s0 =	simm.s32 @p2 $0x1  }
0x17: {  	s4 =	simm.s32 $0x1BF5;
	[smem:$0x3FB5] =	sst s0  }
0x18: {  	s0 =	sld [smem:$0x3F98];
	_ =	swait.ge [sflag:s4], $0x0  }
0x19: {  	s7 =	sld [smem:$0x3F99]  }
0x1a: {  	s8 =	sadd.s32 $0xFFFFE003, lr  }
0x1b: {  	s9 =	sadd.s32 $0xFFFFFEF7, lr;
	s5 =	simm.s32 $0xFFFFFFFF;
	p2 =	slt.u32 s8, $0xFFFFF086  }
0x1c: {  	p1 =	slt.u32 s9, $0xF7A;
	s5 =	simm.s32 @!p2 $0x0  }
0x1d: {  	s5 =	simm.s32 @p1 $0x1;
	p0 =	seq.s32 s7, s2  }
0x1e: {  	s7 =	smul.u32 @!p0 $0xF7A, s2;
	p2 =	seq.s32 @!p0 s5, $0x0  }
0x1f: {  	s9 =	smul.u32 $0xF7A, s1;
	s8 =	simm.s32 @!p0 $0x1BF5;
	p2 =	por !p2, p0  }
0x20: {  	[sflag:s8] =	ssyncset.s32 @!p0 $0xFFFFF086;
	s6 =	sadd.s32 @!p0 s3, s7;
	s7 =	simm.s32 @!p0 $0x108  }
0x21: {  	s3 =	sadd.s32 s3, s9;
	s6 =	sadd.s32 @!p0 $0x88, s6;
	s7 =	simm.s32 @p2 $0x1082  }
0x22: {  	[simem:s7], [sflag:s8] =	dma.local @!p0 [hbm:s6], $0xF7A  }
0x23: {  	s9 =	sor.u32 $0xD0000000, s2;
	s6 =	simm.s32 $0x108;
	_ =	swait.ge @!p0 [sflag:s8], $0x0  }
0x24: {  	s3 =	sadd.s32 $0x88, s3;
	s6 =	simm.s32 @!p1 $0x1082;
	[sflag:s4] =	ssyncset.s32 $0xFFFFF086  }
0x25: {  	[simem:s6], [sflag:s4] =	dma.local [hbm:s3], $0xF7A  }
0x26: {  	[smem:$0x3F99] =	sst s1;
	(tag) =	ssettag s2;
	_ =	strace s9  }
0x27: {  	s1 =	sld [smem:$0x3FA9]  }
0x28: {  	s2 =	sld [smem:$0x3FAA]  }
0x29: {  	s4 =	sld [smem:$0x3FAC]  }
0x2a: {  	p0 =	seq.s32 s5, $0x0;
	s5 =	sld [smem:$0x3FAD]  }
0x2b: {  	s6 =	sld [smem:$0x3FAE]  }
0x2c: {  	s7 =	sld [smem:$0x3FAF]  }
0x2d: {  	s3 =	simm.s32 $0x108;
	s8 =	sld [smem:$0x3FB0]  }
0x2e: {  	s3 =	simm.s32 @!p0 $0x1082;
	s9 =	sld [smem:$0x3FB1]  }
0x2f: {  	lr =	sadd.s32 s0, s3;
	s0 =	sld [smem:$0x3FA8]  }
0x30: {  	s3 =	sld [smem:$0x3FAB]  }
0x31: {  	[smem:$0x3FB4] =	sst s10  }
0x32: {  	s10 =	sld [smem:$0x3FB2];
	_ =	sdelay $0x3  }
0x33: {  	p0 =	seq.s32 s10, $0x1;
	s10 =	sld [smem:$0x3FB4];
	_ =	sdelay $0x3  }
0x34: {  	[smem:$0x3FB4] =	sst s10  }
0x35: {  	s10 =	sld [smem:$0x3FB3];
	_ =	sdelay $0x3  }
0x36: {  	p1 =	seq.s32 s10, $0x1;
	s10 =	sld [smem:$0x3FB4];
	_ =	sdelay $0x3  }
0x37: {  	[smem:$0x3FB4] =	sst s10  }
0x38: {  	s10 =	sld [smem:$0x3FB5]  }
0x39: {  	_ = 	snop;
	(pc) =	sbr.ind lr, $3  }
0x3a: {  	_ = 	snop  }
0x3b: {  	_ = 	snop  }
0x3c: {  	p2 =	seq.s32 s10, $0x1;
	s10 =	sld [smem:$0x3FB4]  }
0x3d: {  	_ =	shalt  }
0x3e: {  	_ =	shalt  }
0x3f: {  	_ =	shalt  }
0x40: {  	_ =	shalt  }
0x41: {  	_ =	shalt  }
0x42: {  	_ =	shalt  }
0x43: {  	_ =	shalt  }
0x44: {  	_ =	shalt  }
0x45: {  	_ =	shalt  }
0x46: {  	_ =	shalt  }
0x47: {  	_ =	shalt  }
0x48: {  	_ =	shalt  }
0x49: {  	_ =	shalt  }
0x4a: {  	_ =	shalt  }
0x4b: {  	_ =	shalt  }
0x4c: {  	_ =	shalt  }
0x4d: {  	_ =	shalt  }
0x4e: {  	_ =	shalt  }
0x4f: {  	_ =	shalt  }
0x50: {  	_ =	shalt  }
0x51: {  	_ =	shalt  }
0x52: {  	_ =	shalt  }
0x53: {  	_ =	shalt  }
0x54: {  	_ =	shalt  }
0x55: {  	_ =	shalt  }
0x56: {  	_ =	shalt  }
0x57: {  	_ =	shalt  }
0x58: {  	_ =	shalt  }
0x59: {  	_ =	shalt  }
0x5a: {  	_ =	shalt  }
0x5b: {  	_ =	shalt  }
0x5c: {  	_ =	shalt  }
0x5d: {  	_ =	shalt  }
0x5e: {  	_ =	shalt  }
0x5f: {  	_ =	shalt  }
0x60: {  	_ =	shalt  }
0x61: {  	_ =	shalt  }
0x62: {  	_ =	shalt  }
0x63: {  	_ =	shalt  }
0x64: {  	_ =	shalt  }
0x65: {  	_ =	shalt  }
0x66: {  	_ =	shalt  }
0x67: {  	_ =	shalt  }
0x68: {  	_ =	shalt  }
0x69: {  	_ =	shalt  }
0x6a: {  	_ =	shalt  }
0x6b: {  	_ =	shalt  }
0x6c: {  	_ =	shalt  }
0x6d: {  	_ =	shalt  }
0x6e: {  	_ =	shalt  }
0x6f: {  	_ =	shalt  }
0x70: {  	_ =	shalt  }
0x71: {  	_ =	shalt  }
0x72: {  	_ =	shalt  }
0x73: {  	_ =	shalt  }
0x74: {  	_ =	shalt  }
0x75: {  	_ =	shalt  }
0x76: {  	_ =	shalt  }
0x77: {  	_ =	shalt  }
0x78: {  	_ =	shalt  }
0x79: {  	_ =	shalt  }
0x7a: {  	_ =	shalt  }
0x7b: {  	_ =	shalt  }
0x7c: {  	_ =	shalt  }
0x7d: {  	_ =	shalt  }
0x7e: {  	_ =	shalt  }
0x7f: {  	_ =	shalt  }
0x80: {  	_ =	shalt  }
0x81: {  	_ =	shalt  }
0x82: {  	_ =	shalt  }
0x83: {  	_ =	shalt  }
0x84: {  	_ =	shalt  }
0x85: {  	_ =	shalt  }
0x86: {  	_ =	shalt  }
0x87: {  	_ =	shalt  }
.Lfunc_end0:
.L_simem_size_0:
called_computation.2_lowered:
.L_overlay_start_0:
0x88: {  	s2 =	sld [smem:$0x3FD9]  }
0x89: {  	s3 =	sld [smem:$0x3FFE];
	_ =	sdelay $0x1  }
0x8a: {  	s1 =	srdreg.scid  }
0x8b: {  	s0 =	sand.u32 $0x1, s1  }
0x8c: {  	s17 =	sshll.u32 s0, $0xA;
	s2 =	sadd.s32 s3, s2  }
0x8d: {  	s2 =	sadd.s32 s2, s17  }
0x8e: {  	[smem:$0x3FC0] =	sst s2  }
0x8f: {  	_ = 	snop  }
0x90: {  	s2 =	sld [smem:$0x3FD0];
	(tm) =	ssettm $0x1  }
0x91: {  	s18 =	sld [smem:$0x3FFB];
	_ =	sdelay $0x3  }
0x92: {  	_ =	strace s18  }
0x93: {  	s3 =	sld [smem:$0x3FFC];
	_ =	sdelay $0x3  }
0x94: {  	_ =	strace s3  }
0x95: {  	s3 =	sld [smem:$0x3FFD];
	_ =	sdelay $0x3  }
0x96: {  	_ =	strace s3  }
0x97: {  	_ =	strace $0x8FFFFFFF  }
0x98: {  	s19 =	sld [smem:$0x3FDB];
	_ =	sdelay $0x1  }
0x99: {  	s4 =	simm.s32 $_scs_section_size  }
0x9a: {  	s5 =	simm.s32 $_size__tile_overlayer_lowered;
	s6 =	simm.s32 $_tile_overlayer_lowered  }
0x9b: {  	s22 =	simm.s32 $0x1BFF;
	s21 =	sshll.u32 s6, $0x1;
	s3 =	sadd.s32 s4, s19  }
0x9c: {  	s7 =	simm.s32 $0x0;
	s20 =	sshll.u32 s5, $0x1;
	s5 =	sadd.s32 s21, s3  }
0x9d: {  	[timem:s7], [sflag:s22] =	dma.local [hbm:s5], s20  }
0x9e: {  	_ =	swait.ge [sflag:s22], s20  }
0x9f: {  	s4 =	ssub.s32 $0x0, s20;
	[sflag:s22] =	ssyncset.done $0x0  }
0xa0: {  	[sflag:s22] =	ssyncadd.s32 s4;
	_ =	sdelay $0x1  }
0xa1: {  	s23 =	simm.s32 $0x1B8B  }
0xa2: {  	_ =	swait.ge [sflag:s23], $0x1  }
0xa3: {  	[sflag:s23] =	ssyncset.done $0x0  }
0xa4: {  	s25 =	simm.s32 $0x1B8E;
	s24 =	sld [smem:$0x3FFE];
	[sflag:s23] =	ssyncadd.s32 $0xFFFFFFFF  }
0xa5: {  	s26 =	simm.s32 $execute0_lowered;
	[smem:$0x3FD2] =	sst s25  }
0xa6: {  	s5 =	sshll.u32 s26, $0x1;
	_ =	strace $0x8000004C;
	[dreg:$0x1] =	wrdreg $0xFFFFFFFF  }
0xa7: {  	s28 =	simm.s32 $_size_execute0_lowered;
	s3 =	sadd.s32 s3, s5;
	[dreg:$0x0] =	wrdreg $0x0  }
0xa8: {  	s5 =	sshll.u32 s28, $0x1;
	[dreg:$0x2] =	wrdreg s3  }
0xa9: {  	[dreg:$0x3] =	wrdreg s5  }
0xaa: {  	[dreg:$0x4] =	wrdreg $0xC0  }
0xab: {  	_ =	task [dreg:s7], $0x5FFFF  }
0xac: {  	[dreg:$0x1] =	wrdreg $0xFFFFFFFF  }
0xad: {  	[dreg:$0x0] =	wrdreg $0x60  }
0xae: {  	[dreg:$0x2] =	wrdreg s24  }
0xaf: {  	[dreg:$0x3] =	wrdreg s2  }
0xb0: {  	[dreg:$0x4] =	wrdreg $0x71000  }
0xb1: {  	[dreg:$0x5] =	wrdreg $0x9  }
0xb2: {  	_ =	task.clear_ibuf [dreg:s7], $0x6FFFF;
	_ =	strace $0x9000004C  }
0xb3: {  	s29 =	simm.s32 $0x9;
	_ =	strace $0x8000004E  }
0xb4: {  	_ =	swait.ge [sflag:s29], $0x1  }
0xb5: {  	[sflag:s29] =	ssyncadd.s32 $0xFFFFFFFF  }
0xb6: {  	_ =	strace $0x9000004E  }
0xb7: {  	_ =	sfence  }
0xb8: {  	s30 =	sld [smem:$0x0];
	_ =	sdelay $0x2  }
0xb9: {  	s31 =	sshll.u32 s1, $0xD;
	s1 =	sshrl.u32 s1, $0x2  }
0xba: {  	s3 =	sand.u32 $0x4000, s31;
	s1 =	sadd.s32 s1, s30  }
0xbb: {  	s0 =	sor.u32 s3, s0;
	s1 =	sshll.u32 s1, $0x11  }
0xbc: {  	s0 =	sor.u32 s1, s0  }
0xbd: {  	s0 =	sadd.s32 $0x8F2B, s0  }
0xbe: {  	[sflag:s0] =	ssyncadd.remote.s32 $0x1  }
0xbf: {  	_ =	sfence.sel $0xFFFF  }
0xc0: {  	[dreg:$0x0] =	wrdreg $0xFFFFFFFF;
	(pc) =	sbr.abs _section_cstart, $3  }
0xc1: {  	[dreg:$0x1] =	wrdreg $0xFFFFFFFF  }
0xc2: {  	_ =	task.clear_ibuf [dreg:s7], $0x2FFFF;
	_ =	strace $0x9FFFFFFF  }
0xc3: {  	(tm) =	ssettm $0x7FFFFFFF  }
tec
execute0_lowered:
.L_overlay_start_1:
0x0: {  	(tag) =	ssettag $0x1  }
0x1: {  	s0 =	rddreg [dreg:$0x0]  }
0x2: {  	s1 =	rddreg [dreg:$0x1]  }
0x3: {  	s3 =	rddreg [dreg:$0x2];
	s4 =	simm.s32 $0x0  }
0x4: {  	s2 =	srdreg.scid;
	s19 =	stileid.u32;
	s28 =	simm.s32 $0x3  }
0x5: {  	s29 =	simm.s32 $0x5;
	s30 =	simm.s32 $0x4;
	s31 =	simm.s32 $0x6  }
0x6: {  	[smem:$0x7FF] =	sst s4;
	s2 =	sand.u32 $0x1, s2;
	s5 =	sshll.u32 s19, $0x1  }
0x7: {  	s8 =	sadd.s32 $0x11E00, s0;
	s10 =	smul.u32 $0x7D000, s19;
	s16 =	sadd.s32 $0x138800, s3  }
0x8: {  	s26 =	smul.u32 $0x1F400, s19;
	p0 =	sgt.u32 s19, $0x9;
	_ =	strace $0x8000004D  }
0x9: {  	s5 =	sor.u32 s2, s5;
	s7 =	ssub.s32 $0x2, s2;
	s12 =	smul.u32 $0x138800, s2  }
0xa: {  	[dreg:$0x5] =	wrdreg s16;
	s2 =	smul.u32 $0x2800, s2;
	p1 =	sne.s32 @p0 s19, $0xA  }
0xb: {  	s6 =	sshll.u32 s5, $0xB;
	s5 =	smul.u32 $0x2800, s5;
	s24 =	sshrl.u32 s7, $0x1  }
0xc: {  	s25 =	sshrl.u32 s10, $0x2;
	s13 =	sadd.s32 $0x6400, s26;
	s14 =	sadd.s32 $0xC800, s26  }
0xd: {  	s22 =	sadd.s32 $0x12C00, s26;
	s10 =	sadd.s32 $0x19000, s26;
	p1 =	por p1, !p0  }
0xe: {  	s9 =	sadd.s32 s6, s0;
	s0 =	sadd.s32 $0x1C000, s0;
	s11 =	ssub.s32 s7, s24  }
0xf: {  	s7 =	sadd.s32 s25, s3;
	s18 =	sadd.s32 s26, s12;
	s16 =	sadd.s32 s12, s14  }
0x10: {  	s23 =	sadd.s32 s12, s22;
	s5 =	sshrl.u32 s5, $0x3;
	s15 =	sadd.s32 $0x1E00, s9  }
0x11: {  	s17 =	sadd.s32 $0x2800, s7;
	s16 =	sshrl.u32 s16, $0x3;
	[dreg:$0x4] =	wrdreg s15  }
0x12: {  	s9 =	sadd.s32 $0x2200, s9;
	s6 =	sadd.s32 s8, s5;
	[dreg:$0x6] =	wrdreg s17  }
0x13: {  	s5 =	sshrl.u32 s18, $0x3;
	s15 =	sadd.s32 s12, s13;
	s17 =	smul.u32 $0x5000, s19  }
0x14: {  	s21 =	sadd.s32 s0, s16;
	s12 =	sadd.s32 s12, s10;
	[dreg:$0xd] =	wrdreg s9  }
0x15: {  	s19 =	sadd.s32 $0x11800, s7;
	s15 =	sshrl.u32 s15, $0x3;
	[dreg:$0x9] =	wrdreg s21  }
0x16: {  	s5 =	sadd.s32 s0, s5;
	s12 =	sshrl.u32 s12, $0x3;
	[dreg:$0x17] =	wrdreg s19  }
0x17: {  	s21 =	sadd.s32 $0x16800, s7;
	s19 =	simm.s32 $0x100;
	[dreg:$0x7] =	wrdreg s5  }
0x18: {  	s20 =	sadd.s32 s0, s15;
	s2 =	sadd.s32 s2, s17;
	s15 =	sshrl.u32 s23, $0x3  }
0x19: {  	s5 =	sadd.s32 s22, s3;
	[dreg:$0x19] =	wrdreg s21;
	s22 =	sadd.s32 $0x19000, s7  }
0x1a: {  	s23 =	sadd.s32 $0x1B800, s7;
	s21 =	simm.s32 $0x1;
	[dreg:$0x8] =	wrdreg s20  }
0x1b: {  	s24 =	sor.u32 $0x140, s2;
	s15 =	sadd.s32 s0, s15;
	s0 =	sadd.s32 s0, s12  }
0x1c: {  	s25 =	sor.u32 $0xF0, s2;
	s26 =	sadd.s32 $0x1540, s2;
	[dreg:$0x1a] =	wrdreg s22  }
0x1d: {  	s2 =	sadd.s32 $0x14F0, s2;
	s20 =	sadd.s32 $0x14000, s7;
	[dreg:$0x1b] =	wrdreg s23  }
0x1e: {  	s22 =	simm.s32 $0x50;
	s23 =	simm.s32 $0x2100;
	[dreg:$0xa] =	wrdreg s15  }
0x1f: {  	s16 =	sshrl.u32 s24, $0x3;
	[dreg:$0xb] =	wrdreg s0;
	s0 =	sshrl.u32 s25, $0x3  }
0x20: {  	s12 =	sshrl.u32 s26, $0x3;
	s2 =	sshrl.u32 s2, $0x3;
	[dreg:$0x18] =	wrdreg s20  }
0x21: {  	s24 =	sadd.s32 $0x1E000, s7;
	s25 =	sadd.s32 $0xA, s6;
	s26 =	sadd.s32 $0x14, s6  }
0x22: {  	s20 =	simm.s32 $0x7;
	s15 =	sadd.s32 s16, s8;
	[dreg:$0x1c] =	wrdreg s24  }
0x23: {  	s16 =	sadd.s32 s0, s8;
	s17 =	sadd.s32 s12, s8;
	[dreg:$0x1d] =	wrdreg s25  }
0x24: {  	s18 =	sadd.s32 s2, s8;
	s8 =	sadd.s32 $0x5000, s7;
	[dreg:$0x1e] =	wrdreg s26  }
0x25: {  	s0 =	sadd.s32 s13, s3;
	s12 =	sadd.s32 $0xA000, s7;
	[dreg:$0xc] =	wrdreg s8  }
0x26: {  	s2 =	sadd.s32 s14, s3;
	s13 =	sadd.s32 $0xC800, s7;
	[dreg:$0x14] =	wrdreg s12  }
0x27: {  	s14 =	sadd.s32 $0xF000, s7;
	s24 =	simm.s32 $0x80;
	[dreg:$0x15] =	wrdreg s13  }
0x28: {  	s8 =	sadd.s32 s10, s3;
	s10 =	smax.u32 s11, $0x1;
	[dreg:$0x16] =	wrdreg s14  }
0x29: {  	s25 =	simm.s32 $0x2;
	s0 =	sshrl.u32 @!p0 s0, $0x3;
	[dreg:$0xe] =	wrdreg s10  }
0x2a: {  	s26 =	simm.s32 $0x4900;
	s11 =	sadd.s32 $0x7800, s7;
	[dreg:$0xf] =	wrdreg s0  }
0x2b: {  	s12 =	sadd.s32 $0x28A, s6;
	s0 =	sshrl.u32 @!p0 s2, $0x3;
	[dreg:$0x13] =	wrdreg s11  }
0x2c: {  	s13 =	sadd.s32 $0x294, s6;
	[dreg:$0x10] =	wrdreg s0;
	s0 =	sshrl.u32 @!p0 s5, $0x3  }
0x2d: {  	s14 =	sadd.s32 $0x4F6, s6;
	[dreg:$0x11] =	wrdreg s0;
	s0 =	sshrl.u32 @!p0 s8, $0x3  }
0x2e: {  	v0 =	vimm.f32 $0.0e+00;
	s2 =	simm.s32 $0x0;
	[dreg:$0x12] =	wrdreg s0;
	s0 =	simm.s32 $0x2080  }
.LBB2_1:
0x2f: {  	s5 =	rddreg [dreg:$0x4];
	s11 =	sand.u32 $0xFE00, s4  }
0x30: {  	[tilespmem:s19], [sflag:$0x7] =	stream.linear.gather [hbm4b:s5+s4], $0x2000, $0x38;
	[tilespmem:$0x1A9C0] =	vst v63  }
0x31: {  	s8 =	sand.u32 $0x70, s4;
	s9 =	sshrl.u32 s11, $0x2  }
0x32: {  	s5 =	simm.s32 $0x40;
	s9 =	sor.u32 s8, s9;
	s8 =	simm.s32 $0x0  }
0x33: {  	[tilespmem:s4], [sflag:$0x1] =	stream.linear.gather [hbm4b:s6+s4], $0x50, $0x38;
	[tilespmem:$0x1A9C0] =	vst v63  }
.LBB2_2:
0x34: {  	p2 =	sne.s32 s5, $0x9FC0  }
0x35: {  	[tilespmem:s9+$0x2100] =	vst v0;
	s8 =	sadd.s32 $0x10, s8;
	s9 =	smov.u32 s5;
	s5 =	sadd.s32 $0x40, s5  }
.Ltmp0:
0x36: {  	(pc) =	sbr.rel @p2 .LBB2_2-.Ltmp0, $4  }
0x37: {  	_ = 	snop  }
0x38: {  	s9 =	sand.u32 $0xFE00, s9  }
0x39: {  	s10 =	sand.u32 $0x70, s8;
	s9 =	sshrl.u32 s9, $0x2  }
0x3a: {  	s9 =	sor.u32 s10, s9  }
0x3b: {  	[tilespmem:s9+$0x2100] =	vst v0;
	s5 =	simm.s32 @!p1 $0x2100;
	s8 =	rddreg [dreg:$0x5]  }
0x3c: {  	[spmem:s8] =	stream.linear.scatter @!p1 [tilespmem:s5], [sflag:$0x5], $0x400, $0x38;
	[tilespmem:$0x1A9C0] =	vst v63  }
0x3d: {  	s5 =	simm.s32 @!p1 $0x5  }
0x3e: {  	_ =	swait.ge @!p1 [sflag:s5], $0x400  }
0x3f: {  	[sflag:s5] =	ssyncset.done @!p1 $0x0  }
0x40: {  	[sflag:s5] =	ssyncadd.s32 @!p1 $0xFFFFFC00;
	s5 =	simm.s32 @!p0 $0x2100  }
0x41: {  	[spmem:s7] =	stream.linear.scatter @!p0 [tilespmem:s5], [sflag:$0x5], $0x2800, $0x38;
	[tilespmem:$0x1A9C0] =	vst v63  }
0x42: {  	s8 =	rddreg [dreg:$0x6]  }
0x43: {  	[spmem:s8] =	stream.linear.scatter @!p0 [tilespmem:s5], [sflag:$0x5], $0x2800, $0x38;
	[tilespmem:$0x1A9C0] =	vst v63  }
0x44: {  	s8 =	rddreg [dreg:$0xc]  }
0x45: {  	[spmem:s8] =	stream.linear.scatter @!p0 [tilespmem:s5], [sflag:$0x5], $0x2800, $0x38;
	[tilespmem:$0x1A9C0] =	vst v63  }
0x46: {  	s8 =	rddreg [dreg:$0x13]  }
0x47: {  	[spmem:s8] =	stream.linear.scatter @!p0 [tilespmem:s5], [sflag:$0x5], $0x2800, $0x38;
	[tilespmem:$0x1A9C0] =	vst v63  }
0x48: {  	s8 =	rddreg [dreg:$0x14]  }
0x49: {  	[spmem:s8] =	stream.linear.scatter @!p0 [tilespmem:s5], [sflag:$0x5], $0x2800, $0x38;
	[tilespmem:$0x1A9C0] =	vst v63  }
0x4a: {  	s8 =	rddreg [dreg:$0x15]  }
0x4b: {  	[spmem:s8] =	stream.linear.scatter @!p0 [tilespmem:s5], [sflag:$0x5], $0x2800, $0x38;
	[tilespmem:$0x1A9C0] =	vst v63  }
0x4c: {  	s8 =	rddreg [dreg:$0x16]  }
0x4d: {  	[spmem:s8] =	stream.linear.scatter @!p0 [tilespmem:s5], [sflag:$0x5], $0x2800, $0x38;
	[tilespmem:$0x1A9C0] =	vst v63  }
0x4e: {  	s8 =	rddreg [dreg:$0x17]  }
0x4f: {  	[spmem:s8] =	stream.linear.scatter @!p0 [tilespmem:s5], [sflag:$0x5], $0x2800, $0x38;
	[tilespmem:$0x1A9C0] =	vst v63  }
0x50: {  	s8 =	rddreg [dreg:$0x18]  }
0x51: {  	[spmem:s8] =	stream.linear.scatter @!p0 [tilespmem:s5], [sflag:$0x5], $0x2800, $0x38;
	[tilespmem:$0x1A9C0] =	vst v63  }
0x52: {  	s8 =	rddreg [dreg:$0x19]  }
0x53: {  	[spmem:s8] =	stream.linear.scatter @!p0 [tilespmem:s5], [sflag:$0x5], $0x2800, $0x38;
	[tilespmem:$0x1A9C0] =	vst v63  }
0x54: {  	s8 =	rddreg [dreg:$0x1a]  }
0x55: {  	[spmem:s8] =	stream.linear.scatter @!p0 [tilespmem:s5], [sflag:$0x5], $0x2800, $0x38;
	[tilespmem:$0x1A9C0] =	vst v63  }
0x56: {  	s8 =	rddreg [dreg:$0x1b]  }
0x57: {  	[spmem:s8] =	stream.linear.scatter @!p0 [tilespmem:s5], [sflag:$0x5], $0x2800, $0x38;
	[tilespmem:$0x1A9C0] =	vst v63  }
0x58: {  	s8 =	rddreg [dreg:$0x1c]  }
0x59: {  	[spmem:s8] =	stream.linear.scatter @!p0 [tilespmem:s5], [sflag:$0x5], $0x1400, $0x38;
	[tilespmem:$0x1A9C0] =	vst v63  }
0x5a: {  	s5 =	simm.s32 @!p0 $0x5  }
0x5b: {  	_ =	swait.ge @!p0 [sflag:s5], $0x2800  }
0x5c: {  	[sflag:s5] =	ssyncset.done @!p0 $0x0  }
0x5d: {  	[sflag:s5] =	ssyncadd.s32 @!p0 $0xFFFFD800  }
0x5e: {  	_ =	swait.ge @!p0 [sflag:s5], $0x2800  }
0x5f: {  	[sflag:s5] =	ssyncset.done @!p0 $0x0  }
0x60: {  	[sflag:s5] =	ssyncadd.s32 @!p0 $0xFFFFD800  }
0x61: {  	_ =	swait.ge @!p0 [sflag:s5], $0x2800  }
0x62: {  	[sflag:s5] =	ssyncset.done @!p0 $0x0  }
0x63: {  	[sflag:s5] =	ssyncadd.s32 @!p0 $0xFFFFD800  }
0x64: {  	_ =	swait.ge @!p0 [sflag:s5], $0x2800  }
0x65: {  	[sflag:s5] =	ssyncset.done @!p0 $0x0  }
0x66: {  	[sflag:s5] =	ssyncadd.s32 @!p0 $0xFFFFD800  }
0x67: {  	_ =	swait.ge @!p0 [sflag:s5], $0x2800  }
0x68: {  	[sflag:s5] =	ssyncset.done @!p0 $0x0  }
0x69: {  	[sflag:s5] =	ssyncadd.s32 @!p0 $0xFFFFD800  }
0x6a: {  	_ =	swait.ge @!p0 [sflag:s5], $0x2800  }
0x6b: {  	[sflag:s5] =	ssyncset.done @!p0 $0x0  }
0x6c: {  	[sflag:s5] =	ssyncadd.s32 @!p0 $0xFFFFD800  }
0x6d: {  	_ =	swait.ge @!p0 [sflag:s5], $0x2800  }
0x6e: {  	[sflag:s5] =	ssyncset.done @!p0 $0x0  }
0x6f: {  	[sflag:s5] =	ssyncadd.s32 @!p0 $0xFFFFD800  }
0x70: {  	_ =	swait.ge @!p0 [sflag:s5], $0x2800  }
0x71: {  	[sflag:s5] =	ssyncset.done @!p0 $0x0  }
0x72: {  	[sflag:s5] =	ssyncadd.s32 @!p0 $0xFFFFD800  }
0x73: {  	_ =	swait.ge @!p0 [sflag:s5], $0x2800  }
0x74: {  	[sflag:s5] =	ssyncset.done @!p0 $0x0  }
0x75: {  	[sflag:s5] =	ssyncadd.s32 @!p0 $0xFFFFD800  }
0x76: {  	_ =	swait.ge @!p0 [sflag:s5], $0x2800  }
0x77: {  	[sflag:s5] =	ssyncset.done @!p0 $0x0  }
0x78: {  	[sflag:s5] =	ssyncadd.s32 @!p0 $0xFFFFD800  }
0x79: {  	_ =	swait.ge @!p0 [sflag:s5], $0x2800  }
0x7a: {  	[sflag:s5] =	ssyncset.done @!p0 $0x0  }
0x7b: {  	[sflag:s5] =	ssyncadd.s32 @!p0 $0xFFFFD800  }
0x7c: {  	_ =	swait.ge @!p0 [sflag:s5], $0x2800  }
0x7d: {  	[sflag:s5] =	ssyncset.done @!p0 $0x0  }
0x7e: {  	[sflag:s5] =	ssyncadd.s32 @!p0 $0xFFFFD800  }
0x7f: {  	_ =	swait.ge @!p0 [sflag:s5], $0x1400  }
0x80: {  	[sflag:s5] =	ssyncset.done @!p0 $0x0  }
0x81: {  	[sflag:s5] =	ssyncadd.s32 @!p0 $0xFFFFEC00  }
0x82: {  	_ =	swait.ge [sflag:s20], $0x2000  }
0x83: {  	[sflag:s20] =	ssyncset.done $0x0  }
0x84: {  	[sflag:s20] =	ssyncadd.s32 $0xFFFFE000  }
0x85: {  	[bflag:$0x0] =	sbarrier.arrive $0xFFFF  }
0x86: {  	_ =	swait.ge [sflag:s21], $0x50  }
0x87: {  	[sflag:s21] =	ssyncset.done $0x0  }
0x88: {  	s9 =	simm.s32 $0x0;
	[sflag:s21] =	ssyncadd.s32 $0xFFFFFFB0  }
0x89: {  	[tilespmem:s23], [sflag:$0x3] =	stream.indirect.gather [hbm4b:s1+s22], $0x80, s9, s22, $0xb8;
	[tilespmem:$0x1A9C0] =	vst v63  }
0x8a: {  	s10 =	rddreg [dreg:$0x1d]  }
0x8b: {  	[tilespmem:s24], [sflag:$0x2] =	stream.linear.gather [hbm4b:s10+s9], $0x50, $0x38;
	[tilespmem:$0x1A9C0] =	vst v63  }
0x8c: {  	_ =	swait.ge [sflag:s25], $0x50  }
0x8d: {  	[sflag:s25] =	ssyncset.done $0x0  }
0x8e: {  	[sflag:s25] =	ssyncadd.s32 $0xFFFFFFB0  }
0x8f: {  	[tilespmem:s26], [sflag:$0x4] =	stream.indirect.gather [hbm4b:s1+s22], $0x80, s24, s22, $0xb8;
	[tilespmem:$0x1A9C0] =	vst v63  }
0x90: {  	_ =	swait.ge [sflag:s28], $0x2800  }
0x91: {  	[sflag:s28] =	ssyncset.done $0x0  }
0x92: {  	s11 =	rddreg [dreg:$0x1e];
	[sflag:s28] =	ssyncadd.s32 $0xFFFFD800  }
0x93: {  	[tilespmem:s9], [sflag:$0x1] =	stream.linear.gather [hbm4b:s11+s9], $0x50, $0x38;
	[tilespmem:$0x1A9C0] =	vst v63  }
0x94: {  	_ = 	snop  }
0x95: {  	[spmem:s3] =	stream.indirect.scatter.add.f32 [tilespmem:s23], [sflag:$0x5], $0x80, s19, s22, $0xb8;
	[tilespmem:$0x1A9C0] =	vst v63  }
0x96: {  	_ =	swait.ge [sflag:s29], $0x2800  }
0x97: {  	[sflag:s29] =	ssyncset.done $0x0  }
0x98: {  	[sflag:s29] =	ssyncadd.s32 $0xFFFFD800  }
0x99: {  	_ =	swait.ge [sflag:s21], $0x50  }
0x9a: {  	[sflag:s21] =	ssyncset.done $0x0  }
0x9b: {  	[sflag:s21] =	ssyncadd.s32 $0xFFFFFFB0  }
0x9c: {  	[tilespmem:s23], [sflag:$0x3] =	stream.indirect.gather [hbm4b:s1+s22], $0x80, s4, s22, $0xb8;
	[tilespmem:$0x1A9C0] =	vst v63  }
0x9d: {  	_ =	swait.ge [sflag:s30], $0x2800  }
0x9e: {  	[sflag:s30] =	ssyncset.done $0x0  }
0x9f: {  	s9 =	sadd.s32 $0x0, s16;
	[sflag:s30] =	ssyncadd.s32 $0xFFFFD800  }
0xa0: {  	[tilespmem:s24], [sflag:$0x2] =	stream.linear.gather [hbm4b:s9+s4], $0x50, $0x38;
	[tilespmem:$0x1A9C0] =	vst v63  }
0xa1: {  	s10 =	simm.s32 $0x180  }
0xa2: {  	[spmem:s3] =	stream.indirect.scatter.add.f32 [tilespmem:s26], [sflag:$0x6], $0x80, s10, s22, $0xb8;
	[tilespmem:$0x1A9C0] =	vst v63  }
0xa3: {  	_ =	swait.ge [sflag:s31], $0x2800  }
0xa4: {  	[sflag:s31] =	ssyncset.done $0x0  }
0xa5: {  	[sflag:s31] =	ssyncadd.s32 $0xFFFFD800  }
0xa6: {  	_ =	swait.ge [sflag:s25], $0x50  }
0xa7: {  	[sflag:s25] =	ssyncset.done $0x0  }
0xa8: {  	[sflag:s25] =	ssyncadd.s32 $0xFFFFFFB0  }
0xa9: {  	[tilespmem:s26], [sflag:$0x4] =	stream.indirect.gather [hbm4b:s1+s22], $0x80, s24, s22, $0xb8;
	[tilespmem:$0x1A9C0] =	vst v63  }
0xaa: {  	_ =	swait.ge [sflag:s28], $0x2800  }
0xab: {  	s8 =	simm.s32 $0x14;
	s5 =	simm.s32 $0x200;
	[sflag:s28] =	ssyncset.done $0x0  }
0xac: {  	s11 =	sadd.s32 $0x0, s15;
	s9 =	simm.s32 $0x300;
	[sflag:s28] =	ssyncadd.s32 $0xFFFFD800  }
0xad: {  	[tilespmem:s4], [sflag:$0x1] =	stream.linear.gather [hbm4b:s11+s4], $0x50, $0x38;
	[tilespmem:$0x1A9C0] =	vst v63  }
.LBB2_4:
0xae: {  	[spmem:s3] =	stream.indirect.scatter.add.f32 [tilespmem:s23], [sflag:$0x5], $0x80, s5, s22, $0xb8;
	[tilespmem:$0x1A9C0] =	vst v63  }
0xaf: {  	s10 =	smov.u32 s8;
	s5 =	smov.u32 s9  }
0xb0: {  	p2 =	sne.s32 s8, $0x258;
	s8 =	sadd.s32 $0x14, s8;
	_ =	swait.ge [sflag:s29], $0x2800  }
0xb1: {  	[sflag:s29] =	ssyncset.done $0x0  }
0xb2: {  	[sflag:s29] =	ssyncadd.s32 $0xFFFFD800  }
0xb3: {  	_ =	swait.ge [sflag:s21], $0x50  }
0xb4: {  	[sflag:s21] =	ssyncset.done $0x0  }
0xb5: {  	[sflag:s21] =	ssyncadd.s32 $0xFFFFFFB0  }
0xb6: {  	[tilespmem:s23], [sflag:$0x3] =	stream.indirect.gather [hbm4b:s1+s22], $0x80, s4, s22, $0xb8;
	[tilespmem:$0x1A9C0] =	vst v63  }
0xb7: {  	_ =	swait.ge [sflag:s30], $0x2800  }
0xb8: {  	[sflag:s30] =	ssyncset.done $0x0  }
0xb9: {  	s11 =	sadd.s32 s10, s16;
	[sflag:s30] =	ssyncadd.s32 $0xFFFFD800  }
0xba: {  	[tilespmem:s24], [sflag:$0x2] =	stream.linear.gather [hbm4b:s11+s4], $0x50, $0x38;
	[tilespmem:$0x1A9C0] =	vst v63  }
0xbb: {  	s11 =	sadd.s32 $0xFFFFFF80, s9  }
0xbc: {  	[spmem:s3] =	stream.indirect.scatter.add.f32 [tilespmem:s26], [sflag:$0x6], $0x80, s11, s22, $0xb8;
	[tilespmem:$0x1A9C0] =	vst v63  }
0xbd: {  	_ =	swait.ge [sflag:s31], $0x2800  }
0xbe: {  	[sflag:s31] =	ssyncset.done $0x0  }
0xbf: {  	[sflag:s31] =	ssyncadd.s32 $0xFFFFD800  }
0xc0: {  	_ =	swait.ge [sflag:s25], $0x50  }
0xc1: {  	[sflag:s25] =	ssyncset.done $0x0  }
0xc2: {  	[sflag:s25] =	ssyncadd.s32 $0xFFFFFFB0  }
0xc3: {  	[tilespmem:s26], [sflag:$0x4] =	stream.indirect.gather [hbm4b:s1+s22], $0x80, s24, s22, $0xb8;
	[tilespmem:$0x1A9C0] =	vst v63  }
.Ltmp1:
0xc4: {  	_ =	swait.ge [sflag:s28], $0x2800;
	(pc) =	sbr.rel @p2 .LBB2_4-.Ltmp1, $4  }
0xc5: {  	[sflag:s28] =	ssyncset.done $0x0  }
0xc6: {  	s10 =	sadd.s32 s10, s15;
	[sflag:s28] =	ssyncadd.s32 $0xFFFFD800  }
0xc7: {  	[tilespmem:s4], [sflag:$0x1] =	stream.linear.gather [hbm4b:s10+s4], $0x50, $0x38;
	[tilespmem:$0x1A9C0] =	vst v63  }
0xc8: {  	s9 =	sadd.s32 $0x100, s9  }
0xc9: {  	[spmem:s3] =	stream.indirect.scatter.add.f32 [tilespmem:s23], [sflag:$0x5], $0x80, s5, s22, $0xb8;
	[tilespmem:$0x1A9C0] =	vst v63  }
0xca: {  	_ =	swait.ge [sflag:s30], $0x2800  }
0xcb: {  	[sflag:s30] =	ssyncset.done $0x0  }
0xcc: {  	[sflag:s30] =	ssyncadd.s32 $0xFFFFD800  }
0xcd: {  	[spmem:s3] =	stream.indirect.scatter.add.f32 [tilespmem:s26], [sflag:$0x6], $0x80, s0, s22, $0xb8;
	[tilespmem:$0x1A9C0] =	vst v63  }
0xce: {  	_ =	swait.ge [sflag:s29], $0x2800  }
0xcf: {  	[sflag:s29] =	ssyncset.done $0x0  }
0xd0: {  	[sflag:s29] =	ssyncadd.s32 $0xFFFFD800  }
0xd1: {  	_ =	swait.ge [sflag:s31], $0x2800  }
0xd2: {  	[sflag:s31] =	ssyncset.done $0x0  }
0xd3: {  	s11 =	simm.s32 $0x0;
	s8 =	rddreg [dreg:$0xd];
	[sflag:s31] =	ssyncadd.s32 $0xFFFFD800  }
0xd4: {  	[tilespmem:s19], [sflag:$0x7] =	stream.linear.gather [hbm4b:s8+s11], $0x2000, $0x38;
	[tilespmem:$0x1A9C0] =	vst v63  }
0xd5: {  	_ =	swait.ge [sflag:s20], $0x2000  }
0xd6: {  	[sflag:s20] =	ssyncset.done $0x0  }
0xd7: {  	[sflag:s20] =	ssyncadd.s32 $0xFFFFE000  }
0xd8: {  	_ =	swait.ge [sflag:s21], $0x50  }
0xd9: {  	[sflag:s21] =	ssyncset.done $0x0  }
0xda: {  	[sflag:s21] =	ssyncadd.s32 $0xFFFFFFB0  }
0xdb: {  	[tilespmem:s23], [sflag:$0x3] =	stream.indirect.gather [hbm4b:s1+s22], $0x80, s11, s22, $0xb8;
	[tilespmem:$0x1A9C0] =	vst v63  }
0xdc: {  	_ = 	snop  }
0xdd: {  	[tilespmem:s24], [sflag:$0x2] =	stream.linear.gather [hbm4b:s12+s11], $0x50, $0x38;
	[tilespmem:$0x1A9C0] =	vst v63  }
0xde: {  	_ =	swait.ge [sflag:s25], $0x50  }
0xdf: {  	[sflag:s25] =	ssyncset.done $0x0  }
0xe0: {  	[sflag:s25] =	ssyncadd.s32 $0xFFFFFFB0  }
0xe1: {  	[tilespmem:s26], [sflag:$0x4] =	stream.indirect.gather [hbm4b:s1+s22], $0x80, s24, s22, $0xb8;
	[tilespmem:$0x1A9C0] =	vst v63  }
0xe2: {  	_ =	swait.ge [sflag:s28], $0x2800  }
0xe3: {  	[sflag:s28] =	ssyncset.done $0x0  }
0xe4: {  	[sflag:s28] =	ssyncadd.s32 $0xFFFFD800  }
0xe5: {  	[tilespmem:s11], [sflag:$0x1] =	stream.linear.gather [hbm4b:s13+s11], $0x50, $0x38;
	[tilespmem:$0x1A9C0] =	vst v63  }
0xe6: {  	_ = 	snop  }
0xe7: {  	[spmem:s3] =	stream.indirect.scatter.add.f32 [tilespmem:s23], [sflag:$0x5], $0x80, s19, s22, $0xb8;
	[tilespmem:$0x1A9C0] =	vst v63  }
0xe8: {  	_ =	swait.ge [sflag:s29], $0x2800  }
0xe9: {  	[sflag:s29] =	ssyncset.done $0x0  }
0xea: {  	[sflag:s29] =	ssyncadd.s32 $0xFFFFD800  }
0xeb: {  	_ =	swait.ge [sflag:s21], $0x50  }
0xec: {  	[sflag:s21] =	ssyncset.done $0x0  }
0xed: {  	[sflag:s21] =	ssyncadd.s32 $0xFFFFFFB0  }
0xee: {  	[tilespmem:s23], [sflag:$0x3] =	stream.indirect.gather [hbm4b:s1+s22], $0x80, s4, s22, $0xb8;
	[tilespmem:$0x1A9C0] =	vst v63  }
0xef: {  	_ =	swait.ge [sflag:s30], $0x2800  }
0xf0: {  	[sflag:s30] =	ssyncset.done $0x0  }
0xf1: {  	s9 =	sadd.s32 $0x0, s18;
	[sflag:s30] =	ssyncadd.s32 $0xFFFFD800  }
0xf2: {  	[tilespmem:s24], [sflag:$0x2] =	stream.linear.gather [hbm4b:s9+s4], $0x50, $0x38;
	[tilespmem:$0x1A9C0] =	vst v63  }
0xf3: {  	s10 =	simm.s32 $0x180  }
0xf4: {  	[spmem:s3] =	stream.indirect.scatter.add.f32 [tilespmem:s26], [sflag:$0x6], $0x80, s10, s22, $0xb8;
	[tilespmem:$0x1A9C0] =	vst v63  }
0xf5: {  	_ =	swait.ge [sflag:s31], $0x2800  }
0xf6: {  	[sflag:s31] =	ssyncset.done $0x0  }
0xf7: {  	[sflag:s31] =	ssyncadd.s32 $0xFFFFD800  }
0xf8: {  	_ =	swait.ge [sflag:s25], $0x50  }
0xf9: {  	[sflag:s25] =	ssyncset.done $0x0  }
0xfa: {  	[sflag:s25] =	ssyncadd.s32 $0xFFFFFFB0  }
0xfb: {  	[tilespmem:s26], [sflag:$0x4] =	stream.indirect.gather [hbm4b:s1+s22], $0x80, s24, s22, $0xb8;
	[tilespmem:$0x1A9C0] =	vst v63  }
0xfc: {  	_ =	swait.ge [sflag:s28], $0x2800  }
0xfd: {  	s5 =	simm.s32 $0x200;
	s8 =	simm.s32 $0x14;
	[sflag:s28] =	ssyncset.done $0x0  }
0xfe: {  	s11 =	sadd.s32 $0x0, s17;
	s9 =	simm.s32 $0x300;
	[sflag:s28] =	ssyncadd.s32 $0xFFFFD800  }
0xff: {  	[tilespmem:s4], [sflag:$0x1] =	stream.linear.gather [hbm4b:s11+s4], $0x50, $0x38;
	[tilespmem:$0x1A9C0] =	vst v63  }
.LBB2_6:
0x100: {  	[spmem:s3] =	stream.indirect.scatter.add.f32 [tilespmem:s23], [sflag:$0x5], $0x80, s5, s22, $0xb8;
	[tilespmem:$0x1A9C0] =	vst v63  }
0x101: {  	s10 =	smov.u32 s8;
	s5 =	smov.u32 s9  }
0x102: {  	p2 =	sne.s32 s8, $0x244;
	s8 =	sadd.s32 $0x14, s8;
	_ =	swait.ge [sflag:s29], $0x2800  }
0x103: {  	[sflag:s29] =	ssyncset.done $0x0  }
0x104: {  	[sflag:s29] =	ssyncadd.s32 $0xFFFFD800  }
0x105: {  	_ =	swait.ge [sflag:s21], $0x50  }
0x106: {  	[sflag:s21] =	ssyncset.done $0x0  }
0x107: {  	[sflag:s21] =	ssyncadd.s32 $0xFFFFFFB0  }
0x108: {  	[tilespmem:s23], [sflag:$0x3] =	stream.indirect.gather [hbm4b:s1+s22], $0x80, s4, s22, $0xb8;
	[tilespmem:$0x1A9C0] =	vst v63  }
0x109: {  	_ =	swait.ge [sflag:s30], $0x2800  }
0x10a: {  	[sflag:s30] =	ssyncset.done $0x0  }
0x10b: {  	s11 =	sadd.s32 s10, s18;
	[sflag:s30] =	ssyncadd.s32 $0xFFFFD800  }
0x10c: {  	[tilespmem:s24], [sflag:$0x2] =	stream.linear.gather [hbm4b:s11+s4], $0x50, $0x38;
	[tilespmem:$0x1A9C0] =	vst v63  }
0x10d: {  	s11 =	sadd.s32 $0xFFFFFF80, s9  }
0x10e: {  	[spmem:s3] =	stream.indirect.scatter.add.f32 [tilespmem:s26], [sflag:$0x6], $0x80, s11, s22, $0xb8;
	[tilespmem:$0x1A9C0] =	vst v63  }
0x10f: {  	_ =	swait.ge [sflag:s31], $0x2800  }
0x110: {  	[sflag:s31] =	ssyncset.done $0x0  }
0x111: {  	[sflag:s31] =	ssyncadd.s32 $0xFFFFD800  }
0x112: {  	_ =	swait.ge [sflag:s25], $0x50  }
0x113: {  	[sflag:s25] =	ssyncset.done $0x0  }
0x114: {  	[sflag:s25] =	ssyncadd.s32 $0xFFFFFFB0  }
0x115: {  	[tilespmem:s26], [sflag:$0x4] =	stream.indirect.gather [hbm4b:s1+s22], $0x80, s24, s22, $0xb8;
	[tilespmem:$0x1A9C0] =	vst v63  }
.Ltmp2:
0x116: {  	_ =	swait.ge [sflag:s28], $0x2800;
	(pc) =	sbr.rel @p2 .LBB2_6-.Ltmp2, $4  }
0x117: {  	[sflag:s28] =	ssyncset.done $0x0  }
0x118: {  	s10 =	sadd.s32 s10, s17;
	[sflag:s28] =	ssyncadd.s32 $0xFFFFD800  }
0x119: {  	[tilespmem:s4], [sflag:$0x1] =	stream.linear.gather [hbm4b:s10+s4], $0x50, $0x38;
	[tilespmem:$0x1A9C0] =	vst v63  }
0x11a: {  	s9 =	sadd.s32 $0x100, s9  }
0x11b: {  	[spmem:s3] =	stream.indirect.scatter.add.f32 [tilespmem:s23], [sflag:$0x5], $0x80, s5, s22, $0xb8;
	[tilespmem:$0x1A9C0] =	vst v63  }
0x11c: {  	_ =	swait.ge [sflag:s29], $0x2800  }
0x11d: {  	[sflag:s29] =	ssyncset.done $0x0  }
0x11e: {  	[sflag:s29] =	ssyncadd.s32 $0xFFFFD800  }
0x11f: {  	_ =	swait.ge [sflag:s21], $0x50  }
0x120: {  	[sflag:s21] =	ssyncset.done $0x0  }
0x121: {  	[sflag:s21] =	ssyncadd.s32 $0xFFFFFFB0  }
0x122: {  	[tilespmem:s23], [sflag:$0x3] =	stream.indirect.gather [hbm4b:s1+s22], $0x80, s4, s22, $0xb8;
	[tilespmem:$0x1A9C0] =	vst v63  }
0x123: {  	_ =	swait.ge [sflag:s30], $0x2800  }
0x124: {  	[sflag:s30] =	ssyncset.done $0x0  }
0x125: {  	[sflag:s30] =	ssyncadd.s32 $0xFFFFD800  }
0x126: {  	[tilespmem:s24], [sflag:$0x2] =	stream.linear.gather [hbm4b:s14+s4], $0x50, $0x38;
	[tilespmem:$0x1A9C0] =	vst v63  }
0x127: {  	s9 =	simm.s32 $0x1F80  }
0x128: {  	[spmem:s3] =	stream.indirect.scatter.add.f32 [tilespmem:s26], [sflag:$0x6], $0x80, s9, s22, $0xb8;
	[tilespmem:$0x1A9C0] =	vst v63  }
0x129: {  	_ =	swait.ge [sflag:s31], $0x2800  }
0x12a: {  	[sflag:s31] =	ssyncset.done $0x0  }
0x12b: {  	[sflag:s31] =	ssyncadd.s32 $0xFFFFD800  }
0x12c: {  	_ =	swait.ge [sflag:s25], $0x50  }
0x12d: {  	[sflag:s25] =	ssyncset.done $0x0  }
0x12e: {  	[sflag:s25] =	ssyncadd.s32 $0xFFFFFFB0  }
0x12f: {  	[tilespmem:s26], [sflag:$0x4] =	stream.indirect.gather [hbm4b:s1+s22], $0x80, s24, s22, $0xb8;
	[tilespmem:$0x1A9C0] =	vst v63  }
0x130: {  	_ =	swait.ge [sflag:s28], $0x2800  }
0x131: {  	[sflag:s28] =	ssyncset.done $0x0  }
0x132: {  	s10 =	simm.s32 $0x2000;
	[sflag:s28] =	ssyncadd.s32 $0xFFFFD800  }
0x133: {  	[spmem:s3] =	stream.indirect.scatter.add.f32 [tilespmem:s23], [sflag:$0x5], $0x80, s10, s22, $0xb8;
	[tilespmem:$0x1A9C0] =	vst v63  }
0x134: {  	_ =	swait.ge [sflag:s30], $0x2800  }
0x135: {  	[sflag:s30] =	ssyncset.done $0x0  }
0x136: {  	[sflag:s30] =	ssyncadd.s32 $0xFFFFD800  }
0x137: {  	[spmem:s3] =	stream.indirect.scatter.add.f32 [tilespmem:s26], [sflag:$0x6], $0x80, s0, s22, $0xb8;
	[tilespmem:$0x1A9C0] =	vst v63  }
0x138: {  	_ =	swait.ge [sflag:s29], $0x2800  }
0x139: {  	[sflag:s29] =	ssyncset.done $0x0  }
0x13a: {  	[sflag:s29] =	ssyncadd.s32 $0xFFFFD800  }
0x13b: {  	_ =	swait.ge [sflag:s31], $0x2800  }
0x13c: {  	[sflag:s31] =	ssyncset.done $0x0  }
0x13d: {  	s5 =	stileid.u32;
	[sflag:s31] =	ssyncadd.s32 $0xFFFFD800  }
0x13e: {  	s5 =	sshll.u32 @!p0 s5, $0x6;
	[bflag:$0x0] =	sbarrier.arrive $0xFFFF  }
0x13f: {  	s8 =	sshrl.u32 @!p0 s7, $0x3;
	s5 =	sor.u32 @!p0 $0x1C06, s5;
	s9 =	rddreg [dreg:$0x7]  }
0x140: {  	[hbm:s9], [sflag:s5] =	dma.local @!p0 [spmem:s8], $0xC80  }
0x141: {  	s8 =	rddreg [dreg:$0x8]  }
0x142: {  	s9 =	rddreg [dreg:$0xf]  }
0x143: {  	[hbm:s8], [sflag:s5] =	dma.local @!p0 [spmem:s9], $0xC80  }
0x144: {  	s8 =	rddreg [dreg:$0x9]  }
0x145: {  	s9 =	rddreg [dreg:$0x10]  }
0x146: {  	[hbm:s8], [sflag:s5] =	dma.local @!p0 [spmem:s9], $0xC80  }
0x147: {  	s8 =	rddreg [dreg:$0xa]  }
0x148: {  	s9 =	rddreg [dreg:$0x11]  }
0x149: {  	[hbm:s8], [sflag:s5] =	dma.local @!p0 [spmem:s9], $0xC80  }
0x14a: {  	s8 =	rddreg [dreg:$0xb]  }
0x14b: {  	s9 =	rddreg [dreg:$0x12]  }
0x14c: {  	[hbm:s8], [sflag:s5] =	dma.local @!p0 [spmem:s9], $0xC80  }
0x14d: {  	s5 =	simm.s32 @!p0 $0x6  }
0x14e: {  	_ =	swait.ge @!p0 [sflag:s5], $0xC80  }
0x14f: {  	[sflag:s5] =	ssyncset.done @!p0 $0x0  }
0x150: {  	[sflag:s5] =	ssyncadd.s32 @!p0 $0xFFFFF380  }
0x151: {  	_ =	swait.ge @!p0 [sflag:s5], $0xC80  }
0x152: {  	[sflag:s5] =	ssyncset.done @!p0 $0x0  }
0x153: {  	[sflag:s5] =	ssyncadd.s32 @!p0 $0xFFFFF380  }
0x154: {  	_ =	swait.ge @!p0 [sflag:s5], $0xC80  }
0x155: {  	[sflag:s5] =	ssyncset.done @!p0 $0x0  }
0x156: {  	[sflag:s5] =	ssyncadd.s32 @!p0 $0xFFFFF380  }
0x157: {  	_ =	swait.ge @!p0 [sflag:s5], $0xC80  }
0x158: {  	[sflag:s5] =	ssyncset.done @!p0 $0x0  }
0x159: {  	[sflag:s5] =	ssyncadd.s32 @!p0 $0xFFFFF380  }
0x15a: {  	_ =	swait.ge @!p0 [sflag:s5], $0xC80  }
0x15b: {  	s2 =	sadd.s32 $0x1, s2;
	s11 =	rddreg [dreg:$0xe]  }
0x15c: {  	p2 =	sne.s32 s2, s11  }
.Ltmp3:
0x15d: {  	_ = 	snop;
	(pc) =	sbr.rel @p2 .LBB2_1-.Ltmp3, $3  }
0x15e: {  	_ =	sdelay $0x1  }
0x15f: {  	[sflag:s5] =	ssyncset.done @!p0 $0x0  }
0x160: {  	[sflag:s5] =	ssyncadd.s32 @!p0 $0xFFFFF380  }
0x161: {  	_ =	sfence.sel $0x180000  }
0x162: {  	[bflag:$0x0] =	sbarrier.arrive $0xFFFF  }
0x163: {  	_ =	strace $0x9000004D  }
0x164: {  	s0 =	stileid.u32;
	[bflag:$0x2] =	sbarrier.arrive $0xFFFF  }
0x165: {  	p0 =	sne.s32 s0, $0x0;
	s0 =	rddreg [dreg:$0x3]  }
0x166: {  	s0 =	sadd.s32 @!p0 $0x100000, s0  }
0x167: {  	[sflag:s0] =	ssyncadd.tile.s32 @!p0 $0x1;
	_ =	shalt  }
.Lfunc_end2:
_tile_overlayer_lowered:
.L_overlay_start_2:
0x168: {  	(tag) =	ssettag $0x2  }
0x169: {  	s0 =	rddreg [dreg:$0x0];
	s2 =	stileid.u32  }
0x16a: {  	s1 =	rddreg [dreg:$0x1];
	p0 =	sne.s32 s2, $0x0  }
0x16b: {  	s3 =	rddreg [dreg:$0x2];
	[bflag:$0x3] =	sbarrier.arrive $0xFFFF;
	s2 =	simm.s32 @!p0 $0x1C08  }
0x16c: {  	[timem:s3], [sflag:s2] =	dma.local @!p0 [hbm:s0], s1  }
0x16d: {  	s0 =	simm.s32 @!p0 $0x8  }
0x16e: {  	_ =	swait.ge @!p0 [sflag:s0], s1  }
0x16f: {  	s1 =	ssub.s32 @!p0 $0x0, s1;
	[sflag:s0] =	ssyncset.done @!p0 $0x0  }
0x170: {  	[sflag:s0] =	ssyncadd.s32 @!p0 s1  }
0x171: {  	[bflag:$0x3] =	sbarrier.arrive $0xFFFF  }
0x172: {  	_ =	shalt  }

// kernel: sc_sage_cnt.3.cloned.1.call-start
scs
__scs_entry_jumppad:
0x0: {  	(pc) =	sbr.rel $0x88, $3  }
0x1: {  	(tag) =	ssettag $0x0;
	lr =	simm.s32 $0x1  }
0x2: {  	[smem:$0x3F99] =	sst lr;
	_ =	strace $0xD0000000  }
0x3: {  	_ = 	snop  }
0x4: {  	_ = 	snop  }
0x5: {  	_ = 	snop  }
0x6: {  	_ = 	snop  }
0x7: {  	_ = 	snop  }
__scs_overlays_trampoline_lowered:
0x8: {  	[smem:$0x3FA8] =	sst s0  }
0x9: {  	[smem:$0x3FA9] =	sst s1  }
0xa: {  	[smem:$0x3FAA] =	sst s2  }
0xb: {  	[smem:$0x3FAB] =	sst s3  }
0xc: {  	[smem:$0x3FAC] =	sst s4  }
0xd: {  	[smem:$0x3FAD] =	sst s5  }
0xe: {  	[smem:$0x3FAE] =	sst s6  }
0xf: {  	[smem:$0x3FAF] =	sst s7  }
0x10: {  	[smem:$0x3FB0] =	sst s8  }
0x11: {  	[smem:$0x3FB1] =	sst s9;
	s0 =	simm.s32 @!p0 $0x0  }
0x12: {  	s1 =	sld [smem:$0x3F97];
	s0 =	simm.s32 @p0 $0x1  }
0x13: {  	[smem:$0x3FB2] =	sst s0;
	s0 =	simm.s32 @!p1 $0x0  }
0x14: {  	s2 =	sld [smem:$0x3F96];
	s0 =	simm.s32 @p1 $0x1  }
0x15: {  	[smem:$0x3FB3] =	sst s0;
	s0 =	simm.s32 @!p2 $0x0  }
0x16: {  	s3 =	sld [smem:$0x3FDB];
	s0 =	simm.s32 @p2 $0x1  }
0x17: {  	s4 =	simm.s32 $0x1BF5;
	[smem:$0x3FB5] =	sst s0  }
0x18: {  	s0 =	sld [smem:$0x3F98];
	_ =	swait.ge [sflag:s4], $0x0  }
0x19: {  	s7 =	sld [smem:$0x3F99]  }
0x1a: {  	s8 =	sadd.s32 $0xFFFFE003, lr  }
0x1b: {  	s9 =	sadd.s32 $0xFFFFFEF7, lr;
	s5 =	simm.s32 $0xFFFFFFFF;
	p2 =	slt.u32 s8, $0xFFFFF086  }
0x1c: {  	p1 =	slt.u32 s9, $0xF7A;
	s5 =	simm.s32 @!p2 $0x0  }
0x1d: {  	s5 =	simm.s32 @p1 $0x1;
	p0 =	seq.s32 s7, s2  }
0x1e: {  	s7 =	smul.u32 @!p0 $0xF7A, s2;
	p2 =	seq.s32 @!p0 s5, $0x0  }
0x1f: {  	s9 =	smul.u32 $0xF7A, s1;
	s8 =	simm.s32 @!p0 $0x1BF5;
	p2 =	por !p2, p0  }
0x20: {  	[sflag:s8] =	ssyncset.s32 @!p0 $0xFFFFF086;
	s6 =	sadd.s32 @!p0 s3, s7;
	s7 =	simm.s32 @!p0 $0x108  }
0x21: {  	s3 =	sadd.s32 s3, s9;
	s6 =	sadd.s32 @!p0 $0x88, s6;
	s7 =	simm.s32 @p2 $0x1082  }
0x22: {  	[simem:s7], [sflag:s8] =	dma.local @!p0 [hbm:s6], $0xF7A  }
0x23: {  	s9 =	sor.u32 $0xD0000000, s2;
	s6 =	simm.s32 $0x108;
	_ =	swait.ge @!p0 [sflag:s8], $0x0  }
0x24: {  	s3 =	sadd.s32 $0x88, s3;
	s6 =	simm.s32 @!p1 $0x1082;
	[sflag:s4] =	ssyncset.s32 $0xFFFFF086  }
0x25: {  	[simem:s6], [sflag:s4] =	dma.local [hbm:s3], $0xF7A  }
0x26: {  	[smem:$0x3F99] =	sst s1;
	(tag) =	ssettag s2;
	_ =	strace s9  }
0x27: {  	s1 =	sld [smem:$0x3FA9]  }
0x28: {  	s2 =	sld [smem:$0x3FAA]  }
0x29: {  	s4 =	sld [smem:$0x3FAC]  }
0x2a: {  	p0 =	seq.s32 s5, $0x0;
	s5 =	sld [smem:$0x3FAD]  }
0x2b: {  	s6 =	sld [smem:$0x3FAE]  }
0x2c: {  	s7 =	sld [smem:$0x3FAF]  }
0x2d: {  	s3 =	simm.s32 $0x108;
	s8 =	sld [smem:$0x3FB0]  }
0x2e: {  	s3 =	simm.s32 @!p0 $0x1082;
	s9 =	sld [smem:$0x3FB1]  }
0x2f: {  	lr =	sadd.s32 s0, s3;
	s0 =	sld [smem:$0x3FA8]  }
0x30: {  	s3 =	sld [smem:$0x3FAB]  }
0x31: {  	[smem:$0x3FB4] =	sst s10  }
0x32: {  	s10 =	sld [smem:$0x3FB2];
	_ =	sdelay $0x3  }
0x33: {  	p0 =	seq.s32 s10, $0x1;
	s10 =	sld [smem:$0x3FB4];
	_ =	sdelay $0x3  }
0x34: {  	[smem:$0x3FB4] =	sst s10  }
0x35: {  	s10 =	sld [smem:$0x3FB3];
	_ =	sdelay $0x3  }
0x36: {  	p1 =	seq.s32 s10, $0x1;
	s10 =	sld [smem:$0x3FB4];
	_ =	sdelay $0x3  }
0x37: {  	[smem:$0x3FB4] =	sst s10  }
0x38: {  	s10 =	sld [smem:$0x3FB5]  }
0x39: {  	_ = 	snop;
	(pc) =	sbr.ind lr, $3  }
0x3a: {  	_ = 	snop  }
0x3b: {  	_ = 	snop  }
0x3c: {  	p2 =	seq.s32 s10, $0x1;
	s10 =	sld [smem:$0x3FB4]  }
0x3d: {  	_ =	shalt  }
0x3e: {  	_ =	shalt  }
0x3f: {  	_ =	shalt  }
0x40: {  	_ =	shalt  }
0x41: {  	_ =	shalt  }
0x42: {  	_ =	shalt  }
0x43: {  	_ =	shalt  }
0x44: {  	_ =	shalt  }
0x45: {  	_ =	shalt  }
0x46: {  	_ =	shalt  }
0x47: {  	_ =	shalt  }
0x48: {  	_ =	shalt  }
0x49: {  	_ =	shalt  }
0x4a: {  	_ =	shalt  }
0x4b: {  	_ =	shalt  }
0x4c: {  	_ =	shalt  }
0x4d: {  	_ =	shalt  }
0x4e: {  	_ =	shalt  }
0x4f: {  	_ =	shalt  }
0x50: {  	_ =	shalt  }
0x51: {  	_ =	shalt  }
0x52: {  	_ =	shalt  }
0x53: {  	_ =	shalt  }
0x54: {  	_ =	shalt  }
0x55: {  	_ =	shalt  }
0x56: {  	_ =	shalt  }
0x57: {  	_ =	shalt  }
0x58: {  	_ =	shalt  }
0x59: {  	_ =	shalt  }
0x5a: {  	_ =	shalt  }
0x5b: {  	_ =	shalt  }
0x5c: {  	_ =	shalt  }
0x5d: {  	_ =	shalt  }
0x5e: {  	_ =	shalt  }
0x5f: {  	_ =	shalt  }
0x60: {  	_ =	shalt  }
0x61: {  	_ =	shalt  }
0x62: {  	_ =	shalt  }
0x63: {  	_ =	shalt  }
0x64: {  	_ =	shalt  }
0x65: {  	_ =	shalt  }
0x66: {  	_ =	shalt  }
0x67: {  	_ =	shalt  }
0x68: {  	_ =	shalt  }
0x69: {  	_ =	shalt  }
0x6a: {  	_ =	shalt  }
0x6b: {  	_ =	shalt  }
0x6c: {  	_ =	shalt  }
0x6d: {  	_ =	shalt  }
0x6e: {  	_ =	shalt  }
0x6f: {  	_ =	shalt  }
0x70: {  	_ =	shalt  }
0x71: {  	_ =	shalt  }
0x72: {  	_ =	shalt  }
0x73: {  	_ =	shalt  }
0x74: {  	_ =	shalt  }
0x75: {  	_ =	shalt  }
0x76: {  	_ =	shalt  }
0x77: {  	_ =	shalt  }
0x78: {  	_ =	shalt  }
0x79: {  	_ =	shalt  }
0x7a: {  	_ =	shalt  }
0x7b: {  	_ =	shalt  }
0x7c: {  	_ =	shalt  }
0x7d: {  	_ =	shalt  }
0x7e: {  	_ =	shalt  }
0x7f: {  	_ =	shalt  }
0x80: {  	_ =	shalt  }
0x81: {  	_ =	shalt  }
0x82: {  	_ =	shalt  }
0x83: {  	_ =	shalt  }
0x84: {  	_ =	shalt  }
0x85: {  	_ =	shalt  }
0x86: {  	_ =	shalt  }
0x87: {  	_ =	shalt  }
.Lfunc_end0:
.L_simem_size_0:
called_computation_lowered:
.L_overlay_start_0:
0x88: {  	s2 =	sld [smem:$0x3FD9]  }
0x89: {  	s3 =	sld [smem:$0x3FFE];
	_ =	sdelay $0x1  }
0x8a: {  	s1 =	srdreg.scid  }
0x8b: {  	s0 =	sand.u32 $0x1, s1  }
0x8c: {  	s17 =	sshll.u32 s0, $0xA;
	s2 =	sadd.s32 s3, s2  }
0x8d: {  	s2 =	sadd.s32 s2, s17  }
0x8e: {  	[smem:$0x3FC0] =	sst s2  }
0x8f: {  	_ = 	snop  }
0x90: {  	(tm) =	ssettm $0x1  }
0x91: {  	s18 =	sld [smem:$0x3FFB];
	_ =	sdelay $0x3  }
0x92: {  	_ =	strace s18  }
0x93: {  	s2 =	sld [smem:$0x3FFC];
	_ =	sdelay $0x3  }
0x94: {  	_ =	strace s2  }
0x95: {  	s2 =	sld [smem:$0x3FFD];
	_ =	sdelay $0x3  }
0x96: {  	_ =	strace s2  }
0x97: {  	_ =	strace $0x8FFFFFFF  }
0x98: {  	s19 =	sld [smem:$0x3FDB];
	_ =	sdelay $0x1  }
0x99: {  	s20 =	simm.s32 $_scs_section_size  }
0x9a: {  	s4 =	simm.s32 $_size__tile_overlayer_lowered;
	s5 =	simm.s32 $_tile_overlayer_lowered  }
0x9b: {  	s6 =	simm.s32 $0x1BFF;
	s21 =	sshll.u32 s5, $0x1;
	s3 =	sadd.s32 s20, s19  }
0x9c: {  	s22 =	simm.s32 $0x0;
	s4 =	sshll.u32 s4, $0x1;
	s5 =	sadd.s32 s21, s3  }
0x9d: {  	[timem:s22], [sflag:s6] =	dma.local [hbm:s5], s4  }
0x9e: {  	_ =	swait.ge [sflag:s6], s4  }
0x9f: {  	s4 =	ssub.s32 $0x0, s4;
	[sflag:s6] =	ssyncset.done $0x0  }
0xa0: {  	[sflag:s6] =	ssyncadd.s32 s4;
	_ =	sdelay $0x1  }
0xa1: {  	s23 =	simm.s32 $0x1B8B  }
0xa2: {  	_ =	swait.ge [sflag:s23], $0x1  }
0xa3: {  	[sflag:s23] =	ssyncset.done $0x0  }
0xa4: {  	[sflag:s23] =	ssyncadd.s32 $0xFFFFFFFF  }
0xa5: {  	s4 =	sld [smem:$0x0]  }
0xa6: {  	s5 =	sand.u32 $0xFFFFFFFE, s1  }
0xa7: {  	p0 =	sne.s32 s1, s5  }
0xa8: {  	s5 =	sshll.u32 @p0 s5, $0xE  }
0xa9: {  	s5 =	sadd.s32 @p0 $0x11B8D, s5;
	s6 =	sshll.u32 @p0 s4, $0x11  }
0xaa: {  	s5 =	sor.u32 @p0 s6, s5  }
0xab: {  	[sflag:s5] =	ssyncadd.remote.s32 @p0 $0x1;
	_ =	sdelay $0x1  }
0xac: {  	s5 =	simm.s32 @p0 $0x1B8D  }
0xad: {  	_ =	swait.eq @p0 [sflag:s5], $0x1  }
0xae: {  	[sflag:s5] =	ssyncadd.s32 @p0 $0xFFFFFFFF  }
0xaf: {  	s6 =	sshll.u32 @!p0 s1, $0xE  }
0xb0: {  	s6 =	sor.u32 @!p0 $0x4000, s6;
	s5 =	simm.s32 @!p0 $0x1B8D  }
0xb1: {  	s4 =	sshll.u32 @!p0 s4, $0x11;
	s6 =	sadd.s32 @!p0 $0x11B8D, s6;
	_ =	swait.eq @!p0 [sflag:s5], $0x1  }
0xb2: {  	s4 =	sor.u32 @!p0 s4, s6;
	[sflag:s5] =	ssyncadd.s32 @!p0 $0xFFFFFFFF  }
0xb3: {  	s25 =	simm.s32 $0x1B8E;
	s24 =	sld [smem:$0x3FFE];
	[sflag:s4] =	ssyncadd.remote.s32 @!p0 $0x1  }
0xb4: {  	s26 =	simm.s32 $execute0_lowered;
	[smem:$0x3FD2] =	sst s25  }
0xb5: {  	s5 =	sshll.u32 s26, $0x1;
	_ =	strace $0x80000049;
	[dreg:$0x1] =	wrdreg $0xFFFFFFFF  }
0xb6: {  	s28 =	simm.s32 $_size_execute0_lowered;
	s3 =	sadd.s32 s3, s5;
	[dreg:$0x0] =	wrdreg $0x0  }
0xb7: {  	s5 =	sshll.u32 s28, $0x1;
	[dreg:$0x2] =	wrdreg s3  }
0xb8: {  	[dreg:$0x3] =	wrdreg s5  }
0xb9: {  	[dreg:$0x4] =	wrdreg $0xC0  }
0xba: {  	_ =	task [dreg:s22], $0x5FFFF  }
0xbb: {  	[dreg:$0x1] =	wrdreg $0xFFFFFFFF  }
0xbc: {  	[dreg:$0x0] =	wrdreg $0x60  }
0xbd: {  	[dreg:$0x2] =	wrdreg s24  }
0xbe: {  	[dreg:$0x3] =	wrdreg $0x68000  }
0xbf: {  	[dreg:$0x4] =	wrdreg $0x9  }
0xc0: {  	_ =	task.clear_ibuf [dreg:s22], $0x5FFFF;
	_ =	strace $0x90000049  }
0xc1: {  	s29 =	simm.s32 $0x9;
	_ =	strace $0x8000004B  }
0xc2: {  	_ =	swait.ge [sflag:s29], $0x1  }
0xc3: {  	[sflag:s29] =	ssyncadd.s32 $0xFFFFFFFF  }
0xc4: {  	_ =	strace $0x9000004B  }
0xc5: {  	_ =	sfence  }
0xc6: {  	s30 =	sld [smem:$0x0];
	_ =	sdelay $0x2  }
0xc7: {  	s31 =	sshll.u32 s1, $0xD;
	s1 =	sshrl.u32 s1, $0x2  }
0xc8: {  	s4 =	sand.u32 $0x4000, s31;
	s1 =	sadd.s32 s1, s30  }
0xc9: {  	s0 =	sor.u32 s4, s0;
	s1 =	sshll.u32 s1, $0x11  }
0xca: {  	s0 =	sor.u32 s1, s0  }
0xcb: {  	s0 =	sadd.s32 $0x8F2B, s0  }
0xcc: {  	[sflag:s0] =	ssyncadd.remote.s32 $0x1  }
0xcd: {  	_ =	sfence.sel $0xFFFF  }
0xce: {  	[dreg:$0x0] =	wrdreg $0xFFFFFFFF;
	(pc) =	sbr.abs _section_cstart, $3  }
0xcf: {  	[dreg:$0x1] =	wrdreg $0xFFFFFFFF  }
0xd0: {  	_ =	task.clear_ibuf [dreg:s22], $0x2FFFF;
	_ =	strace $0x9FFFFFFF  }
0xd1: {  	(tm) =	ssettm $0x7FFFFFFF  }
tec
execute0_lowered:
.L_overlay_start_1:
0x0: {  	(tag) =	ssettag $0x1  }
0x1: {  	s0 =	rddreg [dreg:$0x0]  }
0x2: {  	s1 =	rddreg [dreg:$0x1];
	s3 =	srdreg.scid  }
0x3: {  	s2 =	simm.s32 $0x0;
	s10 =	stileid.u32;
	s30 =	simm.s32 $0x3  }
0x4: {  	s31 =	simm.s32 $0x50;
	s3 =	sand.u32 $0x1, s3;
	[smem:$0x7FF] =	sst s2  }
0x5: {  	s6 =	sshll.u32 s10, $0xC;
	s7 =	smul.u32 $0x7D000, s10;
	s17 =	sadd.s32 $0x138800, s1  }
0x6: {  	s19 =	smul.u32 $0x1F400, s10;
	p0 =	sgt.u32 s10, $0x9;
	s4 =	sshll.u32 s3, $0xB  }
0x7: {  	_ =	strace $0x8000004A;
	s5 =	ssub.s32 $0x2, s3;
	[dreg:$0x4] =	wrdreg s17  }
0x8: {  	s3 =	smul.u32 $0x138800, s3;
	p1 =	sne.s32 @p0 s10, $0xA;
	s4 =	sadd.s32 s4, s0  }
0x9: {  	s0 =	sadd.s32 $0x6A200, s0;
	s8 =	sshrl.u32 s5, $0x1;
	s16 =	sshrl.u32 s7, $0x2  }
0xa: {  	s23 =	sadd.s32 $0x6400, s19;
	s25 =	sadd.s32 $0xC800, s19;
	s26 =	sadd.s32 $0x12C00, s19  }
0xb: {  	p1 =	por p1, !p0;
	s4 =	sadd.s32 s6, s4;
	s5 =	ssub.s32 s5, s8  }
0xc: {  	s6 =	sadd.s32 s16, s1;
	s22 =	sadd.s32 s19, s3;
	s9 =	sadd.s32 s3, s23  }
0xd: {  	s17 =	sadd.s32 s3, s25;
	s4 =	sadd.s32 $0x1E00, s4;
	s18 =	sadd.s32 $0x5000, s6  }
0xe: {  	s20 =	sadd.s32 $0x7800, s6;
	s21 =	sadd.s32 $0xA000, s6;
	s11 =	sadd.s32 $0xC800, s6  }
0xf: {  	s12 =	sadd.s32 $0xF000, s6;
	s13 =	sadd.s32 $0x11800, s6;
	s7 =	sshrl.u32 s22, $0x3  }
0x10: {  	s14 =	sadd.s32 $0x14000, s6;
	s24 =	sshrl.u32 s9, $0x3;
	[dreg:$0x3] =	wrdreg s4  }
0x11: {  	s17 =	sshrl.u32 s17, $0x3;
	s28 =	sadd.s32 $0x1B800, s6;
	[dreg:$0x6] =	wrdreg s18  }
0x12: {  	s29 =	sadd.s32 $0x1E000, s6;
	s4 =	sadd.s32 $0x2800, s6;
	[dreg:$0x7] =	wrdreg s20  }
0x13: {  	[dreg:$0x8] =	wrdreg s21;
	s15 =	sadd.s32 s0, s7;
	s16 =	sadd.s32 s0, s24  }
0x14: {  	s18 =	sadd.s32 s3, s26;
	s17 =	sadd.s32 s0, s17;
	s20 =	sadd.s32 $0x16800, s6  }
0x15: {  	s7 =	sadd.s32 s26, s1;
	s21 =	smax.u32 s5, $0x1;
	s26 =	sadd.s32 $0x19000, s6  }
0x16: {  	s5 =	simm.s32 $0x0;
	[dreg:$0x5] =	wrdreg s4;
	s4 =	sadd.s32 $0x19000, s19  }
0x17: {  	s18 =	sshrl.u32 s18, $0x3;
	s24 =	sshrl.u32 @!p0 s7, $0x3;
	s3 =	sadd.s32 s3, s4  }
0x18: {  	s18 =	sadd.s32 s0, s18;
	s4 =	sadd.s32 s4, s1;
	s3 =	sshrl.u32 s3, $0x3  }
0x19: {  	s19 =	sadd.s32 s0, s3;
	s0 =	sadd.s32 s23, s1;
	s3 =	sadd.s32 s25, s1  }
0x1a: {  	s25 =	sshrl.u32 @!p0 s4, $0x3;
	s4 =	simm.s32 $0x2;
	s22 =	sshrl.u32 @!p0 s0, $0x3  }
0x1b: {  	v0 =	vimm.f32 $0.0e+00;
	v1 =	vimm.f32 $1.000000000e+00;
	s23 =	sshrl.u32 @!p0 s3, $0x3;
	s0 =	simm.s32 $0x4000;
	s3 =	simm.s32 $0x1  }
.LBB2_1:
0x1c: {  	s7 =	rddreg [dreg:$0x3];
	s10 =	sand.u32 $0xFE00, s2  }
0x1d: {  	[tilespmem:s2], [sflag:$0x3] =	stream.linear.gather [hbm4b:s7+s2], $0x4000, $0x38;
	[tilespmem:$0x1A0C0] =	vst v63  }
0x1e: {  	s8 =	sand.u32 $0x70, s2;
	s9 =	sshrl.u32 s10, $0x2  }
0x1f: {  	s7 =	simm.s32 $0x40;
	s9 =	sor.u32 s8, s9;
	s8 =	simm.s32 $0x0  }
.LBB2_2:
0x20: {  	p2 =	sne.s32 s7, $0x9FC0  }
0x21: {  	[tilespmem:s9+$0x4000] =	vst v0;
	s8 =	sadd.s32 $0x10, s8;
	s9 =	smov.u32 s7;
	s7 =	sadd.s32 $0x40, s7  }
.Ltmp0:
0x22: {  	(pc) =	sbr.rel @p2 .LBB2_2-.Ltmp0, $4  }
0x23: {  	_ = 	snop  }
0x24: {  	s9 =	sand.u32 $0xFE00, s9  }
0x25: {  	s10 =	sand.u32 $0x70, s8;
	s9 =	sshrl.u32 s9, $0x2  }
0x26: {  	s9 =	sor.u32 s10, s9  }
0x27: {  	[tilespmem:s9+$0x4000] =	vst v0;
	s7 =	simm.s32 @!p1 $0x4000;
	s8 =	rddreg [dreg:$0x4]  }
0x28: {  	[spmem:s8] =	stream.linear.scatter @!p1 [tilespmem:s7], [sflag:$0x1], $0x400, $0x38;
	[tilespmem:$0x1A0C0] =	vst v63  }
0x29: {  	s7 =	simm.s32 @!p1 $0x1  }
0x2a: {  	_ =	swait.ge @!p1 [sflag:s7], $0x400  }
0x2b: {  	[sflag:s7] =	ssyncset.done @!p1 $0x0  }
0x2c: {  	[sflag:s7] =	ssyncadd.s32 @!p1 $0xFFFFFC00;
	s7 =	simm.s32 @!p0 $0x4000  }
0x2d: {  	[spmem:s6] =	stream.linear.scatter @!p0 [tilespmem:s7], [sflag:$0x1], $0x2800, $0x38;
	[tilespmem:$0x1A0C0] =	vst v63  }
0x2e: {  	s8 =	rddreg [dreg:$0x5]  }
0x2f: {  	[spmem:s8] =	stream.linear.scatter @!p0 [tilespmem:s7], [sflag:$0x1], $0x2800, $0x38;
	[tilespmem:$0x1A0C0] =	vst v63  }
0x30: {  	s8 =	rddreg [dreg:$0x6]  }
0x31: {  	[spmem:s8] =	stream.linear.scatter @!p0 [tilespmem:s7], [sflag:$0x1], $0x2800, $0x38;
	[tilespmem:$0x1A0C0] =	vst v63  }
0x32: {  	s8 =	rddreg [dreg:$0x7]  }
0x33: {  	[spmem:s8] =	stream.linear.scatter @!p0 [tilespmem:s7], [sflag:$0x1], $0x2800, $0x38;
	[tilespmem:$0x1A0C0] =	vst v63  }
0x34: {  	s8 =	rddreg [dreg:$0x8]  }
0x35: {  	[spmem:s8] =	stream.linear.scatter @!p0 [tilespmem:s7], [sflag:$0x1], $0x2800, $0x38;
	[tilespmem:$0x1A0C0] =	vst v63  }
0x36: {  	_ = 	snop  }
0x37: {  	[spmem:s11] =	stream.linear.scatter @!p0 [tilespmem:s7], [sflag:$0x1], $0x2800, $0x38;
	[tilespmem:$0x1A0C0] =	vst v63  }
0x38: {  	_ = 	snop  }
0x39: {  	[spmem:s12] =	stream.linear.scatter @!p0 [tilespmem:s7], [sflag:$0x1], $0x2800, $0x38;
	[tilespmem:$0x1A0C0] =	vst v63  }
0x3a: {  	_ = 	snop  }
0x3b: {  	[spmem:s13] =	stream.linear.scatter @!p0 [tilespmem:s7], [sflag:$0x1], $0x2800, $0x38;
	[tilespmem:$0x1A0C0] =	vst v63  }
0x3c: {  	_ = 	snop  }
0x3d: {  	[spmem:s14] =	stream.linear.scatter @!p0 [tilespmem:s7], [sflag:$0x1], $0x2800, $0x38;
	[tilespmem:$0x1A0C0] =	vst v63  }
0x3e: {  	_ = 	snop  }
0x3f: {  	[spmem:s20] =	stream.linear.scatter @!p0 [tilespmem:s7], [sflag:$0x1], $0x2800, $0x38;
	[tilespmem:$0x1A0C0] =	vst v63  }
0x40: {  	_ = 	snop  }
0x41: {  	[spmem:s26] =	stream.linear.scatter @!p0 [tilespmem:s7], [sflag:$0x1], $0x2800, $0x38;
	[tilespmem:$0x1A0C0] =	vst v63  }
0x42: {  	_ = 	snop  }
0x43: {  	[spmem:s28] =	stream.linear.scatter @!p0 [tilespmem:s7], [sflag:$0x1], $0x2800, $0x38;
	[tilespmem:$0x1A0C0] =	vst v63  }
0x44: {  	s8 =	simm.s32 @!p0 $0x1  }
0x45: {  	[spmem:s29] =	stream.linear.scatter @!p0 [tilespmem:s7], [sflag:$0x1], $0x1400, $0x38;
	[tilespmem:$0x1A0C0] =	vst v63  }
0x46: {  	_ =	swait.ge @!p0 [sflag:s8], $0x2800  }
0x47: {  	[sflag:s8] =	ssyncset.done @!p0 $0x0  }
0x48: {  	[sflag:s8] =	ssyncadd.s32 @!p0 $0xFFFFD800  }
0x49: {  	_ =	swait.ge @!p0 [sflag:s8], $0x2800  }
0x4a: {  	[sflag:s8] =	ssyncset.done @!p0 $0x0  }
0x4b: {  	[sflag:s8] =	ssyncadd.s32 @!p0 $0xFFFFD800  }
0x4c: {  	_ =	swait.ge @!p0 [sflag:s8], $0x2800  }
0x4d: {  	[sflag:s8] =	ssyncset.done @!p0 $0x0  }
0x4e: {  	[sflag:s8] =	ssyncadd.s32 @!p0 $0xFFFFD800  }
0x4f: {  	_ =	swait.ge @!p0 [sflag:s8], $0x2800  }
0x50: {  	[sflag:s8] =	ssyncset.done @!p0 $0x0  }
0x51: {  	[sflag:s8] =	ssyncadd.s32 @!p0 $0xFFFFD800  }
0x52: {  	_ =	swait.ge @!p0 [sflag:s8], $0x2800  }
0x53: {  	[sflag:s8] =	ssyncset.done @!p0 $0x0  }
0x54: {  	[sflag:s8] =	ssyncadd.s32 @!p0 $0xFFFFD800  }
0x55: {  	_ =	swait.ge @!p0 [sflag:s8], $0x2800  }
0x56: {  	[sflag:s8] =	ssyncset.done @!p0 $0x0  }
0x57: {  	[sflag:s8] =	ssyncadd.s32 @!p0 $0xFFFFD800  }
0x58: {  	_ =	swait.ge @!p0 [sflag:s8], $0x2800  }
0x59: {  	[sflag:s8] =	ssyncset.done @!p0 $0x0  }
0x5a: {  	[sflag:s8] =	ssyncadd.s32 @!p0 $0xFFFFD800  }
0x5b: {  	_ =	swait.ge @!p0 [sflag:s8], $0x2800  }
0x5c: {  	[sflag:s8] =	ssyncset.done @!p0 $0x0  }
0x5d: {  	[sflag:s8] =	ssyncadd.s32 @!p0 $0xFFFFD800  }
0x5e: {  	_ =	swait.ge @!p0 [sflag:s8], $0x2800  }
0x5f: {  	[sflag:s8] =	ssyncset.done @!p0 $0x0  }
0x60: {  	[sflag:s8] =	ssyncadd.s32 @!p0 $0xFFFFD800  }
0x61: {  	_ =	swait.ge @!p0 [sflag:s8], $0x2800  }
0x62: {  	[sflag:s8] =	ssyncset.done @!p0 $0x0  }
0x63: {  	[sflag:s8] =	ssyncadd.s32 @!p0 $0xFFFFD800  }
0x64: {  	_ =	swait.ge @!p0 [sflag:s8], $0x2800  }
0x65: {  	[sflag:s8] =	ssyncset.done @!p0 $0x0  }
0x66: {  	[sflag:s8] =	ssyncadd.s32 @!p0 $0xFFFFD800  }
0x67: {  	_ =	swait.ge @!p0 [sflag:s8], $0x2800  }
0x68: {  	[sflag:s8] =	ssyncset.done @!p0 $0x0  }
0x69: {  	s7 =	simm.s32 $0x0;
	[sflag:s8] =	ssyncadd.s32 @!p0 $0xFFFFD800  }
0x6a: {  	s9 =	sand.u32 $0xFE00, s7;
	_ =	swait.ge @!p0 [sflag:s8], $0x1400  }
0x6b: {  	s10 =	sand.u32 $0x70, s7;
	s9 =	sshrl.u32 s9, $0x2;
	[sflag:s8] =	ssyncset.done @!p0 $0x0  }
0x6c: {  	s9 =	sor.u32 s10, s9;
	[sflag:s8] =	ssyncadd.s32 @!p0 $0xFFFFEC00;
	s8 =	simm.s32 $0x40  }
.LBB2_4:
0x6d: {  	p2 =	sne.s32 s8, $0x9FC0  }
0x6e: {  	[tilespmem:s9+$0x4000] =	vst v1;
	s7 =	sadd.s32 $0x10, s7;
	s9 =	smov.u32 s8;
	s8 =	sadd.s32 $0x40, s8  }
.Ltmp1:
0x6f: {  	(pc) =	sbr.rel @p2 .LBB2_4-.Ltmp1, $4  }
0x70: {  	_ = 	snop  }
0x71: {  	s9 =	sand.u32 $0xFE00, s9  }
0x72: {  	s10 =	sand.u32 $0x70, s7;
	s9 =	sshrl.u32 s9, $0x2  }
0x73: {  	s9 =	sor.u32 s10, s9  }
0x74: {  	[tilespmem:s9+$0x4000] =	vst v1  }
0x75: {  	_ =	swait.ge [sflag:s30], $0x4000  }
0x76: {  	[sflag:s30] =	ssyncset.done $0x0  }
0x77: {  	[sflag:s30] =	ssyncadd.s32 $0xFFFFC000  }
0x78: {  	[bflag:$0x0] =	sbarrier.arrive $0xFFFF  }
0x79: {  	[spmem:s1] =	stream.indirect.scatter.add.f32 [tilespmem:s0], [sflag:$0x1], $0x80, s2, s31, $0xb8;
	[tilespmem:$0x1A0C0] =	vst v63  }
0x7a: {  	s7 =	simm.s32 $0x80  }
0x7b: {  	[spmem:s1] =	stream.indirect.scatter.add.f32 [tilespmem:s0], [sflag:$0x2], $0x80, s7, s31, $0xb8;
	[tilespmem:$0x1A0C0] =	vst v63  }
0x7c: {  	_ =	swait.ge [sflag:s3], $0x2800  }
0x7d: {  	[sflag:s3] =	ssyncset.done $0x0  }
0x7e: {  	s10 =	simm.s32 $0x100;
	[sflag:s3] =	ssyncadd.s32 $0xFFFFD800  }
0x7f: {  	[spmem:s1] =	stream.indirect.scatter.add.f32 [tilespmem:s0], [sflag:$0x1], $0x80, s10, s31, $0xb8;
	[tilespmem:$0x1A0C0] =	vst v63  }
0x80: {  	_ =	swait.ge [sflag:s4], $0x2800  }
0x81: {  	[sflag:s4] =	ssyncset.done $0x0  }
0x82: {  	s8 =	simm.s32 $0x180;
	s7 =	simm.s32 $0xFFFF0800;
	[sflag:s4] =	ssyncadd.s32 $0xFFFFD800  }
.LBB2_6:
0x83: {  	[spmem:s1] =	stream.indirect.scatter.add.f32 [tilespmem:s0], [sflag:$0x2], $0x80, s8, s31, $0xb8;
	[tilespmem:$0x1A0C0] =	vst v63  }
0x84: {  	s8 =	smov.u32 s7  }
0x85: {  	p2 =	sne.s32 s7, $0xFFFFFC00;
	s7 =	sadd.s32 $0x400, s7;
	_ =	swait.ge [sflag:s3], $0x2800  }
0x86: {  	s8 =	sshra.s32 s8, $0x2;
	[sflag:s3] =	ssyncset.done $0x0  }
.Ltmp2:
0x87: {  	s9 =	sadd.s32 $0x4000, s8;
	[sflag:s3] =	ssyncadd.s32 $0xFFFFD800;
	(pc) =	sbr.rel @p2 .LBB2_6-.Ltmp2, $4  }
0x88: {  	[spmem:s1] =	stream.indirect.scatter.add.f32 [tilespmem:s0], [sflag:$0x1], $0x80, s9, s31, $0xb8;
	[tilespmem:$0x1A0C0] =	vst v63  }
0x89: {  	_ =	swait.ge [sflag:s4], $0x2800  }
0x8a: {  	[sflag:s4] =	ssyncset.done $0x0  }
0x8b: {  	s8 =	sadd.s32 $0x4080, s8;
	[sflag:s4] =	ssyncadd.s32 $0xFFFFD800  }
0x8c: {  	[spmem:s1] =	stream.indirect.scatter.add.f32 [tilespmem:s0], [sflag:$0x2], $0x80, s8, s31, $0xb8;
	[tilespmem:$0x1A0C0] =	vst v63  }
0x8d: {  	_ =	swait.ge [sflag:s3], $0x2800  }
0x8e: {  	[sflag:s3] =	ssyncset.done $0x0  }
0x8f: {  	[sflag:s3] =	ssyncadd.s32 $0xFFFFD800  }
0x90: {  	_ =	swait.ge [sflag:s4], $0x2800  }
0x91: {  	s7 =	stileid.u32;
	[sflag:s4] =	ssyncset.done $0x0  }
0x92: {  	s7 =	sshll.u32 @!p0 s7, $0x6;
	[sflag:s4] =	ssyncadd.s32 $0xFFFFD800  }
0x93: {  	s8 =	sshrl.u32 @!p0 s6, $0x3;
	s7 =	sor.u32 @!p0 $0x1C01, s7;
	[bflag:$0x0] =	sbarrier.arrive $0xFFFF  }
0x94: {  	[hbm:s15], [sflag:s7] =	dma.local @!p0 [spmem:s8], $0xC80  }
0x95: {  	[hbm:s16], [sflag:s7] =	dma.local @!p0 [spmem:s22], $0xC80  }
0x96: {  	[hbm:s17], [sflag:s7] =	dma.local @!p0 [spmem:s23], $0xC80  }
0x97: {  	[hbm:s18], [sflag:s7] =	dma.local @!p0 [spmem:s24], $0xC80  }
0x98: {  	[hbm:s19], [sflag:s7] =	dma.local @!p0 [spmem:s25], $0xC80  }
0x99: {  	s7 =	simm.s32 @!p0 $0x1  }
0x9a: {  	_ =	swait.ge @!p0 [sflag:s7], $0xC80  }
0x9b: {  	[sflag:s7] =	ssyncset.done @!p0 $0x0  }
0x9c: {  	[sflag:s7] =	ssyncadd.s32 @!p0 $0xFFFFF380  }
0x9d: {  	_ =	swait.ge @!p0 [sflag:s7], $0xC80  }
0x9e: {  	[sflag:s7] =	ssyncset.done @!p0 $0x0  }
0x9f: {  	[sflag:s7] =	ssyncadd.s32 @!p0 $0xFFFFF380  }
0xa0: {  	_ =	swait.ge @!p0 [sflag:s7], $0xC80  }
0xa1: {  	[sflag:s7] =	ssyncset.done @!p0 $0x0  }
0xa2: {  	s5 =	sadd.s32 $0x1, s5;
	[sflag:s7] =	ssyncadd.s32 @!p0 $0xFFFFF380  }
0xa3: {  	p2 =	sne.s32 s5, s21;
	_ =	swait.ge @!p0 [sflag:s7], $0xC80  }
.Ltmp3:
0xa4: {  	[sflag:s7] =	ssyncset.done @!p0 $0x0;
	(pc) =	sbr.rel @p2 .LBB2_1-.Ltmp3, $4  }
0xa5: {  	[sflag:s7] =	ssyncadd.s32 @!p0 $0xFFFFF380  }
0xa6: {  	_ =	swait.ge @!p0 [sflag:s7], $0xC80  }
0xa7: {  	[sflag:s7] =	ssyncset.done @!p0 $0x0  }
0xa8: {  	[sflag:s7] =	ssyncadd.s32 @!p0 $0xFFFFF380  }
0xa9: {  	_ =	sfence.sel $0x180000  }
0xaa: {  	[bflag:$0x0] =	sbarrier.arrive $0xFFFF  }
0xab: {  	_ =	strace $0x9000004A  }
0xac: {  	s0 =	stileid.u32;
	[bflag:$0x2] =	sbarrier.arrive $0xFFFF  }
0xad: {  	p0 =	sne.s32 s0, $0x0;
	s0 =	rddreg [dreg:$0x2]  }
0xae: {  	s0 =	sadd.s32 @!p0 $0x100000, s0  }
0xaf: {  	[sflag:s0] =	ssyncadd.tile.s32 @!p0 $0x1;
	_ =	shalt  }
.Lfunc_end2:
_tile_overlayer_lowered:
.L_overlay_start_2:
0xb0: {  	(tag) =	ssettag $0x2  }
0xb1: {  	s0 =	rddreg [dreg:$0x0];
	s2 =	stileid.u32  }
0xb2: {  	s1 =	rddreg [dreg:$0x1];
	p0 =	sne.s32 s2, $0x0  }
0xb3: {  	s3 =	rddreg [dreg:$0x2];
	[bflag:$0x3] =	sbarrier.arrive $0xFFFF;
	s2 =	simm.s32 @!p0 $0x1C04  }
0xb4: {  	[timem:s3], [sflag:s2] =	dma.local @!p0 [hbm:s0], s1  }
0xb5: {  	s0 =	simm.s32 @!p0 $0x4  }
0xb6: {  	_ =	swait.ge @!p0 [sflag:s0], s1  }
0xb7: {  	s1 =	ssub.s32 @!p0 $0x0, s1;
	[sflag:s0] =	ssyncset.done @!p0 $0x0  }
0xb8: {  	[sflag:s0] =	ssyncadd.s32 @!p0 s1  }
0xb9: {  	[bflag:$0x3] =	sbarrier.arrive $0xFFFF  }
0xba: {  	_ =	shalt  }

</sc_bundles>
